<compile_context>
chip_gen: v7x
topology: tpu7x:2x2x1
jax: 0.10.2.dev20260603
libtpu: 0.0.44.dev20260713+nightly
codegen_flags: <defaults>
</compile_context>

<pallas_src>
import functools

import jax
import jax.numpy as jnp
import numpy as np
from jax import lax
from jax.experimental import pallas as pl
from jax.experimental.pallas import tpu as pltpu
from jax.experimental.pallas import tpu_sc as plsc

_D = 128
_B = 32
_S = 2048
_NSEG = 2

_NC = 2
_NS = 16
_NW = _NC * _NS
_SW = _S // _NW
_SS = 4
_NCH = _SW // _SS
_TCH = _SS * _B
_ND = _D // 16


def _lane_sum(x):
    iota = lax.iota(jnp.int32, 16)
    for sh in (8, 4, 2, 1):
        x = x + x.at[iota ^ sh].get(mode="promise_in_bounds")
    return x


def _rsqrt(v):
    y = lax.bitcast_convert_type(
        jnp.int32(0x5F3759DF) - (lax.bitcast_convert_type(v, jnp.int32) >> 1),
        jnp.float32)
    for _ in range(3):
        y = y * (1.5 - 0.5 * v * y * y)
    return y


def _body(x_hbm, seg_hbm, tok_hbm, pos_hbm, segt_hbm, gam_hbm, bet_hbm,
          out_hbm, idx_v, segi_v, pos_v, segt_v, gam_v, bet_v, tok_v, out_v,
          sem):
    wid = lax.axis_index("s") * _NC + lax.axis_index("c")
    tok0 = wid * (_SW * _B)
    s0 = wid * _SW

    pltpu.sync_copy(x_hbm.at[pl.ds(tok0, _SW * _B)], idx_v)
    pltpu.sync_copy(seg_hbm.at[pl.ds(tok0, _SW * _B)], segi_v)
    pltpu.sync_copy(pos_hbm.at[pl.ds(s0, _SW)], pos_v)
    pltpu.sync_copy(segt_hbm, segt_v)
    pltpu.sync_copy(gam_hbm, gam_v)
    pltpu.sync_copy(bet_hbm, bet_v)

    gam = [gam_v[pl.ds(dd * 16, 16)] for dd in range(_ND)]
    bet = [bet_v[pl.ds(dd * 16, 16)] for dd in range(_ND)]
    sg0 = [segt_v[0, pl.ds(dd * 16, 16)] for dd in range(_ND)]
    dsg = [segt_v[1, pl.ds(dd * 16, 16)] - sg0[dd] for dd in range(_ND)]

    def chunk_body(c, carry):
        pltpu.async_copy(tok_hbm.at[idx_v.at[pl.ds(c * _TCH, _TCH)]],
                         tok_v, sem).wait()
        for s_loc in range(_SS):
            pos_row = [pos_v[c * _SS + s_loc, pl.ds(dd * 16, 16)]
                       for dd in range(_ND)]
            for half in range(_B // 16):
                svf = segi_v[pl.ds(c * _TCH + s_loc * _B + half * 16, 16)
                             ].astype(jnp.float32)

                def tok_body(b2, _):
                    t = s_loc * _B + half * 16 + b2
                    segf = svf.at[jnp.full((16,), b2, jnp.int32)].get(
                        mode="promise_in_bounds")
                    ssum = jnp.zeros((16,), jnp.float32)
                    ssq = jnp.zeros((16,), jnp.float32)
                    e = []
                    for dd in range(_ND):
                        ed = (tok_v[t, pl.ds(dd * 16, 16)] + pos_row[dd]
                              + (sg0[dd] + segf * dsg[dd]))
                        e.append(ed)
                        ssum = ssum + ed
                        ssq = ssq + ed * ed
                    tot = _lane_sum(ssum)
                    tot2 = _lane_sum(ssq)
                    mean = tot * (1.0 / _D)
                    var = tot2 * (1.0 / _D) - mean * mean
                    r = _rsqrt(var + 1e-5)
                    for dd in range(_ND):
                        out_v[half * 16 + b2, s_loc, pl.ds(dd * 16, 16)] = (
                            (e[dd] - mean) * r * gam[dd] + bet[dd])
                    return _

                lax.fori_loop(0, 16, tok_body, 0)
        pltpu.sync_copy(out_v, out_hbm.at[:, pl.ds(s0 + c * _SS, _SS), :])
        return carry

    lax.fori_loop(0, _NCH, chunk_body, 0)


@jax.jit
def _emb_ln(x_flat, seg_flat, token_table, pos_table, seg_table, gamma, beta):
    mesh = plsc.VectorSubcoreMesh(core_axis_name="c", subcore_axis_name="s")
    return pl.kernel(
        _body,
        mesh=mesh,
        out_type=jax.ShapeDtypeStruct((_B, _S, _D), jnp.float32),
        scratch_types=[
            pltpu.VMEM((_SW * _B,), jnp.int32),
            pltpu.VMEM((_SW * _B,), jnp.int32),
            pltpu.VMEM((_SW, _D), jnp.float32),
            pltpu.VMEM((_NSEG, _D), jnp.float32),
            pltpu.VMEM((_D,), jnp.float32),
            pltpu.VMEM((_D,), jnp.float32),
            pltpu.VMEM((_TCH, _D), jnp.float32),
            pltpu.VMEM((_B, _SS, _D), jnp.float32),
            pltpu.SemaphoreType.DMA,
        ],
    )(x_flat, seg_flat, token_table, pos_table, seg_table, gamma, beta)


def kernel(x, seg, token_table, pos_table, seg_table, gamma, beta):
    x_flat = jnp.swapaxes(x, 0, 1).reshape(-1)
    seg_flat = jnp.swapaxes(seg, 0, 1).reshape(-1)
    return _emb_ln(x_flat, seg_flat, token_table, pos_table, seg_table,
                   gamma, beta)

# --- scband reference (transcript-rebuilt; emitter-appended) ---
"""Pipeline reference for scband-embedding-41979010351527 (READ-ONLY COPY).

The authoritative reference and input builder live on the scoring server;
editing this copy changes nothing except your own understanding.
"""

import jax, jax.numpy as jnp
import numpy as np

VOCAB = 100000
D_MODEL = 128
MAXLEN = 2048
N_SEG = 2
B = 32
S = 2048


def setup_inputs(seed: int = 0) -> dict:
    key = jax.random.key(seed)
    k1, k2, k3, k4, k5 = jax.random.split(key, 5)
    x = jax.random.randint(k1, (B, S), 0, VOCAB, dtype=jnp.int32)
    seg = jax.random.randint(k2, (B, S), 0, N_SEG, dtype=jnp.int32)
    token_table = jax.random.normal(k3, (VOCAB, D_MODEL), dtype=jnp.float32) * 0.02
    pos_table = jax.random.normal(k4, (MAXLEN, D_MODEL), dtype=jnp.float32) * 0.02
    seg_table = jax.random.normal(k5, (N_SEG, D_MODEL), dtype=jnp.float32) * 0.02
    gamma = jnp.ones((D_MODEL,), dtype=jnp.float32)
    beta = jnp.zeros((D_MODEL,), dtype=jnp.float32)
    return {"x": x, "seg": seg, "token_table": token_table, "pos_table": pos_table,
            "seg_table": seg_table, "gamma": gamma, "beta": beta}


def reference(x, seg, token_table, pos_table, seg_table, gamma, beta):
    seq_len = x.shape[1]
    pos = jnp.arange(seq_len, dtype=jnp.int32)
    emb = jnp.take(token_table, x, axis=0) \
        + jnp.take(pos_table, pos, axis=0)[None, :, :] \
        + jnp.take(seg_table, seg, axis=0)
    mean = jnp.mean(emb, axis=-1, keepdims=True)
    var = jnp.var(emb, axis=-1, keepdims=True)
    normed = (emb - mean) / jnp.sqrt(var + 1e-5)
    return gamma * normed + beta

if __name__ == "__main__":
    import jax
    _d = setup_inputs()
    print(jax.jit(kernel)(*tuple(_d.values())))

</pallas_src>

<mosaic_0001>
#map = affine_map<(d0, d1) -> (0)>
#map1 = affine_map<(d0, d1) -> (0, 0)>
#map2 = affine_map<(d0, d1) -> (0, 0, 0)>
module attributes {stable_mosaic.version = 14 : i64} {
  func.func @_body(%arg0: i32, %arg1: i32, %arg2: memref<65536xi32, #tpu.memory_space<hbm>>, %arg3: memref<65536xi32, #tpu.memory_space<hbm>>, %arg4: memref<100000x128xf32, #tpu.memory_space<hbm>>, %arg5: memref<2048x128xf32, #tpu.memory_space<hbm>>, %arg6: memref<2x128xf32, #tpu.memory_space<hbm>>, %arg7: memref<128xf32, #tpu.memory_space<hbm>>, %arg8: memref<128xf32, #tpu.memory_space<hbm>>, %arg9: memref<32x2048x128xf32, #tpu.memory_space<hbm>>, %arg10: memref<2048xi32, #tpu.memory_space<vmem>>, %arg11: memref<2048xi32, #tpu.memory_space<vmem>>, %arg12: memref<64x128xf32, #tpu.memory_space<vmem>>, %arg13: memref<2x128xf32, #tpu.memory_space<vmem>>, %arg14: memref<128xf32, #tpu.memory_space<vmem>>, %arg15: memref<128xf32, #tpu.memory_space<vmem>>, %arg16: memref<128x128xf32, #tpu.memory_space<vmem>>, %arg17: memref<32x4x128xf32, #tpu.memory_space<vmem>>, %arg18: memref<!tpu.dma_semaphore, #tpu.memory_space<semaphore_mem>>) attributes {dimension_semantics = [#tpu.dimension_semantics<core_parallel>, #tpu.dimension_semantics<subcore_parallel>], iteration_bounds = array<i64: 2, 16>, scalar_prefetch = 0 : i64, scratch_operands = 9 : i64, tpu.core_type = #tpu.core_type<sc_vector_subcore>, window_params = [{transform_indices = #map}, {transform_indices = #map}, {transform_indices = #map1}, {transform_indices = #map1}, {transform_indices = #map1}, {transform_indices = #map}, {transform_indices = #map}, {transform_indices = #map2}]} {
    %mul3A = arith.constant 2 : i32
    %mul3A_0 = arith.muli %arg1, %mul3A : i32
    %add3A = arith.addi %mul3A_0, %arg0 : i32
    %mul3A_1 = arith.constant 2048 : i32
    %mul3A_2 = arith.muli %add3A, %mul3A_1 : i32
    %mul3A_3 = arith.constant 64 : i32
    %mul3A_4 = arith.muli %add3A, %mul3A_3 : i32
    "tpu.region"() ({
      %run_scoped3A = tpu.sem_alloc : memref<!tpu.dma_semaphore, #tpu.memory_space<semaphore_mem>>
      %dma_start3A = tpu.memref_slice %arg2[%mul3A_2] : memref<65536xi32, #tpu.memory_space<hbm>> -> memref<2048xi32, #tpu.memory_space<hbm>>
      %dma_start3A_144 = tpu.memref_slice %arg2[%mul3A_2] : memref<65536xi32, #tpu.memory_space<hbm>> -> memref<2048xi32, #tpu.memory_space<hbm>>
      tpu.enqueue_dma source(%dma_start3A_144 : memref<2048xi32, #tpu.memory_space<hbm>>) target(%arg10 : memref<2048xi32, #tpu.memory_space<vmem>>) target_semaphore(%run_scoped3A : memref<!tpu.dma_semaphore, #tpu.memory_space<semaphore_mem>>)
      %dma_wait3A = tpu.memref_slice %arg2[%mul3A_2] : memref<65536xi32, #tpu.memory_space<hbm>> -> memref<2048xi32, #tpu.memory_space<hbm>>
      %dma_wait3A_145 = tpu.memref_slice %arg2[%mul3A_2] : memref<65536xi32, #tpu.memory_space<hbm>> -> memref<2048xi32, #tpu.memory_space<hbm>>
      tpu.wait_dma2 semaphore(%run_scoped3A : memref<!tpu.dma_semaphore, #tpu.memory_space<semaphore_mem>>) src(%dma_wait3A_145 : memref<2048xi32, #tpu.memory_space<hbm>>) dst(%arg10 : memref<2048xi32, #tpu.memory_space<vmem>>)
      tpu.yield
    }) : () -> ()
    "tpu.region"() ({
      %run_scoped3A = tpu.sem_alloc : memref<!tpu.dma_semaphore, #tpu.memory_space<semaphore_mem>>
      %dma_start3A = tpu.memref_slice %arg3[%mul3A_2] : memref<65536xi32, #tpu.memory_space<hbm>> -> memref<2048xi32, #tpu.memory_space<hbm>>
      %dma_start3A_144 = tpu.memref_slice %arg3[%mul3A_2] : memref<65536xi32, #tpu.memory_space<hbm>> -> memref<2048xi32, #tpu.memory_space<hbm>>
      tpu.enqueue_dma source(%dma_start3A_144 : memref<2048xi32, #tpu.memory_space<hbm>>) target(%arg11 : memref<2048xi32, #tpu.memory_space<vmem>>) target_semaphore(%run_scoped3A : memref<!tpu.dma_semaphore, #tpu.memory_space<semaphore_mem>>)
      %dma_wait3A = tpu.memref_slice %arg3[%mul3A_2] : memref<65536xi32, #tpu.memory_space<hbm>> -> memref<2048xi32, #tpu.memory_space<hbm>>
      %dma_wait3A_145 = tpu.memref_slice %arg3[%mul3A_2] : memref<65536xi32, #tpu.memory_space<hbm>> -> memref<2048xi32, #tpu.memory_space<hbm>>
      tpu.wait_dma2 semaphore(%run_scoped3A : memref<!tpu.dma_semaphore, #tpu.memory_space<semaphore_mem>>) src(%dma_wait3A_145 : memref<2048xi32, #tpu.memory_space<hbm>>) dst(%arg11 : memref<2048xi32, #tpu.memory_space<vmem>>)
      tpu.yield
    }) : () -> ()
    "tpu.region"() ({
      %run_scoped3A = tpu.sem_alloc : memref<!tpu.dma_semaphore, #tpu.memory_space<semaphore_mem>>
      %dma_start3A = arith.constant 0 : i32
      %dma_start3A_144 = tpu.memref_slice %arg5[%mul3A_4, %dma_start3A] : memref<2048x128xf32, #tpu.memory_space<hbm>> -> memref<64x128xf32, #tpu.memory_space<hbm>>
      %dma_start3A_145 = arith.constant 0 : i32
      %dma_start3A_146 = tpu.memref_slice %arg5[%mul3A_4, %dma_start3A_145] : memref<2048x128xf32, #tpu.memory_space<hbm>> -> memref<64x128xf32, #tpu.memory_space<hbm>>
      tpu.enqueue_dma source(%dma_start3A_146 : memref<64x128xf32, #tpu.memory_space<hbm>>) target(%arg12 : memref<64x128xf32, #tpu.memory_space<vmem>>) target_semaphore(%run_scoped3A : memref<!tpu.dma_semaphore, #tpu.memory_space<semaphore_mem>>)
      %dma_wait3A = arith.constant 0 : i32
      %dma_wait3A_147 = tpu.memref_slice %arg5[%mul3A_4, %dma_wait3A] : memref<2048x128xf32, #tpu.memory_space<hbm>> -> memref<64x128xf32, #tpu.memory_space<hbm>>
      %dma_wait3A_148 = arith.constant 0 : i32
      %dma_wait3A_149 = tpu.memref_slice %arg5[%mul3A_4, %dma_wait3A_148] : memref<2048x128xf32, #tpu.memory_space<hbm>> -> memref<64x128xf32, #tpu.memory_space<hbm>>
      tpu.wait_dma2 semaphore(%run_scoped3A : memref<!tpu.dma_semaphore, #tpu.memory_space<semaphore_mem>>) src(%dma_wait3A_149 : memref<64x128xf32, #tpu.memory_space<hbm>>) dst(%arg12 : memref<64x128xf32, #tpu.memory_space<vmem>>)
      tpu.yield
    }) : () -> ()
    "tpu.region"() ({
      %run_scoped3A = tpu.sem_alloc : memref<!tpu.dma_semaphore, #tpu.memory_space<semaphore_mem>>
      tpu.enqueue_dma source(%arg6 : memref<2x128xf32, #tpu.memory_space<hbm>>) target(%arg13 : memref<2x128xf32, #tpu.memory_space<vmem>>) target_semaphore(%run_scoped3A : memref<!tpu.dma_semaphore, #tpu.memory_space<semaphore_mem>>)
      tpu.wait_dma2 semaphore(%run_scoped3A : memref<!tpu.dma_semaphore, #tpu.memory_space<semaphore_mem>>) src(%arg6 : memref<2x128xf32, #tpu.memory_space<hbm>>) dst(%arg13 : memref<2x128xf32, #tpu.memory_space<vmem>>)
      tpu.yield
    }) : () -> ()
    "tpu.region"() ({
      %run_scoped3A = tpu.sem_alloc : memref<!tpu.dma_semaphore, #tpu.memory_space<semaphore_mem>>
      tpu.enqueue_dma source(%arg7 : memref<128xf32, #tpu.memory_space<hbm>>) target(%arg14 : memref<128xf32, #tpu.memory_space<vmem>>) target_semaphore(%run_scoped3A : memref<!tpu.dma_semaphore, #tpu.memory_space<semaphore_mem>>)
      tpu.wait_dma2 semaphore(%run_scoped3A : memref<!tpu.dma_semaphore, #tpu.memory_space<semaphore_mem>>) src(%arg7 : memref<128xf32, #tpu.memory_space<hbm>>) dst(%arg14 : memref<128xf32, #tpu.memory_space<vmem>>)
      tpu.yield
    }) : () -> ()
    "tpu.region"() ({
      %run_scoped3A = tpu.sem_alloc : memref<!tpu.dma_semaphore, #tpu.memory_space<semaphore_mem>>
      tpu.enqueue_dma source(%arg8 : memref<128xf32, #tpu.memory_space<hbm>>) target(%arg15 : memref<128xf32, #tpu.memory_space<vmem>>) target_semaphore(%run_scoped3A : memref<!tpu.dma_semaphore, #tpu.memory_space<semaphore_mem>>)
      tpu.wait_dma2 semaphore(%run_scoped3A : memref<!tpu.dma_semaphore, #tpu.memory_space<semaphore_mem>>) src(%arg8 : memref<128xf32, #tpu.memory_space<hbm>>) dst(%arg15 : memref<128xf32, #tpu.memory_space<vmem>>)
      tpu.yield
    }) : () -> ()
    %get3A = arith.constant 0 : index
    %get3A_5 = tpu.vector_load %arg14[%get3A] {strides = array<i32>} : memref<128xf32, #tpu.memory_space<vmem>>, vector<16xf32>,
    %get3A_6 = vector.shape_cast %get3A_5 : vector<16xf32> to vector<16xf32>
    %get3A_7 = arith.constant 16 : index
    %get3A_8 = tpu.vector_load %arg14[%get3A_7] {strides = array<i32>} : memref<128xf32, #tpu.memory_space<vmem>>, vector<16xf32>,
    %get3A_9 = vector.shape_cast %get3A_8 : vector<16xf32> to vector<16xf32>
    %get3A_10 = arith.constant 32 : index
    %get3A_11 = tpu.vector_load %arg14[%get3A_10] {strides = array<i32>} : memref<128xf32, #tpu.memory_space<vmem>>, vector<16xf32>,
    %get3A_12 = vector.shape_cast %get3A_11 : vector<16xf32> to vector<16xf32>
    %get3A_13 = arith.constant 48 : index
    %get3A_14 = tpu.vector_load %arg14[%get3A_13] {strides = array<i32>} : memref<128xf32, #tpu.memory_space<vmem>>, vector<16xf32>,
    %get3A_15 = vector.shape_cast %get3A_14 : vector<16xf32> to vector<16xf32>
    %get3A_16 = arith.constant 64 : index
    %get3A_17 = tpu.vector_load %arg14[%get3A_16] {strides = array<i32>} : memref<128xf32, #tpu.memory_space<vmem>>, vector<16xf32>,
    %get3A_18 = vector.shape_cast %get3A_17 : vector<16xf32> to vector<16xf32>
    %get3A_19 = arith.constant 80 : index
    %get3A_20 = tpu.vector_load %arg14[%get3A_19] {strides = array<i32>} : memref<128xf32, #tpu.memory_space<vmem>>, vector<16xf32>,
    %get3A_21 = vector.shape_cast %get3A_20 : vector<16xf32> to vector<16xf32>
    %get3A_22 = arith.constant 96 : index
    %get3A_23 = tpu.vector_load %arg14[%get3A_22] {strides = array<i32>} : memref<128xf32, #tpu.memory_space<vmem>>, vector<16xf32>,
    %get3A_24 = vector.shape_cast %get3A_23 : vector<16xf32> to vector<16xf32>
    %get3A_25 = arith.constant 112 : index
    %get3A_26 = tpu.vector_load %arg14[%get3A_25] {strides = array<i32>} : memref<128xf32, #tpu.memory_space<vmem>>, vector<16xf32>,
    %get3A_27 = vector.shape_cast %get3A_26 : vector<16xf32> to vector<16xf32>
    %get3A_28 = arith.constant 0 : index
    %get3A_29 = tpu.vector_load %arg15[%get3A_28] {strides = array<i32>} : memref<128xf32, #tpu.memory_space<vmem>>, vector<16xf32>,
    %get3A_30 = vector.shape_cast %get3A_29 : vector<16xf32> to vector<16xf32>
    %get3A_31 = arith.constant 16 : index
    %get3A_32 = tpu.vector_load %arg15[%get3A_31] {strides = array<i32>} : memref<128xf32, #tpu.memory_space<vmem>>, vector<16xf32>,
    %get3A_33 = vector.shape_cast %get3A_32 : vector<16xf32> to vector<16xf32>
    %get3A_34 = arith.constant 32 : index
    %get3A_35 = tpu.vector_load %arg15[%get3A_34] {strides = array<i32>} : memref<128xf32, #tpu.memory_space<vmem>>, vector<16xf32>,
    %get3A_36 = vector.shape_cast %get3A_35 : vector<16xf32> to vector<16xf32>
    %get3A_37 = arith.constant 48 : index
    %get3A_38 = tpu.vector_load %arg15[%get3A_37] {strides = array<i32>} : memref<128xf32, #tpu.memory_space<vmem>>, vector<16xf32>,
    %get3A_39 = vector.shape_cast %get3A_38 : vector<16xf32> to vector<16xf32>
    %get3A_40 = arith.constant 64 : index
    %get3A_41 = tpu.vector_load %arg15[%get3A_40] {strides = array<i32>} : memref<128xf32, #tpu.memory_space<vmem>>, vector<16xf32>,
    %get3A_42 = vector.shape_cast %get3A_41 : vector<16xf32> to vector<16xf32>
    %get3A_43 = arith.constant 80 : index
    %get3A_44 = tpu.vector_load %arg15[%get3A_43] {strides = array<i32>} : memref<128xf32, #tpu.memory_space<vmem>>, vector<16xf32>,
    %get3A_45 = vector.shape_cast %get3A_44 : vector<16xf32> to vector<16xf32>
    %get3A_46 = arith.constant 96 : index
    %get3A_47 = tpu.vector_load %arg15[%get3A_46] {strides = array<i32>} : memref<128xf32, #tpu.memory_space<vmem>>, vector<16xf32>,
    %get3A_48 = vector.shape_cast %get3A_47 : vector<16xf32> to vector<16xf32>
    %get3A_49 = arith.constant 112 : index
    %get3A_50 = tpu.vector_load %arg15[%get3A_49] {strides = array<i32>} : memref<128xf32, #tpu.memory_space<vmem>>, vector<16xf32>,
    %get3A_51 = vector.shape_cast %get3A_50 : vector<16xf32> to vector<16xf32>
    %get3A_52 = arith.constant 0 : i32
    %get3A_53 = arith.index_cast %get3A_52 : i32 to index
    %get3A_54 = arith.constant 0 : index
    %get3A_55 = tpu.vector_load %arg13[%get3A_53, %get3A_54] {strides = array<i32>} : memref<2x128xf32, #tpu.memory_space<vmem>>, vector<1x16xf32>,
    %get3A_56 = vector.shape_cast %get3A_55 : vector<1x16xf32> to vector<16xf32>
    %get3A_57 = arith.constant 0 : i32
    %get3A_58 = arith.index_cast %get3A_57 : i32 to index
    %get3A_59 = arith.constant 16 : index
    %get3A_60 = tpu.vector_load %arg13[%get3A_58, %get3A_59] {strides = array<i32>} : memref<2x128xf32, #tpu.memory_space<vmem>>, vector<1x16xf32>,
    %get3A_61 = vector.shape_cast %get3A_60 : vector<1x16xf32> to vector<16xf32>
    %get3A_62 = arith.constant 0 : i32
    %get3A_63 = arith.index_cast %get3A_62 : i32 to index
    %get3A_64 = arith.constant 32 : index
    %get3A_65 = tpu.vector_load %arg13[%get3A_63, %get3A_64] {strides = array<i32>} : memref<2x128xf32, #tpu.memory_space<vmem>>, vector<1x16xf32>,
    %get3A_66 = vector.shape_cast %get3A_65 : vector<1x16xf32> to vector<16xf32>
    %get3A_67 = arith.constant 0 : i32
    %get3A_68 = arith.index_cast %get3A_67 : i32 to index
    %get3A_69 = arith.constant 48 : index
    %get3A_70 = tpu.vector_load %arg13[%get3A_68, %get3A_69] {strides = array<i32>} : memref<2x128xf32, #tpu.memory_space<vmem>>, vector<1x16xf32>,
    %get3A_71 = vector.shape_cast %get3A_70 : vector<1x16xf32> to vector<16xf32>
    %get3A_72 = arith.constant 0 : i32
    %get3A_73 = arith.index_cast %get3A_72 : i32 to index
    %get3A_74 = arith.constant 64 : index
    %get3A_75 = tpu.vector_load %arg13[%get3A_73, %get3A_74] {strides = array<i32>} : memref<2x128xf32, #tpu.memory_space<vmem>>, vector<1x16xf32>,
    %get3A_76 = vector.shape_cast %get3A_75 : vector<1x16xf32> to vector<16xf32>
    %get3A_77 = arith.constant 0 : i32
    %get3A_78 = arith.index_cast %get3A_77 : i32 to index
    %get3A_79 = arith.constant 80 : index
    %get3A_80 = tpu.vector_load %arg13[%get3A_78, %get3A_79] {strides = array<i32>} : memref<2x128xf32, #tpu.memory_space<vmem>>, vector<1x16xf32>,
    %get3A_81 = vector.shape_cast %get3A_80 : vector<1x16xf32> to vector<16xf32>
    %get3A_82 = arith.constant 0 : i32
    %get3A_83 = arith.index_cast %get3A_82 : i32 to index
    %get3A_84 = arith.constant 96 : index
    %get3A_85 = tpu.vector_load %arg13[%get3A_83, %get3A_84] {strides = array<i32>} : memref<2x128xf32, #tpu.memory_space<vmem>>, vector<1x16xf32>,
    %get3A_86 = vector.shape_cast %get3A_85 : vector<1x16xf32> to vector<16xf32>
    %get3A_87 = arith.constant 0 : i32
    %get3A_88 = arith.index_cast %get3A_87 : i32 to index
    %get3A_89 = arith.constant 112 : index
    %get3A_90 = tpu.vector_load %arg13[%get3A_88, %get3A_89] {strides = array<i32>} : memref<2x128xf32, #tpu.memory_space<vmem>>, vector<1x16xf32>,
    %get3A_91 = vector.shape_cast %get3A_90 : vector<1x16xf32> to vector<16xf32>
    %get3A_92 = arith.constant 1 : i32
    %get3A_93 = arith.index_cast %get3A_92 : i32 to index
    %get3A_94 = arith.constant 0 : index
    %get3A_95 = tpu.vector_load %arg13[%get3A_93, %get3A_94] {strides = array<i32>} : memref<2x128xf32, #tpu.memory_space<vmem>>, vector<1x16xf32>,
    %get3A_96 = vector.shape_cast %get3A_95 : vector<1x16xf32> to vector<16xf32>
    %sub3A = arith.subf %get3A_96, %get3A_56 : vector<16xf32>
    %get3A_97 = arith.constant 1 : i32
    %get3A_98 = arith.index_cast %get3A_97 : i32 to index
    %get3A_99 = arith.constant 16 : index
    %get3A_100 = tpu.vector_load %arg13[%get3A_98, %get3A_99] {strides = array<i32>} : memref<2x128xf32, #tpu.memory_space<vmem>>, vector<1x16xf32>,
    %get3A_101 = vector.shape_cast %get3A_100 : vector<1x16xf32> to vector<16xf32>
    %sub3A_102 = arith.subf %get3A_101, %get3A_61 : vector<16xf32>
    %get3A_103 = arith.constant 1 : i32
    %get3A_104 = arith.index_cast %get3A_103 : i32 to index
    %get3A_105 = arith.constant 32 : index
    %get3A_106 = tpu.vector_load %arg13[%get3A_104, %get3A_105] {strides = array<i32>} : memref<2x128xf32, #tpu.memory_space<vmem>>, vector<1x16xf32>,
    %get3A_107 = vector.shape_cast %get3A_106 : vector<1x16xf32> to vector<16xf32>
    %sub3A_108 = arith.subf %get3A_107, %get3A_66 : vector<16xf32>
    %get3A_109 = arith.constant 1 : i32
    %get3A_110 = arith.index_cast %get3A_109 : i32 to index
    %get3A_111 = arith.constant 48 : index
    %get3A_112 = tpu.vector_load %arg13[%get3A_110, %get3A_111] {strides = array<i32>} : memref<2x128xf32, #tpu.memory_space<vmem>>, vector<1x16xf32>,
    %get3A_113 = vector.shape_cast %get3A_112 : vector<1x16xf32> to vector<16xf32>
    %sub3A_114 = arith.subf %get3A_113, %get3A_71 : vector<16xf32>
    %get3A_115 = arith.constant 1 : i32
    %get3A_116 = arith.index_cast %get3A_115 : i32 to index
    %get3A_117 = arith.constant 64 : index
    %get3A_118 = tpu.vector_load %arg13[%get3A_116, %get3A_117] {strides = array<i32>} : memref<2x128xf32, #tpu.memory_space<vmem>>, vector<1x16xf32>,
    %get3A_119 = vector.shape_cast %get3A_118 : vector<1x16xf32> to vector<16xf32>
    %sub3A_120 = arith.subf %get3A_119, %get3A_76 : vector<16xf32>
    %get3A_121 = arith.constant 1 : i32
    %get3A_122 = arith.index_cast %get3A_121 : i32 to index
    %get3A_123 = arith.constant 80 : index
    %get3A_124 = tpu.vector_load %arg13[%get3A_122, %get3A_123] {strides = array<i32>} : memref<2x128xf32, #tpu.memory_space<vmem>>, vector<1x16xf32>,
    %get3A_125 = vector.shape_cast %get3A_124 : vector<1x16xf32> to vector<16xf32>
    %sub3A_126 = arith.subf %get3A_125, %get3A_81 : vector<16xf32>
    %get3A_127 = arith.constant 1 : i32
    %get3A_128 = arith.index_cast %get3A_127 : i32 to index
    %get3A_129 = arith.constant 96 : index
    %get3A_130 = tpu.vector_load %arg13[%get3A_128, %get3A_129] {strides = array<i32>} : memref<2x128xf32, #tpu.memory_space<vmem>>, vector<1x16xf32>,
    %get3A_131 = vector.shape_cast %get3A_130 : vector<1x16xf32> to vector<16xf32>
    %sub3A_132 = arith.subf %get3A_131, %get3A_86 : vector<16xf32>
    %get3A_133 = arith.constant 1 : i32
    %get3A_134 = arith.index_cast %get3A_133 : i32 to index
    %get3A_135 = arith.constant 112 : index
    %get3A_136 = tpu.vector_load %arg13[%get3A_134, %get3A_135] {strides = array<i32>} : memref<2x128xf32, #tpu.memory_space<vmem>>, vector<1x16xf32>,
    %get3A_137 = vector.shape_cast %get3A_136 : vector<1x16xf32> to vector<16xf32>
    %sub3A_138 = arith.subf %get3A_137, %get3A_91 : vector<16xf32>
    %scan3A = arith.constant 0 : i32
    %scan3A_139 = arith.constant 0 : i32
    %scan3A_140 = arith.constant 16 : i32
    %scan3A_141 = arith.addi %scan3A_139, %scan3A_140 : i32
    %scan3A_142 = arith.constant 1 : i32
    scf.for %scan3A_144 = %scan3A_139 to %scan3A_141 step %scan3A_142  : i32 {
      %mul3A_145 = arith.constant 128 : i32
      %mul3A_146 = arith.muli %scan3A_144, %mul3A_145 : i32
      %dma_start3A = tpu.memref_slice %arg10[%mul3A_146] : memref<2048xi32, #tpu.memory_space<vmem>> -> memref<128xi32, #tpu.memory_space<vmem>>
      %dma_start3A_147 = arith.constant 0 : i32
      %dma_start3A_148 = arith.constant 0 : i32
      %dma_start3A_149 = tpu.memref_slice %arg4[%dma_start3A_147, %dma_start3A_148] : memref<100000x128xf32, #tpu.memory_space<hbm>> -> memref<100000x128xf32, #tpu.memory_space<hbm>>
      tpu.enqueue_indirect_dma source(%dma_start3A_149 : memref<100000x128xf32, #tpu.memory_space<hbm>>) target(%arg16 : memref<128x128xf32, #tpu.memory_space<vmem>>) offsets(%dma_start3A : memref<128xi32, #tpu.memory_space<vmem>>) semaphore(%arg18 : memref<!tpu.dma_semaphore, #tpu.memory_space<semaphore_mem>>)
      %dma_wait3A = tpu.memref_slice %arg10[%mul3A_146] : memref<2048xi32, #tpu.memory_space<vmem>> -> memref<128xi32, #tpu.memory_space<vmem>>
      %dma_wait3A_150 = arith.constant 0 : i32
      %dma_wait3A_151 = arith.constant 0 : i32
      %dma_wait3A_152 = tpu.memref_slice %arg4[%dma_wait3A_150, %dma_wait3A_151] : memref<100000x128xf32, #tpu.memory_space<hbm>> -> memref<100000x128xf32, #tpu.memory_space<hbm>>
      tpu.wait_indirect_dma semaphore(%arg18 : memref<!tpu.dma_semaphore, #tpu.memory_space<semaphore_mem>>) src(%dma_wait3A_152 : memref<100000x128xf32, #tpu.memory_space<hbm>>) dst(%arg16 : memref<128x128xf32, #tpu.memory_space<vmem>>)
      %mul3A_153 = arith.constant 4 : i32
      %mul3A_154 = arith.muli %scan3A_144, %mul3A_153 : i32
      %add3A_155 = arith.constant 0 : i32
      %add3A_156 = arith.addi %mul3A_154, %add3A_155 : i32
      %get3A_157 = arith.index_cast %add3A_156 : i32 to index
      %get3A_158 = arith.constant 0 : index
      %get3A_159 = tpu.vector_load %arg12[%get3A_157, %get3A_158] {strides = array<i32>} : memref<64x128xf32, #tpu.memory_space<vmem>>, vector<1x16xf32>,
      %get3A_160 = vector.shape_cast %get3A_159 : vector<1x16xf32> to vector<16xf32>
      %mul3A_161 = arith.constant 4 : i32
      %mul3A_162 = arith.muli %scan3A_144, %mul3A_161 : i32
      %add3A_163 = arith.constant 0 : i32
      %add3A_164 = arith.addi %mul3A_162, %add3A_163 : i32
      %get3A_165 = arith.index_cast %add3A_164 : i32 to index
      %get3A_166 = arith.constant 16 : index
      %get3A_167 = tpu.vector_load %arg12[%get3A_165, %get3A_166] {strides = array<i32>} : memref<64x128xf32, #tpu.memory_space<vmem>>, vector<1x16xf32>,
      %get3A_168 = vector.shape_cast %get3A_167 : vector<1x16xf32> to vector<16xf32>
      %mul3A_169 = arith.constant 4 : i32
      %mul3A_170 = arith.muli %scan3A_144, %mul3A_169 : i32
      %add3A_171 = arith.constant 0 : i32
      %add3A_172 = arith.addi %mul3A_170, %add3A_171 : i32
      %get3A_173 = arith.index_cast %add3A_172 : i32 to index
      %get3A_174 = arith.constant 32 : index
      %get3A_175 = tpu.vector_load %arg12[%get3A_173, %get3A_174] {strides = array<i32>} : memref<64x128xf32, #tpu.memory_space<vmem>>, vector<1x16xf32>,
      %get3A_176 = vector.shape_cast %get3A_175 : vector<1x16xf32> to vector<16xf32>
      %mul3A_177 = arith.constant 4 : i32
      %mul3A_178 = arith.muli %scan3A_144, %mul3A_177 : i32
      %add3A_179 = arith.constant 0 : i32
      %add3A_180 = arith.addi %mul3A_178, %add3A_179 : i32
      %get3A_181 = arith.index_cast %add3A_180 : i32 to index
      %get3A_182 = arith.constant 48 : index
      %get3A_183 = tpu.vector_load %arg12[%get3A_181, %get3A_182] {strides = array<i32>} : memref<64x128xf32, #tpu.memory_space<vmem>>, vector<1x16xf32>,
      %get3A_184 = vector.shape_cast %get3A_183 : vector<1x16xf32> to vector<16xf32>
      %mul3A_185 = arith.constant 4 : i32
      %mul3A_186 = arith.muli %scan3A_144, %mul3A_185 : i32
      %add3A_187 = arith.constant 0 : i32
      %add3A_188 = arith.addi %mul3A_186, %add3A_187 : i32
      %get3A_189 = arith.index_cast %add3A_188 : i32 to index
      %get3A_190 = arith.constant 64 : index
      %get3A_191 = tpu.vector_load %arg12[%get3A_189, %get3A_190] {strides = array<i32>} : memref<64x128xf32, #tpu.memory_space<vmem>>, vector<1x16xf32>,
      %get3A_192 = vector.shape_cast %get3A_191 : vector<1x16xf32> to vector<16xf32>
      %mul3A_193 = arith.constant 4 : i32
      %mul3A_194 = arith.muli %scan3A_144, %mul3A_193 : i32
      %add3A_195 = arith.constant 0 : i32
      %add3A_196 = arith.addi %mul3A_194, %add3A_195 : i32
      %get3A_197 = arith.index_cast %add3A_196 : i32 to index
      %get3A_198 = arith.constant 80 : index
      %get3A_199 = tpu.vector_load %arg12[%get3A_197, %get3A_198] {strides = array<i32>} : memref<64x128xf32, #tpu.memory_space<vmem>>, vector<1x16xf32>,
      %get3A_200 = vector.shape_cast %get3A_199 : vector<1x16xf32> to vector<16xf32>
      %mul3A_201 = arith.constant 4 : i32
      %mul3A_202 = arith.muli %scan3A_144, %mul3A_201 : i32
      %add3A_203 = arith.constant 0 : i32
      %add3A_204 = arith.addi %mul3A_202, %add3A_203 : i32
      %get3A_205 = arith.index_cast %add3A_204 : i32 to index
      %get3A_206 = arith.constant 96 : index
      %get3A_207 = tpu.vector_load %arg12[%get3A_205, %get3A_206] {strides = array<i32>} : memref<64x128xf32, #tpu.memory_space<vmem>>, vector<1x16xf32>,
      %get3A_208 = vector.shape_cast %get3A_207 : vector<1x16xf32> to vector<16xf32>
      %mul3A_209 = arith.constant 4 : i32
      %mul3A_210 = arith.muli %scan3A_144, %mul3A_209 : i32
      %add3A_211 = arith.constant 0 : i32
      %add3A_212 = arith.addi %mul3A_210, %add3A_211 : i32
      %get3A_213 = arith.index_cast %add3A_212 : i32 to index
      %get3A_214 = arith.constant 112 : index
      %get3A_215 = tpu.vector_load %arg12[%get3A_213, %get3A_214] {strides = array<i32>} : memref<64x128xf32, #tpu.memory_space<vmem>>, vector<1x16xf32>,
      %get3A_216 = vector.shape_cast %get3A_215 : vector<1x16xf32> to vector<16xf32>
      %mul3A_217 = arith.constant 128 : i32
      %mul3A_218 = arith.muli %scan3A_144, %mul3A_217 : i32
      %add3A_219 = arith.constant 0 : i32
      %add3A_220 = arith.addi %mul3A_218, %add3A_219 : i32
      %add3A_221 = arith.constant 0 : i32
      %add3A_222 = arith.addi %add3A_220, %add3A_221 : i32
      %get3A_223 = arith.index_cast %add3A_222 : i32 to index
      %get3A_224 = tpu.vector_load %arg11[%get3A_223] {strides = array<i32>} : memref<2048xi32, #tpu.memory_space<vmem>>, vector<16xi32>,
      %get3A_225 = vector.shape_cast %get3A_224 : vector<16xi32> to vector<16xi32>
      %convert_element_type3A = arith.sitofp %get3A_225 : vector<16xi32> to vector<16xf32>
      %scan3A_226 = arith.constant 0 : i32
      %scan3A_227 = arith.constant 0 : i32
      %scan3A_228 = arith.constant 16 : i32
      %scan3A_229 = arith.addi %scan3A_227, %scan3A_228 : i32
      %scan3A_230 = arith.constant 1 : i32
      scf.for %scan3A_539 = %scan3A_227 to %scan3A_229 step %scan3A_230  : i32 {
        %add3A_540 = arith.constant 0 : i32
        %add3A_541 = arith.addi %add3A_540, %scan3A_539 : i32
        %broadcast_in_dim3A = vector.broadcast %scan3A_539 : i32 to vector<16xi32>
        %lt3A = arith.constant 0 : i32
        %lt3A_542 = vector.broadcast %lt3A : i32 to vector<16xi32>
        %lt3A_543 = arith.cmpi slt, %broadcast_in_dim3A, %lt3A_542 : vector<16xi32>
        %add3A_544 = arith.constant 16 : i32
        %add3A_545 = vector.broadcast %add3A_544 : i32 to vector<16xi32>
        %add3A_546 = arith.addi %broadcast_in_dim3A, %add3A_545 : vector<16xi32>
        %select_n3A = arith.select %lt3A_543, %add3A_546, %broadcast_in_dim3A : vector<16xi1>, vector<16xi32>
        %broadcast_in_dim3A_547 = vector.shape_cast %select_n3A : vector<16xi32> to vector<16x1xi32>
        %gather3A = vector.shape_cast %broadcast_in_dim3A_547 : vector<16x1xi32> to vector<16xi32>
        %gather3A_548 = tpu.dynamic_gather %convert_element_type3A[%gather3A] in [0] : vector<16xf32>, vector<16xi32> -> vector<16xf32>
        %broadcast_in_dim3A_549 = arith.constant 0.000000e+00 : f32
        %broadcast_in_dim3A_550 = vector.broadcast %broadcast_in_dim3A_549 : f32 to vector<16xf32>
        %broadcast_in_dim3A_551 = arith.constant 0.000000e+00 : f32
        %broadcast_in_dim3A_552 = vector.broadcast %broadcast_in_dim3A_551 : f32 to vector<16xf32>
        %get3A_553 = arith.index_cast %add3A_541 : i32 to index
        %get3A_554 = arith.constant 0 : index
        %get3A_555 = tpu.vector_load %arg16[%get3A_553, %get3A_554] {strides = array<i32>} : memref<128x128xf32, #tpu.memory_space<vmem>>, vector<1x16xf32>,
        %get3A_556 = vector.shape_cast %get3A_555 : vector<1x16xf32> to vector<16xf32>
        %add3A_557 = arith.addf %get3A_556, %get3A_160 : vector<16xf32>
        %mul3A_558 = arith.mulf %gather3A_548, %sub3A : vector<16xf32>
        %add3A_559 = arith.addf %get3A_56, %mul3A_558 : vector<16xf32>
        %add3A_560 = arith.addf %add3A_557, %add3A_559 : vector<16xf32>
        %add3A_561 = arith.addf %broadcast_in_dim3A_550, %add3A_560 : vector<16xf32>
        %mul3A_562 = arith.mulf %add3A_560, %add3A_560 : vector<16xf32>
        %add3A_563 = arith.addf %broadcast_in_dim3A_552, %mul3A_562 : vector<16xf32>
        %get3A_564 = arith.index_cast %add3A_541 : i32 to index
        %get3A_565 = arith.constant 16 : index
        %get3A_566 = tpu.vector_load %arg16[%get3A_564, %get3A_565] {strides = array<i32>} : memref<128x128xf32, #tpu.memory_space<vmem>>, vector<1x16xf32>,
        %get3A_567 = vector.shape_cast %get3A_566 : vector<1x16xf32> to vector<16xf32>
        %add3A_568 = arith.addf %get3A_567, %get3A_168 : vector<16xf32>
        %mul3A_569 = arith.mulf %gather3A_548, %sub3A_102 : vector<16xf32>
        %add3A_570 = arith.addf %get3A_61, %mul3A_569 : vector<16xf32>
        %add3A_571 = arith.addf %add3A_568, %add3A_570 : vector<16xf32>
        %add3A_572 = arith.addf %add3A_561, %add3A_571 : vector<16xf32>
        %mul3A_573 = arith.mulf %add3A_571, %add3A_571 : vector<16xf32>
        %add3A_574 = arith.addf %add3A_563, %mul3A_573 : vector<16xf32>
        %get3A_575 = arith.index_cast %add3A_541 : i32 to index
        %get3A_576 = arith.constant 32 : index
        %get3A_577 = tpu.vector_load %arg16[%get3A_575, %get3A_576] {strides = array<i32>} : memref<128x128xf32, #tpu.memory_space<vmem>>, vector<1x16xf32>,
        %get3A_578 = vector.shape_cast %get3A_577 : vector<1x16xf32> to vector<16xf32>
        %add3A_579 = arith.addf %get3A_578, %get3A_176 : vector<16xf32>
        %mul3A_580 = arith.mulf %gather3A_548, %sub3A_108 : vector<16xf32>
        %add3A_581 = arith.addf %get3A_66, %mul3A_580 : vector<16xf32>
        %add3A_582 = arith.addf %add3A_579, %add3A_581 : vector<16xf32>
        %add3A_583 = arith.addf %add3A_572, %add3A_582 : vector<16xf32>
        %mul3A_584 = arith.mulf %add3A_582, %add3A_582 : vector<16xf32>
        %add3A_585 = arith.addf %add3A_574, %mul3A_584 : vector<16xf32>
        %get3A_586 = arith.index_cast %add3A_541 : i32 to index
        %get3A_587 = arith.constant 48 : index
        %get3A_588 = tpu.vector_load %arg16[%get3A_586, %get3A_587] {strides = array<i32>} : memref<128x128xf32, #tpu.memory_space<vmem>>, vector<1x16xf32>,
        %get3A_589 = vector.shape_cast %get3A_588 : vector<1x16xf32> to vector<16xf32>
        %add3A_590 = arith.addf %get3A_589, %get3A_184 : vector<16xf32>
        %mul3A_591 = arith.mulf %gather3A_548, %sub3A_114 : vector<16xf32>
        %add3A_592 = arith.addf %get3A_71, %mul3A_591 : vector<16xf32>
        %add3A_593 = arith.addf %add3A_590, %add3A_592 : vector<16xf32>
        %add3A_594 = arith.addf %add3A_583, %add3A_593 : vector<16xf32>
        %mul3A_595 = arith.mulf %add3A_593, %add3A_593 : vector<16xf32>
        %add3A_596 = arith.addf %add3A_585, %mul3A_595 : vector<16xf32>
        %get3A_597 = arith.index_cast %add3A_541 : i32 to index
        %get3A_598 = arith.constant 64 : index
        %get3A_599 = tpu.vector_load %arg16[%get3A_597, %get3A_598] {strides = array<i32>} : memref<128x128xf32, #tpu.memory_space<vmem>>, vector<1x16xf32>,
        %get3A_600 = vector.shape_cast %get3A_599 : vector<1x16xf32> to vector<16xf32>
        %add3A_601 = arith.addf %get3A_600, %get3A_192 : vector<16xf32>
        %mul3A_602 = arith.mulf %gather3A_548, %sub3A_120 : vector<16xf32>
        %add3A_603 = arith.addf %get3A_76, %mul3A_602 : vector<16xf32>
        %add3A_604 = arith.addf %add3A_601, %add3A_603 : vector<16xf32>
        %add3A_605 = arith.addf %add3A_594, %add3A_604 : vector<16xf32>
        %mul3A_606 = arith.mulf %add3A_604, %add3A_604 : vector<16xf32>
        %add3A_607 = arith.addf %add3A_596, %mul3A_606 : vector<16xf32>
        %get3A_608 = arith.index_cast %add3A_541 : i32 to index
        %get3A_609 = arith.constant 80 : index
        %get3A_610 = tpu.vector_load %arg16[%get3A_608, %get3A_609] {strides = array<i32>} : memref<128x128xf32, #tpu.memory_space<vmem>>, vector<1x16xf32>,
        %get3A_611 = vector.shape_cast %get3A_610 : vector<1x16xf32> to vector<16xf32>
        %add3A_612 = arith.addf %get3A_611, %get3A_200 : vector<16xf32>
        %mul3A_613 = arith.mulf %gather3A_548, %sub3A_126 : vector<16xf32>
        %add3A_614 = arith.addf %get3A_81, %mul3A_613 : vector<16xf32>
        %add3A_615 = arith.addf %add3A_612, %add3A_614 : vector<16xf32>
        %add3A_616 = arith.addf %add3A_605, %add3A_615 : vector<16xf32>
        %mul3A_617 = arith.mulf %add3A_615, %add3A_615 : vector<16xf32>
        %add3A_618 = arith.addf %add3A_607, %mul3A_617 : vector<16xf32>
        %get3A_619 = arith.index_cast %add3A_541 : i32 to index
        %get3A_620 = arith.constant 96 : index
        %get3A_621 = tpu.vector_load %arg16[%get3A_619, %get3A_620] {strides = array<i32>} : memref<128x128xf32, #tpu.memory_space<vmem>>, vector<1x16xf32>,
        %get3A_622 = vector.shape_cast %get3A_621 : vector<1x16xf32> to vector<16xf32>
        %add3A_623 = arith.addf %get3A_622, %get3A_208 : vector<16xf32>
        %mul3A_624 = arith.mulf %gather3A_548, %sub3A_132 : vector<16xf32>
        %add3A_625 = arith.addf %get3A_86, %mul3A_624 : vector<16xf32>
        %add3A_626 = arith.addf %add3A_623, %add3A_625 : vector<16xf32>
        %add3A_627 = arith.addf %add3A_616, %add3A_626 : vector<16xf32>
        %mul3A_628 = arith.mulf %add3A_626, %add3A_626 : vector<16xf32>
        %add3A_629 = arith.addf %add3A_618, %mul3A_628 : vector<16xf32>
        %get3A_630 = arith.index_cast %add3A_541 : i32 to index
        %get3A_631 = arith.constant 112 : index
        %get3A_632 = tpu.vector_load %arg16[%get3A_630, %get3A_631] {strides = array<i32>} : memref<128x128xf32, #tpu.memory_space<vmem>>, vector<1x16xf32>,
        %get3A_633 = vector.shape_cast %get3A_632 : vector<1x16xf32> to vector<16xf32>
        %add3A_634 = arith.addf %get3A_633, %get3A_216 : vector<16xf32>
        %mul3A_635 = arith.mulf %gather3A_548, %sub3A_138 : vector<16xf32>
        %add3A_636 = arith.addf %get3A_91, %mul3A_635 : vector<16xf32>
        %add3A_637 = arith.addf %add3A_634, %add3A_636 : vector<16xf32>
        %add3A_638 = arith.addf %add3A_627, %add3A_637 : vector<16xf32>
        %mul3A_639 = arith.mulf %add3A_637, %add3A_637 : vector<16xf32>
        %add3A_640 = arith.addf %add3A_629, %mul3A_639 : vector<16xf32>
        %iota3A = tpu.iota {dimensions = array<i32: 0>} : vector<16xi32>
        %xor3A = arith.constant 8 : i32
        %xor3A_641 = vector.broadcast %xor3A : i32 to vector<16xi32>
        %xor3A_642 = arith.xori %iota3A, %xor3A_641 : vector<16xi32>
        %lt3A_643 = arith.constant 0 : i32
        %lt3A_644 = vector.broadcast %lt3A_643 : i32 to vector<16xi32>
        %lt3A_645 = arith.cmpi slt, %xor3A_642, %lt3A_644 : vector<16xi32>
        %add3A_646 = arith.constant 16 : i32
        %add3A_647 = vector.broadcast %add3A_646 : i32 to vector<16xi32>
        %add3A_648 = arith.addi %xor3A_642, %add3A_647 : vector<16xi32>
        %select_n3A_649 = arith.select %lt3A_645, %add3A_648, %xor3A_642 : vector<16xi1>, vector<16xi32>
        %broadcast_in_dim3A_650 = vector.shape_cast %select_n3A_649 : vector<16xi32> to vector<16x1xi32>
        %gather3A_651 = vector.shape_cast %broadcast_in_dim3A_650 : vector<16x1xi32> to vector<16xi32>
        %gather3A_652 = tpu.dynamic_gather %add3A_638[%gather3A_651] in [0] : vector<16xf32>, vector<16xi32> -> vector<16xf32>
        %add3A_653 = arith.addf %add3A_638, %gather3A_652 : vector<16xf32>
        %xor3A_654 = arith.constant 4 : i32
        %xor3A_655 = vector.broadcast %xor3A_654 : i32 to vector<16xi32>
        %xor3A_656 = arith.xori %iota3A, %xor3A_655 : vector<16xi32>
        %lt3A_657 = arith.constant 0 : i32
        %lt3A_658 = vector.broadcast %lt3A_657 : i32 to vector<16xi32>
        %lt3A_659 = arith.cmpi slt, %xor3A_656, %lt3A_658 : vector<16xi32>
        %add3A_660 = arith.constant 16 : i32
        %add3A_661 = vector.broadcast %add3A_660 : i32 to vector<16xi32>
        %add3A_662 = arith.addi %xor3A_656, %add3A_661 : vector<16xi32>
        %select_n3A_663 = arith.select %lt3A_659, %add3A_662, %xor3A_656 : vector<16xi1>, vector<16xi32>
        %broadcast_in_dim3A_664 = vector.shape_cast %select_n3A_663 : vector<16xi32> to vector<16x1xi32>
        %gather3A_665 = vector.shape_cast %broadcast_in_dim3A_664 : vector<16x1xi32> to vector<16xi32>
        %gather3A_666 = tpu.dynamic_gather %add3A_653[%gather3A_665] in [0] : vector<16xf32>, vector<16xi32> -> vector<16xf32>
        %add3A_667 = arith.addf %add3A_653, %gather3A_666 : vector<16xf32>
        %xor3A_668 = arith.constant 2 : i32
        %xor3A_669 = vector.broadcast %xor3A_668 : i32 to vector<16xi32>
        %xor3A_670 = arith.xori %iota3A, %xor3A_669 : vector<16xi32>
        %lt3A_671 = arith.constant 0 : i32
        %lt3A_672 = vector.broadcast %lt3A_671 : i32 to vector<16xi32>
        %lt3A_673 = arith.cmpi slt, %xor3A_670, %lt3A_672 : vector<16xi32>
        %add3A_674 = arith.constant 16 : i32
        %add3A_675 = vector.broadcast %add3A_674 : i32 to vector<16xi32>
        %add3A_676 = arith.addi %xor3A_670, %add3A_675 : vector<16xi32>
        %select_n3A_677 = arith.select %lt3A_673, %add3A_676, %xor3A_670 : vector<16xi1>, vector<16xi32>
        %broadcast_in_dim3A_678 = vector.shape_cast %select_n3A_677 : vector<16xi32> to vector<16x1xi32>
        %gather3A_679 = vector.shape_cast %broadcast_in_dim3A_678 : vector<16x1xi32> to vector<16xi32>
        %gather3A_680 = tpu.dynamic_gather %add3A_667[%gather3A_679] in [0] : vector<16xf32>, vector<16xi32> -> vector<16xf32>
        %add3A_681 = arith.addf %add3A_667, %gather3A_680 : vector<16xf32>
        %xor3A_682 = arith.constant 1 : i32
        %xor3A_683 = vector.broadcast %xor3A_682 : i32 to vector<16xi32>
        %xor3A_684 = arith.xori %iota3A, %xor3A_683 : vector<16xi32>
        %lt3A_685 = arith.constant 0 : i32
        %lt3A_686 = vector.broadcast %lt3A_685 : i32 to vector<16xi32>
        %lt3A_687 = arith.cmpi slt, %xor3A_684, %lt3A_686 : vector<16xi32>
        %add3A_688 = arith.constant 16 : i32
        %add3A_689 = vector.broadcast %add3A_688 : i32 to vector<16xi32>
        %add3A_690 = arith.addi %xor3A_684, %add3A_689 : vector<16xi32>
        %select_n3A_691 = arith.select %lt3A_687, %add3A_690, %xor3A_684 : vector<16xi1>, vector<16xi32>
        %broadcast_in_dim3A_692 = vector.shape_cast %select_n3A_691 : vector<16xi32> to vector<16x1xi32>
        %gather3A_693 = vector.shape_cast %broadcast_in_dim3A_692 : vector<16x1xi32> to vector<16xi32>
        %gather3A_694 = tpu.dynamic_gather %add3A_681[%gather3A_693] in [0] : vector<16xf32>, vector<16xi32> -> vector<16xf32>
        %add3A_695 = arith.addf %add3A_681, %gather3A_694 : vector<16xf32>
        %iota3A_696 = tpu.iota {dimensions = array<i32: 0>} : vector<16xi32>
        %xor3A_697 = arith.constant 8 : i32
        %xor3A_698 = vector.broadcast %xor3A_697 : i32 to vector<16xi32>
        %xor3A_699 = arith.xori %iota3A_696, %xor3A_698 : vector<16xi32>
        %lt3A_700 = arith.constant 0 : i32
        %lt3A_701 = vector.broadcast %lt3A_700 : i32 to vector<16xi32>
        %lt3A_702 = arith.cmpi slt, %xor3A_699, %lt3A_701 : vector<16xi32>
        %add3A_703 = arith.constant 16 : i32
        %add3A_704 = vector.broadcast %add3A_703 : i32 to vector<16xi32>
        %add3A_705 = arith.addi %xor3A_699, %add3A_704 : vector<16xi32>
        %select_n3A_706 = arith.select %lt3A_702, %add3A_705, %xor3A_699 : vector<16xi1>, vector<16xi32>
        %broadcast_in_dim3A_707 = vector.shape_cast %select_n3A_706 : vector<16xi32> to vector<16x1xi32>
        %gather3A_708 = vector.shape_cast %broadcast_in_dim3A_707 : vector<16x1xi32> to vector<16xi32>
        %gather3A_709 = tpu.dynamic_gather %add3A_640[%gather3A_708] in [0] : vector<16xf32>, vector<16xi32> -> vector<16xf32>
        %add3A_710 = arith.addf %add3A_640, %gather3A_709 : vector<16xf32>
        %xor3A_711 = arith.constant 4 : i32
        %xor3A_712 = vector.broadcast %xor3A_711 : i32 to vector<16xi32>
        %xor3A_713 = arith.xori %iota3A_696, %xor3A_712 : vector<16xi32>
        %lt3A_714 = arith.constant 0 : i32
        %lt3A_715 = vector.broadcast %lt3A_714 : i32 to vector<16xi32>
        %lt3A_716 = arith.cmpi slt, %xor3A_713, %lt3A_715 : vector<16xi32>
        %add3A_717 = arith.constant 16 : i32
        %add3A_718 = vector.broadcast %add3A_717 : i32 to vector<16xi32>
        %add3A_719 = arith.addi %xor3A_713, %add3A_718 : vector<16xi32>
        %select_n3A_720 = arith.select %lt3A_716, %add3A_719, %xor3A_713 : vector<16xi1>, vector<16xi32>
        %broadcast_in_dim3A_721 = vector.shape_cast %select_n3A_720 : vector<16xi32> to vector<16x1xi32>
        %gather3A_722 = vector.shape_cast %broadcast_in_dim3A_721 : vector<16x1xi32> to vector<16xi32>
        %gather3A_723 = tpu.dynamic_gather %add3A_710[%gather3A_722] in [0] : vector<16xf32>, vector<16xi32> -> vector<16xf32>
        %add3A_724 = arith.addf %add3A_710, %gather3A_723 : vector<16xf32>
        %xor3A_725 = arith.constant 2 : i32
        %xor3A_726 = vector.broadcast %xor3A_725 : i32 to vector<16xi32>
        %xor3A_727 = arith.xori %iota3A_696, %xor3A_726 : vector<16xi32>
        %lt3A_728 = arith.constant 0 : i32
        %lt3A_729 = vector.broadcast %lt3A_728 : i32 to vector<16xi32>
        %lt3A_730 = arith.cmpi slt, %xor3A_727, %lt3A_729 : vector<16xi32>
        %add3A_731 = arith.constant 16 : i32
        %add3A_732 = vector.broadcast %add3A_731 : i32 to vector<16xi32>
        %add3A_733 = arith.addi %xor3A_727, %add3A_732 : vector<16xi32>
        %select_n3A_734 = arith.select %lt3A_730, %add3A_733, %xor3A_727 : vector<16xi1>, vector<16xi32>
        %broadcast_in_dim3A_735 = vector.shape_cast %select_n3A_734 : vector<16xi32> to vector<16x1xi32>
        %gather3A_736 = vector.shape_cast %broadcast_in_dim3A_735 : vector<16x1xi32> to vector<16xi32>
        %gather3A_737 = tpu.dynamic_gather %add3A_724[%gather3A_736] in [0] : vector<16xf32>, vector<16xi32> -> vector<16xf32>
        %add3A_738 = arith.addf %add3A_724, %gather3A_737 : vector<16xf32>
        %xor3A_739 = arith.constant 1 : i32
        %xor3A_740 = vector.broadcast %xor3A_739 : i32 to vector<16xi32>
        %xor3A_741 = arith.xori %iota3A_696, %xor3A_740 : vector<16xi32>
        %lt3A_742 = arith.constant 0 : i32
        %lt3A_743 = vector.broadcast %lt3A_742 : i32 to vector<16xi32>
        %lt3A_744 = arith.cmpi slt, %xor3A_741, %lt3A_743 : vector<16xi32>
        %add3A_745 = arith.constant 16 : i32
        %add3A_746 = vector.broadcast %add3A_745 : i32 to vector<16xi32>
        %add3A_747 = arith.addi %xor3A_741, %add3A_746 : vector<16xi32>
        %select_n3A_748 = arith.select %lt3A_744, %add3A_747, %xor3A_741 : vector<16xi1>, vector<16xi32>
        %broadcast_in_dim3A_749 = vector.shape_cast %select_n3A_748 : vector<16xi32> to vector<16x1xi32>
        %gather3A_750 = vector.shape_cast %broadcast_in_dim3A_749 : vector<16x1xi32> to vector<16xi32>
        %gather3A_751 = tpu.dynamic_gather %add3A_738[%gather3A_750] in [0] : vector<16xf32>, vector<16xi32> -> vector<16xf32>
        %add3A_752 = arith.addf %add3A_738, %gather3A_751 : vector<16xf32>
        %mul3A_753 = arith.constant 7.812500e-03 : f32
        %mul3A_754 = vector.broadcast %mul3A_753 : f32 to vector<16xf32>
        %mul3A_755 = arith.mulf %add3A_695, %mul3A_754 : vector<16xf32>
        %mul3A_756 = arith.constant 7.812500e-03 : f32
        %mul3A_757 = vector.broadcast %mul3A_756 : f32 to vector<16xf32>
        %mul3A_758 = arith.mulf %add3A_752, %mul3A_757 : vector<16xf32>
        %mul3A_759 = arith.mulf %mul3A_755, %mul3A_755 : vector<16xf32>
        %sub3A_760 = arith.subf %mul3A_758, %mul3A_759 : vector<16xf32>
        %add3A_761 = arith.constant 9.99999974E-6 : f32
        %add3A_762 = vector.broadcast %add3A_761 : f32 to vector<16xf32>
        %add3A_763 = arith.addf %sub3A_760, %add3A_762 : vector<16xf32>
        %bitcast_convert_type3A = tpu.bitcast %add3A_763 : vector<16xf32> -> vector<16xi32>
        %shift_right_arithmetic3A = arith.constant 1 : i32
        %shift_right_arithmetic3A_764 = vector.broadcast %shift_right_arithmetic3A : i32 to vector<16xi32>
        %shift_right_arithmetic3A_765 = arith.shrsi %bitcast_convert_type3A, %shift_right_arithmetic3A_764 : vector<16xi32>
        %sub3A_766 = arith.constant 1597463007 : i32
        %sub3A_767 = vector.broadcast %sub3A_766 : i32 to vector<16xi32>
        %sub3A_768 = arith.subi %sub3A_767, %shift_right_arithmetic3A_765 : vector<16xi32>
        %bitcast_convert_type3A_769 = tpu.bitcast %sub3A_768 : vector<16xi32> -> vector<16xf32>
        %mul3A_770 = arith.constant 5.000000e-01 : f32
        %mul3A_771 = vector.broadcast %mul3A_770 : f32 to vector<16xf32>
        %mul3A_772 = arith.mulf %mul3A_771, %add3A_763 : vector<16xf32>
        %mul3A_773 = arith.mulf %mul3A_772, %bitcast_convert_type3A_769 : vector<16xf32>
        %mul3A_774 = arith.mulf %mul3A_773, %bitcast_convert_type3A_769 : vector<16xf32>
        %sub3A_775 = arith.constant 1.500000e+00 : f32
        %sub3A_776 = vector.broadcast %sub3A_775 : f32 to vector<16xf32>
        %sub3A_777 = arith.subf %sub3A_776, %mul3A_774 : vector<16xf32>
        %mul3A_778 = arith.mulf %bitcast_convert_type3A_769, %sub3A_777 : vector<16xf32>
        %mul3A_779 = arith.constant 5.000000e-01 : f32
        %mul3A_780 = vector.broadcast %mul3A_779 : f32 to vector<16xf32>
        %mul3A_781 = arith.mulf %mul3A_780, %add3A_763 : vector<16xf32>
        %mul3A_782 = arith.mulf %mul3A_781, %mul3A_778 : vector<16xf32>
        %mul3A_783 = arith.mulf %mul3A_782, %mul3A_778 : vector<16xf32>
        %sub3A_784 = arith.constant 1.500000e+00 : f32
        %sub3A_785 = vector.broadcast %sub3A_784 : f32 to vector<16xf32>
        %sub3A_786 = arith.subf %sub3A_785, %mul3A_783 : vector<16xf32>
        %mul3A_787 = arith.mulf %mul3A_778, %sub3A_786 : vector<16xf32>
        %mul3A_788 = arith.constant 5.000000e-01 : f32
        %mul3A_789 = vector.broadcast %mul3A_788 : f32 to vector<16xf32>
        %mul3A_790 = arith.mulf %mul3A_789, %add3A_763 : vector<16xf32>
        %mul3A_791 = arith.mulf %mul3A_790, %mul3A_787 : vector<16xf32>
        %mul3A_792 = arith.mulf %mul3A_791, %mul3A_787 : vector<16xf32>
        %sub3A_793 = arith.constant 1.500000e+00 : f32
        %sub3A_794 = vector.broadcast %sub3A_793 : f32 to vector<16xf32>
        %sub3A_795 = arith.subf %sub3A_794, %mul3A_792 : vector<16xf32>
        %mul3A_796 = arith.mulf %mul3A_787, %sub3A_795 : vector<16xf32>
        %sub3A_797 = arith.subf %add3A_560, %mul3A_755 : vector<16xf32>
        %mul3A_798 = arith.mulf %sub3A_797, %mul3A_796 : vector<16xf32>
        %mul3A_799 = arith.mulf %mul3A_798, %get3A_6 : vector<16xf32>
        %add3A_800 = arith.addf %mul3A_799, %get3A_30 : vector<16xf32>
        %add3A_801 = arith.constant 0 : i32
        %add3A_802 = arith.addi %add3A_801, %scan3A_539 : i32
        %swap3A = arith.constant 0 : i32
        %swap3A_803 = arith.index_cast %add3A_802 : i32 to index
        %swap3A_804 = arith.index_cast %swap3A : i32 to index
        %swap3A_805 = arith.constant 0 : index
        %swap3A_806 = tpu.vector_load %arg17[%swap3A_803, %swap3A_804, %swap3A_805] {strides = array<i32>} : memref<32x4x128xf32, #tpu.memory_space<vmem>>, vector<1x1x16xf32>,
        %swap3A_807 = vector.shape_cast %swap3A_806 : vector<1x1x16xf32> to vector<16xf32>
        %swap3A_808 = vector.shape_cast %add3A_800 : vector<16xf32> to vector<1x1x16xf32>
        tpu.vector_store %arg17[%swap3A_803, %swap3A_804, %swap3A_805], %swap3A_808 {strides = array<i32>} : memref<32x4x128xf32, #tpu.memory_space<vmem>>, vector<1x1x16xf32>,
        %sub3A_809 = arith.subf %add3A_571, %mul3A_755 : vector<16xf32>
        %mul3A_810 = arith.mulf %sub3A_809, %mul3A_796 : vector<16xf32>
        %mul3A_811 = arith.mulf %mul3A_810, %get3A_9 : vector<16xf32>
        %add3A_812 = arith.addf %mul3A_811, %get3A_33 : vector<16xf32>
        %add3A_813 = arith.constant 0 : i32
        %add3A_814 = arith.addi %add3A_813, %scan3A_539 : i32
        %swap3A_815 = arith.constant 0 : i32
        %swap3A_816 = arith.index_cast %add3A_814 : i32 to index
        %swap3A_817 = arith.index_cast %swap3A_815 : i32 to index
        %swap3A_818 = arith.constant 16 : index
        %swap3A_819 = tpu.vector_load %arg17[%swap3A_816, %swap3A_817, %swap3A_818] {strides = array<i32>} : memref<32x4x128xf32, #tpu.memory_space<vmem>>, vector<1x1x16xf32>,
        %swap3A_820 = vector.shape_cast %swap3A_819 : vector<1x1x16xf32> to vector<16xf32>
        %swap3A_821 = vector.shape_cast %add3A_812 : vector<16xf32> to vector<1x1x16xf32>
        tpu.vector_store %arg17[%swap3A_816, %swap3A_817, %swap3A_818], %swap3A_821 {strides = array<i32>} : memref<32x4x128xf32, #tpu.memory_space<vmem>>, vector<1x1x16xf32>,
        %sub3A_822 = arith.subf %add3A_582, %mul3A_755 : vector<16xf32>
        %mul3A_823 = arith.mulf %sub3A_822, %mul3A_796 : vector<16xf32>
        %mul3A_824 = arith.mulf %mul3A_823, %get3A_12 : vector<16xf32>
        %add3A_825 = arith.addf %mul3A_824, %get3A_36 : vector<16xf32>
        %add3A_826 = arith.constant 0 : i32
        %add3A_827 = arith.addi %add3A_826, %scan3A_539 : i32
        %swap3A_828 = arith.constant 0 : i32
        %swap3A_829 = arith.index_cast %add3A_827 : i32 to index
        %swap3A_830 = arith.index_cast %swap3A_828 : i32 to index
        %swap3A_831 = arith.constant 32 : index
        %swap3A_832 = tpu.vector_load %arg17[%swap3A_829, %swap3A_830, %swap3A_831] {strides = array<i32>} : memref<32x4x128xf32, #tpu.memory_space<vmem>>, vector<1x1x16xf32>,
        %swap3A_833 = vector.shape_cast %swap3A_832 : vector<1x1x16xf32> to vector<16xf32>
        %swap3A_834 = vector.shape_cast %add3A_825 : vector<16xf32> to vector<1x1x16xf32>
        tpu.vector_store %arg17[%swap3A_829, %swap3A_830, %swap3A_831], %swap3A_834 {strides = array<i32>} : memref<32x4x128xf32, #tpu.memory_space<vmem>>, vector<1x1x16xf32>,
        %sub3A_835 = arith.subf %add3A_593, %mul3A_755 : vector<16xf32>
        %mul3A_836 = arith.mulf %sub3A_835, %mul3A_796 : vector<16xf32>
        %mul3A_837 = arith.mulf %mul3A_836, %get3A_15 : vector<16xf32>
        %add3A_838 = arith.addf %mul3A_837, %get3A_39 : vector<16xf32>
        %add3A_839 = arith.constant 0 : i32
        %add3A_840 = arith.addi %add3A_839, %scan3A_539 : i32
        %swap3A_841 = arith.constant 0 : i32
        %swap3A_842 = arith.index_cast %add3A_840 : i32 to index
        %swap3A_843 = arith.index_cast %swap3A_841 : i32 to index
        %swap3A_844 = arith.constant 48 : index
        %swap3A_845 = tpu.vector_load %arg17[%swap3A_842, %swap3A_843, %swap3A_844] {strides = array<i32>} : memref<32x4x128xf32, #tpu.memory_space<vmem>>, vector<1x1x16xf32>,
        %swap3A_846 = vector.shape_cast %swap3A_845 : vector<1x1x16xf32> to vector<16xf32>
        %swap3A_847 = vector.shape_cast %add3A_838 : vector<16xf32> to vector<1x1x16xf32>
        tpu.vector_store %arg17[%swap3A_842, %swap3A_843, %swap3A_844], %swap3A_847 {strides = array<i32>} : memref<32x4x128xf32, #tpu.memory_space<vmem>>, vector<1x1x16xf32>,
        %sub3A_848 = arith.subf %add3A_604, %mul3A_755 : vector<16xf32>
        %mul3A_849 = arith.mulf %sub3A_848, %mul3A_796 : vector<16xf32>
        %mul3A_850 = arith.mulf %mul3A_849, %get3A_18 : vector<16xf32>
        %add3A_851 = arith.addf %mul3A_850, %get3A_42 : vector<16xf32>
        %add3A_852 = arith.constant 0 : i32
        %add3A_853 = arith.addi %add3A_852, %scan3A_539 : i32
        %swap3A_854 = arith.constant 0 : i32
        %swap3A_855 = arith.index_cast %add3A_853 : i32 to index
        %swap3A_856 = arith.index_cast %swap3A_854 : i32 to index
        %swap3A_857 = arith.constant 64 : index
        %swap3A_858 = tpu.vector_load %arg17[%swap3A_855, %swap3A_856, %swap3A_857] {strides = array<i32>} : memref<32x4x128xf32, #tpu.memory_space<vmem>>, vector<1x1x16xf32>,
        %swap3A_859 = vector.shape_cast %swap3A_858 : vector<1x1x16xf32> to vector<16xf32>
        %swap3A_860 = vector.shape_cast %add3A_851 : vector<16xf32> to vector<1x1x16xf32>
        tpu.vector_store %arg17[%swap3A_855, %swap3A_856, %swap3A_857], %swap3A_860 {strides = array<i32>} : memref<32x4x128xf32, #tpu.memory_space<vmem>>, vector<1x1x16xf32>,
        %sub3A_861 = arith.subf %add3A_615, %mul3A_755 : vector<16xf32>
        %mul3A_862 = arith.mulf %sub3A_861, %mul3A_796 : vector<16xf32>
        %mul3A_863 = arith.mulf %mul3A_862, %get3A_21 : vector<16xf32>
        %add3A_864 = arith.addf %mul3A_863, %get3A_45 : vector<16xf32>
        %add3A_865 = arith.constant 0 : i32
        %add3A_866 = arith.addi %add3A_865, %scan3A_539 : i32
        %swap3A_867 = arith.constant 0 : i32
        %swap3A_868 = arith.index_cast %add3A_866 : i32 to index
        %swap3A_869 = arith.index_cast %swap3A_867 : i32 to index
        %swap3A_870 = arith.constant 80 : index
        %swap3A_871 = tpu.vector_load %arg17[%swap3A_868, %swap3A_869, %swap3A_870] {strides = array<i32>} : memref<32x4x128xf32, #tpu.memory_space<vmem>>, vector<1x1x16xf32>,
        %swap3A_872 = vector.shape_cast %swap3A_871 : vector<1x1x16xf32> to vector<16xf32>
        %swap3A_873 = vector.shape_cast %add3A_864 : vector<16xf32> to vector<1x1x16xf32>
        tpu.vector_store %arg17[%swap3A_868, %swap3A_869, %swap3A_870], %swap3A_873 {strides = array<i32>} : memref<32x4x128xf32, #tpu.memory_space<vmem>>, vector<1x1x16xf32>,
        %sub3A_874 = arith.subf %add3A_626, %mul3A_755 : vector<16xf32>
        %mul3A_875 = arith.mulf %sub3A_874, %mul3A_796 : vector<16xf32>
        %mul3A_876 = arith.mulf %mul3A_875, %get3A_24 : vector<16xf32>
        %add3A_877 = arith.addf %mul3A_876, %get3A_48 : vector<16xf32>
        %add3A_878 = arith.constant 0 : i32
        %add3A_879 = arith.addi %add3A_878, %scan3A_539 : i32
        %swap3A_880 = arith.constant 0 : i32
        %swap3A_881 = arith.index_cast %add3A_879 : i32 to index
        %swap3A_882 = arith.index_cast %swap3A_880 : i32 to index
        %swap3A_883 = arith.constant 96 : index
        %swap3A_884 = tpu.vector_load %arg17[%swap3A_881, %swap3A_882, %swap3A_883] {strides = array<i32>} : memref<32x4x128xf32, #tpu.memory_space<vmem>>, vector<1x1x16xf32>,
        %swap3A_885 = vector.shape_cast %swap3A_884 : vector<1x1x16xf32> to vector<16xf32>
        %swap3A_886 = vector.shape_cast %add3A_877 : vector<16xf32> to vector<1x1x16xf32>
        tpu.vector_store %arg17[%swap3A_881, %swap3A_882, %swap3A_883], %swap3A_886 {strides = array<i32>} : memref<32x4x128xf32, #tpu.memory_space<vmem>>, vector<1x1x16xf32>,
        %sub3A_887 = arith.subf %add3A_637, %mul3A_755 : vector<16xf32>
        %mul3A_888 = arith.mulf %sub3A_887, %mul3A_796 : vector<16xf32>
        %mul3A_889 = arith.mulf %mul3A_888, %get3A_27 : vector<16xf32>
        %add3A_890 = arith.addf %mul3A_889, %get3A_51 : vector<16xf32>
        %add3A_891 = arith.constant 0 : i32
        %add3A_892 = arith.addi %add3A_891, %scan3A_539 : i32
        %swap3A_893 = arith.constant 0 : i32
        %swap3A_894 = arith.index_cast %add3A_892 : i32 to index
        %swap3A_895 = arith.index_cast %swap3A_893 : i32 to index
        %swap3A_896 = arith.constant 112 : index
        %swap3A_897 = tpu.vector_load %arg17[%swap3A_894, %swap3A_895, %swap3A_896] {strides = array<i32>} : memref<32x4x128xf32, #tpu.memory_space<vmem>>, vector<1x1x16xf32>,
        %swap3A_898 = vector.shape_cast %swap3A_897 : vector<1x1x16xf32> to vector<16xf32>
        %swap3A_899 = vector.shape_cast %add3A_890 : vector<16xf32> to vector<1x1x16xf32>
        tpu.vector_store %arg17[%swap3A_894, %swap3A_895, %swap3A_896], %swap3A_899 {strides = array<i32>} : memref<32x4x128xf32, #tpu.memory_space<vmem>>, vector<1x1x16xf32>,
      }
      %scan3A_231 = arith.constant 16 : i32
      %mul3A_232 = arith.constant 128 : i32
      %mul3A_233 = arith.muli %scan3A_144, %mul3A_232 : i32
      %add3A_234 = arith.constant 0 : i32
      %add3A_235 = arith.addi %mul3A_233, %add3A_234 : i32
      %add3A_236 = arith.constant 16 : i32
      %add3A_237 = arith.addi %add3A_235, %add3A_236 : i32
      %get3A_238 = arith.index_cast %add3A_237 : i32 to index
      %get3A_239 = tpu.vector_load %arg11[%get3A_238] {strides = array<i32>} : memref<2048xi32, #tpu.memory_space<vmem>>, vector<16xi32>,
      %get3A_240 = vector.shape_cast %get3A_239 : vector<16xi32> to vector<16xi32>
      %convert_element_type3A_241 = arith.sitofp %get3A_240 : vector<16xi32> to vector<16xf32>
      %scan3A_242 = arith.constant 0 : i32
      %scan3A_243 = arith.constant 0 : i32
      %scan3A_244 = arith.constant 16 : i32
      %scan3A_245 = arith.addi %scan3A_243, %scan3A_244 : i32
      %scan3A_246 = arith.constant 1 : i32
      scf.for %scan3A_539 = %scan3A_243 to %scan3A_245 step %scan3A_246  : i32 {
        %add3A_540 = arith.constant 16 : i32
        %add3A_541 = arith.addi %add3A_540, %scan3A_539 : i32
        %broadcast_in_dim3A = vector.broadcast %scan3A_539 : i32 to vector<16xi32>
        %lt3A = arith.constant 0 : i32
        %lt3A_542 = vector.broadcast %lt3A : i32 to vector<16xi32>
        %lt3A_543 = arith.cmpi slt, %broadcast_in_dim3A, %lt3A_542 : vector<16xi32>
        %add3A_544 = arith.constant 16 : i32
        %add3A_545 = vector.broadcast %add3A_544 : i32 to vector<16xi32>
        %add3A_546 = arith.addi %broadcast_in_dim3A, %add3A_545 : vector<16xi32>
        %select_n3A = arith.select %lt3A_543, %add3A_546, %broadcast_in_dim3A : vector<16xi1>, vector<16xi32>
        %broadcast_in_dim3A_547 = vector.shape_cast %select_n3A : vector<16xi32> to vector<16x1xi32>
        %gather3A = vector.shape_cast %broadcast_in_dim3A_547 : vector<16x1xi32> to vector<16xi32>
        %gather3A_548 = tpu.dynamic_gather %convert_element_type3A_241[%gather3A] in [0] : vector<16xf32>, vector<16xi32> -> vector<16xf32>
        %broadcast_in_dim3A_549 = arith.constant 0.000000e+00 : f32
        %broadcast_in_dim3A_550 = vector.broadcast %broadcast_in_dim3A_549 : f32 to vector<16xf32>
        %broadcast_in_dim3A_551 = arith.constant 0.000000e+00 : f32
        %broadcast_in_dim3A_552 = vector.broadcast %broadcast_in_dim3A_551 : f32 to vector<16xf32>
        %get3A_553 = arith.index_cast %add3A_541 : i32 to index
        %get3A_554 = arith.constant 0 : index
        %get3A_555 = tpu.vector_load %arg16[%get3A_553, %get3A_554] {strides = array<i32>} : memref<128x128xf32, #tpu.memory_space<vmem>>, vector<1x16xf32>,
        %get3A_556 = vector.shape_cast %get3A_555 : vector<1x16xf32> to vector<16xf32>
        %add3A_557 = arith.addf %get3A_556, %get3A_160 : vector<16xf32>
        %mul3A_558 = arith.mulf %gather3A_548, %sub3A : vector<16xf32>
        %add3A_559 = arith.addf %get3A_56, %mul3A_558 : vector<16xf32>
        %add3A_560 = arith.addf %add3A_557, %add3A_559 : vector<16xf32>
        %add3A_561 = arith.addf %broadcast_in_dim3A_550, %add3A_560 : vector<16xf32>
        %mul3A_562 = arith.mulf %add3A_560, %add3A_560 : vector<16xf32>
        %add3A_563 = arith.addf %broadcast_in_dim3A_552, %mul3A_562 : vector<16xf32>
        %get3A_564 = arith.index_cast %add3A_541 : i32 to index
        %get3A_565 = arith.constant 16 : index
        %get3A_566 = tpu.vector_load %arg16[%get3A_564, %get3A_565] {strides = array<i32>} : memref<128x128xf32, #tpu.memory_space<vmem>>, vector<1x16xf32>,
        %get3A_567 = vector.shape_cast %get3A_566 : vector<1x16xf32> to vector<16xf32>
        %add3A_568 = arith.addf %get3A_567, %get3A_168 : vector<16xf32>
        %mul3A_569 = arith.mulf %gather3A_548, %sub3A_102 : vector<16xf32>
        %add3A_570 = arith.addf %get3A_61, %mul3A_569 : vector<16xf32>
        %add3A_571 = arith.addf %add3A_568, %add3A_570 : vector<16xf32>
        %add3A_572 = arith.addf %add3A_561, %add3A_571 : vector<16xf32>
        %mul3A_573 = arith.mulf %add3A_571, %add3A_571 : vector<16xf32>
        %add3A_574 = arith.addf %add3A_563, %mul3A_573 : vector<16xf32>
        %get3A_575 = arith.index_cast %add3A_541 : i32 to index
        %get3A_576 = arith.constant 32 : index
        %get3A_577 = tpu.vector_load %arg16[%get3A_575, %get3A_576] {strides = array<i32>} : memref<128x128xf32, #tpu.memory_space<vmem>>, vector<1x16xf32>,
        %get3A_578 = vector.shape_cast %get3A_577 : vector<1x16xf32> to vector<16xf32>
        %add3A_579 = arith.addf %get3A_578, %get3A_176 : vector<16xf32>
        %mul3A_580 = arith.mulf %gather3A_548, %sub3A_108 : vector<16xf32>
        %add3A_581 = arith.addf %get3A_66, %mul3A_580 : vector<16xf32>
        %add3A_582 = arith.addf %add3A_579, %add3A_581 : vector<16xf32>
        %add3A_583 = arith.addf %add3A_572, %add3A_582 : vector<16xf32>
        %mul3A_584 = arith.mulf %add3A_582, %add3A_582 : vector<16xf32>
        %add3A_585 = arith.addf %add3A_574, %mul3A_584 : vector<16xf32>
        %get3A_586 = arith.index_cast %add3A_541 : i32 to index
        %get3A_587 = arith.constant 48 : index
        %get3A_588 = tpu.vector_load %arg16[%get3A_586, %get3A_587] {strides = array<i32>} : memref<128x128xf32, #tpu.memory_space<vmem>>, vector<1x16xf32>,
        %get3A_589 = vector.shape_cast %get3A_588 : vector<1x16xf32> to vector<16xf32>
        %add3A_590 = arith.addf %get3A_589, %get3A_184 : vector<16xf32>
        %mul3A_591 = arith.mulf %gather3A_548, %sub3A_114 : vector<16xf32>
        %add3A_592 = arith.addf %get3A_71, %mul3A_591 : vector<16xf32>
        %add3A_593 = arith.addf %add3A_590, %add3A_592 : vector<16xf32>
        %add3A_594 = arith.addf %add3A_583, %add3A_593 : vector<16xf32>
        %mul3A_595 = arith.mulf %add3A_593, %add3A_593 : vector<16xf32>
        %add3A_596 = arith.addf %add3A_585, %mul3A_595 : vector<16xf32>
        %get3A_597 = arith.index_cast %add3A_541 : i32 to index
        %get3A_598 = arith.constant 64 : index
        %get3A_599 = tpu.vector_load %arg16[%get3A_597, %get3A_598] {strides = array<i32>} : memref<128x128xf32, #tpu.memory_space<vmem>>, vector<1x16xf32>,
        %get3A_600 = vector.shape_cast %get3A_599 : vector<1x16xf32> to vector<16xf32>
        %add3A_601 = arith.addf %get3A_600, %get3A_192 : vector<16xf32>
        %mul3A_602 = arith.mulf %gather3A_548, %sub3A_120 : vector<16xf32>
        %add3A_603 = arith.addf %get3A_76, %mul3A_602 : vector<16xf32>
        %add3A_604 = arith.addf %add3A_601, %add3A_603 : vector<16xf32>
        %add3A_605 = arith.addf %add3A_594, %add3A_604 : vector<16xf32>
        %mul3A_606 = arith.mulf %add3A_604, %add3A_604 : vector<16xf32>
        %add3A_607 = arith.addf %add3A_596, %mul3A_606 : vector<16xf32>
        %get3A_608 = arith.index_cast %add3A_541 : i32 to index
        %get3A_609 = arith.constant 80 : index
        %get3A_610 = tpu.vector_load %arg16[%get3A_608, %get3A_609] {strides = array<i32>} : memref<128x128xf32, #tpu.memory_space<vmem>>, vector<1x16xf32>,
        %get3A_611 = vector.shape_cast %get3A_610 : vector<1x16xf32> to vector<16xf32>
        %add3A_612 = arith.addf %get3A_611, %get3A_200 : vector<16xf32>
        %mul3A_613 = arith.mulf %gather3A_548, %sub3A_126 : vector<16xf32>
        %add3A_614 = arith.addf %get3A_81, %mul3A_613 : vector<16xf32>
        %add3A_615 = arith.addf %add3A_612, %add3A_614 : vector<16xf32>
        %add3A_616 = arith.addf %add3A_605, %add3A_615 : vector<16xf32>
        %mul3A_617 = arith.mulf %add3A_615, %add3A_615 : vector<16xf32>
        %add3A_618 = arith.addf %add3A_607, %mul3A_617 : vector<16xf32>
        %get3A_619 = arith.index_cast %add3A_541 : i32 to index
        %get3A_620 = arith.constant 96 : index
        %get3A_621 = tpu.vector_load %arg16[%get3A_619, %get3A_620] {strides = array<i32>} : memref<128x128xf32, #tpu.memory_space<vmem>>, vector<1x16xf32>,
        %get3A_622 = vector.shape_cast %get3A_621 : vector<1x16xf32> to vector<16xf32>
        %add3A_623 = arith.addf %get3A_622, %get3A_208 : vector<16xf32>
        %mul3A_624 = arith.mulf %gather3A_548, %sub3A_132 : vector<16xf32>
        %add3A_625 = arith.addf %get3A_86, %mul3A_624 : vector<16xf32>
        %add3A_626 = arith.addf %add3A_623, %add3A_625 : vector<16xf32>
        %add3A_627 = arith.addf %add3A_616, %add3A_626 : vector<16xf32>
        %mul3A_628 = arith.mulf %add3A_626, %add3A_626 : vector<16xf32>
        %add3A_629 = arith.addf %add3A_618, %mul3A_628 : vector<16xf32>
        %get3A_630 = arith.index_cast %add3A_541 : i32 to index
        %get3A_631 = arith.constant 112 : index
        %get3A_632 = tpu.vector_load %arg16[%get3A_630, %get3A_631] {strides = array<i32>} : memref<128x128xf32, #tpu.memory_space<vmem>>, vector<1x16xf32>,
        %get3A_633 = vector.shape_cast %get3A_632 : vector<1x16xf32> to vector<16xf32>
        %add3A_634 = arith.addf %get3A_633, %get3A_216 : vector<16xf32>
        %mul3A_635 = arith.mulf %gather3A_548, %sub3A_138 : vector<16xf32>
        %add3A_636 = arith.addf %get3A_91, %mul3A_635 : vector<16xf32>
        %add3A_637 = arith.addf %add3A_634, %add3A_636 : vector<16xf32>
        %add3A_638 = arith.addf %add3A_627, %add3A_637 : vector<16xf32>
        %mul3A_639 = arith.mulf %add3A_637, %add3A_637 : vector<16xf32>
        %add3A_640 = arith.addf %add3A_629, %mul3A_639 : vector<16xf32>
        %iota3A = tpu.iota {dimensions = array<i32: 0>} : vector<16xi32>
        %xor3A = arith.constant 8 : i32
        %xor3A_641 = vector.broadcast %xor3A : i32 to vector<16xi32>
        %xor3A_642 = arith.xori %iota3A, %xor3A_641 : vector<16xi32>
        %lt3A_643 = arith.constant 0 : i32
        %lt3A_644 = vector.broadcast %lt3A_643 : i32 to vector<16xi32>
        %lt3A_645 = arith.cmpi slt, %xor3A_642, %lt3A_644 : vector<16xi32>
        %add3A_646 = arith.constant 16 : i32
        %add3A_647 = vector.broadcast %add3A_646 : i32 to vector<16xi32>
        %add3A_648 = arith.addi %xor3A_642, %add3A_647 : vector<16xi32>
        %select_n3A_649 = arith.select %lt3A_645, %add3A_648, %xor3A_642 : vector<16xi1>, vector<16xi32>
        %broadcast_in_dim3A_650 = vector.shape_cast %select_n3A_649 : vector<16xi32> to vector<16x1xi32>
        %gather3A_651 = vector.shape_cast %broadcast_in_dim3A_650 : vector<16x1xi32> to vector<16xi32>
        %gather3A_652 = tpu.dynamic_gather %add3A_638[%gather3A_651] in [0] : vector<16xf32>, vector<16xi32> -> vector<16xf32>
        %add3A_653 = arith.addf %add3A_638, %gather3A_652 : vector<16xf32>
        %xor3A_654 = arith.constant 4 : i32
        %xor3A_655 = vector.broadcast %xor3A_654 : i32 to vector<16xi32>
        %xor3A_656 = arith.xori %iota3A, %xor3A_655 : vector<16xi32>
        %lt3A_657 = arith.constant 0 : i32
        %lt3A_658 = vector.broadcast %lt3A_657 : i32 to vector<16xi32>
        %lt3A_659 = arith.cmpi slt, %xor3A_656, %lt3A_658 : vector<16xi32>
        %add3A_660 = arith.constant 16 : i32
        %add3A_661 = vector.broadcast %add3A_660 : i32 to vector<16xi32>
        %add3A_662 = arith.addi %xor3A_656, %add3A_661 : vector<16xi32>
        %select_n3A_663 = arith.select %lt3A_659, %add3A_662, %xor3A_656 : vector<16xi1>, vector<16xi32>
        %broadcast_in_dim3A_664 = vector.shape_cast %select_n3A_663 : vector<16xi32> to vector<16x1xi32>
        %gather3A_665 = vector.shape_cast %broadcast_in_dim3A_664 : vector<16x1xi32> to vector<16xi32>
        %gather3A_666 = tpu.dynamic_gather %add3A_653[%gather3A_665] in [0] : vector<16xf32>, vector<16xi32> -> vector<16xf32>
        %add3A_667 = arith.addf %add3A_653, %gather3A_666 : vector<16xf32>
        %xor3A_668 = arith.constant 2 : i32
        %xor3A_669 = vector.broadcast %xor3A_668 : i32 to vector<16xi32>
        %xor3A_670 = arith.xori %iota3A, %xor3A_669 : vector<16xi32>
        %lt3A_671 = arith.constant 0 : i32
        %lt3A_672 = vector.broadcast %lt3A_671 : i32 to vector<16xi32>
        %lt3A_673 = arith.cmpi slt, %xor3A_670, %lt3A_672 : vector<16xi32>
        %add3A_674 = arith.constant 16 : i32
        %add3A_675 = vector.broadcast %add3A_674 : i32 to vector<16xi32>
        %add3A_676 = arith.addi %xor3A_670, %add3A_675 : vector<16xi32>
        %select_n3A_677 = arith.select %lt3A_673, %add3A_676, %xor3A_670 : vector<16xi1>, vector<16xi32>
        %broadcast_in_dim3A_678 = vector.shape_cast %select_n3A_677 : vector<16xi32> to vector<16x1xi32>
        %gather3A_679 = vector.shape_cast %broadcast_in_dim3A_678 : vector<16x1xi32> to vector<16xi32>
        %gather3A_680 = tpu.dynamic_gather %add3A_667[%gather3A_679] in [0] : vector<16xf32>, vector<16xi32> -> vector<16xf32>
        %add3A_681 = arith.addf %add3A_667, %gather3A_680 : vector<16xf32>
        %xor3A_682 = arith.constant 1 : i32
        %xor3A_683 = vector.broadcast %xor3A_682 : i32 to vector<16xi32>
        %xor3A_684 = arith.xori %iota3A, %xor3A_683 : vector<16xi32>
        %lt3A_685 = arith.constant 0 : i32
        %lt3A_686 = vector.broadcast %lt3A_685 : i32 to vector<16xi32>
        %lt3A_687 = arith.cmpi slt, %xor3A_684, %lt3A_686 : vector<16xi32>
        %add3A_688 = arith.constant 16 : i32
        %add3A_689 = vector.broadcast %add3A_688 : i32 to vector<16xi32>
        %add3A_690 = arith.addi %xor3A_684, %add3A_689 : vector<16xi32>
        %select_n3A_691 = arith.select %lt3A_687, %add3A_690, %xor3A_684 : vector<16xi1>, vector<16xi32>
        %broadcast_in_dim3A_692 = vector.shape_cast %select_n3A_691 : vector<16xi32> to vector<16x1xi32>
        %gather3A_693 = vector.shape_cast %broadcast_in_dim3A_692 : vector<16x1xi32> to vector<16xi32>
        %gather3A_694 = tpu.dynamic_gather %add3A_681[%gather3A_693] in [0] : vector<16xf32>, vector<16xi32> -> vector<16xf32>
        %add3A_695 = arith.addf %add3A_681, %gather3A_694 : vector<16xf32>
        %iota3A_696 = tpu.iota {dimensions = array<i32: 0>} : vector<16xi32>
        %xor3A_697 = arith.constant 8 : i32
        %xor3A_698 = vector.broadcast %xor3A_697 : i32 to vector<16xi32>
        %xor3A_699 = arith.xori %iota3A_696, %xor3A_698 : vector<16xi32>
        %lt3A_700 = arith.constant 0 : i32
        %lt3A_701 = vector.broadcast %lt3A_700 : i32 to vector<16xi32>
        %lt3A_702 = arith.cmpi slt, %xor3A_699, %lt3A_701 : vector<16xi32>
        %add3A_703 = arith.constant 16 : i32
        %add3A_704 = vector.broadcast %add3A_703 : i32 to vector<16xi32>
        %add3A_705 = arith.addi %xor3A_699, %add3A_704 : vector<16xi32>
        %select_n3A_706 = arith.select %lt3A_702, %add3A_705, %xor3A_699 : vector<16xi1>, vector<16xi32>
        %broadcast_in_dim3A_707 = vector.shape_cast %select_n3A_706 : vector<16xi32> to vector<16x1xi32>
        %gather3A_708 = vector.shape_cast %broadcast_in_dim3A_707 : vector<16x1xi32> to vector<16xi32>
        %gather3A_709 = tpu.dynamic_gather %add3A_640[%gather3A_708] in [0] : vector<16xf32>, vector<16xi32> -> vector<16xf32>
        %add3A_710 = arith.addf %add3A_640, %gather3A_709 : vector<16xf32>
        %xor3A_711 = arith.constant 4 : i32
        %xor3A_712 = vector.broadcast %xor3A_711 : i32 to vector<16xi32>
        %xor3A_713 = arith.xori %iota3A_696, %xor3A_712 : vector<16xi32>
        %lt3A_714 = arith.constant 0 : i32
        %lt3A_715 = vector.broadcast %lt3A_714 : i32 to vector<16xi32>
        %lt3A_716 = arith.cmpi slt, %xor3A_713, %lt3A_715 : vector<16xi32>
        %add3A_717 = arith.constant 16 : i32
        %add3A_718 = vector.broadcast %add3A_717 : i32 to vector<16xi32>
        %add3A_719 = arith.addi %xor3A_713, %add3A_718 : vector<16xi32>
        %select_n3A_720 = arith.select %lt3A_716, %add3A_719, %xor3A_713 : vector<16xi1>, vector<16xi32>
        %broadcast_in_dim3A_721 = vector.shape_cast %select_n3A_720 : vector<16xi32> to vector<16x1xi32>
        %gather3A_722 = vector.shape_cast %broadcast_in_dim3A_721 : vector<16x1xi32> to vector<16xi32>
        %gather3A_723 = tpu.dynamic_gather %add3A_710[%gather3A_722] in [0] : vector<16xf32>, vector<16xi32> -> vector<16xf32>
        %add3A_724 = arith.addf %add3A_710, %gather3A_723 : vector<16xf32>
        %xor3A_725 = arith.constant 2 : i32
        %xor3A_726 = vector.broadcast %xor3A_725 : i32 to vector<16xi32>
        %xor3A_727 = arith.xori %iota3A_696, %xor3A_726 : vector<16xi32>
        %lt3A_728 = arith.constant 0 : i32
        %lt3A_729 = vector.broadcast %lt3A_728 : i32 to vector<16xi32>
        %lt3A_730 = arith.cmpi slt, %xor3A_727, %lt3A_729 : vector<16xi32>
        %add3A_731 = arith.constant 16 : i32
        %add3A_732 = vector.broadcast %add3A_731 : i32 to vector<16xi32>
        %add3A_733 = arith.addi %xor3A_727, %add3A_732 : vector<16xi32>
        %select_n3A_734 = arith.select %lt3A_730, %add3A_733, %xor3A_727 : vector<16xi1>, vector<16xi32>
        %broadcast_in_dim3A_735 = vector.shape_cast %select_n3A_734 : vector<16xi32> to vector<16x1xi32>
        %gather3A_736 = vector.shape_cast %broadcast_in_dim3A_735 : vector<16x1xi32> to vector<16xi32>
        %gather3A_737 = tpu.dynamic_gather %add3A_724[%gather3A_736] in [0] : vector<16xf32>, vector<16xi32> -> vector<16xf32>
        %add3A_738 = arith.addf %add3A_724, %gather3A_737 : vector<16xf32>
        %xor3A_739 = arith.constant 1 : i32
        %xor3A_740 = vector.broadcast %xor3A_739 : i32 to vector<16xi32>
        %xor3A_741 = arith.xori %iota3A_696, %xor3A_740 : vector<16xi32>
        %lt3A_742 = arith.constant 0 : i32
        %lt3A_743 = vector.broadcast %lt3A_742 : i32 to vector<16xi32>
        %lt3A_744 = arith.cmpi slt, %xor3A_741, %lt3A_743 : vector<16xi32>
        %add3A_745 = arith.constant 16 : i32
        %add3A_746 = vector.broadcast %add3A_745 : i32 to vector<16xi32>
        %add3A_747 = arith.addi %xor3A_741, %add3A_746 : vector<16xi32>
        %select_n3A_748 = arith.select %lt3A_744, %add3A_747, %xor3A_741 : vector<16xi1>, vector<16xi32>
        %broadcast_in_dim3A_749 = vector.shape_cast %select_n3A_748 : vector<16xi32> to vector<16x1xi32>
        %gather3A_750 = vector.shape_cast %broadcast_in_dim3A_749 : vector<16x1xi32> to vector<16xi32>
        %gather3A_751 = tpu.dynamic_gather %add3A_738[%gather3A_750] in [0] : vector<16xf32>, vector<16xi32> -> vector<16xf32>
        %add3A_752 = arith.addf %add3A_738, %gather3A_751 : vector<16xf32>
        %mul3A_753 = arith.constant 7.812500e-03 : f32
        %mul3A_754 = vector.broadcast %mul3A_753 : f32 to vector<16xf32>
        %mul3A_755 = arith.mulf %add3A_695, %mul3A_754 : vector<16xf32>
        %mul3A_756 = arith.constant 7.812500e-03 : f32
        %mul3A_757 = vector.broadcast %mul3A_756 : f32 to vector<16xf32>
        %mul3A_758 = arith.mulf %add3A_752, %mul3A_757 : vector<16xf32>
        %mul3A_759 = arith.mulf %mul3A_755, %mul3A_755 : vector<16xf32>
        %sub3A_760 = arith.subf %mul3A_758, %mul3A_759 : vector<16xf32>
        %add3A_761 = arith.constant 9.99999974E-6 : f32
        %add3A_762 = vector.broadcast %add3A_761 : f32 to vector<16xf32>
        %add3A_763 = arith.addf %sub3A_760, %add3A_762 : vector<16xf32>
        %bitcast_convert_type3A = tpu.bitcast %add3A_763 : vector<16xf32> -> vector<16xi32>
        %shift_right_arithmetic3A = arith.constant 1 : i32
        %shift_right_arithmetic3A_764 = vector.broadcast %shift_right_arithmetic3A : i32 to vector<16xi32>
        %shift_right_arithmetic3A_765 = arith.shrsi %bitcast_convert_type3A, %shift_right_arithmetic3A_764 : vector<16xi32>
        %sub3A_766 = arith.constant 1597463007 : i32
        %sub3A_767 = vector.broadcast %sub3A_766 : i32 to vector<16xi32>
        %sub3A_768 = arith.subi %sub3A_767, %shift_right_arithmetic3A_765 : vector<16xi32>
        %bitcast_convert_type3A_769 = tpu.bitcast %sub3A_768 : vector<16xi32> -> vector<16xf32>
        %mul3A_770 = arith.constant 5.000000e-01 : f32
        %mul3A_771 = vector.broadcast %mul3A_770 : f32 to vector<16xf32>
        %mul3A_772 = arith.mulf %mul3A_771, %add3A_763 : vector<16xf32>
        %mul3A_773 = arith.mulf %mul3A_772, %bitcast_convert_type3A_769 : vector<16xf32>
        %mul3A_774 = arith.mulf %mul3A_773, %bitcast_convert_type3A_769 : vector<16xf32>
        %sub3A_775 = arith.constant 1.500000e+00 : f32
        %sub3A_776 = vector.broadcast %sub3A_775 : f32 to vector<16xf32>
        %sub3A_777 = arith.subf %sub3A_776, %mul3A_774 : vector<16xf32>
        %mul3A_778 = arith.mulf %bitcast_convert_type3A_769, %sub3A_777 : vector<16xf32>
        %mul3A_779 = arith.constant 5.000000e-01 : f32
        %mul3A_780 = vector.broadcast %mul3A_779 : f32 to vector<16xf32>
        %mul3A_781 = arith.mulf %mul3A_780, %add3A_763 : vector<16xf32>
        %mul3A_782 = arith.mulf %mul3A_781, %mul3A_778 : vector<16xf32>
        %mul3A_783 = arith.mulf %mul3A_782, %mul3A_778 : vector<16xf32>
        %sub3A_784 = arith.constant 1.500000e+00 : f32
        %sub3A_785 = vector.broadcast %sub3A_784 : f32 to vector<16xf32>
        %sub3A_786 = arith.subf %sub3A_785, %mul3A_783 : vector<16xf32>
        %mul3A_787 = arith.mulf %mul3A_778, %sub3A_786 : vector<16xf32>
        %mul3A_788 = arith.constant 5.000000e-01 : f32
        %mul3A_789 = vector.broadcast %mul3A_788 : f32 to vector<16xf32>
        %mul3A_790 = arith.mulf %mul3A_789, %add3A_763 : vector<16xf32>
        %mul3A_791 = arith.mulf %mul3A_790, %mul3A_787 : vector<16xf32>
        %mul3A_792 = arith.mulf %mul3A_791, %mul3A_787 : vector<16xf32>
        %sub3A_793 = arith.constant 1.500000e+00 : f32
        %sub3A_794 = vector.broadcast %sub3A_793 : f32 to vector<16xf32>
        %sub3A_795 = arith.subf %sub3A_794, %mul3A_792 : vector<16xf32>
        %mul3A_796 = arith.mulf %mul3A_787, %sub3A_795 : vector<16xf32>
        %sub3A_797 = arith.subf %add3A_560, %mul3A_755 : vector<16xf32>
        %mul3A_798 = arith.mulf %sub3A_797, %mul3A_796 : vector<16xf32>
        %mul3A_799 = arith.mulf %mul3A_798, %get3A_6 : vector<16xf32>
        %add3A_800 = arith.addf %mul3A_799, %get3A_30 : vector<16xf32>
        %add3A_801 = arith.constant 16 : i32
        %add3A_802 = arith.addi %add3A_801, %scan3A_539 : i32
        %swap3A = arith.constant 0 : i32
        %swap3A_803 = arith.index_cast %add3A_802 : i32 to index
        %swap3A_804 = arith.index_cast %swap3A : i32 to index
        %swap3A_805 = arith.constant 0 : index
        %swap3A_806 = tpu.vector_load %arg17[%swap3A_803, %swap3A_804, %swap3A_805] {strides = array<i32>} : memref<32x4x128xf32, #tpu.memory_space<vmem>>, vector<1x1x16xf32>,
        %swap3A_807 = vector.shape_cast %swap3A_806 : vector<1x1x16xf32> to vector<16xf32>
        %swap3A_808 = vector.shape_cast %add3A_800 : vector<16xf32> to vector<1x1x16xf32>
        tpu.vector_store %arg17[%swap3A_803, %swap3A_804, %swap3A_805], %swap3A_808 {strides = array<i32>} : memref<32x4x128xf32, #tpu.memory_space<vmem>>, vector<1x1x16xf32>,
        %sub3A_809 = arith.subf %add3A_571, %mul3A_755 : vector<16xf32>
        %mul3A_810 = arith.mulf %sub3A_809, %mul3A_796 : vector<16xf32>
        %mul3A_811 = arith.mulf %mul3A_810, %get3A_9 : vector<16xf32>
        %add3A_812 = arith.addf %mul3A_811, %get3A_33 : vector<16xf32>
        %add3A_813 = arith.constant 16 : i32
        %add3A_814 = arith.addi %add3A_813, %scan3A_539 : i32
        %swap3A_815 = arith.constant 0 : i32
        %swap3A_816 = arith.index_cast %add3A_814 : i32 to index
        %swap3A_817 = arith.index_cast %swap3A_815 : i32 to index
        %swap3A_818 = arith.constant 16 : index
        %swap3A_819 = tpu.vector_load %arg17[%swap3A_816, %swap3A_817, %swap3A_818] {strides = array<i32>} : memref<32x4x128xf32, #tpu.memory_space<vmem>>, vector<1x1x16xf32>,
        %swap3A_820 = vector.shape_cast %swap3A_819 : vector<1x1x16xf32> to vector<16xf32>
        %swap3A_821 = vector.shape_cast %add3A_812 : vector<16xf32> to vector<1x1x16xf32>
        tpu.vector_store %arg17[%swap3A_816, %swap3A_817, %swap3A_818], %swap3A_821 {strides = array<i32>} : memref<32x4x128xf32, #tpu.memory_space<vmem>>, vector<1x1x16xf32>,
        %sub3A_822 = arith.subf %add3A_582, %mul3A_755 : vector<16xf32>
        %mul3A_823 = arith.mulf %sub3A_822, %mul3A_796 : vector<16xf32>
        %mul3A_824 = arith.mulf %mul3A_823, %get3A_12 : vector<16xf32>
        %add3A_825 = arith.addf %mul3A_824, %get3A_36 : vector<16xf32>
        %add3A_826 = arith.constant 16 : i32
        %add3A_827 = arith.addi %add3A_826, %scan3A_539 : i32
        %swap3A_828 = arith.constant 0 : i32
        %swap3A_829 = arith.index_cast %add3A_827 : i32 to index
        %swap3A_830 = arith.index_cast %swap3A_828 : i32 to index
        %swap3A_831 = arith.constant 32 : index
        %swap3A_832 = tpu.vector_load %arg17[%swap3A_829, %swap3A_830, %swap3A_831] {strides = array<i32>} : memref<32x4x128xf32, #tpu.memory_space<vmem>>, vector<1x1x16xf32>,
        %swap3A_833 = vector.shape_cast %swap3A_832 : vector<1x1x16xf32> to vector<16xf32>
        %swap3A_834 = vector.shape_cast %add3A_825 : vector<16xf32> to vector<1x1x16xf32>
        tpu.vector_store %arg17[%swap3A_829, %swap3A_830, %swap3A_831], %swap3A_834 {strides = array<i32>} : memref<32x4x128xf32, #tpu.memory_space<vmem>>, vector<1x1x16xf32>,
        %sub3A_835 = arith.subf %add3A_593, %mul3A_755 : vector<16xf32>
        %mul3A_836 = arith.mulf %sub3A_835, %mul3A_796 : vector<16xf32>
        %mul3A_837 = arith.mulf %mul3A_836, %get3A_15 : vector<16xf32>
        %add3A_838 = arith.addf %mul3A_837, %get3A_39 : vector<16xf32>
        %add3A_839 = arith.constant 16 : i32
        %add3A_840 = arith.addi %add3A_839, %scan3A_539 : i32
        %swap3A_841 = arith.constant 0 : i32
        %swap3A_842 = arith.index_cast %add3A_840 : i32 to index
        %swap3A_843 = arith.index_cast %swap3A_841 : i32 to index
        %swap3A_844 = arith.constant 48 : index
        %swap3A_845 = tpu.vector_load %arg17[%swap3A_842, %swap3A_843, %swap3A_844] {strides = array<i32>} : memref<32x4x128xf32, #tpu.memory_space<vmem>>, vector<1x1x16xf32>,
        %swap3A_846 = vector.shape_cast %swap3A_845 : vector<1x1x16xf32> to vector<16xf32>
        %swap3A_847 = vector.shape_cast %add3A_838 : vector<16xf32> to vector<1x1x16xf32>
        tpu.vector_store %arg17[%swap3A_842, %swap3A_843, %swap3A_844], %swap3A_847 {strides = array<i32>} : memref<32x4x128xf32, #tpu.memory_space<vmem>>, vector<1x1x16xf32>,
        %sub3A_848 = arith.subf %add3A_604, %mul3A_755 : vector<16xf32>
        %mul3A_849 = arith.mulf %sub3A_848, %mul3A_796 : vector<16xf32>
        %mul3A_850 = arith.mulf %mul3A_849, %get3A_18 : vector<16xf32>
        %add3A_851 = arith.addf %mul3A_850, %get3A_42 : vector<16xf32>
        %add3A_852 = arith.constant 16 : i32
        %add3A_853 = arith.addi %add3A_852, %scan3A_539 : i32
        %swap3A_854 = arith.constant 0 : i32
        %swap3A_855 = arith.index_cast %add3A_853 : i32 to index
        %swap3A_856 = arith.index_cast %swap3A_854 : i32 to index
        %swap3A_857 = arith.constant 64 : index
        %swap3A_858 = tpu.vector_load %arg17[%swap3A_855, %swap3A_856, %swap3A_857] {strides = array<i32>} : memref<32x4x128xf32, #tpu.memory_space<vmem>>, vector<1x1x16xf32>,
        %swap3A_859 = vector.shape_cast %swap3A_858 : vector<1x1x16xf32> to vector<16xf32>
        %swap3A_860 = vector.shape_cast %add3A_851 : vector<16xf32> to vector<1x1x16xf32>
        tpu.vector_store %arg17[%swap3A_855, %swap3A_856, %swap3A_857], %swap3A_860 {strides = array<i32>} : memref<32x4x128xf32, #tpu.memory_space<vmem>>, vector<1x1x16xf32>,
        %sub3A_861 = arith.subf %add3A_615, %mul3A_755 : vector<16xf32>
        %mul3A_862 = arith.mulf %sub3A_861, %mul3A_796 : vector<16xf32>
        %mul3A_863 = arith.mulf %mul3A_862, %get3A_21 : vector<16xf32>
        %add3A_864 = arith.addf %mul3A_863, %get3A_45 : vector<16xf32>
        %add3A_865 = arith.constant 16 : i32
        %add3A_866 = arith.addi %add3A_865, %scan3A_539 : i32
        %swap3A_867 = arith.constant 0 : i32
        %swap3A_868 = arith.index_cast %add3A_866 : i32 to index
        %swap3A_869 = arith.index_cast %swap3A_867 : i32 to index
        %swap3A_870 = arith.constant 80 : index
        %swap3A_871 = tpu.vector_load %arg17[%swap3A_868, %swap3A_869, %swap3A_870] {strides = array<i32>} : memref<32x4x128xf32, #tpu.memory_space<vmem>>, vector<1x1x16xf32>,
        %swap3A_872 = vector.shape_cast %swap3A_871 : vector<1x1x16xf32> to vector<16xf32>
        %swap3A_873 = vector.shape_cast %add3A_864 : vector<16xf32> to vector<1x1x16xf32>
        tpu.vector_store %arg17[%swap3A_868, %swap3A_869, %swap3A_870], %swap3A_873 {strides = array<i32>} : memref<32x4x128xf32, #tpu.memory_space<vmem>>, vector<1x1x16xf32>,
        %sub3A_874 = arith.subf %add3A_626, %mul3A_755 : vector<16xf32>
        %mul3A_875 = arith.mulf %sub3A_874, %mul3A_796 : vector<16xf32>
        %mul3A_876 = arith.mulf %mul3A_875, %get3A_24 : vector<16xf32>
        %add3A_877 = arith.addf %mul3A_876, %get3A_48 : vector<16xf32>
        %add3A_878 = arith.constant 16 : i32
        %add3A_879 = arith.addi %add3A_878, %scan3A_539 : i32
        %swap3A_880 = arith.constant 0 : i32
        %swap3A_881 = arith.index_cast %add3A_879 : i32 to index
        %swap3A_882 = arith.index_cast %swap3A_880 : i32 to index
        %swap3A_883 = arith.constant 96 : index
        %swap3A_884 = tpu.vector_load %arg17[%swap3A_881, %swap3A_882, %swap3A_883] {strides = array<i32>} : memref<32x4x128xf32, #tpu.memory_space<vmem>>, vector<1x1x16xf32>,
        %swap3A_885 = vector.shape_cast %swap3A_884 : vector<1x1x16xf32> to vector<16xf32>
        %swap3A_886 = vector.shape_cast %add3A_877 : vector<16xf32> to vector<1x1x16xf32>
        tpu.vector_store %arg17[%swap3A_881, %swap3A_882, %swap3A_883], %swap3A_886 {strides = array<i32>} : memref<32x4x128xf32, #tpu.memory_space<vmem>>, vector<1x1x16xf32>,
        %sub3A_887 = arith.subf %add3A_637, %mul3A_755 : vector<16xf32>
        %mul3A_888 = arith.mulf %sub3A_887, %mul3A_796 : vector<16xf32>
        %mul3A_889 = arith.mulf %mul3A_888, %get3A_27 : vector<16xf32>
        %add3A_890 = arith.addf %mul3A_889, %get3A_51 : vector<16xf32>
        %add3A_891 = arith.constant 16 : i32
        %add3A_892 = arith.addi %add3A_891, %scan3A_539 : i32
        %swap3A_893 = arith.constant 0 : i32
        %swap3A_894 = arith.index_cast %add3A_892 : i32 to index
        %swap3A_895 = arith.index_cast %swap3A_893 : i32 to index
        %swap3A_896 = arith.constant 112 : index
        %swap3A_897 = tpu.vector_load %arg17[%swap3A_894, %swap3A_895, %swap3A_896] {strides = array<i32>} : memref<32x4x128xf32, #tpu.memory_space<vmem>>, vector<1x1x16xf32>,
        %swap3A_898 = vector.shape_cast %swap3A_897 : vector<1x1x16xf32> to vector<16xf32>
        %swap3A_899 = vector.shape_cast %add3A_890 : vector<16xf32> to vector<1x1x16xf32>
        tpu.vector_store %arg17[%swap3A_894, %swap3A_895, %swap3A_896], %swap3A_899 {strides = array<i32>} : memref<32x4x128xf32, #tpu.memory_space<vmem>>, vector<1x1x16xf32>,
      }
      %scan3A_247 = arith.constant 16 : i32
      %mul3A_248 = arith.constant 4 : i32
      %mul3A_249 = arith.muli %scan3A_144, %mul3A_248 : i32
      %add3A_250 = arith.constant 1 : i32
      %add3A_251 = arith.addi %mul3A_249, %add3A_250 : i32
      %get3A_252 = arith.index_cast %add3A_251 : i32 to index
      %get3A_253 = arith.constant 0 : index
      %get3A_254 = tpu.vector_load %arg12[%get3A_252, %get3A_253] {strides = array<i32>} : memref<64x128xf32, #tpu.memory_space<vmem>>, vector<1x16xf32>,
      %get3A_255 = vector.shape_cast %get3A_254 : vector<1x16xf32> to vector<16xf32>
      %mul3A_256 = arith.constant 4 : i32
      %mul3A_257 = arith.muli %scan3A_144, %mul3A_256 : i32
      %add3A_258 = arith.constant 1 : i32
      %add3A_259 = arith.addi %mul3A_257, %add3A_258 : i32
      %get3A_260 = arith.index_cast %add3A_259 : i32 to index
      %get3A_261 = arith.constant 16 : index
      %get3A_262 = tpu.vector_load %arg12[%get3A_260, %get3A_261] {strides = array<i32>} : memref<64x128xf32, #tpu.memory_space<vmem>>, vector<1x16xf32>,
      %get3A_263 = vector.shape_cast %get3A_262 : vector<1x16xf32> to vector<16xf32>
      %mul3A_264 = arith.constant 4 : i32
      %mul3A_265 = arith.muli %scan3A_144, %mul3A_264 : i32
      %add3A_266 = arith.constant 1 : i32
      %add3A_267 = arith.addi %mul3A_265, %add3A_266 : i32
      %get3A_268 = arith.index_cast %add3A_267 : i32 to index
      %get3A_269 = arith.constant 32 : index
      %get3A_270 = tpu.vector_load %arg12[%get3A_268, %get3A_269] {strides = array<i32>} : memref<64x128xf32, #tpu.memory_space<vmem>>, vector<1x16xf32>,
      %get3A_271 = vector.shape_cast %get3A_270 : vector<1x16xf32> to vector<16xf32>
      %mul3A_272 = arith.constant 4 : i32
      %mul3A_273 = arith.muli %scan3A_144, %mul3A_272 : i32
      %add3A_274 = arith.constant 1 : i32
      %add3A_275 = arith.addi %mul3A_273, %add3A_274 : i32
      %get3A_276 = arith.index_cast %add3A_275 : i32 to index
      %get3A_277 = arith.constant 48 : index
      %get3A_278 = tpu.vector_load %arg12[%get3A_276, %get3A_277] {strides = array<i32>} : memref<64x128xf32, #tpu.memory_space<vmem>>, vector<1x16xf32>,
      %get3A_279 = vector.shape_cast %get3A_278 : vector<1x16xf32> to vector<16xf32>
      %mul3A_280 = arith.constant 4 : i32
      %mul3A_281 = arith.muli %scan3A_144, %mul3A_280 : i32
      %add3A_282 = arith.constant 1 : i32
      %add3A_283 = arith.addi %mul3A_281, %add3A_282 : i32
      %get3A_284 = arith.index_cast %add3A_283 : i32 to index
      %get3A_285 = arith.constant 64 : index
      %get3A_286 = tpu.vector_load %arg12[%get3A_284, %get3A_285] {strides = array<i32>} : memref<64x128xf32, #tpu.memory_space<vmem>>, vector<1x16xf32>,
      %get3A_287 = vector.shape_cast %get3A_286 : vector<1x16xf32> to vector<16xf32>
      %mul3A_288 = arith.constant 4 : i32
      %mul3A_289 = arith.muli %scan3A_144, %mul3A_288 : i32
      %add3A_290 = arith.constant 1 : i32
      %add3A_291 = arith.addi %mul3A_289, %add3A_290 : i32
      %get3A_292 = arith.index_cast %add3A_291 : i32 to index
      %get3A_293 = arith.constant 80 : index
      %get3A_294 = tpu.vector_load %arg12[%get3A_292, %get3A_293] {strides = array<i32>} : memref<64x128xf32, #tpu.memory_space<vmem>>, vector<1x16xf32>,
      %get3A_295 = vector.shape_cast %get3A_294 : vector<1x16xf32> to vector<16xf32>
      %mul3A_296 = arith.constant 4 : i32
      %mul3A_297 = arith.muli %scan3A_144, %mul3A_296 : i32
      %add3A_298 = arith.constant 1 : i32
      %add3A_299 = arith.addi %mul3A_297, %add3A_298 : i32
      %get3A_300 = arith.index_cast %add3A_299 : i32 to index
      %get3A_301 = arith.constant 96 : index
      %get3A_302 = tpu.vector_load %arg12[%get3A_300, %get3A_301] {strides = array<i32>} : memref<64x128xf32, #tpu.memory_space<vmem>>, vector<1x16xf32>,
      %get3A_303 = vector.shape_cast %get3A_302 : vector<1x16xf32> to vector<16xf32>
      %mul3A_304 = arith.constant 4 : i32
      %mul3A_305 = arith.muli %scan3A_144, %mul3A_304 : i32
      %add3A_306 = arith.constant 1 : i32
      %add3A_307 = arith.addi %mul3A_305, %add3A_306 : i32
      %get3A_308 = arith.index_cast %add3A_307 : i32 to index
      %get3A_309 = arith.constant 112 : index
      %get3A_310 = tpu.vector_load %arg12[%get3A_308, %get3A_309] {strides = array<i32>} : memref<64x128xf32, #tpu.memory_space<vmem>>, vector<1x16xf32>,
      %get3A_311 = vector.shape_cast %get3A_310 : vector<1x16xf32> to vector<16xf32>
      %mul3A_312 = arith.constant 128 : i32
      %mul3A_313 = arith.muli %scan3A_144, %mul3A_312 : i32
      %add3A_314 = arith.constant 32 : i32
      %add3A_315 = arith.addi %mul3A_313, %add3A_314 : i32
      %add3A_316 = arith.constant 0 : i32
      %add3A_317 = arith.addi %add3A_315, %add3A_316 : i32
      %get3A_318 = arith.index_cast %add3A_317 : i32 to index
      %get3A_319 = tpu.vector_load %arg11[%get3A_318] {strides = array<i32>} : memref<2048xi32, #tpu.memory_space<vmem>>, vector<16xi32>,
      %get3A_320 = vector.shape_cast %get3A_319 : vector<16xi32> to vector<16xi32>
      %convert_element_type3A_321 = arith.sitofp %get3A_320 : vector<16xi32> to vector<16xf32>
      %scan3A_322 = arith.constant 0 : i32
      %scan3A_323 = arith.constant 0 : i32
      %scan3A_324 = arith.constant 16 : i32
      %scan3A_325 = arith.addi %scan3A_323, %scan3A_324 : i32
      %scan3A_326 = arith.constant 1 : i32
      scf.for %scan3A_539 = %scan3A_323 to %scan3A_325 step %scan3A_326  : i32 {
        %add3A_540 = arith.constant 32 : i32
        %add3A_541 = arith.addi %add3A_540, %scan3A_539 : i32
        %broadcast_in_dim3A = vector.broadcast %scan3A_539 : i32 to vector<16xi32>
        %lt3A = arith.constant 0 : i32
        %lt3A_542 = vector.broadcast %lt3A : i32 to vector<16xi32>
        %lt3A_543 = arith.cmpi slt, %broadcast_in_dim3A, %lt3A_542 : vector<16xi32>
        %add3A_544 = arith.constant 16 : i32
        %add3A_545 = vector.broadcast %add3A_544 : i32 to vector<16xi32>
        %add3A_546 = arith.addi %broadcast_in_dim3A, %add3A_545 : vector<16xi32>
        %select_n3A = arith.select %lt3A_543, %add3A_546, %broadcast_in_dim3A : vector<16xi1>, vector<16xi32>
        %broadcast_in_dim3A_547 = vector.shape_cast %select_n3A : vector<16xi32> to vector<16x1xi32>
        %gather3A = vector.shape_cast %broadcast_in_dim3A_547 : vector<16x1xi32> to vector<16xi32>
        %gather3A_548 = tpu.dynamic_gather %convert_element_type3A_321[%gather3A] in [0] : vector<16xf32>, vector<16xi32> -> vector<16xf32>
        %broadcast_in_dim3A_549 = arith.constant 0.000000e+00 : f32
        %broadcast_in_dim3A_550 = vector.broadcast %broadcast_in_dim3A_549 : f32 to vector<16xf32>
        %broadcast_in_dim3A_551 = arith.constant 0.000000e+00 : f32
        %broadcast_in_dim3A_552 = vector.broadcast %broadcast_in_dim3A_551 : f32 to vector<16xf32>
        %get3A_553 = arith.index_cast %add3A_541 : i32 to index
        %get3A_554 = arith.constant 0 : index
        %get3A_555 = tpu.vector_load %arg16[%get3A_553, %get3A_554] {strides = array<i32>} : memref<128x128xf32, #tpu.memory_space<vmem>>, vector<1x16xf32>,
        %get3A_556 = vector.shape_cast %get3A_555 : vector<1x16xf32> to vector<16xf32>
        %add3A_557 = arith.addf %get3A_556, %get3A_255 : vector<16xf32>
        %mul3A_558 = arith.mulf %gather3A_548, %sub3A : vector<16xf32>
        %add3A_559 = arith.addf %get3A_56, %mul3A_558 : vector<16xf32>
        %add3A_560 = arith.addf %add3A_557, %add3A_559 : vector<16xf32>
        %add3A_561 = arith.addf %broadcast_in_dim3A_550, %add3A_560 : vector<16xf32>
        %mul3A_562 = arith.mulf %add3A_560, %add3A_560 : vector<16xf32>
        %add3A_563 = arith.addf %broadcast_in_dim3A_552, %mul3A_562 : vector<16xf32>
        %get3A_564 = arith.index_cast %add3A_541 : i32 to index
        %get3A_565 = arith.constant 16 : index
        %get3A_566 = tpu.vector_load %arg16[%get3A_564, %get3A_565] {strides = array<i32>} : memref<128x128xf32, #tpu.memory_space<vmem>>, vector<1x16xf32>,
        %get3A_567 = vector.shape_cast %get3A_566 : vector<1x16xf32> to vector<16xf32>
        %add3A_568 = arith.addf %get3A_567, %get3A_263 : vector<16xf32>
        %mul3A_569 = arith.mulf %gather3A_548, %sub3A_102 : vector<16xf32>
        %add3A_570 = arith.addf %get3A_61, %mul3A_569 : vector<16xf32>
        %add3A_571 = arith.addf %add3A_568, %add3A_570 : vector<16xf32>
        %add3A_572 = arith.addf %add3A_561, %add3A_571 : vector<16xf32>
        %mul3A_573 = arith.mulf %add3A_571, %add3A_571 : vector<16xf32>
        %add3A_574 = arith.addf %add3A_563, %mul3A_573 : vector<16xf32>
        %get3A_575 = arith.index_cast %add3A_541 : i32 to index
        %get3A_576 = arith.constant 32 : index
        %get3A_577 = tpu.vector_load %arg16[%get3A_575, %get3A_576] {strides = array<i32>} : memref<128x128xf32, #tpu.memory_space<vmem>>, vector<1x16xf32>,
        %get3A_578 = vector.shape_cast %get3A_577 : vector<1x16xf32> to vector<16xf32>
        %add3A_579 = arith.addf %get3A_578, %get3A_271 : vector<16xf32>
        %mul3A_580 = arith.mulf %gather3A_548, %sub3A_108 : vector<16xf32>
        %add3A_581 = arith.addf %get3A_66, %mul3A_580 : vector<16xf32>
        %add3A_582 = arith.addf %add3A_579, %add3A_581 : vector<16xf32>
        %add3A_583 = arith.addf %add3A_572, %add3A_582 : vector<16xf32>
        %mul3A_584 = arith.mulf %add3A_582, %add3A_582 : vector<16xf32>
        %add3A_585 = arith.addf %add3A_574, %mul3A_584 : vector<16xf32>
        %get3A_586 = arith.index_cast %add3A_541 : i32 to index
        %get3A_587 = arith.constant 48 : index
        %get3A_588 = tpu.vector_load %arg16[%get3A_586, %get3A_587] {strides = array<i32>} : memref<128x128xf32, #tpu.memory_space<vmem>>, vector<1x16xf32>,
        %get3A_589 = vector.shape_cast %get3A_588 : vector<1x16xf32> to vector<16xf32>
        %add3A_590 = arith.addf %get3A_589, %get3A_279 : vector<16xf32>
        %mul3A_591 = arith.mulf %gather3A_548, %sub3A_114 : vector<16xf32>
        %add3A_592 = arith.addf %get3A_71, %mul3A_591 : vector<16xf32>
        %add3A_593 = arith.addf %add3A_590, %add3A_592 : vector<16xf32>
        %add3A_594 = arith.addf %add3A_583, %add3A_593 : vector<16xf32>
        %mul3A_595 = arith.mulf %add3A_593, %add3A_593 : vector<16xf32>
        %add3A_596 = arith.addf %add3A_585, %mul3A_595 : vector<16xf32>
        %get3A_597 = arith.index_cast %add3A_541 : i32 to index
        %get3A_598 = arith.constant 64 : index
        %get3A_599 = tpu.vector_load %arg16[%get3A_597, %get3A_598] {strides = array<i32>} : memref<128x128xf32, #tpu.memory_space<vmem>>, vector<1x16xf32>,
        %get3A_600 = vector.shape_cast %get3A_599 : vector<1x16xf32> to vector<16xf32>
        %add3A_601 = arith.addf %get3A_600, %get3A_287 : vector<16xf32>
        %mul3A_602 = arith.mulf %gather3A_548, %sub3A_120 : vector<16xf32>
        %add3A_603 = arith.addf %get3A_76, %mul3A_602 : vector<16xf32>
        %add3A_604 = arith.addf %add3A_601, %add3A_603 : vector<16xf32>
        %add3A_605 = arith.addf %add3A_594, %add3A_604 : vector<16xf32>
        %mul3A_606 = arith.mulf %add3A_604, %add3A_604 : vector<16xf32>
        %add3A_607 = arith.addf %add3A_596, %mul3A_606 : vector<16xf32>
        %get3A_608 = arith.index_cast %add3A_541 : i32 to index
        %get3A_609 = arith.constant 80 : index
        %get3A_610 = tpu.vector_load %arg16[%get3A_608, %get3A_609] {strides = array<i32>} : memref<128x128xf32, #tpu.memory_space<vmem>>, vector<1x16xf32>,
        %get3A_611 = vector.shape_cast %get3A_610 : vector<1x16xf32> to vector<16xf32>
        %add3A_612 = arith.addf %get3A_611, %get3A_295 : vector<16xf32>
        %mul3A_613 = arith.mulf %gather3A_548, %sub3A_126 : vector<16xf32>
        %add3A_614 = arith.addf %get3A_81, %mul3A_613 : vector<16xf32>
        %add3A_615 = arith.addf %add3A_612, %add3A_614 : vector<16xf32>
        %add3A_616 = arith.addf %add3A_605, %add3A_615 : vector<16xf32>
        %mul3A_617 = arith.mulf %add3A_615, %add3A_615 : vector<16xf32>
        %add3A_618 = arith.addf %add3A_607, %mul3A_617 : vector<16xf32>
        %get3A_619 = arith.index_cast %add3A_541 : i32 to index
        %get3A_620 = arith.constant 96 : index
        %get3A_621 = tpu.vector_load %arg16[%get3A_619, %get3A_620] {strides = array<i32>} : memref<128x128xf32, #tpu.memory_space<vmem>>, vector<1x16xf32>,
        %get3A_622 = vector.shape_cast %get3A_621 : vector<1x16xf32> to vector<16xf32>
        %add3A_623 = arith.addf %get3A_622, %get3A_303 : vector<16xf32>
        %mul3A_624 = arith.mulf %gather3A_548, %sub3A_132 : vector<16xf32>
        %add3A_625 = arith.addf %get3A_86, %mul3A_624 : vector<16xf32>
        %add3A_626 = arith.addf %add3A_623, %add3A_625 : vector<16xf32>
        %add3A_627 = arith.addf %add3A_616, %add3A_626 : vector<16xf32>
        %mul3A_628 = arith.mulf %add3A_626, %add3A_626 : vector<16xf32>
        %add3A_629 = arith.addf %add3A_618, %mul3A_628 : vector<16xf32>
        %get3A_630 = arith.index_cast %add3A_541 : i32 to index
        %get3A_631 = arith.constant 112 : index
        %get3A_632 = tpu.vector_load %arg16[%get3A_630, %get3A_631] {strides = array<i32>} : memref<128x128xf32, #tpu.memory_space<vmem>>, vector<1x16xf32>,
        %get3A_633 = vector.shape_cast %get3A_632 : vector<1x16xf32> to vector<16xf32>
        %add3A_634 = arith.addf %get3A_633, %get3A_311 : vector<16xf32>
        %mul3A_635 = arith.mulf %gather3A_548, %sub3A_138 : vector<16xf32>
        %add3A_636 = arith.addf %get3A_91, %mul3A_635 : vector<16xf32>
        %add3A_637 = arith.addf %add3A_634, %add3A_636 : vector<16xf32>
        %add3A_638 = arith.addf %add3A_627, %add3A_637 : vector<16xf32>
        %mul3A_639 = arith.mulf %add3A_637, %add3A_637 : vector<16xf32>
        %add3A_640 = arith.addf %add3A_629, %mul3A_639 : vector<16xf32>
        %iota3A = tpu.iota {dimensions = array<i32: 0>} : vector<16xi32>
        %xor3A = arith.constant 8 : i32
        %xor3A_641 = vector.broadcast %xor3A : i32 to vector<16xi32>
        %xor3A_642 = arith.xori %iota3A, %xor3A_641 : vector<16xi32>
        %lt3A_643 = arith.constant 0 : i32
        %lt3A_644 = vector.broadcast %lt3A_643 : i32 to vector<16xi32>
        %lt3A_645 = arith.cmpi slt, %xor3A_642, %lt3A_644 : vector<16xi32>
        %add3A_646 = arith.constant 16 : i32
        %add3A_647 = vector.broadcast %add3A_646 : i32 to vector<16xi32>
        %add3A_648 = arith.addi %xor3A_642, %add3A_647 : vector<16xi32>
        %select_n3A_649 = arith.select %lt3A_645, %add3A_648, %xor3A_642 : vector<16xi1>, vector<16xi32>
        %broadcast_in_dim3A_650 = vector.shape_cast %select_n3A_649 : vector<16xi32> to vector<16x1xi32>
        %gather3A_651 = vector.shape_cast %broadcast_in_dim3A_650 : vector<16x1xi32> to vector<16xi32>
        %gather3A_652 = tpu.dynamic_gather %add3A_638[%gather3A_651] in [0] : vector<16xf32>, vector<16xi32> -> vector<16xf32>
        %add3A_653 = arith.addf %add3A_638, %gather3A_652 : vector<16xf32>
        %xor3A_654 = arith.constant 4 : i32
        %xor3A_655 = vector.broadcast %xor3A_654 : i32 to vector<16xi32>
        %xor3A_656 = arith.xori %iota3A, %xor3A_655 : vector<16xi32>
        %lt3A_657 = arith.constant 0 : i32
        %lt3A_658 = vector.broadcast %lt3A_657 : i32 to vector<16xi32>
        %lt3A_659 = arith.cmpi slt, %xor3A_656, %lt3A_658 : vector<16xi32>
        %add3A_660 = arith.constant 16 : i32
        %add3A_661 = vector.broadcast %add3A_660 : i32 to vector<16xi32>
        %add3A_662 = arith.addi %xor3A_656, %add3A_661 : vector<16xi32>
        %select_n3A_663 = arith.select %lt3A_659, %add3A_662, %xor3A_656 : vector<16xi1>, vector<16xi32>
        %broadcast_in_dim3A_664 = vector.shape_cast %select_n3A_663 : vector<16xi32> to vector<16x1xi32>
        %gather3A_665 = vector.shape_cast %broadcast_in_dim3A_664 : vector<16x1xi32> to vector<16xi32>
        %gather3A_666 = tpu.dynamic_gather %add3A_653[%gather3A_665] in [0] : vector<16xf32>, vector<16xi32> -> vector<16xf32>
        %add3A_667 = arith.addf %add3A_653, %gather3A_666 : vector<16xf32>
        %xor3A_668 = arith.constant 2 : i32
        %xor3A_669 = vector.broadcast %xor3A_668 : i32 to vector<16xi32>
        %xor3A_670 = arith.xori %iota3A, %xor3A_669 : vector<16xi32>
        %lt3A_671 = arith.constant 0 : i32
        %lt3A_672 = vector.broadcast %lt3A_671 : i32 to vector<16xi32>
        %lt3A_673 = arith.cmpi slt, %xor3A_670, %lt3A_672 : vector<16xi32>
        %add3A_674 = arith.constant 16 : i32
        %add3A_675 = vector.broadcast %add3A_674 : i32 to vector<16xi32>
        %add3A_676 = arith.addi %xor3A_670, %add3A_675 : vector<16xi32>
        %select_n3A_677 = arith.select %lt3A_673, %add3A_676, %xor3A_670 : vector<16xi1>, vector<16xi32>
        %broadcast_in_dim3A_678 = vector.shape_cast %select_n3A_677 : vector<16xi32> to vector<16x1xi32>
        %gather3A_679 = vector.shape_cast %broadcast_in_dim3A_678 : vector<16x1xi32> to vector<16xi32>
        %gather3A_680 = tpu.dynamic_gather %add3A_667[%gather3A_679] in [0] : vector<16xf32>, vector<16xi32> -> vector<16xf32>
        %add3A_681 = arith.addf %add3A_667, %gather3A_680 : vector<16xf32>
        %xor3A_682 = arith.constant 1 : i32
        %xor3A_683 = vector.broadcast %xor3A_682 : i32 to vector<16xi32>
        %xor3A_684 = arith.xori %iota3A, %xor3A_683 : vector<16xi32>
        %lt3A_685 = arith.constant 0 : i32
        %lt3A_686 = vector.broadcast %lt3A_685 : i32 to vector<16xi32>
        %lt3A_687 = arith.cmpi slt, %xor3A_684, %lt3A_686 : vector<16xi32>
        %add3A_688 = arith.constant 16 : i32
        %add3A_689 = vector.broadcast %add3A_688 : i32 to vector<16xi32>
        %add3A_690 = arith.addi %xor3A_684, %add3A_689 : vector<16xi32>
        %select_n3A_691 = arith.select %lt3A_687, %add3A_690, %xor3A_684 : vector<16xi1>, vector<16xi32>
        %broadcast_in_dim3A_692 = vector.shape_cast %select_n3A_691 : vector<16xi32> to vector<16x1xi32>
        %gather3A_693 = vector.shape_cast %broadcast_in_dim3A_692 : vector<16x1xi32> to vector<16xi32>
        %gather3A_694 = tpu.dynamic_gather %add3A_681[%gather3A_693] in [0] : vector<16xf32>, vector<16xi32> -> vector<16xf32>
        %add3A_695 = arith.addf %add3A_681, %gather3A_694 : vector<16xf32>
        %iota3A_696 = tpu.iota {dimensions = array<i32: 0>} : vector<16xi32>
        %xor3A_697 = arith.constant 8 : i32
        %xor3A_698 = vector.broadcast %xor3A_697 : i32 to vector<16xi32>
        %xor3A_699 = arith.xori %iota3A_696, %xor3A_698 : vector<16xi32>
        %lt3A_700 = arith.constant 0 : i32
        %lt3A_701 = vector.broadcast %lt3A_700 : i32 to vector<16xi32>
        %lt3A_702 = arith.cmpi slt, %xor3A_699, %lt3A_701 : vector<16xi32>
        %add3A_703 = arith.constant 16 : i32
        %add3A_704 = vector.broadcast %add3A_703 : i32 to vector<16xi32>
        %add3A_705 = arith.addi %xor3A_699, %add3A_704 : vector<16xi32>
        %select_n3A_706 = arith.select %lt3A_702, %add3A_705, %xor3A_699 : vector<16xi1>, vector<16xi32>
        %broadcast_in_dim3A_707 = vector.shape_cast %select_n3A_706 : vector<16xi32> to vector<16x1xi32>
        %gather3A_708 = vector.shape_cast %broadcast_in_dim3A_707 : vector<16x1xi32> to vector<16xi32>
        %gather3A_709 = tpu.dynamic_gather %add3A_640[%gather3A_708] in [0] : vector<16xf32>, vector<16xi32> -> vector<16xf32>
        %add3A_710 = arith.addf %add3A_640, %gather3A_709 : vector<16xf32>
        %xor3A_711 = arith.constant 4 : i32
        %xor3A_712 = vector.broadcast %xor3A_711 : i32 to vector<16xi32>
        %xor3A_713 = arith.xori %iota3A_696, %xor3A_712 : vector<16xi32>
        %lt3A_714 = arith.constant 0 : i32
        %lt3A_715 = vector.broadcast %lt3A_714 : i32 to vector<16xi32>
        %lt3A_716 = arith.cmpi slt, %xor3A_713, %lt3A_715 : vector<16xi32>
        %add3A_717 = arith.constant 16 : i32
        %add3A_718 = vector.broadcast %add3A_717 : i32 to vector<16xi32>
        %add3A_719 = arith.addi %xor3A_713, %add3A_718 : vector<16xi32>
        %select_n3A_720 = arith.select %lt3A_716, %add3A_719, %xor3A_713 : vector<16xi1>, vector<16xi32>
        %broadcast_in_dim3A_721 = vector.shape_cast %select_n3A_720 : vector<16xi32> to vector<16x1xi32>
        %gather3A_722 = vector.shape_cast %broadcast_in_dim3A_721 : vector<16x1xi32> to vector<16xi32>
        %gather3A_723 = tpu.dynamic_gather %add3A_710[%gather3A_722] in [0] : vector<16xf32>, vector<16xi32> -> vector<16xf32>
        %add3A_724 = arith.addf %add3A_710, %gather3A_723 : vector<16xf32>
        %xor3A_725 = arith.constant 2 : i32
        %xor3A_726 = vector.broadcast %xor3A_725 : i32 to vector<16xi32>
        %xor3A_727 = arith.xori %iota3A_696, %xor3A_726 : vector<16xi32>
        %lt3A_728 = arith.constant 0 : i32
        %lt3A_729 = vector.broadcast %lt3A_728 : i32 to vector<16xi32>
        %lt3A_730 = arith.cmpi slt, %xor3A_727, %lt3A_729 : vector<16xi32>
        %add3A_731 = arith.constant 16 : i32
        %add3A_732 = vector.broadcast %add3A_731 : i32 to vector<16xi32>
        %add3A_733 = arith.addi %xor3A_727, %add3A_732 : vector<16xi32>
        %select_n3A_734 = arith.select %lt3A_730, %add3A_733, %xor3A_727 : vector<16xi1>, vector<16xi32>
        %broadcast_in_dim3A_735 = vector.shape_cast %select_n3A_734 : vector<16xi32> to vector<16x1xi32>
        %gather3A_736 = vector.shape_cast %broadcast_in_dim3A_735 : vector<16x1xi32> to vector<16xi32>
        %gather3A_737 = tpu.dynamic_gather %add3A_724[%gather3A_736] in [0] : vector<16xf32>, vector<16xi32> -> vector<16xf32>
        %add3A_738 = arith.addf %add3A_724, %gather3A_737 : vector<16xf32>
        %xor3A_739 = arith.constant 1 : i32
        %xor3A_740 = vector.broadcast %xor3A_739 : i32 to vector<16xi32>
        %xor3A_741 = arith.xori %iota3A_696, %xor3A_740 : vector<16xi32>
        %lt3A_742 = arith.constant 0 : i32
        %lt3A_743 = vector.broadcast %lt3A_742 : i32 to vector<16xi32>
        %lt3A_744 = arith.cmpi slt, %xor3A_741, %lt3A_743 : vector<16xi32>
        %add3A_745 = arith.constant 16 : i32
        %add3A_746 = vector.broadcast %add3A_745 : i32 to vector<16xi32>
        %add3A_747 = arith.addi %xor3A_741, %add3A_746 : vector<16xi32>
        %select_n3A_748 = arith.select %lt3A_744, %add3A_747, %xor3A_741 : vector<16xi1>, vector<16xi32>
        %broadcast_in_dim3A_749 = vector.shape_cast %select_n3A_748 : vector<16xi32> to vector<16x1xi32>
        %gather3A_750 = vector.shape_cast %broadcast_in_dim3A_749 : vector<16x1xi32> to vector<16xi32>
        %gather3A_751 = tpu.dynamic_gather %add3A_738[%gather3A_750] in [0] : vector<16xf32>, vector<16xi32> -> vector<16xf32>
        %add3A_752 = arith.addf %add3A_738, %gather3A_751 : vector<16xf32>
        %mul3A_753 = arith.constant 7.812500e-03 : f32
        %mul3A_754 = vector.broadcast %mul3A_753 : f32 to vector<16xf32>
        %mul3A_755 = arith.mulf %add3A_695, %mul3A_754 : vector<16xf32>
        %mul3A_756 = arith.constant 7.812500e-03 : f32
        %mul3A_757 = vector.broadcast %mul3A_756 : f32 to vector<16xf32>
        %mul3A_758 = arith.mulf %add3A_752, %mul3A_757 : vector<16xf32>
        %mul3A_759 = arith.mulf %mul3A_755, %mul3A_755 : vector<16xf32>
        %sub3A_760 = arith.subf %mul3A_758, %mul3A_759 : vector<16xf32>
        %add3A_761 = arith.constant 9.99999974E-6 : f32
        %add3A_762 = vector.broadcast %add3A_761 : f32 to vector<16xf32>
        %add3A_763 = arith.addf %sub3A_760, %add3A_762 : vector<16xf32>
        %bitcast_convert_type3A = tpu.bitcast %add3A_763 : vector<16xf32> -> vector<16xi32>
        %shift_right_arithmetic3A = arith.constant 1 : i32
        %shift_right_arithmetic3A_764 = vector.broadcast %shift_right_arithmetic3A : i32 to vector<16xi32>
        %shift_right_arithmetic3A_765 = arith.shrsi %bitcast_convert_type3A, %shift_right_arithmetic3A_764 : vector<16xi32>
        %sub3A_766 = arith.constant 1597463007 : i32
        %sub3A_767 = vector.broadcast %sub3A_766 : i32 to vector<16xi32>
        %sub3A_768 = arith.subi %sub3A_767, %shift_right_arithmetic3A_765 : vector<16xi32>
        %bitcast_convert_type3A_769 = tpu.bitcast %sub3A_768 : vector<16xi32> -> vector<16xf32>
        %mul3A_770 = arith.constant 5.000000e-01 : f32
        %mul3A_771 = vector.broadcast %mul3A_770 : f32 to vector<16xf32>
        %mul3A_772 = arith.mulf %mul3A_771, %add3A_763 : vector<16xf32>
        %mul3A_773 = arith.mulf %mul3A_772, %bitcast_convert_type3A_769 : vector<16xf32>
        %mul3A_774 = arith.mulf %mul3A_773, %bitcast_convert_type3A_769 : vector<16xf32>
        %sub3A_775 = arith.constant 1.500000e+00 : f32
        %sub3A_776 = vector.broadcast %sub3A_775 : f32 to vector<16xf32>
        %sub3A_777 = arith.subf %sub3A_776, %mul3A_774 : vector<16xf32>
        %mul3A_778 = arith.mulf %bitcast_convert_type3A_769, %sub3A_777 : vector<16xf32>
        %mul3A_779 = arith.constant 5.000000e-01 : f32
        %mul3A_780 = vector.broadcast %mul3A_779 : f32 to vector<16xf32>
        %mul3A_781 = arith.mulf %mul3A_780, %add3A_763 : vector<16xf32>
        %mul3A_782 = arith.mulf %mul3A_781, %mul3A_778 : vector<16xf32>
        %mul3A_783 = arith.mulf %mul3A_782, %mul3A_778 : vector<16xf32>
        %sub3A_784 = arith.constant 1.500000e+00 : f32
        %sub3A_785 = vector.broadcast %sub3A_784 : f32 to vector<16xf32>
        %sub3A_786 = arith.subf %sub3A_785, %mul3A_783 : vector<16xf32>
        %mul3A_787 = arith.mulf %mul3A_778, %sub3A_786 : vector<16xf32>
        %mul3A_788 = arith.constant 5.000000e-01 : f32
        %mul3A_789 = vector.broadcast %mul3A_788 : f32 to vector<16xf32>
        %mul3A_790 = arith.mulf %mul3A_789, %add3A_763 : vector<16xf32>
        %mul3A_791 = arith.mulf %mul3A_790, %mul3A_787 : vector<16xf32>
        %mul3A_792 = arith.mulf %mul3A_791, %mul3A_787 : vector<16xf32>
        %sub3A_793 = arith.constant 1.500000e+00 : f32
        %sub3A_794 = vector.broadcast %sub3A_793 : f32 to vector<16xf32>
        %sub3A_795 = arith.subf %sub3A_794, %mul3A_792 : vector<16xf32>
        %mul3A_796 = arith.mulf %mul3A_787, %sub3A_795 : vector<16xf32>
        %sub3A_797 = arith.subf %add3A_560, %mul3A_755 : vector<16xf32>
        %mul3A_798 = arith.mulf %sub3A_797, %mul3A_796 : vector<16xf32>
        %mul3A_799 = arith.mulf %mul3A_798, %get3A_6 : vector<16xf32>
        %add3A_800 = arith.addf %mul3A_799, %get3A_30 : vector<16xf32>
        %add3A_801 = arith.constant 0 : i32
        %add3A_802 = arith.addi %add3A_801, %scan3A_539 : i32
        %swap3A = arith.constant 1 : i32
        %swap3A_803 = arith.index_cast %add3A_802 : i32 to index
        %swap3A_804 = arith.index_cast %swap3A : i32 to index
        %swap3A_805 = arith.constant 0 : index
        %swap3A_806 = tpu.vector_load %arg17[%swap3A_803, %swap3A_804, %swap3A_805] {strides = array<i32>} : memref<32x4x128xf32, #tpu.memory_space<vmem>>, vector<1x1x16xf32>,
        %swap3A_807 = vector.shape_cast %swap3A_806 : vector<1x1x16xf32> to vector<16xf32>
        %swap3A_808 = vector.shape_cast %add3A_800 : vector<16xf32> to vector<1x1x16xf32>
        tpu.vector_store %arg17[%swap3A_803, %swap3A_804, %swap3A_805], %swap3A_808 {strides = array<i32>} : memref<32x4x128xf32, #tpu.memory_space<vmem>>, vector<1x1x16xf32>,
        %sub3A_809 = arith.subf %add3A_571, %mul3A_755 : vector<16xf32>
        %mul3A_810 = arith.mulf %sub3A_809, %mul3A_796 : vector<16xf32>
        %mul3A_811 = arith.mulf %mul3A_810, %get3A_9 : vector<16xf32>
        %add3A_812 = arith.addf %mul3A_811, %get3A_33 : vector<16xf32>
        %add3A_813 = arith.constant 0 : i32
        %add3A_814 = arith.addi %add3A_813, %scan3A_539 : i32
        %swap3A_815 = arith.constant 1 : i32
        %swap3A_816 = arith.index_cast %add3A_814 : i32 to index
        %swap3A_817 = arith.index_cast %swap3A_815 : i32 to index
        %swap3A_818 = arith.constant 16 : index
        %swap3A_819 = tpu.vector_load %arg17[%swap3A_816, %swap3A_817, %swap3A_818] {strides = array<i32>} : memref<32x4x128xf32, #tpu.memory_space<vmem>>, vector<1x1x16xf32>,
        %swap3A_820 = vector.shape_cast %swap3A_819 : vector<1x1x16xf32> to vector<16xf32>
        %swap3A_821 = vector.shape_cast %add3A_812 : vector<16xf32> to vector<1x1x16xf32>
        tpu.vector_store %arg17[%swap3A_816, %swap3A_817, %swap3A_818], %swap3A_821 {strides = array<i32>} : memref<32x4x128xf32, #tpu.memory_space<vmem>>, vector<1x1x16xf32>,
        %sub3A_822 = arith.subf %add3A_582, %mul3A_755 : vector<16xf32>
        %mul3A_823 = arith.mulf %sub3A_822, %mul3A_796 : vector<16xf32>
        %mul3A_824 = arith.mulf %mul3A_823, %get3A_12 : vector<16xf32>
        %add3A_825 = arith.addf %mul3A_824, %get3A_36 : vector<16xf32>
        %add3A_826 = arith.constant 0 : i32
        %add3A_827 = arith.addi %add3A_826, %scan3A_539 : i32
        %swap3A_828 = arith.constant 1 : i32
        %swap3A_829 = arith.index_cast %add3A_827 : i32 to index
        %swap3A_830 = arith.index_cast %swap3A_828 : i32 to index
        %swap3A_831 = arith.constant 32 : index
        %swap3A_832 = tpu.vector_load %arg17[%swap3A_829, %swap3A_830, %swap3A_831] {strides = array<i32>} : memref<32x4x128xf32, #tpu.memory_space<vmem>>, vector<1x1x16xf32>,
        %swap3A_833 = vector.shape_cast %swap3A_832 : vector<1x1x16xf32> to vector<16xf32>
        %swap3A_834 = vector.shape_cast %add3A_825 : vector<16xf32> to vector<1x1x16xf32>
        tpu.vector_store %arg17[%swap3A_829, %swap3A_830, %swap3A_831], %swap3A_834 {strides = array<i32>} : memref<32x4x128xf32, #tpu.memory_space<vmem>>, vector<1x1x16xf32>,
        %sub3A_835 = arith.subf %add3A_593, %mul3A_755 : vector<16xf32>
        %mul3A_836 = arith.mulf %sub3A_835, %mul3A_796 : vector<16xf32>
        %mul3A_837 = arith.mulf %mul3A_836, %get3A_15 : vector<16xf32>
        %add3A_838 = arith.addf %mul3A_837, %get3A_39 : vector<16xf32>
        %add3A_839 = arith.constant 0 : i32
        %add3A_840 = arith.addi %add3A_839, %scan3A_539 : i32
        %swap3A_841 = arith.constant 1 : i32
        %swap3A_842 = arith.index_cast %add3A_840 : i32 to index
        %swap3A_843 = arith.index_cast %swap3A_841 : i32 to index
        %swap3A_844 = arith.constant 48 : index
        %swap3A_845 = tpu.vector_load %arg17[%swap3A_842, %swap3A_843, %swap3A_844] {strides = array<i32>} : memref<32x4x128xf32, #tpu.memory_space<vmem>>, vector<1x1x16xf32>,
        %swap3A_846 = vector.shape_cast %swap3A_845 : vector<1x1x16xf32> to vector<16xf32>
        %swap3A_847 = vector.shape_cast %add3A_838 : vector<16xf32> to vector<1x1x16xf32>
        tpu.vector_store %arg17[%swap3A_842, %swap3A_843, %swap3A_844], %swap3A_847 {strides = array<i32>} : memref<32x4x128xf32, #tpu.memory_space<vmem>>, vector<1x1x16xf32>,
        %sub3A_848 = arith.subf %add3A_604, %mul3A_755 : vector<16xf32>
        %mul3A_849 = arith.mulf %sub3A_848, %mul3A_796 : vector<16xf32>
        %mul3A_850 = arith.mulf %mul3A_849, %get3A_18 : vector<16xf32>
        %add3A_851 = arith.addf %mul3A_850, %get3A_42 : vector<16xf32>
        %add3A_852 = arith.constant 0 : i32
        %add3A_853 = arith.addi %add3A_852, %scan3A_539 : i32
        %swap3A_854 = arith.constant 1 : i32
        %swap3A_855 = arith.index_cast %add3A_853 : i32 to index
        %swap3A_856 = arith.index_cast %swap3A_854 : i32 to index
        %swap3A_857 = arith.constant 64 : index
        %swap3A_858 = tpu.vector_load %arg17[%swap3A_855, %swap3A_856, %swap3A_857] {strides = array<i32>} : memref<32x4x128xf32, #tpu.memory_space<vmem>>, vector<1x1x16xf32>,
        %swap3A_859 = vector.shape_cast %swap3A_858 : vector<1x1x16xf32> to vector<16xf32>
        %swap3A_860 = vector.shape_cast %add3A_851 : vector<16xf32> to vector<1x1x16xf32>
        tpu.vector_store %arg17[%swap3A_855, %swap3A_856, %swap3A_857], %swap3A_860 {strides = array<i32>} : memref<32x4x128xf32, #tpu.memory_space<vmem>>, vector<1x1x16xf32>,
        %sub3A_861 = arith.subf %add3A_615, %mul3A_755 : vector<16xf32>
        %mul3A_862 = arith.mulf %sub3A_861, %mul3A_796 : vector<16xf32>
        %mul3A_863 = arith.mulf %mul3A_862, %get3A_21 : vector<16xf32>
        %add3A_864 = arith.addf %mul3A_863, %get3A_45 : vector<16xf32>
        %add3A_865 = arith.constant 0 : i32
        %add3A_866 = arith.addi %add3A_865, %scan3A_539 : i32
        %swap3A_867 = arith.constant 1 : i32
        %swap3A_868 = arith.index_cast %add3A_866 : i32 to index
        %swap3A_869 = arith.index_cast %swap3A_867 : i32 to index
        %swap3A_870 = arith.constant 80 : index
        %swap3A_871 = tpu.vector_load %arg17[%swap3A_868, %swap3A_869, %swap3A_870] {strides = array<i32>} : memref<32x4x128xf32, #tpu.memory_space<vmem>>, vector<1x1x16xf32>,
        %swap3A_872 = vector.shape_cast %swap3A_871 : vector<1x1x16xf32> to vector<16xf32>
        %swap3A_873 = vector.shape_cast %add3A_864 : vector<16xf32> to vector<1x1x16xf32>
        tpu.vector_store %arg17[%swap3A_868, %swap3A_869, %swap3A_870], %swap3A_873 {strides = array<i32>} : memref<32x4x128xf32, #tpu.memory_space<vmem>>, vector<1x1x16xf32>,
        %sub3A_874 = arith.subf %add3A_626, %mul3A_755 : vector<16xf32>
        %mul3A_875 = arith.mulf %sub3A_874, %mul3A_796 : vector<16xf32>
        %mul3A_876 = arith.mulf %mul3A_875, %get3A_24 : vector<16xf32>
        %add3A_877 = arith.addf %mul3A_876, %get3A_48 : vector<16xf32>
        %add3A_878 = arith.constant 0 : i32
        %add3A_879 = arith.addi %add3A_878, %scan3A_539 : i32
        %swap3A_880 = arith.constant 1 : i32
        %swap3A_881 = arith.index_cast %add3A_879 : i32 to index
        %swap3A_882 = arith.index_cast %swap3A_880 : i32 to index
        %swap3A_883 = arith.constant 96 : index
        %swap3A_884 = tpu.vector_load %arg17[%swap3A_881, %swap3A_882, %swap3A_883] {strides = array<i32>} : memref<32x4x128xf32, #tpu.memory_space<vmem>>, vector<1x1x16xf32>,
        %swap3A_885 = vector.shape_cast %swap3A_884 : vector<1x1x16xf32> to vector<16xf32>
        %swap3A_886 = vector.shape_cast %add3A_877 : vector<16xf32> to vector<1x1x16xf32>
        tpu.vector_store %arg17[%swap3A_881, %swap3A_882, %swap3A_883], %swap3A_886 {strides = array<i32>} : memref<32x4x128xf32, #tpu.memory_space<vmem>>, vector<1x1x16xf32>,
        %sub3A_887 = arith.subf %add3A_637, %mul3A_755 : vector<16xf32>
        %mul3A_888 = arith.mulf %sub3A_887, %mul3A_796 : vector<16xf32>
        %mul3A_889 = arith.mulf %mul3A_888, %get3A_27 : vector<16xf32>
        %add3A_890 = arith.addf %mul3A_889, %get3A_51 : vector<16xf32>
        %add3A_891 = arith.constant 0 : i32
        %add3A_892 = arith.addi %add3A_891, %scan3A_539 : i32
        %swap3A_893 = arith.constant 1 : i32
        %swap3A_894 = arith.index_cast %add3A_892 : i32 to index
        %swap3A_895 = arith.index_cast %swap3A_893 : i32 to index
        %swap3A_896 = arith.constant 112 : index
        %swap3A_897 = tpu.vector_load %arg17[%swap3A_894, %swap3A_895, %swap3A_896] {strides = array<i32>} : memref<32x4x128xf32, #tpu.memory_space<vmem>>, vector<1x1x16xf32>,
        %swap3A_898 = vector.shape_cast %swap3A_897 : vector<1x1x16xf32> to vector<16xf32>
        %swap3A_899 = vector.shape_cast %add3A_890 : vector<16xf32> to vector<1x1x16xf32>
        tpu.vector_store %arg17[%swap3A_894, %swap3A_895, %swap3A_896], %swap3A_899 {strides = array<i32>} : memref<32x4x128xf32, #tpu.memory_space<vmem>>, vector<1x1x16xf32>,
      }
      %scan3A_327 = arith.constant 16 : i32
      %mul3A_328 = arith.constant 128 : i32
      %mul3A_329 = arith.muli %scan3A_144, %mul3A_328 : i32
      %add3A_330 = arith.constant 32 : i32
      %add3A_331 = arith.addi %mul3A_329, %add3A_330 : i32
      %add3A_332 = arith.constant 16 : i32
      %add3A_333 = arith.addi %add3A_331, %add3A_332 : i32
      %get3A_334 = arith.index_cast %add3A_333 : i32 to index
      %get3A_335 = tpu.vector_load %arg11[%get3A_334] {strides = array<i32>} : memref<2048xi32, #tpu.memory_space<vmem>>, vector<16xi32>,
      %get3A_336 = vector.shape_cast %get3A_335 : vector<16xi32> to vector<16xi32>
      %convert_element_type3A_337 = arith.sitofp %get3A_336 : vector<16xi32> to vector<16xf32>
      %scan3A_338 = arith.constant 0 : i32
      %scan3A_339 = arith.constant 0 : i32
      %scan3A_340 = arith.constant 16 : i32
      %scan3A_341 = arith.addi %scan3A_339, %scan3A_340 : i32
      %scan3A_342 = arith.constant 1 : i32
      scf.for %scan3A_539 = %scan3A_339 to %scan3A_341 step %scan3A_342  : i32 {
        %add3A_540 = arith.constant 48 : i32
        %add3A_541 = arith.addi %add3A_540, %scan3A_539 : i32
        %broadcast_in_dim3A = vector.broadcast %scan3A_539 : i32 to vector<16xi32>
        %lt3A = arith.constant 0 : i32
        %lt3A_542 = vector.broadcast %lt3A : i32 to vector<16xi32>
        %lt3A_543 = arith.cmpi slt, %broadcast_in_dim3A, %lt3A_542 : vector<16xi32>
        %add3A_544 = arith.constant 16 : i32
        %add3A_545 = vector.broadcast %add3A_544 : i32 to vector<16xi32>
        %add3A_546 = arith.addi %broadcast_in_dim3A, %add3A_545 : vector<16xi32>
        %select_n3A = arith.select %lt3A_543, %add3A_546, %broadcast_in_dim3A : vector<16xi1>, vector<16xi32>
        %broadcast_in_dim3A_547 = vector.shape_cast %select_n3A : vector<16xi32> to vector<16x1xi32>
        %gather3A = vector.shape_cast %broadcast_in_dim3A_547 : vector<16x1xi32> to vector<16xi32>
        %gather3A_548 = tpu.dynamic_gather %convert_element_type3A_337[%gather3A] in [0] : vector<16xf32>, vector<16xi32> -> vector<16xf32>
        %broadcast_in_dim3A_549 = arith.constant 0.000000e+00 : f32
        %broadcast_in_dim3A_550 = vector.broadcast %broadcast_in_dim3A_549 : f32 to vector<16xf32>
        %broadcast_in_dim3A_551 = arith.constant 0.000000e+00 : f32
        %broadcast_in_dim3A_552 = vector.broadcast %broadcast_in_dim3A_551 : f32 to vector<16xf32>
        %get3A_553 = arith.index_cast %add3A_541 : i32 to index
        %get3A_554 = arith.constant 0 : index
        %get3A_555 = tpu.vector_load %arg16[%get3A_553, %get3A_554] {strides = array<i32>} : memref<128x128xf32, #tpu.memory_space<vmem>>, vector<1x16xf32>,
        %get3A_556 = vector.shape_cast %get3A_555 : vector<1x16xf32> to vector<16xf32>
        %add3A_557 = arith.addf %get3A_556, %get3A_255 : vector<16xf32>
        %mul3A_558 = arith.mulf %gather3A_548, %sub3A : vector<16xf32>
        %add3A_559 = arith.addf %get3A_56, %mul3A_558 : vector<16xf32>
        %add3A_560 = arith.addf %add3A_557, %add3A_559 : vector<16xf32>
        %add3A_561 = arith.addf %broadcast_in_dim3A_550, %add3A_560 : vector<16xf32>
        %mul3A_562 = arith.mulf %add3A_560, %add3A_560 : vector<16xf32>
        %add3A_563 = arith.addf %broadcast_in_dim3A_552, %mul3A_562 : vector<16xf32>
        %get3A_564 = arith.index_cast %add3A_541 : i32 to index
        %get3A_565 = arith.constant 16 : index
        %get3A_566 = tpu.vector_load %arg16[%get3A_564, %get3A_565] {strides = array<i32>} : memref<128x128xf32, #tpu.memory_space<vmem>>, vector<1x16xf32>,
        %get3A_567 = vector.shape_cast %get3A_566 : vector<1x16xf32> to vector<16xf32>
        %add3A_568 = arith.addf %get3A_567, %get3A_263 : vector<16xf32>
        %mul3A_569 = arith.mulf %gather3A_548, %sub3A_102 : vector<16xf32>
        %add3A_570 = arith.addf %get3A_61, %mul3A_569 : vector<16xf32>
        %add3A_571 = arith.addf %add3A_568, %add3A_570 : vector<16xf32>
        %add3A_572 = arith.addf %add3A_561, %add3A_571 : vector<16xf32>
        %mul3A_573 = arith.mulf %add3A_571, %add3A_571 : vector<16xf32>
        %add3A_574 = arith.addf %add3A_563, %mul3A_573 : vector<16xf32>
        %get3A_575 = arith.index_cast %add3A_541 : i32 to index
        %get3A_576 = arith.constant 32 : index
        %get3A_577 = tpu.vector_load %arg16[%get3A_575, %get3A_576] {strides = array<i32>} : memref<128x128xf32, #tpu.memory_space<vmem>>, vector<1x16xf32>,
        %get3A_578 = vector.shape_cast %get3A_577 : vector<1x16xf32> to vector<16xf32>
        %add3A_579 = arith.addf %get3A_578, %get3A_271 : vector<16xf32>
        %mul3A_580 = arith.mulf %gather3A_548, %sub3A_108 : vector<16xf32>
        %add3A_581 = arith.addf %get3A_66, %mul3A_580 : vector<16xf32>
        %add3A_582 = arith.addf %add3A_579, %add3A_581 : vector<16xf32>
        %add3A_583 = arith.addf %add3A_572, %add3A_582 : vector<16xf32>
        %mul3A_584 = arith.mulf %add3A_582, %add3A_582 : vector<16xf32>
        %add3A_585 = arith.addf %add3A_574, %mul3A_584 : vector<16xf32>
        %get3A_586 = arith.index_cast %add3A_541 : i32 to index
        %get3A_587 = arith.constant 48 : index
        %get3A_588 = tpu.vector_load %arg16[%get3A_586, %get3A_587] {strides = array<i32>} : memref<128x128xf32, #tpu.memory_space<vmem>>, vector<1x16xf32>,
        %get3A_589 = vector.shape_cast %get3A_588 : vector<1x16xf32> to vector<16xf32>
        %add3A_590 = arith.addf %get3A_589, %get3A_279 : vector<16xf32>
        %mul3A_591 = arith.mulf %gather3A_548, %sub3A_114 : vector<16xf32>
        %add3A_592 = arith.addf %get3A_71, %mul3A_591 : vector<16xf32>
        %add3A_593 = arith.addf %add3A_590, %add3A_592 : vector<16xf32>
        %add3A_594 = arith.addf %add3A_583, %add3A_593 : vector<16xf32>
        %mul3A_595 = arith.mulf %add3A_593, %add3A_593 : vector<16xf32>
        %add3A_596 = arith.addf %add3A_585, %mul3A_595 : vector<16xf32>
        %get3A_597 = arith.index_cast %add3A_541 : i32 to index
        %get3A_598 = arith.constant 64 : index
        %get3A_599 = tpu.vector_load %arg16[%get3A_597, %get3A_598] {strides = array<i32>} : memref<128x128xf32, #tpu.memory_space<vmem>>, vector<1x16xf32>,
        %get3A_600 = vector.shape_cast %get3A_599 : vector<1x16xf32> to vector<16xf32>
        %add3A_601 = arith.addf %get3A_600, %get3A_287 : vector<16xf32>
        %mul3A_602 = arith.mulf %gather3A_548, %sub3A_120 : vector<16xf32>
        %add3A_603 = arith.addf %get3A_76, %mul3A_602 : vector<16xf32>
        %add3A_604 = arith.addf %add3A_601, %add3A_603 : vector<16xf32>
        %add3A_605 = arith.addf %add3A_594, %add3A_604 : vector<16xf32>
        %mul3A_606 = arith.mulf %add3A_604, %add3A_604 : vector<16xf32>
        %add3A_607 = arith.addf %add3A_596, %mul3A_606 : vector<16xf32>
        %get3A_608 = arith.index_cast %add3A_541 : i32 to index
        %get3A_609 = arith.constant 80 : index
        %get3A_610 = tpu.vector_load %arg16[%get3A_608, %get3A_609] {strides = array<i32>} : memref<128x128xf32, #tpu.memory_space<vmem>>, vector<1x16xf32>,
        %get3A_611 = vector.shape_cast %get3A_610 : vector<1x16xf32> to vector<16xf32>
        %add3A_612 = arith.addf %get3A_611, %get3A_295 : vector<16xf32>
        %mul3A_613 = arith.mulf %gather3A_548, %sub3A_126 : vector<16xf32>
        %add3A_614 = arith.addf %get3A_81, %mul3A_613 : vector<16xf32>
        %add3A_615 = arith.addf %add3A_612, %add3A_614 : vector<16xf32>
        %add3A_616 = arith.addf %add3A_605, %add3A_615 : vector<16xf32>
        %mul3A_617 = arith.mulf %add3A_615, %add3A_615 : vector<16xf32>
        %add3A_618 = arith.addf %add3A_607, %mul3A_617 : vector<16xf32>
        %get3A_619 = arith.index_cast %add3A_541 : i32 to index
        %get3A_620 = arith.constant 96 : index
        %get3A_621 = tpu.vector_load %arg16[%get3A_619, %get3A_620] {strides = array<i32>} : memref<128x128xf32, #tpu.memory_space<vmem>>, vector<1x16xf32>,
        %get3A_622 = vector.shape_cast %get3A_621 : vector<1x16xf32> to vector<16xf32>
        %add3A_623 = arith.addf %get3A_622, %get3A_303 : vector<16xf32>
        %mul3A_624 = arith.mulf %gather3A_548, %sub3A_132 : vector<16xf32>
        %add3A_625 = arith.addf %get3A_86, %mul3A_624 : vector<16xf32>
        %add3A_626 = arith.addf %add3A_623, %add3A_625 : vector<16xf32>
        %add3A_627 = arith.addf %add3A_616, %add3A_626 : vector<16xf32>
        %mul3A_628 = arith.mulf %add3A_626, %add3A_626 : vector<16xf32>
        %add3A_629 = arith.addf %add3A_618, %mul3A_628 : vector<16xf32>
        %get3A_630 = arith.index_cast %add3A_541 : i32 to index
        %get3A_631 = arith.constant 112 : index
        %get3A_632 = tpu.vector_load %arg16[%get3A_630, %get3A_631] {strides = array<i32>} : memref<128x128xf32, #tpu.memory_space<vmem>>, vector<1x16xf32>,
        %get3A_633 = vector.shape_cast %get3A_632 : vector<1x16xf32> to vector<16xf32>
        %add3A_634 = arith.addf %get3A_633, %get3A_311 : vector<16xf32>
        %mul3A_635 = arith.mulf %gather3A_548, %sub3A_138 : vector<16xf32>
        %add3A_636 = arith.addf %get3A_91, %mul3A_635 : vector<16xf32>
        %add3A_637 = arith.addf %add3A_634, %add3A_636 : vector<16xf32>
        %add3A_638 = arith.addf %add3A_627, %add3A_637 : vector<16xf32>
        %mul3A_639 = arith.mulf %add3A_637, %add3A_637 : vector<16xf32>
        %add3A_640 = arith.addf %add3A_629, %mul3A_639 : vector<16xf32>
        %iota3A = tpu.iota {dimensions = array<i32: 0>} : vector<16xi32>
        %xor3A = arith.constant 8 : i32
        %xor3A_641 = vector.broadcast %xor3A : i32 to vector<16xi32>
        %xor3A_642 = arith.xori %iota3A, %xor3A_641 : vector<16xi32>
        %lt3A_643 = arith.constant 0 : i32
        %lt3A_644 = vector.broadcast %lt3A_643 : i32 to vector<16xi32>
        %lt3A_645 = arith.cmpi slt, %xor3A_642, %lt3A_644 : vector<16xi32>
        %add3A_646 = arith.constant 16 : i32
        %add3A_647 = vector.broadcast %add3A_646 : i32 to vector<16xi32>
        %add3A_648 = arith.addi %xor3A_642, %add3A_647 : vector<16xi32>
        %select_n3A_649 = arith.select %lt3A_645, %add3A_648, %xor3A_642 : vector<16xi1>, vector<16xi32>
        %broadcast_in_dim3A_650 = vector.shape_cast %select_n3A_649 : vector<16xi32> to vector<16x1xi32>
        %gather3A_651 = vector.shape_cast %broadcast_in_dim3A_650 : vector<16x1xi32> to vector<16xi32>
        %gather3A_652 = tpu.dynamic_gather %add3A_638[%gather3A_651] in [0] : vector<16xf32>, vector<16xi32> -> vector<16xf32>
        %add3A_653 = arith.addf %add3A_638, %gather3A_652 : vector<16xf32>
        %xor3A_654 = arith.constant 4 : i32
        %xor3A_655 = vector.broadcast %xor3A_654 : i32 to vector<16xi32>
        %xor3A_656 = arith.xori %iota3A, %xor3A_655 : vector<16xi32>
        %lt3A_657 = arith.constant 0 : i32
        %lt3A_658 = vector.broadcast %lt3A_657 : i32 to vector<16xi32>
        %lt3A_659 = arith.cmpi slt, %xor3A_656, %lt3A_658 : vector<16xi32>
        %add3A_660 = arith.constant 16 : i32
        %add3A_661 = vector.broadcast %add3A_660 : i32 to vector<16xi32>
        %add3A_662 = arith.addi %xor3A_656, %add3A_661 : vector<16xi32>
        %select_n3A_663 = arith.select %lt3A_659, %add3A_662, %xor3A_656 : vector<16xi1>, vector<16xi32>
        %broadcast_in_dim3A_664 = vector.shape_cast %select_n3A_663 : vector<16xi32> to vector<16x1xi32>
        %gather3A_665 = vector.shape_cast %broadcast_in_dim3A_664 : vector<16x1xi32> to vector<16xi32>
        %gather3A_666 = tpu.dynamic_gather %add3A_653[%gather3A_665] in [0] : vector<16xf32>, vector<16xi32> -> vector<16xf32>
        %add3A_667 = arith.addf %add3A_653, %gather3A_666 : vector<16xf32>
        %xor3A_668 = arith.constant 2 : i32
        %xor3A_669 = vector.broadcast %xor3A_668 : i32 to vector<16xi32>
        %xor3A_670 = arith.xori %iota3A, %xor3A_669 : vector<16xi32>
        %lt3A_671 = arith.constant 0 : i32
        %lt3A_672 = vector.broadcast %lt3A_671 : i32 to vector<16xi32>
        %lt3A_673 = arith.cmpi slt, %xor3A_670, %lt3A_672 : vector<16xi32>
        %add3A_674 = arith.constant 16 : i32
        %add3A_675 = vector.broadcast %add3A_674 : i32 to vector<16xi32>
        %add3A_676 = arith.addi %xor3A_670, %add3A_675 : vector<16xi32>
        %select_n3A_677 = arith.select %lt3A_673, %add3A_676, %xor3A_670 : vector<16xi1>, vector<16xi32>
        %broadcast_in_dim3A_678 = vector.shape_cast %select_n3A_677 : vector<16xi32> to vector<16x1xi32>
        %gather3A_679 = vector.shape_cast %broadcast_in_dim3A_678 : vector<16x1xi32> to vector<16xi32>
        %gather3A_680 = tpu.dynamic_gather %add3A_667[%gather3A_679] in [0] : vector<16xf32>, vector<16xi32> -> vector<16xf32>
        %add3A_681 = arith.addf %add3A_667, %gather3A_680 : vector<16xf32>
        %xor3A_682 = arith.constant 1 : i32
        %xor3A_683 = vector.broadcast %xor3A_682 : i32 to vector<16xi32>
        %xor3A_684 = arith.xori %iota3A, %xor3A_683 : vector<16xi32>
        %lt3A_685 = arith.constant 0 : i32
        %lt3A_686 = vector.broadcast %lt3A_685 : i32 to vector<16xi32>
        %lt3A_687 = arith.cmpi slt, %xor3A_684, %lt3A_686 : vector<16xi32>
        %add3A_688 = arith.constant 16 : i32
        %add3A_689 = vector.broadcast %add3A_688 : i32 to vector<16xi32>
        %add3A_690 = arith.addi %xor3A_684, %add3A_689 : vector<16xi32>
        %select_n3A_691 = arith.select %lt3A_687, %add3A_690, %xor3A_684 : vector<16xi1>, vector<16xi32>
        %broadcast_in_dim3A_692 = vector.shape_cast %select_n3A_691 : vector<16xi32> to vector<16x1xi32>
        %gather3A_693 = vector.shape_cast %broadcast_in_dim3A_692 : vector<16x1xi32> to vector<16xi32>
        %gather3A_694 = tpu.dynamic_gather %add3A_681[%gather3A_693] in [0] : vector<16xf32>, vector<16xi32> -> vector<16xf32>
        %add3A_695 = arith.addf %add3A_681, %gather3A_694 : vector<16xf32>
        %iota3A_696 = tpu.iota {dimensions = array<i32: 0>} : vector<16xi32>
        %xor3A_697 = arith.constant 8 : i32
        %xor3A_698 = vector.broadcast %xor3A_697 : i32 to vector<16xi32>
        %xor3A_699 = arith.xori %iota3A_696, %xor3A_698 : vector<16xi32>
        %lt3A_700 = arith.constant 0 : i32
        %lt3A_701 = vector.broadcast %lt3A_700 : i32 to vector<16xi32>
        %lt3A_702 = arith.cmpi slt, %xor3A_699, %lt3A_701 : vector<16xi32>
        %add3A_703 = arith.constant 16 : i32
        %add3A_704 = vector.broadcast %add3A_703 : i32 to vector<16xi32>
        %add3A_705 = arith.addi %xor3A_699, %add3A_704 : vector<16xi32>
        %select_n3A_706 = arith.select %lt3A_702, %add3A_705, %xor3A_699 : vector<16xi1>, vector<16xi32>
        %broadcast_in_dim3A_707 = vector.shape_cast %select_n3A_706 : vector<16xi32> to vector<16x1xi32>
        %gather3A_708 = vector.shape_cast %broadcast_in_dim3A_707 : vector<16x1xi32> to vector<16xi32>
        %gather3A_709 = tpu.dynamic_gather %add3A_640[%gather3A_708] in [0] : vector<16xf32>, vector<16xi32> -> vector<16xf32>
        %add3A_710 = arith.addf %add3A_640, %gather3A_709 : vector<16xf32>
        %xor3A_711 = arith.constant 4 : i32
        %xor3A_712 = vector.broadcast %xor3A_711 : i32 to vector<16xi32>
        %xor3A_713 = arith.xori %iota3A_696, %xor3A_712 : vector<16xi32>
        %lt3A_714 = arith.constant 0 : i32
        %lt3A_715 = vector.broadcast %lt3A_714 : i32 to vector<16xi32>
        %lt3A_716 = arith.cmpi slt, %xor3A_713, %lt3A_715 : vector<16xi32>
        %add3A_717 = arith.constant 16 : i32
        %add3A_718 = vector.broadcast %add3A_717 : i32 to vector<16xi32>
        %add3A_719 = arith.addi %xor3A_713, %add3A_718 : vector<16xi32>
        %select_n3A_720 = arith.select %lt3A_716, %add3A_719, %xor3A_713 : vector<16xi1>, vector<16xi32>
        %broadcast_in_dim3A_721 = vector.shape_cast %select_n3A_720 : vector<16xi32> to vector<16x1xi32>
        %gather3A_722 = vector.shape_cast %broadcast_in_dim3A_721 : vector<16x1xi32> to vector<16xi32>
        %gather3A_723 = tpu.dynamic_gather %add3A_710[%gather3A_722] in [0] : vector<16xf32>, vector<16xi32> -> vector<16xf32>
        %add3A_724 = arith.addf %add3A_710, %gather3A_723 : vector<16xf32>
        %xor3A_725 = arith.constant 2 : i32
        %xor3A_726 = vector.broadcast %xor3A_725 : i32 to vector<16xi32>
        %xor3A_727 = arith.xori %iota3A_696, %xor3A_726 : vector<16xi32>
        %lt3A_728 = arith.constant 0 : i32
        %lt3A_729 = vector.broadcast %lt3A_728 : i32 to vector<16xi32>
        %lt3A_730 = arith.cmpi slt, %xor3A_727, %lt3A_729 : vector<16xi32>
        %add3A_731 = arith.constant 16 : i32
        %add3A_732 = vector.broadcast %add3A_731 : i32 to vector<16xi32>
        %add3A_733 = arith.addi %xor3A_727, %add3A_732 : vector<16xi32>
        %select_n3A_734 = arith.select %lt3A_730, %add3A_733, %xor3A_727 : vector<16xi1>, vector<16xi32>
        %broadcast_in_dim3A_735 = vector.shape_cast %select_n3A_734 : vector<16xi32> to vector<16x1xi32>
        %gather3A_736 = vector.shape_cast %broadcast_in_dim3A_735 : vector<16x1xi32> to vector<16xi32>
        %gather3A_737 = tpu.dynamic_gather %add3A_724[%gather3A_736] in [0] : vector<16xf32>, vector<16xi32> -> vector<16xf32>
        %add3A_738 = arith.addf %add3A_724, %gather3A_737 : vector<16xf32>
        %xor3A_739 = arith.constant 1 : i32
        %xor3A_740 = vector.broadcast %xor3A_739 : i32 to vector<16xi32>
        %xor3A_741 = arith.xori %iota3A_696, %xor3A_740 : vector<16xi32>
        %lt3A_742 = arith.constant 0 : i32
        %lt3A_743 = vector.broadcast %lt3A_742 : i32 to vector<16xi32>
        %lt3A_744 = arith.cmpi slt, %xor3A_741, %lt3A_743 : vector<16xi32>
        %add3A_745 = arith.constant 16 : i32
        %add3A_746 = vector.broadcast %add3A_745 : i32 to vector<16xi32>
        %add3A_747 = arith.addi %xor3A_741, %add3A_746 : vector<16xi32>
        %select_n3A_748 = arith.select %lt3A_744, %add3A_747, %xor3A_741 : vector<16xi1>, vector<16xi32>
        %broadcast_in_dim3A_749 = vector.shape_cast %select_n3A_748 : vector<16xi32> to vector<16x1xi32>
        %gather3A_750 = vector.shape_cast %broadcast_in_dim3A_749 : vector<16x1xi32> to vector<16xi32>
        %gather3A_751 = tpu.dynamic_gather %add3A_738[%gather3A_750] in [0] : vector<16xf32>, vector<16xi32> -> vector<16xf32>
        %add3A_752 = arith.addf %add3A_738, %gather3A_751 : vector<16xf32>
        %mul3A_753 = arith.constant 7.812500e-03 : f32
        %mul3A_754 = vector.broadcast %mul3A_753 : f32 to vector<16xf32>
        %mul3A_755 = arith.mulf %add3A_695, %mul3A_754 : vector<16xf32>
        %mul3A_756 = arith.constant 7.812500e-03 : f32
        %mul3A_757 = vector.broadcast %mul3A_756 : f32 to vector<16xf32>
        %mul3A_758 = arith.mulf %add3A_752, %mul3A_757 : vector<16xf32>
        %mul3A_759 = arith.mulf %mul3A_755, %mul3A_755 : vector<16xf32>
        %sub3A_760 = arith.subf %mul3A_758, %mul3A_759 : vector<16xf32>
        %add3A_761 = arith.constant 9.99999974E-6 : f32
        %add3A_762 = vector.broadcast %add3A_761 : f32 to vector<16xf32>
        %add3A_763 = arith.addf %sub3A_760, %add3A_762 : vector<16xf32>
        %bitcast_convert_type3A = tpu.bitcast %add3A_763 : vector<16xf32> -> vector<16xi32>
        %shift_right_arithmetic3A = arith.constant 1 : i32
        %shift_right_arithmetic3A_764 = vector.broadcast %shift_right_arithmetic3A : i32 to vector<16xi32>
        %shift_right_arithmetic3A_765 = arith.shrsi %bitcast_convert_type3A, %shift_right_arithmetic3A_764 : vector<16xi32>
        %sub3A_766 = arith.constant 1597463007 : i32
        %sub3A_767 = vector.broadcast %sub3A_766 : i32 to vector<16xi32>
        %sub3A_768 = arith.subi %sub3A_767, %shift_right_arithmetic3A_765 : vector<16xi32>
        %bitcast_convert_type3A_769 = tpu.bitcast %sub3A_768 : vector<16xi32> -> vector<16xf32>
        %mul3A_770 = arith.constant 5.000000e-01 : f32
        %mul3A_771 = vector.broadcast %mul3A_770 : f32 to vector<16xf32>
        %mul3A_772 = arith.mulf %mul3A_771, %add3A_763 : vector<16xf32>
        %mul3A_773 = arith.mulf %mul3A_772, %bitcast_convert_type3A_769 : vector<16xf32>
        %mul3A_774 = arith.mulf %mul3A_773, %bitcast_convert_type3A_769 : vector<16xf32>
        %sub3A_775 = arith.constant 1.500000e+00 : f32
        %sub3A_776 = vector.broadcast %sub3A_775 : f32 to vector<16xf32>
        %sub3A_777 = arith.subf %sub3A_776, %mul3A_774 : vector<16xf32>
        %mul3A_778 = arith.mulf %bitcast_convert_type3A_769, %sub3A_777 : vector<16xf32>
        %mul3A_779 = arith.constant 5.000000e-01 : f32
        %mul3A_780 = vector.broadcast %mul3A_779 : f32 to vector<16xf32>
        %mul3A_781 = arith.mulf %mul3A_780, %add3A_763 : vector<16xf32>
        %mul3A_782 = arith.mulf %mul3A_781, %mul3A_778 : vector<16xf32>
        %mul3A_783 = arith.mulf %mul3A_782, %mul3A_778 : vector<16xf32>
        %sub3A_784 = arith.constant 1.500000e+00 : f32
        %sub3A_785 = vector.broadcast %sub3A_784 : f32 to vector<16xf32>
        %sub3A_786 = arith.subf %sub3A_785, %mul3A_783 : vector<16xf32>
        %mul3A_787 = arith.mulf %mul3A_778, %sub3A_786 : vector<16xf32>
        %mul3A_788 = arith.constant 5.000000e-01 : f32
        %mul3A_789 = vector.broadcast %mul3A_788 : f32 to vector<16xf32>
        %mul3A_790 = arith.mulf %mul3A_789, %add3A_763 : vector<16xf32>
        %mul3A_791 = arith.mulf %mul3A_790, %mul3A_787 : vector<16xf32>
        %mul3A_792 = arith.mulf %mul3A_791, %mul3A_787 : vector<16xf32>
        %sub3A_793 = arith.constant 1.500000e+00 : f32
        %sub3A_794 = vector.broadcast %sub3A_793 : f32 to vector<16xf32>
        %sub3A_795 = arith.subf %sub3A_794, %mul3A_792 : vector<16xf32>
        %mul3A_796 = arith.mulf %mul3A_787, %sub3A_795 : vector<16xf32>
        %sub3A_797 = arith.subf %add3A_560, %mul3A_755 : vector<16xf32>
        %mul3A_798 = arith.mulf %sub3A_797, %mul3A_796 : vector<16xf32>
        %mul3A_799 = arith.mulf %mul3A_798, %get3A_6 : vector<16xf32>
        %add3A_800 = arith.addf %mul3A_799, %get3A_30 : vector<16xf32>
        %add3A_801 = arith.constant 16 : i32
        %add3A_802 = arith.addi %add3A_801, %scan3A_539 : i32
        %swap3A = arith.constant 1 : i32
        %swap3A_803 = arith.index_cast %add3A_802 : i32 to index
        %swap3A_804 = arith.index_cast %swap3A : i32 to index
        %swap3A_805 = arith.constant 0 : index
        %swap3A_806 = tpu.vector_load %arg17[%swap3A_803, %swap3A_804, %swap3A_805] {strides = array<i32>} : memref<32x4x128xf32, #tpu.memory_space<vmem>>, vector<1x1x16xf32>,
        %swap3A_807 = vector.shape_cast %swap3A_806 : vector<1x1x16xf32> to vector<16xf32>
        %swap3A_808 = vector.shape_cast %add3A_800 : vector<16xf32> to vector<1x1x16xf32>
        tpu.vector_store %arg17[%swap3A_803, %swap3A_804, %swap3A_805], %swap3A_808 {strides = array<i32>} : memref<32x4x128xf32, #tpu.memory_space<vmem>>, vector<1x1x16xf32>,
        %sub3A_809 = arith.subf %add3A_571, %mul3A_755 : vector<16xf32>
        %mul3A_810 = arith.mulf %sub3A_809, %mul3A_796 : vector<16xf32>
        %mul3A_811 = arith.mulf %mul3A_810, %get3A_9 : vector<16xf32>
        %add3A_812 = arith.addf %mul3A_811, %get3A_33 : vector<16xf32>
        %add3A_813 = arith.constant 16 : i32
        %add3A_814 = arith.addi %add3A_813, %scan3A_539 : i32
        %swap3A_815 = arith.constant 1 : i32
        %swap3A_816 = arith.index_cast %add3A_814 : i32 to index
        %swap3A_817 = arith.index_cast %swap3A_815 : i32 to index
        %swap3A_818 = arith.constant 16 : index
        %swap3A_819 = tpu.vector_load %arg17[%swap3A_816, %swap3A_817, %swap3A_818] {strides = array<i32>} : memref<32x4x128xf32, #tpu.memory_space<vmem>>, vector<1x1x16xf32>,
        %swap3A_820 = vector.shape_cast %swap3A_819 : vector<1x1x16xf32> to vector<16xf32>
        %swap3A_821 = vector.shape_cast %add3A_812 : vector<16xf32> to vector<1x1x16xf32>
        tpu.vector_store %arg17[%swap3A_816, %swap3A_817, %swap3A_818], %swap3A_821 {strides = array<i32>} : memref<32x4x128xf32, #tpu.memory_space<vmem>>, vector<1x1x16xf32>,
        %sub3A_822 = arith.subf %add3A_582, %mul3A_755 : vector<16xf32>
        %mul3A_823 = arith.mulf %sub3A_822, %mul3A_796 : vector<16xf32>
        %mul3A_824 = arith.mulf %mul3A_823, %get3A_12 : vector<16xf32>
        %add3A_825 = arith.addf %mul3A_824, %get3A_36 : vector<16xf32>
        %add3A_826 = arith.constant 16 : i32
        %add3A_827 = arith.addi %add3A_826, %scan3A_539 : i32
        %swap3A_828 = arith.constant 1 : i32
        %swap3A_829 = arith.index_cast %add3A_827 : i32 to index
        %swap3A_830 = arith.index_cast %swap3A_828 : i32 to index
        %swap3A_831 = arith.constant 32 : index
        %swap3A_832 = tpu.vector_load %arg17[%swap3A_829, %swap3A_830, %swap3A_831] {strides = array<i32>} : memref<32x4x128xf32, #tpu.memory_space<vmem>>, vector<1x1x16xf32>,
        %swap3A_833 = vector.shape_cast %swap3A_832 : vector<1x1x16xf32> to vector<16xf32>
        %swap3A_834 = vector.shape_cast %add3A_825 : vector<16xf32> to vector<1x1x16xf32>
        tpu.vector_store %arg17[%swap3A_829, %swap3A_830, %swap3A_831], %swap3A_834 {strides = array<i32>} : memref<32x4x128xf32, #tpu.memory_space<vmem>>, vector<1x1x16xf32>,
        %sub3A_835 = arith.subf %add3A_593, %mul3A_755 : vector<16xf32>
        %mul3A_836 = arith.mulf %sub3A_835, %mul3A_796 : vector<16xf32>
        %mul3A_837 = arith.mulf %mul3A_836, %get3A_15 : vector<16xf32>
        %add3A_838 = arith.addf %mul3A_837, %get3A_39 : vector<16xf32>
        %add3A_839 = arith.constant 16 : i32
        %add3A_840 = arith.addi %add3A_839, %scan3A_539 : i32
        %swap3A_841 = arith.constant 1 : i32
        %swap3A_842 = arith.index_cast %add3A_840 : i32 to index
        %swap3A_843 = arith.index_cast %swap3A_841 : i32 to index
        %swap3A_844 = arith.constant 48 : index
        %swap3A_845 = tpu.vector_load %arg17[%swap3A_842, %swap3A_843, %swap3A_844] {strides = array<i32>} : memref<32x4x128xf32, #tpu.memory_space<vmem>>, vector<1x1x16xf32>,
        %swap3A_846 = vector.shape_cast %swap3A_845 : vector<1x1x16xf32> to vector<16xf32>
        %swap3A_847 = vector.shape_cast %add3A_838 : vector<16xf32> to vector<1x1x16xf32>
        tpu.vector_store %arg17[%swap3A_842, %swap3A_843, %swap3A_844], %swap3A_847 {strides = array<i32>} : memref<32x4x128xf32, #tpu.memory_space<vmem>>, vector<1x1x16xf32>,
        %sub3A_848 = arith.subf %add3A_604, %mul3A_755 : vector<16xf32>
        %mul3A_849 = arith.mulf %sub3A_848, %mul3A_796 : vector<16xf32>
        %mul3A_850 = arith.mulf %mul3A_849, %get3A_18 : vector<16xf32>
        %add3A_851 = arith.addf %mul3A_850, %get3A_42 : vector<16xf32>
        %add3A_852 = arith.constant 16 : i32
        %add3A_853 = arith.addi %add3A_852, %scan3A_539 : i32
        %swap3A_854 = arith.constant 1 : i32
        %swap3A_855 = arith.index_cast %add3A_853 : i32 to index
        %swap3A_856 = arith.index_cast %swap3A_854 : i32 to index
        %swap3A_857 = arith.constant 64 : index
        %swap3A_858 = tpu.vector_load %arg17[%swap3A_855, %swap3A_856, %swap3A_857] {strides = array<i32>} : memref<32x4x128xf32, #tpu.memory_space<vmem>>, vector<1x1x16xf32>,
        %swap3A_859 = vector.shape_cast %swap3A_858 : vector<1x1x16xf32> to vector<16xf32>
        %swap3A_860 = vector.shape_cast %add3A_851 : vector<16xf32> to vector<1x1x16xf32>
        tpu.vector_store %arg17[%swap3A_855, %swap3A_856, %swap3A_857], %swap3A_860 {strides = array<i32>} : memref<32x4x128xf32, #tpu.memory_space<vmem>>, vector<1x1x16xf32>,
        %sub3A_861 = arith.subf %add3A_615, %mul3A_755 : vector<16xf32>
        %mul3A_862 = arith.mulf %sub3A_861, %mul3A_796 : vector<16xf32>
        %mul3A_863 = arith.mulf %mul3A_862, %get3A_21 : vector<16xf32>
        %add3A_864 = arith.addf %mul3A_863, %get3A_45 : vector<16xf32>
        %add3A_865 = arith.constant 16 : i32
        %add3A_866 = arith.addi %add3A_865, %scan3A_539 : i32
        %swap3A_867 = arith.constant 1 : i32
        %swap3A_868 = arith.index_cast %add3A_866 : i32 to index
        %swap3A_869 = arith.index_cast %swap3A_867 : i32 to index
        %swap3A_870 = arith.constant 80 : index
        %swap3A_871 = tpu.vector_load %arg17[%swap3A_868, %swap3A_869, %swap3A_870] {strides = array<i32>} : memref<32x4x128xf32, #tpu.memory_space<vmem>>, vector<1x1x16xf32>,
        %swap3A_872 = vector.shape_cast %swap3A_871 : vector<1x1x16xf32> to vector<16xf32>
        %swap3A_873 = vector.shape_cast %add3A_864 : vector<16xf32> to vector<1x1x16xf32>
        tpu.vector_store %arg17[%swap3A_868, %swap3A_869, %swap3A_870], %swap3A_873 {strides = array<i32>} : memref<32x4x128xf32, #tpu.memory_space<vmem>>, vector<1x1x16xf32>,
        %sub3A_874 = arith.subf %add3A_626, %mul3A_755 : vector<16xf32>
        %mul3A_875 = arith.mulf %sub3A_874, %mul3A_796 : vector<16xf32>
        %mul3A_876 = arith.mulf %mul3A_875, %get3A_24 : vector<16xf32>
        %add3A_877 = arith.addf %mul3A_876, %get3A_48 : vector<16xf32>
        %add3A_878 = arith.constant 16 : i32
        %add3A_879 = arith.addi %add3A_878, %scan3A_539 : i32
        %swap3A_880 = arith.constant 1 : i32
        %swap3A_881 = arith.index_cast %add3A_879 : i32 to index
        %swap3A_882 = arith.index_cast %swap3A_880 : i32 to index
        %swap3A_883 = arith.constant 96 : index
        %swap3A_884 = tpu.vector_load %arg17[%swap3A_881, %swap3A_882, %swap3A_883] {strides = array<i32>} : memref<32x4x128xf32, #tpu.memory_space<vmem>>, vector<1x1x16xf32>,
        %swap3A_885 = vector.shape_cast %swap3A_884 : vector<1x1x16xf32> to vector<16xf32>
        %swap3A_886 = vector.shape_cast %add3A_877 : vector<16xf32> to vector<1x1x16xf32>
        tpu.vector_store %arg17[%swap3A_881, %swap3A_882, %swap3A_883], %swap3A_886 {strides = array<i32>} : memref<32x4x128xf32, #tpu.memory_space<vmem>>, vector<1x1x16xf32>,
        %sub3A_887 = arith.subf %add3A_637, %mul3A_755 : vector<16xf32>
        %mul3A_888 = arith.mulf %sub3A_887, %mul3A_796 : vector<16xf32>
        %mul3A_889 = arith.mulf %mul3A_888, %get3A_27 : vector<16xf32>
        %add3A_890 = arith.addf %mul3A_889, %get3A_51 : vector<16xf32>
        %add3A_891 = arith.constant 16 : i32
        %add3A_892 = arith.addi %add3A_891, %scan3A_539 : i32
        %swap3A_893 = arith.constant 1 : i32
        %swap3A_894 = arith.index_cast %add3A_892 : i32 to index
        %swap3A_895 = arith.index_cast %swap3A_893 : i32 to index
        %swap3A_896 = arith.constant 112 : index
        %swap3A_897 = tpu.vector_load %arg17[%swap3A_894, %swap3A_895, %swap3A_896] {strides = array<i32>} : memref<32x4x128xf32, #tpu.memory_space<vmem>>, vector<1x1x16xf32>,
        %swap3A_898 = vector.shape_cast %swap3A_897 : vector<1x1x16xf32> to vector<16xf32>
        %swap3A_899 = vector.shape_cast %add3A_890 : vector<16xf32> to vector<1x1x16xf32>
        tpu.vector_store %arg17[%swap3A_894, %swap3A_895, %swap3A_896], %swap3A_899 {strides = array<i32>} : memref<32x4x128xf32, #tpu.memory_space<vmem>>, vector<1x1x16xf32>,
      }
      %scan3A_343 = arith.constant 16 : i32
      %mul3A_344 = arith.constant 4 : i32
      %mul3A_345 = arith.muli %scan3A_144, %mul3A_344 : i32
      %add3A_346 = arith.constant 2 : i32
      %add3A_347 = arith.addi %mul3A_345, %add3A_346 : i32
      %get3A_348 = arith.index_cast %add3A_347 : i32 to index
      %get3A_349 = arith.constant 0 : index
      %get3A_350 = tpu.vector_load %arg12[%get3A_348, %get3A_349] {strides = array<i32>} : memref<64x128xf32, #tpu.memory_space<vmem>>, vector<1x16xf32>,
      %get3A_351 = vector.shape_cast %get3A_350 : vector<1x16xf32> to vector<16xf32>
      %mul3A_352 = arith.constant 4 : i32
      %mul3A_353 = arith.muli %scan3A_144, %mul3A_352 : i32
      %add3A_354 = arith.constant 2 : i32
      %add3A_355 = arith.addi %mul3A_353, %add3A_354 : i32
      %get3A_356 = arith.index_cast %add3A_355 : i32 to index
      %get3A_357 = arith.constant 16 : index
      %get3A_358 = tpu.vector_load %arg12[%get3A_356, %get3A_357] {strides = array<i32>} : memref<64x128xf32, #tpu.memory_space<vmem>>, vector<1x16xf32>,
      %get3A_359 = vector.shape_cast %get3A_358 : vector<1x16xf32> to vector<16xf32>
      %mul3A_360 = arith.constant 4 : i32
      %mul3A_361 = arith.muli %scan3A_144, %mul3A_360 : i32
      %add3A_362 = arith.constant 2 : i32
      %add3A_363 = arith.addi %mul3A_361, %add3A_362 : i32
      %get3A_364 = arith.index_cast %add3A_363 : i32 to index
      %get3A_365 = arith.constant 32 : index
      %get3A_366 = tpu.vector_load %arg12[%get3A_364, %get3A_365] {strides = array<i32>} : memref<64x128xf32, #tpu.memory_space<vmem>>, vector<1x16xf32>,
      %get3A_367 = vector.shape_cast %get3A_366 : vector<1x16xf32> to vector<16xf32>
      %mul3A_368 = arith.constant 4 : i32
      %mul3A_369 = arith.muli %scan3A_144, %mul3A_368 : i32
      %add3A_370 = arith.constant 2 : i32
      %add3A_371 = arith.addi %mul3A_369, %add3A_370 : i32
      %get3A_372 = arith.index_cast %add3A_371 : i32 to index
      %get3A_373 = arith.constant 48 : index
      %get3A_374 = tpu.vector_load %arg12[%get3A_372, %get3A_373] {strides = array<i32>} : memref<64x128xf32, #tpu.memory_space<vmem>>, vector<1x16xf32>,
      %get3A_375 = vector.shape_cast %get3A_374 : vector<1x16xf32> to vector<16xf32>
      %mul3A_376 = arith.constant 4 : i32
      %mul3A_377 = arith.muli %scan3A_144, %mul3A_376 : i32
      %add3A_378 = arith.constant 2 : i32
      %add3A_379 = arith.addi %mul3A_377, %add3A_378 : i32
      %get3A_380 = arith.index_cast %add3A_379 : i32 to index
      %get3A_381 = arith.constant 64 : index
      %get3A_382 = tpu.vector_load %arg12[%get3A_380, %get3A_381] {strides = array<i32>} : memref<64x128xf32, #tpu.memory_space<vmem>>, vector<1x16xf32>,
      %get3A_383 = vector.shape_cast %get3A_382 : vector<1x16xf32> to vector<16xf32>
      %mul3A_384 = arith.constant 4 : i32
      %mul3A_385 = arith.muli %scan3A_144, %mul3A_384 : i32
      %add3A_386 = arith.constant 2 : i32
      %add3A_387 = arith.addi %mul3A_385, %add3A_386 : i32
      %get3A_388 = arith.index_cast %add3A_387 : i32 to index
      %get3A_389 = arith.constant 80 : index
      %get3A_390 = tpu.vector_load %arg12[%get3A_388, %get3A_389] {strides = array<i32>} : memref<64x128xf32, #tpu.memory_space<vmem>>, vector<1x16xf32>,
      %get3A_391 = vector.shape_cast %get3A_390 : vector<1x16xf32> to vector<16xf32>
      %mul3A_392 = arith.constant 4 : i32
      %mul3A_393 = arith.muli %scan3A_144, %mul3A_392 : i32
      %add3A_394 = arith.constant 2 : i32
      %add3A_395 = arith.addi %mul3A_393, %add3A_394 : i32
      %get3A_396 = arith.index_cast %add3A_395 : i32 to index
      %get3A_397 = arith.constant 96 : index
      %get3A_398 = tpu.vector_load %arg12[%get3A_396, %get3A_397] {strides = array<i32>} : memref<64x128xf32, #tpu.memory_space<vmem>>, vector<1x16xf32>,
      %get3A_399 = vector.shape_cast %get3A_398 : vector<1x16xf32> to vector<16xf32>
      %mul3A_400 = arith.constant 4 : i32
      %mul3A_401 = arith.muli %scan3A_144, %mul3A_400 : i32
      %add3A_402 = arith.constant 2 : i32
      %add3A_403 = arith.addi %mul3A_401, %add3A_402 : i32
      %get3A_404 = arith.index_cast %add3A_403 : i32 to index
      %get3A_405 = arith.constant 112 : index
      %get3A_406 = tpu.vector_load %arg12[%get3A_404, %get3A_405] {strides = array<i32>} : memref<64x128xf32, #tpu.memory_space<vmem>>, vector<1x16xf32>,
      %get3A_407 = vector.shape_cast %get3A_406 : vector<1x16xf32> to vector<16xf32>
      %mul3A_408 = arith.constant 128 : i32
      %mul3A_409 = arith.muli %scan3A_144, %mul3A_408 : i32
      %add3A_410 = arith.constant 64 : i32
      %add3A_411 = arith.addi %mul3A_409, %add3A_410 : i32
      %add3A_412 = arith.constant 0 : i32
      %add3A_413 = arith.addi %add3A_411, %add3A_412 : i32
      %get3A_414 = arith.index_cast %add3A_413 : i32 to index
      %get3A_415 = tpu.vector_load %arg11[%get3A_414] {strides = array<i32>} : memref<2048xi32, #tpu.memory_space<vmem>>, vector<16xi32>,
      %get3A_416 = vector.shape_cast %get3A_415 : vector<16xi32> to vector<16xi32>
      %convert_element_type3A_417 = arith.sitofp %get3A_416 : vector<16xi32> to vector<16xf32>
      %scan3A_418 = arith.constant 0 : i32
      %scan3A_419 = arith.constant 0 : i32
      %scan3A_420 = arith.constant 16 : i32
      %scan3A_421 = arith.addi %scan3A_419, %scan3A_420 : i32
      %scan3A_422 = arith.constant 1 : i32
      scf.for %scan3A_539 = %scan3A_419 to %scan3A_421 step %scan3A_422  : i32 {
        %add3A_540 = arith.constant 64 : i32
        %add3A_541 = arith.addi %add3A_540, %scan3A_539 : i32
        %broadcast_in_dim3A = vector.broadcast %scan3A_539 : i32 to vector<16xi32>
        %lt3A = arith.constant 0 : i32
        %lt3A_542 = vector.broadcast %lt3A : i32 to vector<16xi32>
        %lt3A_543 = arith.cmpi slt, %broadcast_in_dim3A, %lt3A_542 : vector<16xi32>
        %add3A_544 = arith.constant 16 : i32
        %add3A_545 = vector.broadcast %add3A_544 : i32 to vector<16xi32>
        %add3A_546 = arith.addi %broadcast_in_dim3A, %add3A_545 : vector<16xi32>
        %select_n3A = arith.select %lt3A_543, %add3A_546, %broadcast_in_dim3A : vector<16xi1>, vector<16xi32>
        %broadcast_in_dim3A_547 = vector.shape_cast %select_n3A : vector<16xi32> to vector<16x1xi32>
        %gather3A = vector.shape_cast %broadcast_in_dim3A_547 : vector<16x1xi32> to vector<16xi32>
        %gather3A_548 = tpu.dynamic_gather %convert_element_type3A_417[%gather3A] in [0] : vector<16xf32>, vector<16xi32> -> vector<16xf32>
        %broadcast_in_dim3A_549 = arith.constant 0.000000e+00 : f32
        %broadcast_in_dim3A_550 = vector.broadcast %broadcast_in_dim3A_549 : f32 to vector<16xf32>
        %broadcast_in_dim3A_551 = arith.constant 0.000000e+00 : f32
        %broadcast_in_dim3A_552 = vector.broadcast %broadcast_in_dim3A_551 : f32 to vector<16xf32>
        %get3A_553 = arith.index_cast %add3A_541 : i32 to index
        %get3A_554 = arith.constant 0 : index
        %get3A_555 = tpu.vector_load %arg16[%get3A_553, %get3A_554] {strides = array<i32>} : memref<128x128xf32, #tpu.memory_space<vmem>>, vector<1x16xf32>,
        %get3A_556 = vector.shape_cast %get3A_555 : vector<1x16xf32> to vector<16xf32>
        %add3A_557 = arith.addf %get3A_556, %get3A_351 : vector<16xf32>
        %mul3A_558 = arith.mulf %gather3A_548, %sub3A : vector<16xf32>
        %add3A_559 = arith.addf %get3A_56, %mul3A_558 : vector<16xf32>
        %add3A_560 = arith.addf %add3A_557, %add3A_559 : vector<16xf32>
        %add3A_561 = arith.addf %broadcast_in_dim3A_550, %add3A_560 : vector<16xf32>
        %mul3A_562 = arith.mulf %add3A_560, %add3A_560 : vector<16xf32>
        %add3A_563 = arith.addf %broadcast_in_dim3A_552, %mul3A_562 : vector<16xf32>
        %get3A_564 = arith.index_cast %add3A_541 : i32 to index
        %get3A_565 = arith.constant 16 : index
        %get3A_566 = tpu.vector_load %arg16[%get3A_564, %get3A_565] {strides = array<i32>} : memref<128x128xf32, #tpu.memory_space<vmem>>, vector<1x16xf32>,
        %get3A_567 = vector.shape_cast %get3A_566 : vector<1x16xf32> to vector<16xf32>
        %add3A_568 = arith.addf %get3A_567, %get3A_359 : vector<16xf32>
        %mul3A_569 = arith.mulf %gather3A_548, %sub3A_102 : vector<16xf32>
        %add3A_570 = arith.addf %get3A_61, %mul3A_569 : vector<16xf32>
        %add3A_571 = arith.addf %add3A_568, %add3A_570 : vector<16xf32>
        %add3A_572 = arith.addf %add3A_561, %add3A_571 : vector<16xf32>
        %mul3A_573 = arith.mulf %add3A_571, %add3A_571 : vector<16xf32>
        %add3A_574 = arith.addf %add3A_563, %mul3A_573 : vector<16xf32>
        %get3A_575 = arith.index_cast %add3A_541 : i32 to index
        %get3A_576 = arith.constant 32 : index
        %get3A_577 = tpu.vector_load %arg16[%get3A_575, %get3A_576] {strides = array<i32>} : memref<128x128xf32, #tpu.memory_space<vmem>>, vector<1x16xf32>,
        %get3A_578 = vector.shape_cast %get3A_577 : vector<1x16xf32> to vector<16xf32>
        %add3A_579 = arith.addf %get3A_578, %get3A_367 : vector<16xf32>
        %mul3A_580 = arith.mulf %gather3A_548, %sub3A_108 : vector<16xf32>
        %add3A_581 = arith.addf %get3A_66, %mul3A_580 : vector<16xf32>
        %add3A_582 = arith.addf %add3A_579, %add3A_581 : vector<16xf32>
        %add3A_583 = arith.addf %add3A_572, %add3A_582 : vector<16xf32>
        %mul3A_584 = arith.mulf %add3A_582, %add3A_582 : vector<16xf32>
        %add3A_585 = arith.addf %add3A_574, %mul3A_584 : vector<16xf32>
        %get3A_586 = arith.index_cast %add3A_541 : i32 to index
        %get3A_587 = arith.constant 48 : index
        %get3A_588 = tpu.vector_load %arg16[%get3A_586, %get3A_587] {strides = array<i32>} : memref<128x128xf32, #tpu.memory_space<vmem>>, vector<1x16xf32>,
        %get3A_589 = vector.shape_cast %get3A_588 : vector<1x16xf32> to vector<16xf32>
        %add3A_590 = arith.addf %get3A_589, %get3A_375 : vector<16xf32>
        %mul3A_591 = arith.mulf %gather3A_548, %sub3A_114 : vector<16xf32>
        %add3A_592 = arith.addf %get3A_71, %mul3A_591 : vector<16xf32>
        %add3A_593 = arith.addf %add3A_590, %add3A_592 : vector<16xf32>
        %add3A_594 = arith.addf %add3A_583, %add3A_593 : vector<16xf32>
        %mul3A_595 = arith.mulf %add3A_593, %add3A_593 : vector<16xf32>
        %add3A_596 = arith.addf %add3A_585, %mul3A_595 : vector<16xf32>
        %get3A_597 = arith.index_cast %add3A_541 : i32 to index
        %get3A_598 = arith.constant 64 : index
        %get3A_599 = tpu.vector_load %arg16[%get3A_597, %get3A_598] {strides = array<i32>} : memref<128x128xf32, #tpu.memory_space<vmem>>, vector<1x16xf32>,
        %get3A_600 = vector.shape_cast %get3A_599 : vector<1x16xf32> to vector<16xf32>
        %add3A_601 = arith.addf %get3A_600, %get3A_383 : vector<16xf32>
        %mul3A_602 = arith.mulf %gather3A_548, %sub3A_120 : vector<16xf32>
        %add3A_603 = arith.addf %get3A_76, %mul3A_602 : vector<16xf32>
        %add3A_604 = arith.addf %add3A_601, %add3A_603 : vector<16xf32>
        %add3A_605 = arith.addf %add3A_594, %add3A_604 : vector<16xf32>
        %mul3A_606 = arith.mulf %add3A_604, %add3A_604 : vector<16xf32>
        %add3A_607 = arith.addf %add3A_596, %mul3A_606 : vector<16xf32>
        %get3A_608 = arith.index_cast %add3A_541 : i32 to index
        %get3A_609 = arith.constant 80 : index
        %get3A_610 = tpu.vector_load %arg16[%get3A_608, %get3A_609] {strides = array<i32>} : memref<128x128xf32, #tpu.memory_space<vmem>>, vector<1x16xf32>,
        %get3A_611 = vector.shape_cast %get3A_610 : vector<1x16xf32> to vector<16xf32>
        %add3A_612 = arith.addf %get3A_611, %get3A_391 : vector<16xf32>
        %mul3A_613 = arith.mulf %gather3A_548, %sub3A_126 : vector<16xf32>
        %add3A_614 = arith.addf %get3A_81, %mul3A_613 : vector<16xf32>
        %add3A_615 = arith.addf %add3A_612, %add3A_614 : vector<16xf32>
        %add3A_616 = arith.addf %add3A_605, %add3A_615 : vector<16xf32>
        %mul3A_617 = arith.mulf %add3A_615, %add3A_615 : vector<16xf32>
        %add3A_618 = arith.addf %add3A_607, %mul3A_617 : vector<16xf32>
        %get3A_619 = arith.index_cast %add3A_541 : i32 to index
        %get3A_620 = arith.constant 96 : index
        %get3A_621 = tpu.vector_load %arg16[%get3A_619, %get3A_620] {strides = array<i32>} : memref<128x128xf32, #tpu.memory_space<vmem>>, vector<1x16xf32>,
        %get3A_622 = vector.shape_cast %get3A_621 : vector<1x16xf32> to vector<16xf32>
        %add3A_623 = arith.addf %get3A_622, %get3A_399 : vector<16xf32>
        %mul3A_624 = arith.mulf %gather3A_548, %sub3A_132 : vector<16xf32>
        %add3A_625 = arith.addf %get3A_86, %mul3A_624 : vector<16xf32>
        %add3A_626 = arith.addf %add3A_623, %add3A_625 : vector<16xf32>
        %add3A_627 = arith.addf %add3A_616, %add3A_626 : vector<16xf32>
        %mul3A_628 = arith.mulf %add3A_626, %add3A_626 : vector<16xf32>
        %add3A_629 = arith.addf %add3A_618, %mul3A_628 : vector<16xf32>
        %get3A_630 = arith.index_cast %add3A_541 : i32 to index
        %get3A_631 = arith.constant 112 : index
        %get3A_632 = tpu.vector_load %arg16[%get3A_630, %get3A_631] {strides = array<i32>} : memref<128x128xf32, #tpu.memory_space<vmem>>, vector<1x16xf32>,
        %get3A_633 = vector.shape_cast %get3A_632 : vector<1x16xf32> to vector<16xf32>
        %add3A_634 = arith.addf %get3A_633, %get3A_407 : vector<16xf32>
        %mul3A_635 = arith.mulf %gather3A_548, %sub3A_138 : vector<16xf32>
        %add3A_636 = arith.addf %get3A_91, %mul3A_635 : vector<16xf32>
        %add3A_637 = arith.addf %add3A_634, %add3A_636 : vector<16xf32>
        %add3A_638 = arith.addf %add3A_627, %add3A_637 : vector<16xf32>
        %mul3A_639 = arith.mulf %add3A_637, %add3A_637 : vector<16xf32>
        %add3A_640 = arith.addf %add3A_629, %mul3A_639 : vector<16xf32>
        %iota3A = tpu.iota {dimensions = array<i32: 0>} : vector<16xi32>
        %xor3A = arith.constant 8 : i32
        %xor3A_641 = vector.broadcast %xor3A : i32 to vector<16xi32>
        %xor3A_642 = arith.xori %iota3A, %xor3A_641 : vector<16xi32>
        %lt3A_643 = arith.constant 0 : i32
        %lt3A_644 = vector.broadcast %lt3A_643 : i32 to vector<16xi32>
        %lt3A_645 = arith.cmpi slt, %xor3A_642, %lt3A_644 : vector<16xi32>
        %add3A_646 = arith.constant 16 : i32
        %add3A_647 = vector.broadcast %add3A_646 : i32 to vector<16xi32>
        %add3A_648 = arith.addi %xor3A_642, %add3A_647 : vector<16xi32>
        %select_n3A_649 = arith.select %lt3A_645, %add3A_648, %xor3A_642 : vector<16xi1>, vector<16xi32>
        %broadcast_in_dim3A_650 = vector.shape_cast %select_n3A_649 : vector<16xi32> to vector<16x1xi32>
        %gather3A_651 = vector.shape_cast %broadcast_in_dim3A_650 : vector<16x1xi32> to vector<16xi32>
        %gather3A_652 = tpu.dynamic_gather %add3A_638[%gather3A_651] in [0] : vector<16xf32>, vector<16xi32> -> vector<16xf32>
        %add3A_653 = arith.addf %add3A_638, %gather3A_652 : vector<16xf32>
        %xor3A_654 = arith.constant 4 : i32
        %xor3A_655 = vector.broadcast %xor3A_654 : i32 to vector<16xi32>
        %xor3A_656 = arith.xori %iota3A, %xor3A_655 : vector<16xi32>
        %lt3A_657 = arith.constant 0 : i32
        %lt3A_658 = vector.broadcast %lt3A_657 : i32 to vector<16xi32>
        %lt3A_659 = arith.cmpi slt, %xor3A_656, %lt3A_658 : vector<16xi32>
        %add3A_660 = arith.constant 16 : i32
        %add3A_661 = vector.broadcast %add3A_660 : i32 to vector<16xi32>
        %add3A_662 = arith.addi %xor3A_656, %add3A_661 : vector<16xi32>
        %select_n3A_663 = arith.select %lt3A_659, %add3A_662, %xor3A_656 : vector<16xi1>, vector<16xi32>
        %broadcast_in_dim3A_664 = vector.shape_cast %select_n3A_663 : vector<16xi32> to vector<16x1xi32>
        %gather3A_665 = vector.shape_cast %broadcast_in_dim3A_664 : vector<16x1xi32> to vector<16xi32>
        %gather3A_666 = tpu.dynamic_gather %add3A_653[%gather3A_665] in [0] : vector<16xf32>, vector<16xi32> -> vector<16xf32>
        %add3A_667 = arith.addf %add3A_653, %gather3A_666 : vector<16xf32>
        %xor3A_668 = arith.constant 2 : i32
        %xor3A_669 = vector.broadcast %xor3A_668 : i32 to vector<16xi32>
        %xor3A_670 = arith.xori %iota3A, %xor3A_669 : vector<16xi32>
        %lt3A_671 = arith.constant 0 : i32
        %lt3A_672 = vector.broadcast %lt3A_671 : i32 to vector<16xi32>
        %lt3A_673 = arith.cmpi slt, %xor3A_670, %lt3A_672 : vector<16xi32>
        %add3A_674 = arith.constant 16 : i32
        %add3A_675 = vector.broadcast %add3A_674 : i32 to vector<16xi32>
        %add3A_676 = arith.addi %xor3A_670, %add3A_675 : vector<16xi32>
        %select_n3A_677 = arith.select %lt3A_673, %add3A_676, %xor3A_670 : vector<16xi1>, vector<16xi32>
        %broadcast_in_dim3A_678 = vector.shape_cast %select_n3A_677 : vector<16xi32> to vector<16x1xi32>
        %gather3A_679 = vector.shape_cast %broadcast_in_dim3A_678 : vector<16x1xi32> to vector<16xi32>
        %gather3A_680 = tpu.dynamic_gather %add3A_667[%gather3A_679] in [0] : vector<16xf32>, vector<16xi32> -> vector<16xf32>
        %add3A_681 = arith.addf %add3A_667, %gather3A_680 : vector<16xf32>
        %xor3A_682 = arith.constant 1 : i32
        %xor3A_683 = vector.broadcast %xor3A_682 : i32 to vector<16xi32>
        %xor3A_684 = arith.xori %iota3A, %xor3A_683 : vector<16xi32>
        %lt3A_685 = arith.constant 0 : i32
        %lt3A_686 = vector.broadcast %lt3A_685 : i32 to vector<16xi32>
        %lt3A_687 = arith.cmpi slt, %xor3A_684, %lt3A_686 : vector<16xi32>
        %add3A_688 = arith.constant 16 : i32
        %add3A_689 = vector.broadcast %add3A_688 : i32 to vector<16xi32>
        %add3A_690 = arith.addi %xor3A_684, %add3A_689 : vector<16xi32>
        %select_n3A_691 = arith.select %lt3A_687, %add3A_690, %xor3A_684 : vector<16xi1>, vector<16xi32>
        %broadcast_in_dim3A_692 = vector.shape_cast %select_n3A_691 : vector<16xi32> to vector<16x1xi32>
        %gather3A_693 = vector.shape_cast %broadcast_in_dim3A_692 : vector<16x1xi32> to vector<16xi32>
        %gather3A_694 = tpu.dynamic_gather %add3A_681[%gather3A_693] in [0] : vector<16xf32>, vector<16xi32> -> vector<16xf32>
        %add3A_695 = arith.addf %add3A_681, %gather3A_694 : vector<16xf32>
        %iota3A_696 = tpu.iota {dimensions = array<i32: 0>} : vector<16xi32>
        %xor3A_697 = arith.constant 8 : i32
        %xor3A_698 = vector.broadcast %xor3A_697 : i32 to vector<16xi32>
        %xor3A_699 = arith.xori %iota3A_696, %xor3A_698 : vector<16xi32>
        %lt3A_700 = arith.constant 0 : i32
        %lt3A_701 = vector.broadcast %lt3A_700 : i32 to vector<16xi32>
        %lt3A_702 = arith.cmpi slt, %xor3A_699, %lt3A_701 : vector<16xi32>
        %add3A_703 = arith.constant 16 : i32
        %add3A_704 = vector.broadcast %add3A_703 : i32 to vector<16xi32>
        %add3A_705 = arith.addi %xor3A_699, %add3A_704 : vector<16xi32>
        %select_n3A_706 = arith.select %lt3A_702, %add3A_705, %xor3A_699 : vector<16xi1>, vector<16xi32>
        %broadcast_in_dim3A_707 = vector.shape_cast %select_n3A_706 : vector<16xi32> to vector<16x1xi32>
        %gather3A_708 = vector.shape_cast %broadcast_in_dim3A_707 : vector<16x1xi32> to vector<16xi32>
        %gather3A_709 = tpu.dynamic_gather %add3A_640[%gather3A_708] in [0] : vector<16xf32>, vector<16xi32> -> vector<16xf32>
        %add3A_710 = arith.addf %add3A_640, %gather3A_709 : vector<16xf32>
        %xor3A_711 = arith.constant 4 : i32
        %xor3A_712 = vector.broadcast %xor3A_711 : i32 to vector<16xi32>
        %xor3A_713 = arith.xori %iota3A_696, %xor3A_712 : vector<16xi32>
        %lt3A_714 = arith.constant 0 : i32
        %lt3A_715 = vector.broadcast %lt3A_714 : i32 to vector<16xi32>
        %lt3A_716 = arith.cmpi slt, %xor3A_713, %lt3A_715 : vector<16xi32>
        %add3A_717 = arith.constant 16 : i32
        %add3A_718 = vector.broadcast %add3A_717 : i32 to vector<16xi32>
        %add3A_719 = arith.addi %xor3A_713, %add3A_718 : vector<16xi32>
        %select_n3A_720 = arith.select %lt3A_716, %add3A_719, %xor3A_713 : vector<16xi1>, vector<16xi32>
        %broadcast_in_dim3A_721 = vector.shape_cast %select_n3A_720 : vector<16xi32> to vector<16x1xi32>
        %gather3A_722 = vector.shape_cast %broadcast_in_dim3A_721 : vector<16x1xi32> to vector<16xi32>
        %gather3A_723 = tpu.dynamic_gather %add3A_710[%gather3A_722] in [0] : vector<16xf32>, vector<16xi32> -> vector<16xf32>
        %add3A_724 = arith.addf %add3A_710, %gather3A_723 : vector<16xf32>
        %xor3A_725 = arith.constant 2 : i32
        %xor3A_726 = vector.broadcast %xor3A_725 : i32 to vector<16xi32>
        %xor3A_727 = arith.xori %iota3A_696, %xor3A_726 : vector<16xi32>
        %lt3A_728 = arith.constant 0 : i32
        %lt3A_729 = vector.broadcast %lt3A_728 : i32 to vector<16xi32>
        %lt3A_730 = arith.cmpi slt, %xor3A_727, %lt3A_729 : vector<16xi32>
        %add3A_731 = arith.constant 16 : i32
        %add3A_732 = vector.broadcast %add3A_731 : i32 to vector<16xi32>
        %add3A_733 = arith.addi %xor3A_727, %add3A_732 : vector<16xi32>
        %select_n3A_734 = arith.select %lt3A_730, %add3A_733, %xor3A_727 : vector<16xi1>, vector<16xi32>
        %broadcast_in_dim3A_735 = vector.shape_cast %select_n3A_734 : vector<16xi32> to vector<16x1xi32>
        %gather3A_736 = vector.shape_cast %broadcast_in_dim3A_735 : vector<16x1xi32> to vector<16xi32>
        %gather3A_737 = tpu.dynamic_gather %add3A_724[%gather3A_736] in [0] : vector<16xf32>, vector<16xi32> -> vector<16xf32>
        %add3A_738 = arith.addf %add3A_724, %gather3A_737 : vector<16xf32>
        %xor3A_739 = arith.constant 1 : i32
        %xor3A_740 = vector.broadcast %xor3A_739 : i32 to vector<16xi32>
        %xor3A_741 = arith.xori %iota3A_696, %xor3A_740 : vector<16xi32>
        %lt3A_742 = arith.constant 0 : i32
        %lt3A_743 = vector.broadcast %lt3A_742 : i32 to vector<16xi32>
        %lt3A_744 = arith.cmpi slt, %xor3A_741, %lt3A_743 : vector<16xi32>
        %add3A_745 = arith.constant 16 : i32
        %add3A_746 = vector.broadcast %add3A_745 : i32 to vector<16xi32>
        %add3A_747 = arith.addi %xor3A_741, %add3A_746 : vector<16xi32>
        %select_n3A_748 = arith.select %lt3A_744, %add3A_747, %xor3A_741 : vector<16xi1>, vector<16xi32>
        %broadcast_in_dim3A_749 = vector.shape_cast %select_n3A_748 : vector<16xi32> to vector<16x1xi32>
        %gather3A_750 = vector.shape_cast %broadcast_in_dim3A_749 : vector<16x1xi32> to vector<16xi32>
        %gather3A_751 = tpu.dynamic_gather %add3A_738[%gather3A_750] in [0] : vector<16xf32>, vector<16xi32> -> vector<16xf32>
        %add3A_752 = arith.addf %add3A_738, %gather3A_751 : vector<16xf32>
        %mul3A_753 = arith.constant 7.812500e-03 : f32
        %mul3A_754 = vector.broadcast %mul3A_753 : f32 to vector<16xf32>
        %mul3A_755 = arith.mulf %add3A_695, %mul3A_754 : vector<16xf32>
        %mul3A_756 = arith.constant 7.812500e-03 : f32
        %mul3A_757 = vector.broadcast %mul3A_756 : f32 to vector<16xf32>
        %mul3A_758 = arith.mulf %add3A_752, %mul3A_757 : vector<16xf32>
        %mul3A_759 = arith.mulf %mul3A_755, %mul3A_755 : vector<16xf32>
        %sub3A_760 = arith.subf %mul3A_758, %mul3A_759 : vector<16xf32>
        %add3A_761 = arith.constant 9.99999974E-6 : f32
        %add3A_762 = vector.broadcast %add3A_761 : f32 to vector<16xf32>
        %add3A_763 = arith.addf %sub3A_760, %add3A_762 : vector<16xf32>
        %bitcast_convert_type3A = tpu.bitcast %add3A_763 : vector<16xf32> -> vector<16xi32>
        %shift_right_arithmetic3A = arith.constant 1 : i32
        %shift_right_arithmetic3A_764 = vector.broadcast %shift_right_arithmetic3A : i32 to vector<16xi32>
        %shift_right_arithmetic3A_765 = arith.shrsi %bitcast_convert_type3A, %shift_right_arithmetic3A_764 : vector<16xi32>
        %sub3A_766 = arith.constant 1597463007 : i32
        %sub3A_767 = vector.broadcast %sub3A_766 : i32 to vector<16xi32>
        %sub3A_768 = arith.subi %sub3A_767, %shift_right_arithmetic3A_765 : vector<16xi32>
        %bitcast_convert_type3A_769 = tpu.bitcast %sub3A_768 : vector<16xi32> -> vector<16xf32>
        %mul3A_770 = arith.constant 5.000000e-01 : f32
        %mul3A_771 = vector.broadcast %mul3A_770 : f32 to vector<16xf32>
        %mul3A_772 = arith.mulf %mul3A_771, %add3A_763 : vector<16xf32>
        %mul3A_773 = arith.mulf %mul3A_772, %bitcast_convert_type3A_769 : vector<16xf32>
        %mul3A_774 = arith.mulf %mul3A_773, %bitcast_convert_type3A_769 : vector<16xf32>
        %sub3A_775 = arith.constant 1.500000e+00 : f32
        %sub3A_776 = vector.broadcast %sub3A_775 : f32 to vector<16xf32>
        %sub3A_777 = arith.subf %sub3A_776, %mul3A_774 : vector<16xf32>
        %mul3A_778 = arith.mulf %bitcast_convert_type3A_769, %sub3A_777 : vector<16xf32>
        %mul3A_779 = arith.constant 5.000000e-01 : f32
        %mul3A_780 = vector.broadcast %mul3A_779 : f32 to vector<16xf32>
        %mul3A_781 = arith.mulf %mul3A_780, %add3A_763 : vector<16xf32>
        %mul3A_782 = arith.mulf %mul3A_781, %mul3A_778 : vector<16xf32>
        %mul3A_783 = arith.mulf %mul3A_782, %mul3A_778 : vector<16xf32>
        %sub3A_784 = arith.constant 1.500000e+00 : f32
        %sub3A_785 = vector.broadcast %sub3A_784 : f32 to vector<16xf32>
        %sub3A_786 = arith.subf %sub3A_785, %mul3A_783 : vector<16xf32>
        %mul3A_787 = arith.mulf %mul3A_778, %sub3A_786 : vector<16xf32>
        %mul3A_788 = arith.constant 5.000000e-01 : f32
        %mul3A_789 = vector.broadcast %mul3A_788 : f32 to vector<16xf32>
        %mul3A_790 = arith.mulf %mul3A_789, %add3A_763 : vector<16xf32>
        %mul3A_791 = arith.mulf %mul3A_790, %mul3A_787 : vector<16xf32>
        %mul3A_792 = arith.mulf %mul3A_791, %mul3A_787 : vector<16xf32>
        %sub3A_793 = arith.constant 1.500000e+00 : f32
        %sub3A_794 = vector.broadcast %sub3A_793 : f32 to vector<16xf32>
        %sub3A_795 = arith.subf %sub3A_794, %mul3A_792 : vector<16xf32>
        %mul3A_796 = arith.mulf %mul3A_787, %sub3A_795 : vector<16xf32>
        %sub3A_797 = arith.subf %add3A_560, %mul3A_755 : vector<16xf32>
        %mul3A_798 = arith.mulf %sub3A_797, %mul3A_796 : vector<16xf32>
        %mul3A_799 = arith.mulf %mul3A_798, %get3A_6 : vector<16xf32>
        %add3A_800 = arith.addf %mul3A_799, %get3A_30 : vector<16xf32>
        %add3A_801 = arith.constant 0 : i32
        %add3A_802 = arith.addi %add3A_801, %scan3A_539 : i32
        %swap3A = arith.constant 2 : i32
        %swap3A_803 = arith.index_cast %add3A_802 : i32 to index
        %swap3A_804 = arith.index_cast %swap3A : i32 to index
        %swap3A_805 = arith.constant 0 : index
        %swap3A_806 = tpu.vector_load %arg17[%swap3A_803, %swap3A_804, %swap3A_805] {strides = array<i32>} : memref<32x4x128xf32, #tpu.memory_space<vmem>>, vector<1x1x16xf32>,
        %swap3A_807 = vector.shape_cast %swap3A_806 : vector<1x1x16xf32> to vector<16xf32>
        %swap3A_808 = vector.shape_cast %add3A_800 : vector<16xf32> to vector<1x1x16xf32>
        tpu.vector_store %arg17[%swap3A_803, %swap3A_804, %swap3A_805], %swap3A_808 {strides = array<i32>} : memref<32x4x128xf32, #tpu.memory_space<vmem>>, vector<1x1x16xf32>,
        %sub3A_809 = arith.subf %add3A_571, %mul3A_755 : vector<16xf32>
        %mul3A_810 = arith.mulf %sub3A_809, %mul3A_796 : vector<16xf32>
        %mul3A_811 = arith.mulf %mul3A_810, %get3A_9 : vector<16xf32>
        %add3A_812 = arith.addf %mul3A_811, %get3A_33 : vector<16xf32>
        %add3A_813 = arith.constant 0 : i32
        %add3A_814 = arith.addi %add3A_813, %scan3A_539 : i32
        %swap3A_815 = arith.constant 2 : i32
        %swap3A_816 = arith.index_cast %add3A_814 : i32 to index
        %swap3A_817 = arith.index_cast %swap3A_815 : i32 to index
        %swap3A_818 = arith.constant 16 : index
        %swap3A_819 = tpu.vector_load %arg17[%swap3A_816, %swap3A_817, %swap3A_818] {strides = array<i32>} : memref<32x4x128xf32, #tpu.memory_space<vmem>>, vector<1x1x16xf32>,
        %swap3A_820 = vector.shape_cast %swap3A_819 : vector<1x1x16xf32> to vector<16xf32>
        %swap3A_821 = vector.shape_cast %add3A_812 : vector<16xf32> to vector<1x1x16xf32>
        tpu.vector_store %arg17[%swap3A_816, %swap3A_817, %swap3A_818], %swap3A_821 {strides = array<i32>} : memref<32x4x128xf32, #tpu.memory_space<vmem>>, vector<1x1x16xf32>,
        %sub3A_822 = arith.subf %add3A_582, %mul3A_755 : vector<16xf32>
        %mul3A_823 = arith.mulf %sub3A_822, %mul3A_796 : vector<16xf32>
        %mul3A_824 = arith.mulf %mul3A_823, %get3A_12 : vector<16xf32>
        %add3A_825 = arith.addf %mul3A_824, %get3A_36 : vector<16xf32>
        %add3A_826 = arith.constant 0 : i32
        %add3A_827 = arith.addi %add3A_826, %scan3A_539 : i32
        %swap3A_828 = arith.constant 2 : i32
        %swap3A_829 = arith.index_cast %add3A_827 : i32 to index
        %swap3A_830 = arith.index_cast %swap3A_828 : i32 to index
        %swap3A_831 = arith.constant 32 : index
        %swap3A_832 = tpu.vector_load %arg17[%swap3A_829, %swap3A_830, %swap3A_831] {strides = array<i32>} : memref<32x4x128xf32, #tpu.memory_space<vmem>>, vector<1x1x16xf32>,
        %swap3A_833 = vector.shape_cast %swap3A_832 : vector<1x1x16xf32> to vector<16xf32>
        %swap3A_834 = vector.shape_cast %add3A_825 : vector<16xf32> to vector<1x1x16xf32>
        tpu.vector_store %arg17[%swap3A_829, %swap3A_830, %swap3A_831], %swap3A_834 {strides = array<i32>} : memref<32x4x128xf32, #tpu.memory_space<vmem>>, vector<1x1x16xf32>,
        %sub3A_835 = arith.subf %add3A_593, %mul3A_755 : vector<16xf32>
        %mul3A_836 = arith.mulf %sub3A_835, %mul3A_796 : vector<16xf32>
        %mul3A_837 = arith.mulf %mul3A_836, %get3A_15 : vector<16xf32>
        %add3A_838 = arith.addf %mul3A_837, %get3A_39 : vector<16xf32>
        %add3A_839 = arith.constant 0 : i32
        %add3A_840 = arith.addi %add3A_839, %scan3A_539 : i32
        %swap3A_841 = arith.constant 2 : i32
        %swap3A_842 = arith.index_cast %add3A_840 : i32 to index
        %swap3A_843 = arith.index_cast %swap3A_841 : i32 to index
        %swap3A_844 = arith.constant 48 : index
        %swap3A_845 = tpu.vector_load %arg17[%swap3A_842, %swap3A_843, %swap3A_844] {strides = array<i32>} : memref<32x4x128xf32, #tpu.memory_space<vmem>>, vector<1x1x16xf32>,
        %swap3A_846 = vector.shape_cast %swap3A_845 : vector<1x1x16xf32> to vector<16xf32>
        %swap3A_847 = vector.shape_cast %add3A_838 : vector<16xf32> to vector<1x1x16xf32>
        tpu.vector_store %arg17[%swap3A_842, %swap3A_843, %swap3A_844], %swap3A_847 {strides = array<i32>} : memref<32x4x128xf32, #tpu.memory_space<vmem>>, vector<1x1x16xf32>,
        %sub3A_848 = arith.subf %add3A_604, %mul3A_755 : vector<16xf32>
        %mul3A_849 = arith.mulf %sub3A_848, %mul3A_796 : vector<16xf32>
        %mul3A_850 = arith.mulf %mul3A_849, %get3A_18 : vector<16xf32>
        %add3A_851 = arith.addf %mul3A_850, %get3A_42 : vector<16xf32>
        %add3A_852 = arith.constant 0 : i32
        %add3A_853 = arith.addi %add3A_852, %scan3A_539 : i32
        %swap3A_854 = arith.constant 2 : i32
        %swap3A_855 = arith.index_cast %add3A_853 : i32 to index
        %swap3A_856 = arith.index_cast %swap3A_854 : i32 to index
        %swap3A_857 = arith.constant 64 : index
        %swap3A_858 = tpu.vector_load %arg17[%swap3A_855, %swap3A_856, %swap3A_857] {strides = array<i32>} : memref<32x4x128xf32, #tpu.memory_space<vmem>>, vector<1x1x16xf32>,
        %swap3A_859 = vector.shape_cast %swap3A_858 : vector<1x1x16xf32> to vector<16xf32>
        %swap3A_860 = vector.shape_cast %add3A_851 : vector<16xf32> to vector<1x1x16xf32>
        tpu.vector_store %arg17[%swap3A_855, %swap3A_856, %swap3A_857], %swap3A_860 {strides = array<i32>} : memref<32x4x128xf32, #tpu.memory_space<vmem>>, vector<1x1x16xf32>,
        %sub3A_861 = arith.subf %add3A_615, %mul3A_755 : vector<16xf32>
        %mul3A_862 = arith.mulf %sub3A_861, %mul3A_796 : vector<16xf32>
        %mul3A_863 = arith.mulf %mul3A_862, %get3A_21 : vector<16xf32>
        %add3A_864 = arith.addf %mul3A_863, %get3A_45 : vector<16xf32>
        %add3A_865 = arith.constant 0 : i32
        %add3A_866 = arith.addi %add3A_865, %scan3A_539 : i32
        %swap3A_867 = arith.constant 2 : i32
        %swap3A_868 = arith.index_cast %add3A_866 : i32 to index
        %swap3A_869 = arith.index_cast %swap3A_867 : i32 to index
        %swap3A_870 = arith.constant 80 : index
        %swap3A_871 = tpu.vector_load %arg17[%swap3A_868, %swap3A_869, %swap3A_870] {strides = array<i32>} : memref<32x4x128xf32, #tpu.memory_space<vmem>>, vector<1x1x16xf32>,
        %swap3A_872 = vector.shape_cast %swap3A_871 : vector<1x1x16xf32> to vector<16xf32>
        %swap3A_873 = vector.shape_cast %add3A_864 : vector<16xf32> to vector<1x1x16xf32>
        tpu.vector_store %arg17[%swap3A_868, %swap3A_869, %swap3A_870], %swap3A_873 {strides = array<i32>} : memref<32x4x128xf32, #tpu.memory_space<vmem>>, vector<1x1x16xf32>,
        %sub3A_874 = arith.subf %add3A_626, %mul3A_755 : vector<16xf32>
        %mul3A_875 = arith.mulf %sub3A_874, %mul3A_796 : vector<16xf32>
        %mul3A_876 = arith.mulf %mul3A_875, %get3A_24 : vector<16xf32>
        %add3A_877 = arith.addf %mul3A_876, %get3A_48 : vector<16xf32>
        %add3A_878 = arith.constant 0 : i32
        %add3A_879 = arith.addi %add3A_878, %scan3A_539 : i32
        %swap3A_880 = arith.constant 2 : i32
        %swap3A_881 = arith.index_cast %add3A_879 : i32 to index
        %swap3A_882 = arith.index_cast %swap3A_880 : i32 to index
        %swap3A_883 = arith.constant 96 : index
        %swap3A_884 = tpu.vector_load %arg17[%swap3A_881, %swap3A_882, %swap3A_883] {strides = array<i32>} : memref<32x4x128xf32, #tpu.memory_space<vmem>>, vector<1x1x16xf32>,
        %swap3A_885 = vector.shape_cast %swap3A_884 : vector<1x1x16xf32> to vector<16xf32>
        %swap3A_886 = vector.shape_cast %add3A_877 : vector<16xf32> to vector<1x1x16xf32>
        tpu.vector_store %arg17[%swap3A_881, %swap3A_882, %swap3A_883], %swap3A_886 {strides = array<i32>} : memref<32x4x128xf32, #tpu.memory_space<vmem>>, vector<1x1x16xf32>,
        %sub3A_887 = arith.subf %add3A_637, %mul3A_755 : vector<16xf32>
        %mul3A_888 = arith.mulf %sub3A_887, %mul3A_796 : vector<16xf32>
        %mul3A_889 = arith.mulf %mul3A_888, %get3A_27 : vector<16xf32>
        %add3A_890 = arith.addf %mul3A_889, %get3A_51 : vector<16xf32>
        %add3A_891 = arith.constant 0 : i32
        %add3A_892 = arith.addi %add3A_891, %scan3A_539 : i32
        %swap3A_893 = arith.constant 2 : i32
        %swap3A_894 = arith.index_cast %add3A_892 : i32 to index
        %swap3A_895 = arith.index_cast %swap3A_893 : i32 to index
        %swap3A_896 = arith.constant 112 : index
        %swap3A_897 = tpu.vector_load %arg17[%swap3A_894, %swap3A_895, %swap3A_896] {strides = array<i32>} : memref<32x4x128xf32, #tpu.memory_space<vmem>>, vector<1x1x16xf32>,
        %swap3A_898 = vector.shape_cast %swap3A_897 : vector<1x1x16xf32> to vector<16xf32>
        %swap3A_899 = vector.shape_cast %add3A_890 : vector<16xf32> to vector<1x1x16xf32>
        tpu.vector_store %arg17[%swap3A_894, %swap3A_895, %swap3A_896], %swap3A_899 {strides = array<i32>} : memref<32x4x128xf32, #tpu.memory_space<vmem>>, vector<1x1x16xf32>,
      }
      %scan3A_423 = arith.constant 16 : i32
      %mul3A_424 = arith.constant 128 : i32
      %mul3A_425 = arith.muli %scan3A_144, %mul3A_424 : i32
      %add3A_426 = arith.constant 64 : i32
      %add3A_427 = arith.addi %mul3A_425, %add3A_426 : i32
      %add3A_428 = arith.constant 16 : i32
      %add3A_429 = arith.addi %add3A_427, %add3A_428 : i32
      %get3A_430 = arith.index_cast %add3A_429 : i32 to index
      %get3A_431 = tpu.vector_load %arg11[%get3A_430] {strides = array<i32>} : memref<2048xi32, #tpu.memory_space<vmem>>, vector<16xi32>,
      %get3A_432 = vector.shape_cast %get3A_431 : vector<16xi32> to vector<16xi32>
      %convert_element_type3A_433 = arith.sitofp %get3A_432 : vector<16xi32> to vector<16xf32>
      %scan3A_434 = arith.constant 0 : i32
      %scan3A_435 = arith.constant 0 : i32
      %scan3A_436 = arith.constant 16 : i32
      %scan3A_437 = arith.addi %scan3A_435, %scan3A_436 : i32
      %scan3A_438 = arith.constant 1 : i32
      scf.for %scan3A_539 = %scan3A_435 to %scan3A_437 step %scan3A_438  : i32 {
        %add3A_540 = arith.constant 80 : i32
        %add3A_541 = arith.addi %add3A_540, %scan3A_539 : i32
        %broadcast_in_dim3A = vector.broadcast %scan3A_539 : i32 to vector<16xi32>
        %lt3A = arith.constant 0 : i32
        %lt3A_542 = vector.broadcast %lt3A : i32 to vector<16xi32>
        %lt3A_543 = arith.cmpi slt, %broadcast_in_dim3A, %lt3A_542 : vector<16xi32>
        %add3A_544 = arith.constant 16 : i32
        %add3A_545 = vector.broadcast %add3A_544 : i32 to vector<16xi32>
        %add3A_546 = arith.addi %broadcast_in_dim3A, %add3A_545 : vector<16xi32>
        %select_n3A = arith.select %lt3A_543, %add3A_546, %broadcast_in_dim3A : vector<16xi1>, vector<16xi32>
        %broadcast_in_dim3A_547 = vector.shape_cast %select_n3A : vector<16xi32> to vector<16x1xi32>
        %gather3A = vector.shape_cast %broadcast_in_dim3A_547 : vector<16x1xi32> to vector<16xi32>
        %gather3A_548 = tpu.dynamic_gather %convert_element_type3A_433[%gather3A] in [0] : vector<16xf32>, vector<16xi32> -> vector<16xf32>
        %broadcast_in_dim3A_549 = arith.constant 0.000000e+00 : f32
        %broadcast_in_dim3A_550 = vector.broadcast %broadcast_in_dim3A_549 : f32 to vector<16xf32>
        %broadcast_in_dim3A_551 = arith.constant 0.000000e+00 : f32
        %broadcast_in_dim3A_552 = vector.broadcast %broadcast_in_dim3A_551 : f32 to vector<16xf32>
        %get3A_553 = arith.index_cast %add3A_541 : i32 to index
        %get3A_554 = arith.constant 0 : index
        %get3A_555 = tpu.vector_load %arg16[%get3A_553, %get3A_554] {strides = array<i32>} : memref<128x128xf32, #tpu.memory_space<vmem>>, vector<1x16xf32>,
        %get3A_556 = vector.shape_cast %get3A_555 : vector<1x16xf32> to vector<16xf32>
        %add3A_557 = arith.addf %get3A_556, %get3A_351 : vector<16xf32>
        %mul3A_558 = arith.mulf %gather3A_548, %sub3A : vector<16xf32>
        %add3A_559 = arith.addf %get3A_56, %mul3A_558 : vector<16xf32>
        %add3A_560 = arith.addf %add3A_557, %add3A_559 : vector<16xf32>
        %add3A_561 = arith.addf %broadcast_in_dim3A_550, %add3A_560 : vector<16xf32>
        %mul3A_562 = arith.mulf %add3A_560, %add3A_560 : vector<16xf32>
        %add3A_563 = arith.addf %broadcast_in_dim3A_552, %mul3A_562 : vector<16xf32>
        %get3A_564 = arith.index_cast %add3A_541 : i32 to index
        %get3A_565 = arith.constant 16 : index
        %get3A_566 = tpu.vector_load %arg16[%get3A_564, %get3A_565] {strides = array<i32>} : memref<128x128xf32, #tpu.memory_space<vmem>>, vector<1x16xf32>,
        %get3A_567 = vector.shape_cast %get3A_566 : vector<1x16xf32> to vector<16xf32>
        %add3A_568 = arith.addf %get3A_567, %get3A_359 : vector<16xf32>
        %mul3A_569 = arith.mulf %gather3A_548, %sub3A_102 : vector<16xf32>
        %add3A_570 = arith.addf %get3A_61, %mul3A_569 : vector<16xf32>
        %add3A_571 = arith.addf %add3A_568, %add3A_570 : vector<16xf32>
        %add3A_572 = arith.addf %add3A_561, %add3A_571 : vector<16xf32>
        %mul3A_573 = arith.mulf %add3A_571, %add3A_571 : vector<16xf32>
        %add3A_574 = arith.addf %add3A_563, %mul3A_573 : vector<16xf32>
        %get3A_575 = arith.index_cast %add3A_541 : i32 to index
        %get3A_576 = arith.constant 32 : index
        %get3A_577 = tpu.vector_load %arg16[%get3A_575, %get3A_576] {strides = array<i32>} : memref<128x128xf32, #tpu.memory_space<vmem>>, vector<1x16xf32>,
        %get3A_578 = vector.shape_cast %get3A_577 : vector<1x16xf32> to vector<16xf32>
        %add3A_579 = arith.addf %get3A_578, %get3A_367 : vector<16xf32>
        %mul3A_580 = arith.mulf %gather3A_548, %sub3A_108 : vector<16xf32>
        %add3A_581 = arith.addf %get3A_66, %mul3A_580 : vector<16xf32>
        %add3A_582 = arith.addf %add3A_579, %add3A_581 : vector<16xf32>
        %add3A_583 = arith.addf %add3A_572, %add3A_582 : vector<16xf32>
        %mul3A_584 = arith.mulf %add3A_582, %add3A_582 : vector<16xf32>
        %add3A_585 = arith.addf %add3A_574, %mul3A_584 : vector<16xf32>
        %get3A_586 = arith.index_cast %add3A_541 : i32 to index
        %get3A_587 = arith.constant 48 : index
        %get3A_588 = tpu.vector_load %arg16[%get3A_586, %get3A_587] {strides = array<i32>} : memref<128x128xf32, #tpu.memory_space<vmem>>, vector<1x16xf32>,
        %get3A_589 = vector.shape_cast %get3A_588 : vector<1x16xf32> to vector<16xf32>
        %add3A_590 = arith.addf %get3A_589, %get3A_375 : vector<16xf32>
        %mul3A_591 = arith.mulf %gather3A_548, %sub3A_114 : vector<16xf32>
        %add3A_592 = arith.addf %get3A_71, %mul3A_591 : vector<16xf32>
        %add3A_593 = arith.addf %add3A_590, %add3A_592 : vector<16xf32>
        %add3A_594 = arith.addf %add3A_583, %add3A_593 : vector<16xf32>
        %mul3A_595 = arith.mulf %add3A_593, %add3A_593 : vector<16xf32>
        %add3A_596 = arith.addf %add3A_585, %mul3A_595 : vector<16xf32>
        %get3A_597 = arith.index_cast %add3A_541 : i32 to index
        %get3A_598 = arith.constant 64 : index
        %get3A_599 = tpu.vector_load %arg16[%get3A_597, %get3A_598] {strides = array<i32>} : memref<128x128xf32, #tpu.memory_space<vmem>>, vector<1x16xf32>,
        %get3A_600 = vector.shape_cast %get3A_599 : vector<1x16xf32> to vector<16xf32>
        %add3A_601 = arith.addf %get3A_600, %get3A_383 : vector<16xf32>
        %mul3A_602 = arith.mulf %gather3A_548, %sub3A_120 : vector<16xf32>
        %add3A_603 = arith.addf %get3A_76, %mul3A_602 : vector<16xf32>
        %add3A_604 = arith.addf %add3A_601, %add3A_603 : vector<16xf32>
        %add3A_605 = arith.addf %add3A_594, %add3A_604 : vector<16xf32>
        %mul3A_606 = arith.mulf %add3A_604, %add3A_604 : vector<16xf32>
        %add3A_607 = arith.addf %add3A_596, %mul3A_606 : vector<16xf32>
        %get3A_608 = arith.index_cast %add3A_541 : i32 to index
        %get3A_609 = arith.constant 80 : index
        %get3A_610 = tpu.vector_load %arg16[%get3A_608, %get3A_609] {strides = array<i32>} : memref<128x128xf32, #tpu.memory_space<vmem>>, vector<1x16xf32>,
        %get3A_611 = vector.shape_cast %get3A_610 : vector<1x16xf32> to vector<16xf32>
        %add3A_612 = arith.addf %get3A_611, %get3A_391 : vector<16xf32>
        %mul3A_613 = arith.mulf %gather3A_548, %sub3A_126 : vector<16xf32>
        %add3A_614 = arith.addf %get3A_81, %mul3A_613 : vector<16xf32>
        %add3A_615 = arith.addf %add3A_612, %add3A_614 : vector<16xf32>
        %add3A_616 = arith.addf %add3A_605, %add3A_615 : vector<16xf32>
        %mul3A_617 = arith.mulf %add3A_615, %add3A_615 : vector<16xf32>
        %add3A_618 = arith.addf %add3A_607, %mul3A_617 : vector<16xf32>
        %get3A_619 = arith.index_cast %add3A_541 : i32 to index
        %get3A_620 = arith.constant 96 : index
        %get3A_621 = tpu.vector_load %arg16[%get3A_619, %get3A_620] {strides = array<i32>} : memref<128x128xf32, #tpu.memory_space<vmem>>, vector<1x16xf32>,
        %get3A_622 = vector.shape_cast %get3A_621 : vector<1x16xf32> to vector<16xf32>
        %add3A_623 = arith.addf %get3A_622, %get3A_399 : vector<16xf32>
        %mul3A_624 = arith.mulf %gather3A_548, %sub3A_132 : vector<16xf32>
        %add3A_625 = arith.addf %get3A_86, %mul3A_624 : vector<16xf32>
        %add3A_626 = arith.addf %add3A_623, %add3A_625 : vector<16xf32>
        %add3A_627 = arith.addf %add3A_616, %add3A_626 : vector<16xf32>
        %mul3A_628 = arith.mulf %add3A_626, %add3A_626 : vector<16xf32>
        %add3A_629 = arith.addf %add3A_618, %mul3A_628 : vector<16xf32>
        %get3A_630 = arith.index_cast %add3A_541 : i32 to index
        %get3A_631 = arith.constant 112 : index
        %get3A_632 = tpu.vector_load %arg16[%get3A_630, %get3A_631] {strides = array<i32>} : memref<128x128xf32, #tpu.memory_space<vmem>>, vector<1x16xf32>,
        %get3A_633 = vector.shape_cast %get3A_632 : vector<1x16xf32> to vector<16xf32>
        %add3A_634 = arith.addf %get3A_633, %get3A_407 : vector<16xf32>
        %mul3A_635 = arith.mulf %gather3A_548, %sub3A_138 : vector<16xf32>
        %add3A_636 = arith.addf %get3A_91, %mul3A_635 : vector<16xf32>
        %add3A_637 = arith.addf %add3A_634, %add3A_636 : vector<16xf32>
        %add3A_638 = arith.addf %add3A_627, %add3A_637 : vector<16xf32>
        %mul3A_639 = arith.mulf %add3A_637, %add3A_637 : vector<16xf32>
        %add3A_640 = arith.addf %add3A_629, %mul3A_639 : vector<16xf32>
        %iota3A = tpu.iota {dimensions = array<i32: 0>} : vector<16xi32>
        %xor3A = arith.constant 8 : i32
        %xor3A_641 = vector.broadcast %xor3A : i32 to vector<16xi32>
        %xor3A_642 = arith.xori %iota3A, %xor3A_641 : vector<16xi32>
        %lt3A_643 = arith.constant 0 : i32
        %lt3A_644 = vector.broadcast %lt3A_643 : i32 to vector<16xi32>
        %lt3A_645 = arith.cmpi slt, %xor3A_642, %lt3A_644 : vector<16xi32>
        %add3A_646 = arith.constant 16 : i32
        %add3A_647 = vector.broadcast %add3A_646 : i32 to vector<16xi32>
        %add3A_648 = arith.addi %xor3A_642, %add3A_647 : vector<16xi32>
        %select_n3A_649 = arith.select %lt3A_645, %add3A_648, %xor3A_642 : vector<16xi1>, vector<16xi32>
        %broadcast_in_dim3A_650 = vector.shape_cast %select_n3A_649 : vector<16xi32> to vector<16x1xi32>
        %gather3A_651 = vector.shape_cast %broadcast_in_dim3A_650 : vector<16x1xi32> to vector<16xi32>
        %gather3A_652 = tpu.dynamic_gather %add3A_638[%gather3A_651] in [0] : vector<16xf32>, vector<16xi32> -> vector<16xf32>
        %add3A_653 = arith.addf %add3A_638, %gather3A_652 : vector<16xf32>
        %xor3A_654 = arith.constant 4 : i32
        %xor3A_655 = vector.broadcast %xor3A_654 : i32 to vector<16xi32>
        %xor3A_656 = arith.xori %iota3A, %xor3A_655 : vector<16xi32>
        %lt3A_657 = arith.constant 0 : i32
        %lt3A_658 = vector.broadcast %lt3A_657 : i32 to vector<16xi32>
        %lt3A_659 = arith.cmpi slt, %xor3A_656, %lt3A_658 : vector<16xi32>
        %add3A_660 = arith.constant 16 : i32
        %add3A_661 = vector.broadcast %add3A_660 : i32 to vector<16xi32>
        %add3A_662 = arith.addi %xor3A_656, %add3A_661 : vector<16xi32>
        %select_n3A_663 = arith.select %lt3A_659, %add3A_662, %xor3A_656 : vector<16xi1>, vector<16xi32>
        %broadcast_in_dim3A_664 = vector.shape_cast %select_n3A_663 : vector<16xi32> to vector<16x1xi32>
        %gather3A_665 = vector.shape_cast %broadcast_in_dim3A_664 : vector<16x1xi32> to vector<16xi32>
        %gather3A_666 = tpu.dynamic_gather %add3A_653[%gather3A_665] in [0] : vector<16xf32>, vector<16xi32> -> vector<16xf32>
        %add3A_667 = arith.addf %add3A_653, %gather3A_666 : vector<16xf32>
        %xor3A_668 = arith.constant 2 : i32
        %xor3A_669 = vector.broadcast %xor3A_668 : i32 to vector<16xi32>
        %xor3A_670 = arith.xori %iota3A, %xor3A_669 : vector<16xi32>
        %lt3A_671 = arith.constant 0 : i32
        %lt3A_672 = vector.broadcast %lt3A_671 : i32 to vector<16xi32>
        %lt3A_673 = arith.cmpi slt, %xor3A_670, %lt3A_672 : vector<16xi32>
        %add3A_674 = arith.constant 16 : i32
        %add3A_675 = vector.broadcast %add3A_674 : i32 to vector<16xi32>
        %add3A_676 = arith.addi %xor3A_670, %add3A_675 : vector<16xi32>
        %select_n3A_677 = arith.select %lt3A_673, %add3A_676, %xor3A_670 : vector<16xi1>, vector<16xi32>
        %broadcast_in_dim3A_678 = vector.shape_cast %select_n3A_677 : vector<16xi32> to vector<16x1xi32>
        %gather3A_679 = vector.shape_cast %broadcast_in_dim3A_678 : vector<16x1xi32> to vector<16xi32>
        %gather3A_680 = tpu.dynamic_gather %add3A_667[%gather3A_679] in [0] : vector<16xf32>, vector<16xi32> -> vector<16xf32>
        %add3A_681 = arith.addf %add3A_667, %gather3A_680 : vector<16xf32>
        %xor3A_682 = arith.constant 1 : i32
        %xor3A_683 = vector.broadcast %xor3A_682 : i32 to vector<16xi32>
        %xor3A_684 = arith.xori %iota3A, %xor3A_683 : vector<16xi32>
        %lt3A_685 = arith.constant 0 : i32
        %lt3A_686 = vector.broadcast %lt3A_685 : i32 to vector<16xi32>
        %lt3A_687 = arith.cmpi slt, %xor3A_684, %lt3A_686 : vector<16xi32>
        %add3A_688 = arith.constant 16 : i32
        %add3A_689 = vector.broadcast %add3A_688 : i32 to vector<16xi32>
        %add3A_690 = arith.addi %xor3A_684, %add3A_689 : vector<16xi32>
        %select_n3A_691 = arith.select %lt3A_687, %add3A_690, %xor3A_684 : vector<16xi1>, vector<16xi32>
        %broadcast_in_dim3A_692 = vector.shape_cast %select_n3A_691 : vector<16xi32> to vector<16x1xi32>
        %gather3A_693 = vector.shape_cast %broadcast_in_dim3A_692 : vector<16x1xi32> to vector<16xi32>
        %gather3A_694 = tpu.dynamic_gather %add3A_681[%gather3A_693] in [0] : vector<16xf32>, vector<16xi32> -> vector<16xf32>
        %add3A_695 = arith.addf %add3A_681, %gather3A_694 : vector<16xf32>
        %iota3A_696 = tpu.iota {dimensions = array<i32: 0>} : vector<16xi32>
        %xor3A_697 = arith.constant 8 : i32
        %xor3A_698 = vector.broadcast %xor3A_697 : i32 to vector<16xi32>
        %xor3A_699 = arith.xori %iota3A_696, %xor3A_698 : vector<16xi32>
        %lt3A_700 = arith.constant 0 : i32
        %lt3A_701 = vector.broadcast %lt3A_700 : i32 to vector<16xi32>
        %lt3A_702 = arith.cmpi slt, %xor3A_699, %lt3A_701 : vector<16xi32>
        %add3A_703 = arith.constant 16 : i32
        %add3A_704 = vector.broadcast %add3A_703 : i32 to vector<16xi32>
        %add3A_705 = arith.addi %xor3A_699, %add3A_704 : vector<16xi32>
        %select_n3A_706 = arith.select %lt3A_702, %add3A_705, %xor3A_699 : vector<16xi1>, vector<16xi32>
        %broadcast_in_dim3A_707 = vector.shape_cast %select_n3A_706 : vector<16xi32> to vector<16x1xi32>
        %gather3A_708 = vector.shape_cast %broadcast_in_dim3A_707 : vector<16x1xi32> to vector<16xi32>
        %gather3A_709 = tpu.dynamic_gather %add3A_640[%gather3A_708] in [0] : vector<16xf32>, vector<16xi32> -> vector<16xf32>
        %add3A_710 = arith.addf %add3A_640, %gather3A_709 : vector<16xf32>
        %xor3A_711 = arith.constant 4 : i32
        %xor3A_712 = vector.broadcast %xor3A_711 : i32 to vector<16xi32>
        %xor3A_713 = arith.xori %iota3A_696, %xor3A_712 : vector<16xi32>
        %lt3A_714 = arith.constant 0 : i32
        %lt3A_715 = vector.broadcast %lt3A_714 : i32 to vector<16xi32>
        %lt3A_716 = arith.cmpi slt, %xor3A_713, %lt3A_715 : vector<16xi32>
        %add3A_717 = arith.constant 16 : i32
        %add3A_718 = vector.broadcast %add3A_717 : i32 to vector<16xi32>
        %add3A_719 = arith.addi %xor3A_713, %add3A_718 : vector<16xi32>
        %select_n3A_720 = arith.select %lt3A_716, %add3A_719, %xor3A_713 : vector<16xi1>, vector<16xi32>
        %broadcast_in_dim3A_721 = vector.shape_cast %select_n3A_720 : vector<16xi32> to vector<16x1xi32>
        %gather3A_722 = vector.shape_cast %broadcast_in_dim3A_721 : vector<16x1xi32> to vector<16xi32>
        %gather3A_723 = tpu.dynamic_gather %add3A_710[%gather3A_722] in [0] : vector<16xf32>, vector<16xi32> -> vector<16xf32>
        %add3A_724 = arith.addf %add3A_710, %gather3A_723 : vector<16xf32>
        %xor3A_725 = arith.constant 2 : i32
        %xor3A_726 = vector.broadcast %xor3A_725 : i32 to vector<16xi32>
        %xor3A_727 = arith.xori %iota3A_696, %xor3A_726 : vector<16xi32>
        %lt3A_728 = arith.constant 0 : i32
        %lt3A_729 = vector.broadcast %lt3A_728 : i32 to vector<16xi32>
        %lt3A_730 = arith.cmpi slt, %xor3A_727, %lt3A_729 : vector<16xi32>
        %add3A_731 = arith.constant 16 : i32
        %add3A_732 = vector.broadcast %add3A_731 : i32 to vector<16xi32>
        %add3A_733 = arith.addi %xor3A_727, %add3A_732 : vector<16xi32>
        %select_n3A_734 = arith.select %lt3A_730, %add3A_733, %xor3A_727 : vector<16xi1>, vector<16xi32>
        %broadcast_in_dim3A_735 = vector.shape_cast %select_n3A_734 : vector<16xi32> to vector<16x1xi32>
        %gather3A_736 = vector.shape_cast %broadcast_in_dim3A_735 : vector<16x1xi32> to vector<16xi32>
        %gather3A_737 = tpu.dynamic_gather %add3A_724[%gather3A_736] in [0] : vector<16xf32>, vector<16xi32> -> vector<16xf32>
        %add3A_738 = arith.addf %add3A_724, %gather3A_737 : vector<16xf32>
        %xor3A_739 = arith.constant 1 : i32
        %xor3A_740 = vector.broadcast %xor3A_739 : i32 to vector<16xi32>
        %xor3A_741 = arith.xori %iota3A_696, %xor3A_740 : vector<16xi32>
        %lt3A_742 = arith.constant 0 : i32
        %lt3A_743 = vector.broadcast %lt3A_742 : i32 to vector<16xi32>
        %lt3A_744 = arith.cmpi slt, %xor3A_741, %lt3A_743 : vector<16xi32>
        %add3A_745 = arith.constant 16 : i32
        %add3A_746 = vector.broadcast %add3A_745 : i32 to vector<16xi32>
        %add3A_747 = arith.addi %xor3A_741, %add3A_746 : vector<16xi32>
        %select_n3A_748 = arith.select %lt3A_744, %add3A_747, %xor3A_741 : vector<16xi1>, vector<16xi32>
        %broadcast_in_dim3A_749 = vector.shape_cast %select_n3A_748 : vector<16xi32> to vector<16x1xi32>
        %gather3A_750 = vector.shape_cast %broadcast_in_dim3A_749 : vector<16x1xi32> to vector<16xi32>
        %gather3A_751 = tpu.dynamic_gather %add3A_738[%gather3A_750] in [0] : vector<16xf32>, vector<16xi32> -> vector<16xf32>
        %add3A_752 = arith.addf %add3A_738, %gather3A_751 : vector<16xf32>
        %mul3A_753 = arith.constant 7.812500e-03 : f32
        %mul3A_754 = vector.broadcast %mul3A_753 : f32 to vector<16xf32>
        %mul3A_755 = arith.mulf %add3A_695, %mul3A_754 : vector<16xf32>
        %mul3A_756 = arith.constant 7.812500e-03 : f32
        %mul3A_757 = vector.broadcast %mul3A_756 : f32 to vector<16xf32>
        %mul3A_758 = arith.mulf %add3A_752, %mul3A_757 : vector<16xf32>
        %mul3A_759 = arith.mulf %mul3A_755, %mul3A_755 : vector<16xf32>
        %sub3A_760 = arith.subf %mul3A_758, %mul3A_759 : vector<16xf32>
        %add3A_761 = arith.constant 9.99999974E-6 : f32
        %add3A_762 = vector.broadcast %add3A_761 : f32 to vector<16xf32>
        %add3A_763 = arith.addf %sub3A_760, %add3A_762 : vector<16xf32>
        %bitcast_convert_type3A = tpu.bitcast %add3A_763 : vector<16xf32> -> vector<16xi32>
        %shift_right_arithmetic3A = arith.constant 1 : i32
        %shift_right_arithmetic3A_764 = vector.broadcast %shift_right_arithmetic3A : i32 to vector<16xi32>
        %shift_right_arithmetic3A_765 = arith.shrsi %bitcast_convert_type3A, %shift_right_arithmetic3A_764 : vector<16xi32>
        %sub3A_766 = arith.constant 1597463007 : i32
        %sub3A_767 = vector.broadcast %sub3A_766 : i32 to vector<16xi32>
        %sub3A_768 = arith.subi %sub3A_767, %shift_right_arithmetic3A_765 : vector<16xi32>
        %bitcast_convert_type3A_769 = tpu.bitcast %sub3A_768 : vector<16xi32> -> vector<16xf32>
        %mul3A_770 = arith.constant 5.000000e-01 : f32
        %mul3A_771 = vector.broadcast %mul3A_770 : f32 to vector<16xf32>
        %mul3A_772 = arith.mulf %mul3A_771, %add3A_763 : vector<16xf32>
        %mul3A_773 = arith.mulf %mul3A_772, %bitcast_convert_type3A_769 : vector<16xf32>
        %mul3A_774 = arith.mulf %mul3A_773, %bitcast_convert_type3A_769 : vector<16xf32>
        %sub3A_775 = arith.constant 1.500000e+00 : f32
        %sub3A_776 = vector.broadcast %sub3A_775 : f32 to vector<16xf32>
        %sub3A_777 = arith.subf %sub3A_776, %mul3A_774 : vector<16xf32>
        %mul3A_778 = arith.mulf %bitcast_convert_type3A_769, %sub3A_777 : vector<16xf32>
        %mul3A_779 = arith.constant 5.000000e-01 : f32
        %mul3A_780 = vector.broadcast %mul3A_779 : f32 to vector<16xf32>
        %mul3A_781 = arith.mulf %mul3A_780, %add3A_763 : vector<16xf32>
        %mul3A_782 = arith.mulf %mul3A_781, %mul3A_778 : vector<16xf32>
        %mul3A_783 = arith.mulf %mul3A_782, %mul3A_778 : vector<16xf32>
        %sub3A_784 = arith.constant 1.500000e+00 : f32
        %sub3A_785 = vector.broadcast %sub3A_784 : f32 to vector<16xf32>
        %sub3A_786 = arith.subf %sub3A_785, %mul3A_783 : vector<16xf32>
        %mul3A_787 = arith.mulf %mul3A_778, %sub3A_786 : vector<16xf32>
        %mul3A_788 = arith.constant 5.000000e-01 : f32
        %mul3A_789 = vector.broadcast %mul3A_788 : f32 to vector<16xf32>
        %mul3A_790 = arith.mulf %mul3A_789, %add3A_763 : vector<16xf32>
        %mul3A_791 = arith.mulf %mul3A_790, %mul3A_787 : vector<16xf32>
        %mul3A_792 = arith.mulf %mul3A_791, %mul3A_787 : vector<16xf32>
        %sub3A_793 = arith.constant 1.500000e+00 : f32
        %sub3A_794 = vector.broadcast %sub3A_793 : f32 to vector<16xf32>
        %sub3A_795 = arith.subf %sub3A_794, %mul3A_792 : vector<16xf32>
        %mul3A_796 = arith.mulf %mul3A_787, %sub3A_795 : vector<16xf32>
        %sub3A_797 = arith.subf %add3A_560, %mul3A_755 : vector<16xf32>
        %mul3A_798 = arith.mulf %sub3A_797, %mul3A_796 : vector<16xf32>
        %mul3A_799 = arith.mulf %mul3A_798, %get3A_6 : vector<16xf32>
        %add3A_800 = arith.addf %mul3A_799, %get3A_30 : vector<16xf32>
        %add3A_801 = arith.constant 16 : i32
        %add3A_802 = arith.addi %add3A_801, %scan3A_539 : i32
        %swap3A = arith.constant 2 : i32
        %swap3A_803 = arith.index_cast %add3A_802 : i32 to index
        %swap3A_804 = arith.index_cast %swap3A : i32 to index
        %swap3A_805 = arith.constant 0 : index
        %swap3A_806 = tpu.vector_load %arg17[%swap3A_803, %swap3A_804, %swap3A_805] {strides = array<i32>} : memref<32x4x128xf32, #tpu.memory_space<vmem>>, vector<1x1x16xf32>,
        %swap3A_807 = vector.shape_cast %swap3A_806 : vector<1x1x16xf32> to vector<16xf32>
        %swap3A_808 = vector.shape_cast %add3A_800 : vector<16xf32> to vector<1x1x16xf32>
        tpu.vector_store %arg17[%swap3A_803, %swap3A_804, %swap3A_805], %swap3A_808 {strides = array<i32>} : memref<32x4x128xf32, #tpu.memory_space<vmem>>, vector<1x1x16xf32>,
        %sub3A_809 = arith.subf %add3A_571, %mul3A_755 : vector<16xf32>
        %mul3A_810 = arith.mulf %sub3A_809, %mul3A_796 : vector<16xf32>
        %mul3A_811 = arith.mulf %mul3A_810, %get3A_9 : vector<16xf32>
        %add3A_812 = arith.addf %mul3A_811, %get3A_33 : vector<16xf32>
        %add3A_813 = arith.constant 16 : i32
        %add3A_814 = arith.addi %add3A_813, %scan3A_539 : i32
        %swap3A_815 = arith.constant 2 : i32
        %swap3A_816 = arith.index_cast %add3A_814 : i32 to index
        %swap3A_817 = arith.index_cast %swap3A_815 : i32 to index
        %swap3A_818 = arith.constant 16 : index
        %swap3A_819 = tpu.vector_load %arg17[%swap3A_816, %swap3A_817, %swap3A_818] {strides = array<i32>} : memref<32x4x128xf32, #tpu.memory_space<vmem>>, vector<1x1x16xf32>,
        %swap3A_820 = vector.shape_cast %swap3A_819 : vector<1x1x16xf32> to vector<16xf32>
        %swap3A_821 = vector.shape_cast %add3A_812 : vector<16xf32> to vector<1x1x16xf32>
        tpu.vector_store %arg17[%swap3A_816, %swap3A_817, %swap3A_818], %swap3A_821 {strides = array<i32>} : memref<32x4x128xf32, #tpu.memory_space<vmem>>, vector<1x1x16xf32>,
        %sub3A_822 = arith.subf %add3A_582, %mul3A_755 : vector<16xf32>
        %mul3A_823 = arith.mulf %sub3A_822, %mul3A_796 : vector<16xf32>
        %mul3A_824 = arith.mulf %mul3A_823, %get3A_12 : vector<16xf32>
        %add3A_825 = arith.addf %mul3A_824, %get3A_36 : vector<16xf32>
        %add3A_826 = arith.constant 16 : i32
        %add3A_827 = arith.addi %add3A_826, %scan3A_539 : i32
        %swap3A_828 = arith.constant 2 : i32
        %swap3A_829 = arith.index_cast %add3A_827 : i32 to index
        %swap3A_830 = arith.index_cast %swap3A_828 : i32 to index
        %swap3A_831 = arith.constant 32 : index
        %swap3A_832 = tpu.vector_load %arg17[%swap3A_829, %swap3A_830, %swap3A_831] {strides = array<i32>} : memref<32x4x128xf32, #tpu.memory_space<vmem>>, vector<1x1x16xf32>,
        %swap3A_833 = vector.shape_cast %swap3A_832 : vector<1x1x16xf32> to vector<16xf32>
        %swap3A_834 = vector.shape_cast %add3A_825 : vector<16xf32> to vector<1x1x16xf32>
        tpu.vector_store %arg17[%swap3A_829, %swap3A_830, %swap3A_831], %swap3A_834 {strides = array<i32>} : memref<32x4x128xf32, #tpu.memory_space<vmem>>, vector<1x1x16xf32>,
        %sub3A_835 = arith.subf %add3A_593, %mul3A_755 : vector<16xf32>
        %mul3A_836 = arith.mulf %sub3A_835, %mul3A_796 : vector<16xf32>
        %mul3A_837 = arith.mulf %mul3A_836, %get3A_15 : vector<16xf32>
        %add3A_838 = arith.addf %mul3A_837, %get3A_39 : vector<16xf32>
        %add3A_839 = arith.constant 16 : i32
        %add3A_840 = arith.addi %add3A_839, %scan3A_539 : i32
        %swap3A_841 = arith.constant 2 : i32
        %swap3A_842 = arith.index_cast %add3A_840 : i32 to index
        %swap3A_843 = arith.index_cast %swap3A_841 : i32 to index
        %swap3A_844 = arith.constant 48 : index
        %swap3A_845 = tpu.vector_load %arg17[%swap3A_842, %swap3A_843, %swap3A_844] {strides = array<i32>} : memref<32x4x128xf32, #tpu.memory_space<vmem>>, vector<1x1x16xf32>,
        %swap3A_846 = vector.shape_cast %swap3A_845 : vector<1x1x16xf32> to vector<16xf32>
        %swap3A_847 = vector.shape_cast %add3A_838 : vector<16xf32> to vector<1x1x16xf32>
        tpu.vector_store %arg17[%swap3A_842, %swap3A_843, %swap3A_844], %swap3A_847 {strides = array<i32>} : memref<32x4x128xf32, #tpu.memory_space<vmem>>, vector<1x1x16xf32>,
        %sub3A_848 = arith.subf %add3A_604, %mul3A_755 : vector<16xf32>
        %mul3A_849 = arith.mulf %sub3A_848, %mul3A_796 : vector<16xf32>
        %mul3A_850 = arith.mulf %mul3A_849, %get3A_18 : vector<16xf32>
        %add3A_851 = arith.addf %mul3A_850, %get3A_42 : vector<16xf32>
        %add3A_852 = arith.constant 16 : i32
        %add3A_853 = arith.addi %add3A_852, %scan3A_539 : i32
        %swap3A_854 = arith.constant 2 : i32
        %swap3A_855 = arith.index_cast %add3A_853 : i32 to index
        %swap3A_856 = arith.index_cast %swap3A_854 : i32 to index
        %swap3A_857 = arith.constant 64 : index
        %swap3A_858 = tpu.vector_load %arg17[%swap3A_855, %swap3A_856, %swap3A_857] {strides = array<i32>} : memref<32x4x128xf32, #tpu.memory_space<vmem>>, vector<1x1x16xf32>,
        %swap3A_859 = vector.shape_cast %swap3A_858 : vector<1x1x16xf32> to vector<16xf32>
        %swap3A_860 = vector.shape_cast %add3A_851 : vector<16xf32> to vector<1x1x16xf32>
        tpu.vector_store %arg17[%swap3A_855, %swap3A_856, %swap3A_857], %swap3A_860 {strides = array<i32>} : memref<32x4x128xf32, #tpu.memory_space<vmem>>, vector<1x1x16xf32>,
        %sub3A_861 = arith.subf %add3A_615, %mul3A_755 : vector<16xf32>
        %mul3A_862 = arith.mulf %sub3A_861, %mul3A_796 : vector<16xf32>
        %mul3A_863 = arith.mulf %mul3A_862, %get3A_21 : vector<16xf32>
        %add3A_864 = arith.addf %mul3A_863, %get3A_45 : vector<16xf32>
        %add3A_865 = arith.constant 16 : i32
        %add3A_866 = arith.addi %add3A_865, %scan3A_539 : i32
        %swap3A_867 = arith.constant 2 : i32
        %swap3A_868 = arith.index_cast %add3A_866 : i32 to index
        %swap3A_869 = arith.index_cast %swap3A_867 : i32 to index
        %swap3A_870 = arith.constant 80 : index
        %swap3A_871 = tpu.vector_load %arg17[%swap3A_868, %swap3A_869, %swap3A_870] {strides = array<i32>} : memref<32x4x128xf32, #tpu.memory_space<vmem>>, vector<1x1x16xf32>,
        %swap3A_872 = vector.shape_cast %swap3A_871 : vector<1x1x16xf32> to vector<16xf32>
        %swap3A_873 = vector.shape_cast %add3A_864 : vector<16xf32> to vector<1x1x16xf32>
        tpu.vector_store %arg17[%swap3A_868, %swap3A_869, %swap3A_870], %swap3A_873 {strides = array<i32>} : memref<32x4x128xf32, #tpu.memory_space<vmem>>, vector<1x1x16xf32>,
        %sub3A_874 = arith.subf %add3A_626, %mul3A_755 : vector<16xf32>
        %mul3A_875 = arith.mulf %sub3A_874, %mul3A_796 : vector<16xf32>
        %mul3A_876 = arith.mulf %mul3A_875, %get3A_24 : vector<16xf32>
        %add3A_877 = arith.addf %mul3A_876, %get3A_48 : vector<16xf32>
        %add3A_878 = arith.constant 16 : i32
        %add3A_879 = arith.addi %add3A_878, %scan3A_539 : i32
        %swap3A_880 = arith.constant 2 : i32
        %swap3A_881 = arith.index_cast %add3A_879 : i32 to index
        %swap3A_882 = arith.index_cast %swap3A_880 : i32 to index
        %swap3A_883 = arith.constant 96 : index
        %swap3A_884 = tpu.vector_load %arg17[%swap3A_881, %swap3A_882, %swap3A_883] {strides = array<i32>} : memref<32x4x128xf32, #tpu.memory_space<vmem>>, vector<1x1x16xf32>,
        %swap3A_885 = vector.shape_cast %swap3A_884 : vector<1x1x16xf32> to vector<16xf32>
        %swap3A_886 = vector.shape_cast %add3A_877 : vector<16xf32> to vector<1x1x16xf32>
        tpu.vector_store %arg17[%swap3A_881, %swap3A_882, %swap3A_883], %swap3A_886 {strides = array<i32>} : memref<32x4x128xf32, #tpu.memory_space<vmem>>, vector<1x1x16xf32>,
        %sub3A_887 = arith.subf %add3A_637, %mul3A_755 : vector<16xf32>
        %mul3A_888 = arith.mulf %sub3A_887, %mul3A_796 : vector<16xf32>
        %mul3A_889 = arith.mulf %mul3A_888, %get3A_27 : vector<16xf32>
        %add3A_890 = arith.addf %mul3A_889, %get3A_51 : vector<16xf32>
        %add3A_891 = arith.constant 16 : i32
        %add3A_892 = arith.addi %add3A_891, %scan3A_539 : i32
        %swap3A_893 = arith.constant 2 : i32
        %swap3A_894 = arith.index_cast %add3A_892 : i32 to index
        %swap3A_895 = arith.index_cast %swap3A_893 : i32 to index
        %swap3A_896 = arith.constant 112 : index
        %swap3A_897 = tpu.vector_load %arg17[%swap3A_894, %swap3A_895, %swap3A_896] {strides = array<i32>} : memref<32x4x128xf32, #tpu.memory_space<vmem>>, vector<1x1x16xf32>,
        %swap3A_898 = vector.shape_cast %swap3A_897 : vector<1x1x16xf32> to vector<16xf32>
        %swap3A_899 = vector.shape_cast %add3A_890 : vector<16xf32> to vector<1x1x16xf32>
        tpu.vector_store %arg17[%swap3A_894, %swap3A_895, %swap3A_896], %swap3A_899 {strides = array<i32>} : memref<32x4x128xf32, #tpu.memory_space<vmem>>, vector<1x1x16xf32>,
      }
      %scan3A_439 = arith.constant 16 : i32
      %mul3A_440 = arith.constant 4 : i32
      %mul3A_441 = arith.muli %scan3A_144, %mul3A_440 : i32
      %add3A_442 = arith.constant 3 : i32
      %add3A_443 = arith.addi %mul3A_441, %add3A_442 : i32
      %get3A_444 = arith.index_cast %add3A_443 : i32 to index
      %get3A_445 = arith.constant 0 : index
      %get3A_446 = tpu.vector_load %arg12[%get3A_444, %get3A_445] {strides = array<i32>} : memref<64x128xf32, #tpu.memory_space<vmem>>, vector<1x16xf32>,
      %get3A_447 = vector.shape_cast %get3A_446 : vector<1x16xf32> to vector<16xf32>
      %mul3A_448 = arith.constant 4 : i32
      %mul3A_449 = arith.muli %scan3A_144, %mul3A_448 : i32
      %add3A_450 = arith.constant 3 : i32
      %add3A_451 = arith.addi %mul3A_449, %add3A_450 : i32
      %get3A_452 = arith.index_cast %add3A_451 : i32 to index
      %get3A_453 = arith.constant 16 : index
      %get3A_454 = tpu.vector_load %arg12[%get3A_452, %get3A_453] {strides = array<i32>} : memref<64x128xf32, #tpu.memory_space<vmem>>, vector<1x16xf32>,
      %get3A_455 = vector.shape_cast %get3A_454 : vector<1x16xf32> to vector<16xf32>
      %mul3A_456 = arith.constant 4 : i32
      %mul3A_457 = arith.muli %scan3A_144, %mul3A_456 : i32
      %add3A_458 = arith.constant 3 : i32
      %add3A_459 = arith.addi %mul3A_457, %add3A_458 : i32
      %get3A_460 = arith.index_cast %add3A_459 : i32 to index
      %get3A_461 = arith.constant 32 : index
      %get3A_462 = tpu.vector_load %arg12[%get3A_460, %get3A_461] {strides = array<i32>} : memref<64x128xf32, #tpu.memory_space<vmem>>, vector<1x16xf32>,
      %get3A_463 = vector.shape_cast %get3A_462 : vector<1x16xf32> to vector<16xf32>
      %mul3A_464 = arith.constant 4 : i32
      %mul3A_465 = arith.muli %scan3A_144, %mul3A_464 : i32
      %add3A_466 = arith.constant 3 : i32
      %add3A_467 = arith.addi %mul3A_465, %add3A_466 : i32
      %get3A_468 = arith.index_cast %add3A_467 : i32 to index
      %get3A_469 = arith.constant 48 : index
      %get3A_470 = tpu.vector_load %arg12[%get3A_468, %get3A_469] {strides = array<i32>} : memref<64x128xf32, #tpu.memory_space<vmem>>, vector<1x16xf32>,
      %get3A_471 = vector.shape_cast %get3A_470 : vector<1x16xf32> to vector<16xf32>
      %mul3A_472 = arith.constant 4 : i32
      %mul3A_473 = arith.muli %scan3A_144, %mul3A_472 : i32
      %add3A_474 = arith.constant 3 : i32
      %add3A_475 = arith.addi %mul3A_473, %add3A_474 : i32
      %get3A_476 = arith.index_cast %add3A_475 : i32 to index
      %get3A_477 = arith.constant 64 : index
      %get3A_478 = tpu.vector_load %arg12[%get3A_476, %get3A_477] {strides = array<i32>} : memref<64x128xf32, #tpu.memory_space<vmem>>, vector<1x16xf32>,
      %get3A_479 = vector.shape_cast %get3A_478 : vector<1x16xf32> to vector<16xf32>
      %mul3A_480 = arith.constant 4 : i32
      %mul3A_481 = arith.muli %scan3A_144, %mul3A_480 : i32
      %add3A_482 = arith.constant 3 : i32
      %add3A_483 = arith.addi %mul3A_481, %add3A_482 : i32
      %get3A_484 = arith.index_cast %add3A_483 : i32 to index
      %get3A_485 = arith.constant 80 : index
      %get3A_486 = tpu.vector_load %arg12[%get3A_484, %get3A_485] {strides = array<i32>} : memref<64x128xf32, #tpu.memory_space<vmem>>, vector<1x16xf32>,
      %get3A_487 = vector.shape_cast %get3A_486 : vector<1x16xf32> to vector<16xf32>
      %mul3A_488 = arith.constant 4 : i32
      %mul3A_489 = arith.muli %scan3A_144, %mul3A_488 : i32
      %add3A_490 = arith.constant 3 : i32
      %add3A_491 = arith.addi %mul3A_489, %add3A_490 : i32
      %get3A_492 = arith.index_cast %add3A_491 : i32 to index
      %get3A_493 = arith.constant 96 : index
      %get3A_494 = tpu.vector_load %arg12[%get3A_492, %get3A_493] {strides = array<i32>} : memref<64x128xf32, #tpu.memory_space<vmem>>, vector<1x16xf32>,
      %get3A_495 = vector.shape_cast %get3A_494 : vector<1x16xf32> to vector<16xf32>
      %mul3A_496 = arith.constant 4 : i32
      %mul3A_497 = arith.muli %scan3A_144, %mul3A_496 : i32
      %add3A_498 = arith.constant 3 : i32
      %add3A_499 = arith.addi %mul3A_497, %add3A_498 : i32
      %get3A_500 = arith.index_cast %add3A_499 : i32 to index
      %get3A_501 = arith.constant 112 : index
      %get3A_502 = tpu.vector_load %arg12[%get3A_500, %get3A_501] {strides = array<i32>} : memref<64x128xf32, #tpu.memory_space<vmem>>, vector<1x16xf32>,
      %get3A_503 = vector.shape_cast %get3A_502 : vector<1x16xf32> to vector<16xf32>
      %mul3A_504 = arith.constant 128 : i32
      %mul3A_505 = arith.muli %scan3A_144, %mul3A_504 : i32
      %add3A_506 = arith.constant 96 : i32
      %add3A_507 = arith.addi %mul3A_505, %add3A_506 : i32
      %add3A_508 = arith.constant 0 : i32
      %add3A_509 = arith.addi %add3A_507, %add3A_508 : i32
      %get3A_510 = arith.index_cast %add3A_509 : i32 to index
      %get3A_511 = tpu.vector_load %arg11[%get3A_510] {strides = array<i32>} : memref<2048xi32, #tpu.memory_space<vmem>>, vector<16xi32>,
      %get3A_512 = vector.shape_cast %get3A_511 : vector<16xi32> to vector<16xi32>
      %convert_element_type3A_513 = arith.sitofp %get3A_512 : vector<16xi32> to vector<16xf32>
      %scan3A_514 = arith.constant 0 : i32
      %scan3A_515 = arith.constant 0 : i32
      %scan3A_516 = arith.constant 16 : i32
      %scan3A_517 = arith.addi %scan3A_515, %scan3A_516 : i32
      %scan3A_518 = arith.constant 1 : i32
      scf.for %scan3A_539 = %scan3A_515 to %scan3A_517 step %scan3A_518  : i32 {
        %add3A_540 = arith.constant 96 : i32
        %add3A_541 = arith.addi %add3A_540, %scan3A_539 : i32
        %broadcast_in_dim3A = vector.broadcast %scan3A_539 : i32 to vector<16xi32>
        %lt3A = arith.constant 0 : i32
        %lt3A_542 = vector.broadcast %lt3A : i32 to vector<16xi32>
        %lt3A_543 = arith.cmpi slt, %broadcast_in_dim3A, %lt3A_542 : vector<16xi32>
        %add3A_544 = arith.constant 16 : i32
        %add3A_545 = vector.broadcast %add3A_544 : i32 to vector<16xi32>
        %add3A_546 = arith.addi %broadcast_in_dim3A, %add3A_545 : vector<16xi32>
        %select_n3A = arith.select %lt3A_543, %add3A_546, %broadcast_in_dim3A : vector<16xi1>, vector<16xi32>
        %broadcast_in_dim3A_547 = vector.shape_cast %select_n3A : vector<16xi32> to vector<16x1xi32>
        %gather3A = vector.shape_cast %broadcast_in_dim3A_547 : vector<16x1xi32> to vector<16xi32>
        %gather3A_548 = tpu.dynamic_gather %convert_element_type3A_513[%gather3A] in [0] : vector<16xf32>, vector<16xi32> -> vector<16xf32>
        %broadcast_in_dim3A_549 = arith.constant 0.000000e+00 : f32
        %broadcast_in_dim3A_550 = vector.broadcast %broadcast_in_dim3A_549 : f32 to vector<16xf32>
        %broadcast_in_dim3A_551 = arith.constant 0.000000e+00 : f32
        %broadcast_in_dim3A_552 = vector.broadcast %broadcast_in_dim3A_551 : f32 to vector<16xf32>
        %get3A_553 = arith.index_cast %add3A_541 : i32 to index
        %get3A_554 = arith.constant 0 : index
        %get3A_555 = tpu.vector_load %arg16[%get3A_553, %get3A_554] {strides = array<i32>} : memref<128x128xf32, #tpu.memory_space<vmem>>, vector<1x16xf32>,
        %get3A_556 = vector.shape_cast %get3A_555 : vector<1x16xf32> to vector<16xf32>
        %add3A_557 = arith.addf %get3A_556, %get3A_447 : vector<16xf32>
        %mul3A_558 = arith.mulf %gather3A_548, %sub3A : vector<16xf32>
        %add3A_559 = arith.addf %get3A_56, %mul3A_558 : vector<16xf32>
        %add3A_560 = arith.addf %add3A_557, %add3A_559 : vector<16xf32>
        %add3A_561 = arith.addf %broadcast_in_dim3A_550, %add3A_560 : vector<16xf32>
        %mul3A_562 = arith.mulf %add3A_560, %add3A_560 : vector<16xf32>
        %add3A_563 = arith.addf %broadcast_in_dim3A_552, %mul3A_562 : vector<16xf32>
        %get3A_564 = arith.index_cast %add3A_541 : i32 to index
        %get3A_565 = arith.constant 16 : index
        %get3A_566 = tpu.vector_load %arg16[%get3A_564, %get3A_565] {strides = array<i32>} : memref<128x128xf32, #tpu.memory_space<vmem>>, vector<1x16xf32>,
        %get3A_567 = vector.shape_cast %get3A_566 : vector<1x16xf32> to vector<16xf32>
        %add3A_568 = arith.addf %get3A_567, %get3A_455 : vector<16xf32>
        %mul3A_569 = arith.mulf %gather3A_548, %sub3A_102 : vector<16xf32>
        %add3A_570 = arith.addf %get3A_61, %mul3A_569 : vector<16xf32>
        %add3A_571 = arith.addf %add3A_568, %add3A_570 : vector<16xf32>
        %add3A_572 = arith.addf %add3A_561, %add3A_571 : vector<16xf32>
        %mul3A_573 = arith.mulf %add3A_571, %add3A_571 : vector<16xf32>
        %add3A_574 = arith.addf %add3A_563, %mul3A_573 : vector<16xf32>
        %get3A_575 = arith.index_cast %add3A_541 : i32 to index
        %get3A_576 = arith.constant 32 : index
        %get3A_577 = tpu.vector_load %arg16[%get3A_575, %get3A_576] {strides = array<i32>} : memref<128x128xf32, #tpu.memory_space<vmem>>, vector<1x16xf32>,
        %get3A_578 = vector.shape_cast %get3A_577 : vector<1x16xf32> to vector<16xf32>
        %add3A_579 = arith.addf %get3A_578, %get3A_463 : vector<16xf32>
        %mul3A_580 = arith.mulf %gather3A_548, %sub3A_108 : vector<16xf32>
        %add3A_581 = arith.addf %get3A_66, %mul3A_580 : vector<16xf32>
        %add3A_582 = arith.addf %add3A_579, %add3A_581 : vector<16xf32>
        %add3A_583 = arith.addf %add3A_572, %add3A_582 : vector<16xf32>
        %mul3A_584 = arith.mulf %add3A_582, %add3A_582 : vector<16xf32>
        %add3A_585 = arith.addf %add3A_574, %mul3A_584 : vector<16xf32>
        %get3A_586 = arith.index_cast %add3A_541 : i32 to index
        %get3A_587 = arith.constant 48 : index
        %get3A_588 = tpu.vector_load %arg16[%get3A_586, %get3A_587] {strides = array<i32>} : memref<128x128xf32, #tpu.memory_space<vmem>>, vector<1x16xf32>,
        %get3A_589 = vector.shape_cast %get3A_588 : vector<1x16xf32> to vector<16xf32>
        %add3A_590 = arith.addf %get3A_589, %get3A_471 : vector<16xf32>
        %mul3A_591 = arith.mulf %gather3A_548, %sub3A_114 : vector<16xf32>
        %add3A_592 = arith.addf %get3A_71, %mul3A_591 : vector<16xf32>
        %add3A_593 = arith.addf %add3A_590, %add3A_592 : vector<16xf32>
        %add3A_594 = arith.addf %add3A_583, %add3A_593 : vector<16xf32>
        %mul3A_595 = arith.mulf %add3A_593, %add3A_593 : vector<16xf32>
        %add3A_596 = arith.addf %add3A_585, %mul3A_595 : vector<16xf32>
        %get3A_597 = arith.index_cast %add3A_541 : i32 to index
        %get3A_598 = arith.constant 64 : index
        %get3A_599 = tpu.vector_load %arg16[%get3A_597, %get3A_598] {strides = array<i32>} : memref<128x128xf32, #tpu.memory_space<vmem>>, vector<1x16xf32>,
        %get3A_600 = vector.shape_cast %get3A_599 : vector<1x16xf32> to vector<16xf32>
        %add3A_601 = arith.addf %get3A_600, %get3A_479 : vector<16xf32>
        %mul3A_602 = arith.mulf %gather3A_548, %sub3A_120 : vector<16xf32>
        %add3A_603 = arith.addf %get3A_76, %mul3A_602 : vector<16xf32>
        %add3A_604 = arith.addf %add3A_601, %add3A_603 : vector<16xf32>
        %add3A_605 = arith.addf %add3A_594, %add3A_604 : vector<16xf32>
        %mul3A_606 = arith.mulf %add3A_604, %add3A_604 : vector<16xf32>
        %add3A_607 = arith.addf %add3A_596, %mul3A_606 : vector<16xf32>
        %get3A_608 = arith.index_cast %add3A_541 : i32 to index
        %get3A_609 = arith.constant 80 : index
        %get3A_610 = tpu.vector_load %arg16[%get3A_608, %get3A_609] {strides = array<i32>} : memref<128x128xf32, #tpu.memory_space<vmem>>, vector<1x16xf32>,
        %get3A_611 = vector.shape_cast %get3A_610 : vector<1x16xf32> to vector<16xf32>
        %add3A_612 = arith.addf %get3A_611, %get3A_487 : vector<16xf32>
        %mul3A_613 = arith.mulf %gather3A_548, %sub3A_126 : vector<16xf32>
        %add3A_614 = arith.addf %get3A_81, %mul3A_613 : vector<16xf32>
        %add3A_615 = arith.addf %add3A_612, %add3A_614 : vector<16xf32>
        %add3A_616 = arith.addf %add3A_605, %add3A_615 : vector<16xf32>
        %mul3A_617 = arith.mulf %add3A_615, %add3A_615 : vector<16xf32>
        %add3A_618 = arith.addf %add3A_607, %mul3A_617 : vector<16xf32>
        %get3A_619 = arith.index_cast %add3A_541 : i32 to index
        %get3A_620 = arith.constant 96 : index
        %get3A_621 = tpu.vector_load %arg16[%get3A_619, %get3A_620] {strides = array<i32>} : memref<128x128xf32, #tpu.memory_space<vmem>>, vector<1x16xf32>,
        %get3A_622 = vector.shape_cast %get3A_621 : vector<1x16xf32> to vector<16xf32>
        %add3A_623 = arith.addf %get3A_622, %get3A_495 : vector<16xf32>
        %mul3A_624 = arith.mulf %gather3A_548, %sub3A_132 : vector<16xf32>
        %add3A_625 = arith.addf %get3A_86, %mul3A_624 : vector<16xf32>
        %add3A_626 = arith.addf %add3A_623, %add3A_625 : vector<16xf32>
        %add3A_627 = arith.addf %add3A_616, %add3A_626 : vector<16xf32>
        %mul3A_628 = arith.mulf %add3A_626, %add3A_626 : vector<16xf32>
        %add3A_629 = arith.addf %add3A_618, %mul3A_628 : vector<16xf32>
        %get3A_630 = arith.index_cast %add3A_541 : i32 to index
        %get3A_631 = arith.constant 112 : index
        %get3A_632 = tpu.vector_load %arg16[%get3A_630, %get3A_631] {strides = array<i32>} : memref<128x128xf32, #tpu.memory_space<vmem>>, vector<1x16xf32>,
        %get3A_633 = vector.shape_cast %get3A_632 : vector<1x16xf32> to vector<16xf32>
        %add3A_634 = arith.addf %get3A_633, %get3A_503 : vector<16xf32>
        %mul3A_635 = arith.mulf %gather3A_548, %sub3A_138 : vector<16xf32>
        %add3A_636 = arith.addf %get3A_91, %mul3A_635 : vector<16xf32>
        %add3A_637 = arith.addf %add3A_634, %add3A_636 : vector<16xf32>
        %add3A_638 = arith.addf %add3A_627, %add3A_637 : vector<16xf32>
        %mul3A_639 = arith.mulf %add3A_637, %add3A_637 : vector<16xf32>
        %add3A_640 = arith.addf %add3A_629, %mul3A_639 : vector<16xf32>
        %iota3A = tpu.iota {dimensions = array<i32: 0>} : vector<16xi32>
        %xor3A = arith.constant 8 : i32
        %xor3A_641 = vector.broadcast %xor3A : i32 to vector<16xi32>
        %xor3A_642 = arith.xori %iota3A, %xor3A_641 : vector<16xi32>
        %lt3A_643 = arith.constant 0 : i32
        %lt3A_644 = vector.broadcast %lt3A_643 : i32 to vector<16xi32>
        %lt3A_645 = arith.cmpi slt, %xor3A_642, %lt3A_644 : vector<16xi32>
        %add3A_646 = arith.constant 16 : i32
        %add3A_647 = vector.broadcast %add3A_646 : i32 to vector<16xi32>
        %add3A_648 = arith.addi %xor3A_642, %add3A_647 : vector<16xi32>
        %select_n3A_649 = arith.select %lt3A_645, %add3A_648, %xor3A_642 : vector<16xi1>, vector<16xi32>
        %broadcast_in_dim3A_650 = vector.shape_cast %select_n3A_649 : vector<16xi32> to vector<16x1xi32>
        %gather3A_651 = vector.shape_cast %broadcast_in_dim3A_650 : vector<16x1xi32> to vector<16xi32>
        %gather3A_652 = tpu.dynamic_gather %add3A_638[%gather3A_651] in [0] : vector<16xf32>, vector<16xi32> -> vector<16xf32>
        %add3A_653 = arith.addf %add3A_638, %gather3A_652 : vector<16xf32>
        %xor3A_654 = arith.constant 4 : i32
        %xor3A_655 = vector.broadcast %xor3A_654 : i32 to vector<16xi32>
        %xor3A_656 = arith.xori %iota3A, %xor3A_655 : vector<16xi32>
        %lt3A_657 = arith.constant 0 : i32
        %lt3A_658 = vector.broadcast %lt3A_657 : i32 to vector<16xi32>
        %lt3A_659 = arith.cmpi slt, %xor3A_656, %lt3A_658 : vector<16xi32>
        %add3A_660 = arith.constant 16 : i32
        %add3A_661 = vector.broadcast %add3A_660 : i32 to vector<16xi32>
        %add3A_662 = arith.addi %xor3A_656, %add3A_661 : vector<16xi32>
        %select_n3A_663 = arith.select %lt3A_659, %add3A_662, %xor3A_656 : vector<16xi1>, vector<16xi32>
        %broadcast_in_dim3A_664 = vector.shape_cast %select_n3A_663 : vector<16xi32> to vector<16x1xi32>
        %gather3A_665 = vector.shape_cast %broadcast_in_dim3A_664 : vector<16x1xi32> to vector<16xi32>
        %gather3A_666 = tpu.dynamic_gather %add3A_653[%gather3A_665] in [0] : vector<16xf32>, vector<16xi32> -> vector<16xf32>
        %add3A_667 = arith.addf %add3A_653, %gather3A_666 : vector<16xf32>
        %xor3A_668 = arith.constant 2 : i32
        %xor3A_669 = vector.broadcast %xor3A_668 : i32 to vector<16xi32>
        %xor3A_670 = arith.xori %iota3A, %xor3A_669 : vector<16xi32>
        %lt3A_671 = arith.constant 0 : i32
        %lt3A_672 = vector.broadcast %lt3A_671 : i32 to vector<16xi32>
        %lt3A_673 = arith.cmpi slt, %xor3A_670, %lt3A_672 : vector<16xi32>
        %add3A_674 = arith.constant 16 : i32
        %add3A_675 = vector.broadcast %add3A_674 : i32 to vector<16xi32>
        %add3A_676 = arith.addi %xor3A_670, %add3A_675 : vector<16xi32>
        %select_n3A_677 = arith.select %lt3A_673, %add3A_676, %xor3A_670 : vector<16xi1>, vector<16xi32>
        %broadcast_in_dim3A_678 = vector.shape_cast %select_n3A_677 : vector<16xi32> to vector<16x1xi32>
        %gather3A_679 = vector.shape_cast %broadcast_in_dim3A_678 : vector<16x1xi32> to vector<16xi32>
        %gather3A_680 = tpu.dynamic_gather %add3A_667[%gather3A_679] in [0] : vector<16xf32>, vector<16xi32> -> vector<16xf32>
        %add3A_681 = arith.addf %add3A_667, %gather3A_680 : vector<16xf32>
        %xor3A_682 = arith.constant 1 : i32
        %xor3A_683 = vector.broadcast %xor3A_682 : i32 to vector<16xi32>
        %xor3A_684 = arith.xori %iota3A, %xor3A_683 : vector<16xi32>
        %lt3A_685 = arith.constant 0 : i32
        %lt3A_686 = vector.broadcast %lt3A_685 : i32 to vector<16xi32>
        %lt3A_687 = arith.cmpi slt, %xor3A_684, %lt3A_686 : vector<16xi32>
        %add3A_688 = arith.constant 16 : i32
        %add3A_689 = vector.broadcast %add3A_688 : i32 to vector<16xi32>
        %add3A_690 = arith.addi %xor3A_684, %add3A_689 : vector<16xi32>
        %select_n3A_691 = arith.select %lt3A_687, %add3A_690, %xor3A_684 : vector<16xi1>, vector<16xi32>
        %broadcast_in_dim3A_692 = vector.shape_cast %select_n3A_691 : vector<16xi32> to vector<16x1xi32>
        %gather3A_693 = vector.shape_cast %broadcast_in_dim3A_692 : vector<16x1xi32> to vector<16xi32>
        %gather3A_694 = tpu.dynamic_gather %add3A_681[%gather3A_693] in [0] : vector<16xf32>, vector<16xi32> -> vector<16xf32>
        %add3A_695 = arith.addf %add3A_681, %gather3A_694 : vector<16xf32>
        %iota3A_696 = tpu.iota {dimensions = array<i32: 0>} : vector<16xi32>
        %xor3A_697 = arith.constant 8 : i32
        %xor3A_698 = vector.broadcast %xor3A_697 : i32 to vector<16xi32>
        %xor3A_699 = arith.xori %iota3A_696, %xor3A_698 : vector<16xi32>
        %lt3A_700 = arith.constant 0 : i32
        %lt3A_701 = vector.broadcast %lt3A_700 : i32 to vector<16xi32>
        %lt3A_702 = arith.cmpi slt, %xor3A_699, %lt3A_701 : vector<16xi32>
        %add3A_703 = arith.constant 16 : i32
        %add3A_704 = vector.broadcast %add3A_703 : i32 to vector<16xi32>
        %add3A_705 = arith.addi %xor3A_699, %add3A_704 : vector<16xi32>
        %select_n3A_706 = arith.select %lt3A_702, %add3A_705, %xor3A_699 : vector<16xi1>, vector<16xi32>
        %broadcast_in_dim3A_707 = vector.shape_cast %select_n3A_706 : vector<16xi32> to vector<16x1xi32>
        %gather3A_708 = vector.shape_cast %broadcast_in_dim3A_707 : vector<16x1xi32> to vector<16xi32>
        %gather3A_709 = tpu.dynamic_gather %add3A_640[%gather3A_708] in [0] : vector<16xf32>, vector<16xi32> -> vector<16xf32>
        %add3A_710 = arith.addf %add3A_640, %gather3A_709 : vector<16xf32>
        %xor3A_711 = arith.constant 4 : i32
        %xor3A_712 = vector.broadcast %xor3A_711 : i32 to vector<16xi32>
        %xor3A_713 = arith.xori %iota3A_696, %xor3A_712 : vector<16xi32>
        %lt3A_714 = arith.constant 0 : i32
        %lt3A_715 = vector.broadcast %lt3A_714 : i32 to vector<16xi32>
        %lt3A_716 = arith.cmpi slt, %xor3A_713, %lt3A_715 : vector<16xi32>
        %add3A_717 = arith.constant 16 : i32
        %add3A_718 = vector.broadcast %add3A_717 : i32 to vector<16xi32>
        %add3A_719 = arith.addi %xor3A_713, %add3A_718 : vector<16xi32>
        %select_n3A_720 = arith.select %lt3A_716, %add3A_719, %xor3A_713 : vector<16xi1>, vector<16xi32>
        %broadcast_in_dim3A_721 = vector.shape_cast %select_n3A_720 : vector<16xi32> to vector<16x1xi32>
        %gather3A_722 = vector.shape_cast %broadcast_in_dim3A_721 : vector<16x1xi32> to vector<16xi32>
        %gather3A_723 = tpu.dynamic_gather %add3A_710[%gather3A_722] in [0] : vector<16xf32>, vector<16xi32> -> vector<16xf32>
        %add3A_724 = arith.addf %add3A_710, %gather3A_723 : vector<16xf32>
        %xor3A_725 = arith.constant 2 : i32
        %xor3A_726 = vector.broadcast %xor3A_725 : i32 to vector<16xi32>
        %xor3A_727 = arith.xori %iota3A_696, %xor3A_726 : vector<16xi32>
        %lt3A_728 = arith.constant 0 : i32
        %lt3A_729 = vector.broadcast %lt3A_728 : i32 to vector<16xi32>
        %lt3A_730 = arith.cmpi slt, %xor3A_727, %lt3A_729 : vector<16xi32>
        %add3A_731 = arith.constant 16 : i32
        %add3A_732 = vector.broadcast %add3A_731 : i32 to vector<16xi32>
        %add3A_733 = arith.addi %xor3A_727, %add3A_732 : vector<16xi32>
        %select_n3A_734 = arith.select %lt3A_730, %add3A_733, %xor3A_727 : vector<16xi1>, vector<16xi32>
        %broadcast_in_dim3A_735 = vector.shape_cast %select_n3A_734 : vector<16xi32> to vector<16x1xi32>
        %gather3A_736 = vector.shape_cast %broadcast_in_dim3A_735 : vector<16x1xi32> to vector<16xi32>
        %gather3A_737 = tpu.dynamic_gather %add3A_724[%gather3A_736] in [0] : vector<16xf32>, vector<16xi32> -> vector<16xf32>
        %add3A_738 = arith.addf %add3A_724, %gather3A_737 : vector<16xf32>
        %xor3A_739 = arith.constant 1 : i32
        %xor3A_740 = vector.broadcast %xor3A_739 : i32 to vector<16xi32>
        %xor3A_741 = arith.xori %iota3A_696, %xor3A_740 : vector<16xi32>
        %lt3A_742 = arith.constant 0 : i32
        %lt3A_743 = vector.broadcast %lt3A_742 : i32 to vector<16xi32>
        %lt3A_744 = arith.cmpi slt, %xor3A_741, %lt3A_743 : vector<16xi32>
        %add3A_745 = arith.constant 16 : i32
        %add3A_746 = vector.broadcast %add3A_745 : i32 to vector<16xi32>
        %add3A_747 = arith.addi %xor3A_741, %add3A_746 : vector<16xi32>
        %select_n3A_748 = arith.select %lt3A_744, %add3A_747, %xor3A_741 : vector<16xi1>, vector<16xi32>
        %broadcast_in_dim3A_749 = vector.shape_cast %select_n3A_748 : vector<16xi32> to vector<16x1xi32>
        %gather3A_750 = vector.shape_cast %broadcast_in_dim3A_749 : vector<16x1xi32> to vector<16xi32>
        %gather3A_751 = tpu.dynamic_gather %add3A_738[%gather3A_750] in [0] : vector<16xf32>, vector<16xi32> -> vector<16xf32>
        %add3A_752 = arith.addf %add3A_738, %gather3A_751 : vector<16xf32>
        %mul3A_753 = arith.constant 7.812500e-03 : f32
        %mul3A_754 = vector.broadcast %mul3A_753 : f32 to vector<16xf32>
        %mul3A_755 = arith.mulf %add3A_695, %mul3A_754 : vector<16xf32>
        %mul3A_756 = arith.constant 7.812500e-03 : f32
        %mul3A_757 = vector.broadcast %mul3A_756 : f32 to vector<16xf32>
        %mul3A_758 = arith.mulf %add3A_752, %mul3A_757 : vector<16xf32>
        %mul3A_759 = arith.mulf %mul3A_755, %mul3A_755 : vector<16xf32>
        %sub3A_760 = arith.subf %mul3A_758, %mul3A_759 : vector<16xf32>
        %add3A_761 = arith.constant 9.99999974E-6 : f32
        %add3A_762 = vector.broadcast %add3A_761 : f32 to vector<16xf32>
        %add3A_763 = arith.addf %sub3A_760, %add3A_762 : vector<16xf32>
        %bitcast_convert_type3A = tpu.bitcast %add3A_763 : vector<16xf32> -> vector<16xi32>
        %shift_right_arithmetic3A = arith.constant 1 : i32
        %shift_right_arithmetic3A_764 = vector.broadcast %shift_right_arithmetic3A : i32 to vector<16xi32>
        %shift_right_arithmetic3A_765 = arith.shrsi %bitcast_convert_type3A, %shift_right_arithmetic3A_764 : vector<16xi32>
        %sub3A_766 = arith.constant 1597463007 : i32
        %sub3A_767 = vector.broadcast %sub3A_766 : i32 to vector<16xi32>
        %sub3A_768 = arith.subi %sub3A_767, %shift_right_arithmetic3A_765 : vector<16xi32>
        %bitcast_convert_type3A_769 = tpu.bitcast %sub3A_768 : vector<16xi32> -> vector<16xf32>
        %mul3A_770 = arith.constant 5.000000e-01 : f32
        %mul3A_771 = vector.broadcast %mul3A_770 : f32 to vector<16xf32>
        %mul3A_772 = arith.mulf %mul3A_771, %add3A_763 : vector<16xf32>
        %mul3A_773 = arith.mulf %mul3A_772, %bitcast_convert_type3A_769 : vector<16xf32>
        %mul3A_774 = arith.mulf %mul3A_773, %bitcast_convert_type3A_769 : vector<16xf32>
        %sub3A_775 = arith.constant 1.500000e+00 : f32
        %sub3A_776 = vector.broadcast %sub3A_775 : f32 to vector<16xf32>
        %sub3A_777 = arith.subf %sub3A_776, %mul3A_774 : vector<16xf32>
        %mul3A_778 = arith.mulf %bitcast_convert_type3A_769, %sub3A_777 : vector<16xf32>
        %mul3A_779 = arith.constant 5.000000e-01 : f32
        %mul3A_780 = vector.broadcast %mul3A_779 : f32 to vector<16xf32>
        %mul3A_781 = arith.mulf %mul3A_780, %add3A_763 : vector<16xf32>
        %mul3A_782 = arith.mulf %mul3A_781, %mul3A_778 : vector<16xf32>
        %mul3A_783 = arith.mulf %mul3A_782, %mul3A_778 : vector<16xf32>
        %sub3A_784 = arith.constant 1.500000e+00 : f32
        %sub3A_785 = vector.broadcast %sub3A_784 : f32 to vector<16xf32>
        %sub3A_786 = arith.subf %sub3A_785, %mul3A_783 : vector<16xf32>
        %mul3A_787 = arith.mulf %mul3A_778, %sub3A_786 : vector<16xf32>
        %mul3A_788 = arith.constant 5.000000e-01 : f32
        %mul3A_789 = vector.broadcast %mul3A_788 : f32 to vector<16xf32>
        %mul3A_790 = arith.mulf %mul3A_789, %add3A_763 : vector<16xf32>
        %mul3A_791 = arith.mulf %mul3A_790, %mul3A_787 : vector<16xf32>
        %mul3A_792 = arith.mulf %mul3A_791, %mul3A_787 : vector<16xf32>
        %sub3A_793 = arith.constant 1.500000e+00 : f32
        %sub3A_794 = vector.broadcast %sub3A_793 : f32 to vector<16xf32>
        %sub3A_795 = arith.subf %sub3A_794, %mul3A_792 : vector<16xf32>
        %mul3A_796 = arith.mulf %mul3A_787, %sub3A_795 : vector<16xf32>
        %sub3A_797 = arith.subf %add3A_560, %mul3A_755 : vector<16xf32>
        %mul3A_798 = arith.mulf %sub3A_797, %mul3A_796 : vector<16xf32>
        %mul3A_799 = arith.mulf %mul3A_798, %get3A_6 : vector<16xf32>
        %add3A_800 = arith.addf %mul3A_799, %get3A_30 : vector<16xf32>
        %add3A_801 = arith.constant 0 : i32
        %add3A_802 = arith.addi %add3A_801, %scan3A_539 : i32
        %swap3A = arith.constant 3 : i32
        %swap3A_803 = arith.index_cast %add3A_802 : i32 to index
        %swap3A_804 = arith.index_cast %swap3A : i32 to index
        %swap3A_805 = arith.constant 0 : index
        %swap3A_806 = tpu.vector_load %arg17[%swap3A_803, %swap3A_804, %swap3A_805] {strides = array<i32>} : memref<32x4x128xf32, #tpu.memory_space<vmem>>, vector<1x1x16xf32>,
        %swap3A_807 = vector.shape_cast %swap3A_806 : vector<1x1x16xf32> to vector<16xf32>
        %swap3A_808 = vector.shape_cast %add3A_800 : vector<16xf32> to vector<1x1x16xf32>
        tpu.vector_store %arg17[%swap3A_803, %swap3A_804, %swap3A_805], %swap3A_808 {strides = array<i32>} : memref<32x4x128xf32, #tpu.memory_space<vmem>>, vector<1x1x16xf32>,
        %sub3A_809 = arith.subf %add3A_571, %mul3A_755 : vector<16xf32>
        %mul3A_810 = arith.mulf %sub3A_809, %mul3A_796 : vector<16xf32>
        %mul3A_811 = arith.mulf %mul3A_810, %get3A_9 : vector<16xf32>
        %add3A_812 = arith.addf %mul3A_811, %get3A_33 : vector<16xf32>
        %add3A_813 = arith.constant 0 : i32
        %add3A_814 = arith.addi %add3A_813, %scan3A_539 : i32
        %swap3A_815 = arith.constant 3 : i32
        %swap3A_816 = arith.index_cast %add3A_814 : i32 to index
        %swap3A_817 = arith.index_cast %swap3A_815 : i32 to index
        %swap3A_818 = arith.constant 16 : index
        %swap3A_819 = tpu.vector_load %arg17[%swap3A_816, %swap3A_817, %swap3A_818] {strides = array<i32>} : memref<32x4x128xf32, #tpu.memory_space<vmem>>, vector<1x1x16xf32>,
        %swap3A_820 = vector.shape_cast %swap3A_819 : vector<1x1x16xf32> to vector<16xf32>
        %swap3A_821 = vector.shape_cast %add3A_812 : vector<16xf32> to vector<1x1x16xf32>
        tpu.vector_store %arg17[%swap3A_816, %swap3A_817, %swap3A_818], %swap3A_821 {strides = array<i32>} : memref<32x4x128xf32, #tpu.memory_space<vmem>>, vector<1x1x16xf32>,
        %sub3A_822 = arith.subf %add3A_582, %mul3A_755 : vector<16xf32>
        %mul3A_823 = arith.mulf %sub3A_822, %mul3A_796 : vector<16xf32>
        %mul3A_824 = arith.mulf %mul3A_823, %get3A_12 : vector<16xf32>
        %add3A_825 = arith.addf %mul3A_824, %get3A_36 : vector<16xf32>
        %add3A_826 = arith.constant 0 : i32
        %add3A_827 = arith.addi %add3A_826, %scan3A_539 : i32
        %swap3A_828 = arith.constant 3 : i32
        %swap3A_829 = arith.index_cast %add3A_827 : i32 to index
        %swap3A_830 = arith.index_cast %swap3A_828 : i32 to index
        %swap3A_831 = arith.constant 32 : index
        %swap3A_832 = tpu.vector_load %arg17[%swap3A_829, %swap3A_830, %swap3A_831] {strides = array<i32>} : memref<32x4x128xf32, #tpu.memory_space<vmem>>, vector<1x1x16xf32>,
        %swap3A_833 = vector.shape_cast %swap3A_832 : vector<1x1x16xf32> to vector<16xf32>
        %swap3A_834 = vector.shape_cast %add3A_825 : vector<16xf32> to vector<1x1x16xf32>
        tpu.vector_store %arg17[%swap3A_829, %swap3A_830, %swap3A_831], %swap3A_834 {strides = array<i32>} : memref<32x4x128xf32, #tpu.memory_space<vmem>>, vector<1x1x16xf32>,
        %sub3A_835 = arith.subf %add3A_593, %mul3A_755 : vector<16xf32>
        %mul3A_836 = arith.mulf %sub3A_835, %mul3A_796 : vector<16xf32>
        %mul3A_837 = arith.mulf %mul3A_836, %get3A_15 : vector<16xf32>
        %add3A_838 = arith.addf %mul3A_837, %get3A_39 : vector<16xf32>
        %add3A_839 = arith.constant 0 : i32
        %add3A_840 = arith.addi %add3A_839, %scan3A_539 : i32
        %swap3A_841 = arith.constant 3 : i32
        %swap3A_842 = arith.index_cast %add3A_840 : i32 to index
        %swap3A_843 = arith.index_cast %swap3A_841 : i32 to index
        %swap3A_844 = arith.constant 48 : index
        %swap3A_845 = tpu.vector_load %arg17[%swap3A_842, %swap3A_843, %swap3A_844] {strides = array<i32>} : memref<32x4x128xf32, #tpu.memory_space<vmem>>, vector<1x1x16xf32>,
        %swap3A_846 = vector.shape_cast %swap3A_845 : vector<1x1x16xf32> to vector<16xf32>
        %swap3A_847 = vector.shape_cast %add3A_838 : vector<16xf32> to vector<1x1x16xf32>
        tpu.vector_store %arg17[%swap3A_842, %swap3A_843, %swap3A_844], %swap3A_847 {strides = array<i32>} : memref<32x4x128xf32, #tpu.memory_space<vmem>>, vector<1x1x16xf32>,
        %sub3A_848 = arith.subf %add3A_604, %mul3A_755 : vector<16xf32>
        %mul3A_849 = arith.mulf %sub3A_848, %mul3A_796 : vector<16xf32>
        %mul3A_850 = arith.mulf %mul3A_849, %get3A_18 : vector<16xf32>
        %add3A_851 = arith.addf %mul3A_850, %get3A_42 : vector<16xf32>
        %add3A_852 = arith.constant 0 : i32
        %add3A_853 = arith.addi %add3A_852, %scan3A_539 : i32
        %swap3A_854 = arith.constant 3 : i32
        %swap3A_855 = arith.index_cast %add3A_853 : i32 to index
        %swap3A_856 = arith.index_cast %swap3A_854 : i32 to index
        %swap3A_857 = arith.constant 64 : index
        %swap3A_858 = tpu.vector_load %arg17[%swap3A_855, %swap3A_856, %swap3A_857] {strides = array<i32>} : memref<32x4x128xf32, #tpu.memory_space<vmem>>, vector<1x1x16xf32>,
        %swap3A_859 = vector.shape_cast %swap3A_858 : vector<1x1x16xf32> to vector<16xf32>
        %swap3A_860 = vector.shape_cast %add3A_851 : vector<16xf32> to vector<1x1x16xf32>
        tpu.vector_store %arg17[%swap3A_855, %swap3A_856, %swap3A_857], %swap3A_860 {strides = array<i32>} : memref<32x4x128xf32, #tpu.memory_space<vmem>>, vector<1x1x16xf32>,
        %sub3A_861 = arith.subf %add3A_615, %mul3A_755 : vector<16xf32>
        %mul3A_862 = arith.mulf %sub3A_861, %mul3A_796 : vector<16xf32>
        %mul3A_863 = arith.mulf %mul3A_862, %get3A_21 : vector<16xf32>
        %add3A_864 = arith.addf %mul3A_863, %get3A_45 : vector<16xf32>
        %add3A_865 = arith.constant 0 : i32
        %add3A_866 = arith.addi %add3A_865, %scan3A_539 : i32
        %swap3A_867 = arith.constant 3 : i32
        %swap3A_868 = arith.index_cast %add3A_866 : i32 to index
        %swap3A_869 = arith.index_cast %swap3A_867 : i32 to index
        %swap3A_870 = arith.constant 80 : index
        %swap3A_871 = tpu.vector_load %arg17[%swap3A_868, %swap3A_869, %swap3A_870] {strides = array<i32>} : memref<32x4x128xf32, #tpu.memory_space<vmem>>, vector<1x1x16xf32>,
        %swap3A_872 = vector.shape_cast %swap3A_871 : vector<1x1x16xf32> to vector<16xf32>
        %swap3A_873 = vector.shape_cast %add3A_864 : vector<16xf32> to vector<1x1x16xf32>
        tpu.vector_store %arg17[%swap3A_868, %swap3A_869, %swap3A_870], %swap3A_873 {strides = array<i32>} : memref<32x4x128xf32, #tpu.memory_space<vmem>>, vector<1x1x16xf32>,
        %sub3A_874 = arith.subf %add3A_626, %mul3A_755 : vector<16xf32>
        %mul3A_875 = arith.mulf %sub3A_874, %mul3A_796 : vector<16xf32>
        %mul3A_876 = arith.mulf %mul3A_875, %get3A_24 : vector<16xf32>
        %add3A_877 = arith.addf %mul3A_876, %get3A_48 : vector<16xf32>
        %add3A_878 = arith.constant 0 : i32
        %add3A_879 = arith.addi %add3A_878, %scan3A_539 : i32
        %swap3A_880 = arith.constant 3 : i32
        %swap3A_881 = arith.index_cast %add3A_879 : i32 to index
        %swap3A_882 = arith.index_cast %swap3A_880 : i32 to index
        %swap3A_883 = arith.constant 96 : index
        %swap3A_884 = tpu.vector_load %arg17[%swap3A_881, %swap3A_882, %swap3A_883] {strides = array<i32>} : memref<32x4x128xf32, #tpu.memory_space<vmem>>, vector<1x1x16xf32>,
        %swap3A_885 = vector.shape_cast %swap3A_884 : vector<1x1x16xf32> to vector<16xf32>
        %swap3A_886 = vector.shape_cast %add3A_877 : vector<16xf32> to vector<1x1x16xf32>
        tpu.vector_store %arg17[%swap3A_881, %swap3A_882, %swap3A_883], %swap3A_886 {strides = array<i32>} : memref<32x4x128xf32, #tpu.memory_space<vmem>>, vector<1x1x16xf32>,
        %sub3A_887 = arith.subf %add3A_637, %mul3A_755 : vector<16xf32>
        %mul3A_888 = arith.mulf %sub3A_887, %mul3A_796 : vector<16xf32>
        %mul3A_889 = arith.mulf %mul3A_888, %get3A_27 : vector<16xf32>
        %add3A_890 = arith.addf %mul3A_889, %get3A_51 : vector<16xf32>
        %add3A_891 = arith.constant 0 : i32
        %add3A_892 = arith.addi %add3A_891, %scan3A_539 : i32
        %swap3A_893 = arith.constant 3 : i32
        %swap3A_894 = arith.index_cast %add3A_892 : i32 to index
        %swap3A_895 = arith.index_cast %swap3A_893 : i32 to index
        %swap3A_896 = arith.constant 112 : index
        %swap3A_897 = tpu.vector_load %arg17[%swap3A_894, %swap3A_895, %swap3A_896] {strides = array<i32>} : memref<32x4x128xf32, #tpu.memory_space<vmem>>, vector<1x1x16xf32>,
        %swap3A_898 = vector.shape_cast %swap3A_897 : vector<1x1x16xf32> to vector<16xf32>
        %swap3A_899 = vector.shape_cast %add3A_890 : vector<16xf32> to vector<1x1x16xf32>
        tpu.vector_store %arg17[%swap3A_894, %swap3A_895, %swap3A_896], %swap3A_899 {strides = array<i32>} : memref<32x4x128xf32, #tpu.memory_space<vmem>>, vector<1x1x16xf32>,
      }
      %scan3A_519 = arith.constant 16 : i32
      %mul3A_520 = arith.constant 128 : i32
      %mul3A_521 = arith.muli %scan3A_144, %mul3A_520 : i32
      %add3A_522 = arith.constant 96 : i32
      %add3A_523 = arith.addi %mul3A_521, %add3A_522 : i32
      %add3A_524 = arith.constant 16 : i32
      %add3A_525 = arith.addi %add3A_523, %add3A_524 : i32
      %get3A_526 = arith.index_cast %add3A_525 : i32 to index
      %get3A_527 = tpu.vector_load %arg11[%get3A_526] {strides = array<i32>} : memref<2048xi32, #tpu.memory_space<vmem>>, vector<16xi32>,
      %get3A_528 = vector.shape_cast %get3A_527 : vector<16xi32> to vector<16xi32>
      %convert_element_type3A_529 = arith.sitofp %get3A_528 : vector<16xi32> to vector<16xf32>
      %scan3A_530 = arith.constant 0 : i32
      %scan3A_531 = arith.constant 0 : i32
      %scan3A_532 = arith.constant 16 : i32
      %scan3A_533 = arith.addi %scan3A_531, %scan3A_532 : i32
      %scan3A_534 = arith.constant 1 : i32
      scf.for %scan3A_539 = %scan3A_531 to %scan3A_533 step %scan3A_534  : i32 {
        %add3A_540 = arith.constant 112 : i32
        %add3A_541 = arith.addi %add3A_540, %scan3A_539 : i32
        %broadcast_in_dim3A = vector.broadcast %scan3A_539 : i32 to vector<16xi32>
        %lt3A = arith.constant 0 : i32
        %lt3A_542 = vector.broadcast %lt3A : i32 to vector<16xi32>
        %lt3A_543 = arith.cmpi slt, %broadcast_in_dim3A, %lt3A_542 : vector<16xi32>
        %add3A_544 = arith.constant 16 : i32
        %add3A_545 = vector.broadcast %add3A_544 : i32 to vector<16xi32>
        %add3A_546 = arith.addi %broadcast_in_dim3A, %add3A_545 : vector<16xi32>
        %select_n3A = arith.select %lt3A_543, %add3A_546, %broadcast_in_dim3A : vector<16xi1>, vector<16xi32>
        %broadcast_in_dim3A_547 = vector.shape_cast %select_n3A : vector<16xi32> to vector<16x1xi32>
        %gather3A = vector.shape_cast %broadcast_in_dim3A_547 : vector<16x1xi32> to vector<16xi32>
        %gather3A_548 = tpu.dynamic_gather %convert_element_type3A_529[%gather3A] in [0] : vector<16xf32>, vector<16xi32> -> vector<16xf32>
        %broadcast_in_dim3A_549 = arith.constant 0.000000e+00 : f32
        %broadcast_in_dim3A_550 = vector.broadcast %broadcast_in_dim3A_549 : f32 to vector<16xf32>
        %broadcast_in_dim3A_551 = arith.constant 0.000000e+00 : f32
        %broadcast_in_dim3A_552 = vector.broadcast %broadcast_in_dim3A_551 : f32 to vector<16xf32>
        %get3A_553 = arith.index_cast %add3A_541 : i32 to index
        %get3A_554 = arith.constant 0 : index
        %get3A_555 = tpu.vector_load %arg16[%get3A_553, %get3A_554] {strides = array<i32>} : memref<128x128xf32, #tpu.memory_space<vmem>>, vector<1x16xf32>,
        %get3A_556 = vector.shape_cast %get3A_555 : vector<1x16xf32> to vector<16xf32>
        %add3A_557 = arith.addf %get3A_556, %get3A_447 : vector<16xf32>
        %mul3A_558 = arith.mulf %gather3A_548, %sub3A : vector<16xf32>
        %add3A_559 = arith.addf %get3A_56, %mul3A_558 : vector<16xf32>
        %add3A_560 = arith.addf %add3A_557, %add3A_559 : vector<16xf32>
        %add3A_561 = arith.addf %broadcast_in_dim3A_550, %add3A_560 : vector<16xf32>
        %mul3A_562 = arith.mulf %add3A_560, %add3A_560 : vector<16xf32>
        %add3A_563 = arith.addf %broadcast_in_dim3A_552, %mul3A_562 : vector<16xf32>
        %get3A_564 = arith.index_cast %add3A_541 : i32 to index
        %get3A_565 = arith.constant 16 : index
        %get3A_566 = tpu.vector_load %arg16[%get3A_564, %get3A_565] {strides = array<i32>} : memref<128x128xf32, #tpu.memory_space<vmem>>, vector<1x16xf32>,
        %get3A_567 = vector.shape_cast %get3A_566 : vector<1x16xf32> to vector<16xf32>
        %add3A_568 = arith.addf %get3A_567, %get3A_455 : vector<16xf32>
        %mul3A_569 = arith.mulf %gather3A_548, %sub3A_102 : vector<16xf32>
        %add3A_570 = arith.addf %get3A_61, %mul3A_569 : vector<16xf32>
        %add3A_571 = arith.addf %add3A_568, %add3A_570 : vector<16xf32>
        %add3A_572 = arith.addf %add3A_561, %add3A_571 : vector<16xf32>
        %mul3A_573 = arith.mulf %add3A_571, %add3A_571 : vector<16xf32>
        %add3A_574 = arith.addf %add3A_563, %mul3A_573 : vector<16xf32>
        %get3A_575 = arith.index_cast %add3A_541 : i32 to index
        %get3A_576 = arith.constant 32 : index
        %get3A_577 = tpu.vector_load %arg16[%get3A_575, %get3A_576] {strides = array<i32>} : memref<128x128xf32, #tpu.memory_space<vmem>>, vector<1x16xf32>,
        %get3A_578 = vector.shape_cast %get3A_577 : vector<1x16xf32> to vector<16xf32>
        %add3A_579 = arith.addf %get3A_578, %get3A_463 : vector<16xf32>
        %mul3A_580 = arith.mulf %gather3A_548, %sub3A_108 : vector<16xf32>
        %add3A_581 = arith.addf %get3A_66, %mul3A_580 : vector<16xf32>
        %add3A_582 = arith.addf %add3A_579, %add3A_581 : vector<16xf32>
        %add3A_583 = arith.addf %add3A_572, %add3A_582 : vector<16xf32>
        %mul3A_584 = arith.mulf %add3A_582, %add3A_582 : vector<16xf32>
        %add3A_585 = arith.addf %add3A_574, %mul3A_584 : vector<16xf32>
        %get3A_586 = arith.index_cast %add3A_541 : i32 to index
        %get3A_587 = arith.constant 48 : index
        %get3A_588 = tpu.vector_load %arg16[%get3A_586, %get3A_587] {strides = array<i32>} : memref<128x128xf32, #tpu.memory_space<vmem>>, vector<1x16xf32>,
        %get3A_589 = vector.shape_cast %get3A_588 : vector<1x16xf32> to vector<16xf32>
        %add3A_590 = arith.addf %get3A_589, %get3A_471 : vector<16xf32>
        %mul3A_591 = arith.mulf %gather3A_548, %sub3A_114 : vector<16xf32>
        %add3A_592 = arith.addf %get3A_71, %mul3A_591 : vector<16xf32>
        %add3A_593 = arith.addf %add3A_590, %add3A_592 : vector<16xf32>
        %add3A_594 = arith.addf %add3A_583, %add3A_593 : vector<16xf32>
        %mul3A_595 = arith.mulf %add3A_593, %add3A_593 : vector<16xf32>
        %add3A_596 = arith.addf %add3A_585, %mul3A_595 : vector<16xf32>
        %get3A_597 = arith.index_cast %add3A_541 : i32 to index
        %get3A_598 = arith.constant 64 : index
        %get3A_599 = tpu.vector_load %arg16[%get3A_597, %get3A_598] {strides = array<i32>} : memref<128x128xf32, #tpu.memory_space<vmem>>, vector<1x16xf32>,
        %get3A_600 = vector.shape_cast %get3A_599 : vector<1x16xf32> to vector<16xf32>
        %add3A_601 = arith.addf %get3A_600, %get3A_479 : vector<16xf32>
        %mul3A_602 = arith.mulf %gather3A_548, %sub3A_120 : vector<16xf32>
        %add3A_603 = arith.addf %get3A_76, %mul3A_602 : vector<16xf32>
        %add3A_604 = arith.addf %add3A_601, %add3A_603 : vector<16xf32>
        %add3A_605 = arith.addf %add3A_594, %add3A_604 : vector<16xf32>
        %mul3A_606 = arith.mulf %add3A_604, %add3A_604 : vector<16xf32>
        %add3A_607 = arith.addf %add3A_596, %mul3A_606 : vector<16xf32>
        %get3A_608 = arith.index_cast %add3A_541 : i32 to index
        %get3A_609 = arith.constant 80 : index
        %get3A_610 = tpu.vector_load %arg16[%get3A_608, %get3A_609] {strides = array<i32>} : memref<128x128xf32, #tpu.memory_space<vmem>>, vector<1x16xf32>,
        %get3A_611 = vector.shape_cast %get3A_610 : vector<1x16xf32> to vector<16xf32>
        %add3A_612 = arith.addf %get3A_611, %get3A_487 : vector<16xf32>
        %mul3A_613 = arith.mulf %gather3A_548, %sub3A_126 : vector<16xf32>
        %add3A_614 = arith.addf %get3A_81, %mul3A_613 : vector<16xf32>
        %add3A_615 = arith.addf %add3A_612, %add3A_614 : vector<16xf32>
        %add3A_616 = arith.addf %add3A_605, %add3A_615 : vector<16xf32>
        %mul3A_617 = arith.mulf %add3A_615, %add3A_615 : vector<16xf32>
        %add3A_618 = arith.addf %add3A_607, %mul3A_617 : vector<16xf32>
        %get3A_619 = arith.index_cast %add3A_541 : i32 to index
        %get3A_620 = arith.constant 96 : index
        %get3A_621 = tpu.vector_load %arg16[%get3A_619, %get3A_620] {strides = array<i32>} : memref<128x128xf32, #tpu.memory_space<vmem>>, vector<1x16xf32>,
        %get3A_622 = vector.shape_cast %get3A_621 : vector<1x16xf32> to vector<16xf32>
        %add3A_623 = arith.addf %get3A_622, %get3A_495 : vector<16xf32>
        %mul3A_624 = arith.mulf %gather3A_548, %sub3A_132 : vector<16xf32>
        %add3A_625 = arith.addf %get3A_86, %mul3A_624 : vector<16xf32>
        %add3A_626 = arith.addf %add3A_623, %add3A_625 : vector<16xf32>
        %add3A_627 = arith.addf %add3A_616, %add3A_626 : vector<16xf32>
        %mul3A_628 = arith.mulf %add3A_626, %add3A_626 : vector<16xf32>
        %add3A_629 = arith.addf %add3A_618, %mul3A_628 : vector<16xf32>
        %get3A_630 = arith.index_cast %add3A_541 : i32 to index
        %get3A_631 = arith.constant 112 : index
        %get3A_632 = tpu.vector_load %arg16[%get3A_630, %get3A_631] {strides = array<i32>} : memref<128x128xf32, #tpu.memory_space<vmem>>, vector<1x16xf32>,
        %get3A_633 = vector.shape_cast %get3A_632 : vector<1x16xf32> to vector<16xf32>
        %add3A_634 = arith.addf %get3A_633, %get3A_503 : vector<16xf32>
        %mul3A_635 = arith.mulf %gather3A_548, %sub3A_138 : vector<16xf32>
        %add3A_636 = arith.addf %get3A_91, %mul3A_635 : vector<16xf32>
        %add3A_637 = arith.addf %add3A_634, %add3A_636 : vector<16xf32>
        %add3A_638 = arith.addf %add3A_627, %add3A_637 : vector<16xf32>
        %mul3A_639 = arith.mulf %add3A_637, %add3A_637 : vector<16xf32>
        %add3A_640 = arith.addf %add3A_629, %mul3A_639 : vector<16xf32>
        %iota3A = tpu.iota {dimensions = array<i32: 0>} : vector<16xi32>
        %xor3A = arith.constant 8 : i32
        %xor3A_641 = vector.broadcast %xor3A : i32 to vector<16xi32>
        %xor3A_642 = arith.xori %iota3A, %xor3A_641 : vector<16xi32>
        %lt3A_643 = arith.constant 0 : i32
        %lt3A_644 = vector.broadcast %lt3A_643 : i32 to vector<16xi32>
        %lt3A_645 = arith.cmpi slt, %xor3A_642, %lt3A_644 : vector<16xi32>
        %add3A_646 = arith.constant 16 : i32
        %add3A_647 = vector.broadcast %add3A_646 : i32 to vector<16xi32>
        %add3A_648 = arith.addi %xor3A_642, %add3A_647 : vector<16xi32>
        %select_n3A_649 = arith.select %lt3A_645, %add3A_648, %xor3A_642 : vector<16xi1>, vector<16xi32>
        %broadcast_in_dim3A_650 = vector.shape_cast %select_n3A_649 : vector<16xi32> to vector<16x1xi32>
        %gather3A_651 = vector.shape_cast %broadcast_in_dim3A_650 : vector<16x1xi32> to vector<16xi32>
        %gather3A_652 = tpu.dynamic_gather %add3A_638[%gather3A_651] in [0] : vector<16xf32>, vector<16xi32> -> vector<16xf32>
        %add3A_653 = arith.addf %add3A_638, %gather3A_652 : vector<16xf32>
        %xor3A_654 = arith.constant 4 : i32
        %xor3A_655 = vector.broadcast %xor3A_654 : i32 to vector<16xi32>
        %xor3A_656 = arith.xori %iota3A, %xor3A_655 : vector<16xi32>
        %lt3A_657 = arith.constant 0 : i32
        %lt3A_658 = vector.broadcast %lt3A_657 : i32 to vector<16xi32>
        %lt3A_659 = arith.cmpi slt, %xor3A_656, %lt3A_658 : vector<16xi32>
        %add3A_660 = arith.constant 16 : i32
        %add3A_661 = vector.broadcast %add3A_660 : i32 to vector<16xi32>
        %add3A_662 = arith.addi %xor3A_656, %add3A_661 : vector<16xi32>
        %select_n3A_663 = arith.select %lt3A_659, %add3A_662, %xor3A_656 : vector<16xi1>, vector<16xi32>
        %broadcast_in_dim3A_664 = vector.shape_cast %select_n3A_663 : vector<16xi32> to vector<16x1xi32>
        %gather3A_665 = vector.shape_cast %broadcast_in_dim3A_664 : vector<16x1xi32> to vector<16xi32>
        %gather3A_666 = tpu.dynamic_gather %add3A_653[%gather3A_665] in [0] : vector<16xf32>, vector<16xi32> -> vector<16xf32>
        %add3A_667 = arith.addf %add3A_653, %gather3A_666 : vector<16xf32>
        %xor3A_668 = arith.constant 2 : i32
        %xor3A_669 = vector.broadcast %xor3A_668 : i32 to vector<16xi32>
        %xor3A_670 = arith.xori %iota3A, %xor3A_669 : vector<16xi32>
        %lt3A_671 = arith.constant 0 : i32
        %lt3A_672 = vector.broadcast %lt3A_671 : i32 to vector<16xi32>
        %lt3A_673 = arith.cmpi slt, %xor3A_670, %lt3A_672 : vector<16xi32>
        %add3A_674 = arith.constant 16 : i32
        %add3A_675 = vector.broadcast %add3A_674 : i32 to vector<16xi32>
        %add3A_676 = arith.addi %xor3A_670, %add3A_675 : vector<16xi32>
        %select_n3A_677 = arith.select %lt3A_673, %add3A_676, %xor3A_670 : vector<16xi1>, vector<16xi32>
        %broadcast_in_dim3A_678 = vector.shape_cast %select_n3A_677 : vector<16xi32> to vector<16x1xi32>
        %gather3A_679 = vector.shape_cast %broadcast_in_dim3A_678 : vector<16x1xi32> to vector<16xi32>
        %gather3A_680 = tpu.dynamic_gather %add3A_667[%gather3A_679] in [0] : vector<16xf32>, vector<16xi32> -> vector<16xf32>
        %add3A_681 = arith.addf %add3A_667, %gather3A_680 : vector<16xf32>
        %xor3A_682 = arith.constant 1 : i32
        %xor3A_683 = vector.broadcast %xor3A_682 : i32 to vector<16xi32>
        %xor3A_684 = arith.xori %iota3A, %xor3A_683 : vector<16xi32>
        %lt3A_685 = arith.constant 0 : i32
        %lt3A_686 = vector.broadcast %lt3A_685 : i32 to vector<16xi32>
        %lt3A_687 = arith.cmpi slt, %xor3A_684, %lt3A_686 : vector<16xi32>
        %add3A_688 = arith.constant 16 : i32
        %add3A_689 = vector.broadcast %add3A_688 : i32 to vector<16xi32>
        %add3A_690 = arith.addi %xor3A_684, %add3A_689 : vector<16xi32>
        %select_n3A_691 = arith.select %lt3A_687, %add3A_690, %xor3A_684 : vector<16xi1>, vector<16xi32>
        %broadcast_in_dim3A_692 = vector.shape_cast %select_n3A_691 : vector<16xi32> to vector<16x1xi32>
        %gather3A_693 = vector.shape_cast %broadcast_in_dim3A_692 : vector<16x1xi32> to vector<16xi32>
        %gather3A_694 = tpu.dynamic_gather %add3A_681[%gather3A_693] in [0] : vector<16xf32>, vector<16xi32> -> vector<16xf32>
        %add3A_695 = arith.addf %add3A_681, %gather3A_694 : vector<16xf32>
        %iota3A_696 = tpu.iota {dimensions = array<i32: 0>} : vector<16xi32>
        %xor3A_697 = arith.constant 8 : i32
        %xor3A_698 = vector.broadcast %xor3A_697 : i32 to vector<16xi32>
        %xor3A_699 = arith.xori %iota3A_696, %xor3A_698 : vector<16xi32>
        %lt3A_700 = arith.constant 0 : i32
        %lt3A_701 = vector.broadcast %lt3A_700 : i32 to vector<16xi32>
        %lt3A_702 = arith.cmpi slt, %xor3A_699, %lt3A_701 : vector<16xi32>
        %add3A_703 = arith.constant 16 : i32
        %add3A_704 = vector.broadcast %add3A_703 : i32 to vector<16xi32>
        %add3A_705 = arith.addi %xor3A_699, %add3A_704 : vector<16xi32>
        %select_n3A_706 = arith.select %lt3A_702, %add3A_705, %xor3A_699 : vector<16xi1>, vector<16xi32>
        %broadcast_in_dim3A_707 = vector.shape_cast %select_n3A_706 : vector<16xi32> to vector<16x1xi32>
        %gather3A_708 = vector.shape_cast %broadcast_in_dim3A_707 : vector<16x1xi32> to vector<16xi32>
        %gather3A_709 = tpu.dynamic_gather %add3A_640[%gather3A_708] in [0] : vector<16xf32>, vector<16xi32> -> vector<16xf32>
        %add3A_710 = arith.addf %add3A_640, %gather3A_709 : vector<16xf32>
        %xor3A_711 = arith.constant 4 : i32
        %xor3A_712 = vector.broadcast %xor3A_711 : i32 to vector<16xi32>
        %xor3A_713 = arith.xori %iota3A_696, %xor3A_712 : vector<16xi32>
        %lt3A_714 = arith.constant 0 : i32
        %lt3A_715 = vector.broadcast %lt3A_714 : i32 to vector<16xi32>
        %lt3A_716 = arith.cmpi slt, %xor3A_713, %lt3A_715 : vector<16xi32>
        %add3A_717 = arith.constant 16 : i32
        %add3A_718 = vector.broadcast %add3A_717 : i32 to vector<16xi32>
        %add3A_719 = arith.addi %xor3A_713, %add3A_718 : vector<16xi32>
        %select_n3A_720 = arith.select %lt3A_716, %add3A_719, %xor3A_713 : vector<16xi1>, vector<16xi32>
        %broadcast_in_dim3A_721 = vector.shape_cast %select_n3A_720 : vector<16xi32> to vector<16x1xi32>
        %gather3A_722 = vector.shape_cast %broadcast_in_dim3A_721 : vector<16x1xi32> to vector<16xi32>
        %gather3A_723 = tpu.dynamic_gather %add3A_710[%gather3A_722] in [0] : vector<16xf32>, vector<16xi32> -> vector<16xf32>
        %add3A_724 = arith.addf %add3A_710, %gather3A_723 : vector<16xf32>
        %xor3A_725 = arith.constant 2 : i32
        %xor3A_726 = vector.broadcast %xor3A_725 : i32 to vector<16xi32>
        %xor3A_727 = arith.xori %iota3A_696, %xor3A_726 : vector<16xi32>
        %lt3A_728 = arith.constant 0 : i32
        %lt3A_729 = vector.broadcast %lt3A_728 : i32 to vector<16xi32>
        %lt3A_730 = arith.cmpi slt, %xor3A_727, %lt3A_729 : vector<16xi32>
        %add3A_731 = arith.constant 16 : i32
        %add3A_732 = vector.broadcast %add3A_731 : i32 to vector<16xi32>
        %add3A_733 = arith.addi %xor3A_727, %add3A_732 : vector<16xi32>
        %select_n3A_734 = arith.select %lt3A_730, %add3A_733, %xor3A_727 : vector<16xi1>, vector<16xi32>
        %broadcast_in_dim3A_735 = vector.shape_cast %select_n3A_734 : vector<16xi32> to vector<16x1xi32>
        %gather3A_736 = vector.shape_cast %broadcast_in_dim3A_735 : vector<16x1xi32> to vector<16xi32>
        %gather3A_737 = tpu.dynamic_gather %add3A_724[%gather3A_736] in [0] : vector<16xf32>, vector<16xi32> -> vector<16xf32>
        %add3A_738 = arith.addf %add3A_724, %gather3A_737 : vector<16xf32>
        %xor3A_739 = arith.constant 1 : i32
        %xor3A_740 = vector.broadcast %xor3A_739 : i32 to vector<16xi32>
        %xor3A_741 = arith.xori %iota3A_696, %xor3A_740 : vector<16xi32>
        %lt3A_742 = arith.constant 0 : i32
        %lt3A_743 = vector.broadcast %lt3A_742 : i32 to vector<16xi32>
        %lt3A_744 = arith.cmpi slt, %xor3A_741, %lt3A_743 : vector<16xi32>
        %add3A_745 = arith.constant 16 : i32
        %add3A_746 = vector.broadcast %add3A_745 : i32 to vector<16xi32>
        %add3A_747 = arith.addi %xor3A_741, %add3A_746 : vector<16xi32>
        %select_n3A_748 = arith.select %lt3A_744, %add3A_747, %xor3A_741 : vector<16xi1>, vector<16xi32>
        %broadcast_in_dim3A_749 = vector.shape_cast %select_n3A_748 : vector<16xi32> to vector<16x1xi32>
        %gather3A_750 = vector.shape_cast %broadcast_in_dim3A_749 : vector<16x1xi32> to vector<16xi32>
        %gather3A_751 = tpu.dynamic_gather %add3A_738[%gather3A_750] in [0] : vector<16xf32>, vector<16xi32> -> vector<16xf32>
        %add3A_752 = arith.addf %add3A_738, %gather3A_751 : vector<16xf32>
        %mul3A_753 = arith.constant 7.812500e-03 : f32
        %mul3A_754 = vector.broadcast %mul3A_753 : f32 to vector<16xf32>
        %mul3A_755 = arith.mulf %add3A_695, %mul3A_754 : vector<16xf32>
        %mul3A_756 = arith.constant 7.812500e-03 : f32
        %mul3A_757 = vector.broadcast %mul3A_756 : f32 to vector<16xf32>
        %mul3A_758 = arith.mulf %add3A_752, %mul3A_757 : vector<16xf32>
        %mul3A_759 = arith.mulf %mul3A_755, %mul3A_755 : vector<16xf32>
        %sub3A_760 = arith.subf %mul3A_758, %mul3A_759 : vector<16xf32>
        %add3A_761 = arith.constant 9.99999974E-6 : f32
        %add3A_762 = vector.broadcast %add3A_761 : f32 to vector<16xf32>
        %add3A_763 = arith.addf %sub3A_760, %add3A_762 : vector<16xf32>
        %bitcast_convert_type3A = tpu.bitcast %add3A_763 : vector<16xf32> -> vector<16xi32>
        %shift_right_arithmetic3A = arith.constant 1 : i32
        %shift_right_arithmetic3A_764 = vector.broadcast %shift_right_arithmetic3A : i32 to vector<16xi32>
        %shift_right_arithmetic3A_765 = arith.shrsi %bitcast_convert_type3A, %shift_right_arithmetic3A_764 : vector<16xi32>
        %sub3A_766 = arith.constant 1597463007 : i32
        %sub3A_767 = vector.broadcast %sub3A_766 : i32 to vector<16xi32>
        %sub3A_768 = arith.subi %sub3A_767, %shift_right_arithmetic3A_765 : vector<16xi32>
        %bitcast_convert_type3A_769 = tpu.bitcast %sub3A_768 : vector<16xi32> -> vector<16xf32>
        %mul3A_770 = arith.constant 5.000000e-01 : f32
        %mul3A_771 = vector.broadcast %mul3A_770 : f32 to vector<16xf32>
        %mul3A_772 = arith.mulf %mul3A_771, %add3A_763 : vector<16xf32>
        %mul3A_773 = arith.mulf %mul3A_772, %bitcast_convert_type3A_769 : vector<16xf32>
        %mul3A_774 = arith.mulf %mul3A_773, %bitcast_convert_type3A_769 : vector<16xf32>
        %sub3A_775 = arith.constant 1.500000e+00 : f32
        %sub3A_776 = vector.broadcast %sub3A_775 : f32 to vector<16xf32>
        %sub3A_777 = arith.subf %sub3A_776, %mul3A_774 : vector<16xf32>
        %mul3A_778 = arith.mulf %bitcast_convert_type3A_769, %sub3A_777 : vector<16xf32>
        %mul3A_779 = arith.constant 5.000000e-01 : f32
        %mul3A_780 = vector.broadcast %mul3A_779 : f32 to vector<16xf32>
        %mul3A_781 = arith.mulf %mul3A_780, %add3A_763 : vector<16xf32>
        %mul3A_782 = arith.mulf %mul3A_781, %mul3A_778 : vector<16xf32>
        %mul3A_783 = arith.mulf %mul3A_782, %mul3A_778 : vector<16xf32>
        %sub3A_784 = arith.constant 1.500000e+00 : f32
        %sub3A_785 = vector.broadcast %sub3A_784 : f32 to vector<16xf32>
        %sub3A_786 = arith.subf %sub3A_785, %mul3A_783 : vector<16xf32>
        %mul3A_787 = arith.mulf %mul3A_778, %sub3A_786 : vector<16xf32>
        %mul3A_788 = arith.constant 5.000000e-01 : f32
        %mul3A_789 = vector.broadcast %mul3A_788 : f32 to vector<16xf32>
        %mul3A_790 = arith.mulf %mul3A_789, %add3A_763 : vector<16xf32>
        %mul3A_791 = arith.mulf %mul3A_790, %mul3A_787 : vector<16xf32>
        %mul3A_792 = arith.mulf %mul3A_791, %mul3A_787 : vector<16xf32>
        %sub3A_793 = arith.constant 1.500000e+00 : f32
        %sub3A_794 = vector.broadcast %sub3A_793 : f32 to vector<16xf32>
        %sub3A_795 = arith.subf %sub3A_794, %mul3A_792 : vector<16xf32>
        %mul3A_796 = arith.mulf %mul3A_787, %sub3A_795 : vector<16xf32>
        %sub3A_797 = arith.subf %add3A_560, %mul3A_755 : vector<16xf32>
        %mul3A_798 = arith.mulf %sub3A_797, %mul3A_796 : vector<16xf32>
        %mul3A_799 = arith.mulf %mul3A_798, %get3A_6 : vector<16xf32>
        %add3A_800 = arith.addf %mul3A_799, %get3A_30 : vector<16xf32>
        %add3A_801 = arith.constant 16 : i32
        %add3A_802 = arith.addi %add3A_801, %scan3A_539 : i32
        %swap3A = arith.constant 3 : i32
        %swap3A_803 = arith.index_cast %add3A_802 : i32 to index
        %swap3A_804 = arith.index_cast %swap3A : i32 to index
        %swap3A_805 = arith.constant 0 : index
        %swap3A_806 = tpu.vector_load %arg17[%swap3A_803, %swap3A_804, %swap3A_805] {strides = array<i32>} : memref<32x4x128xf32, #tpu.memory_space<vmem>>, vector<1x1x16xf32>,
        %swap3A_807 = vector.shape_cast %swap3A_806 : vector<1x1x16xf32> to vector<16xf32>
        %swap3A_808 = vector.shape_cast %add3A_800 : vector<16xf32> to vector<1x1x16xf32>
        tpu.vector_store %arg17[%swap3A_803, %swap3A_804, %swap3A_805], %swap3A_808 {strides = array<i32>} : memref<32x4x128xf32, #tpu.memory_space<vmem>>, vector<1x1x16xf32>,
        %sub3A_809 = arith.subf %add3A_571, %mul3A_755 : vector<16xf32>
        %mul3A_810 = arith.mulf %sub3A_809, %mul3A_796 : vector<16xf32>
        %mul3A_811 = arith.mulf %mul3A_810, %get3A_9 : vector<16xf32>
        %add3A_812 = arith.addf %mul3A_811, %get3A_33 : vector<16xf32>
        %add3A_813 = arith.constant 16 : i32
        %add3A_814 = arith.addi %add3A_813, %scan3A_539 : i32
        %swap3A_815 = arith.constant 3 : i32
        %swap3A_816 = arith.index_cast %add3A_814 : i32 to index
        %swap3A_817 = arith.index_cast %swap3A_815 : i32 to index
        %swap3A_818 = arith.constant 16 : index
        %swap3A_819 = tpu.vector_load %arg17[%swap3A_816, %swap3A_817, %swap3A_818] {strides = array<i32>} : memref<32x4x128xf32, #tpu.memory_space<vmem>>, vector<1x1x16xf32>,
        %swap3A_820 = vector.shape_cast %swap3A_819 : vector<1x1x16xf32> to vector<16xf32>
        %swap3A_821 = vector.shape_cast %add3A_812 : vector<16xf32> to vector<1x1x16xf32>
        tpu.vector_store %arg17[%swap3A_816, %swap3A_817, %swap3A_818], %swap3A_821 {strides = array<i32>} : memref<32x4x128xf32, #tpu.memory_space<vmem>>, vector<1x1x16xf32>,
        %sub3A_822 = arith.subf %add3A_582, %mul3A_755 : vector<16xf32>
        %mul3A_823 = arith.mulf %sub3A_822, %mul3A_796 : vector<16xf32>
        %mul3A_824 = arith.mulf %mul3A_823, %get3A_12 : vector<16xf32>
        %add3A_825 = arith.addf %mul3A_824, %get3A_36 : vector<16xf32>
        %add3A_826 = arith.constant 16 : i32
        %add3A_827 = arith.addi %add3A_826, %scan3A_539 : i32
        %swap3A_828 = arith.constant 3 : i32
        %swap3A_829 = arith.index_cast %add3A_827 : i32 to index
        %swap3A_830 = arith.index_cast %swap3A_828 : i32 to index
        %swap3A_831 = arith.constant 32 : index
        %swap3A_832 = tpu.vector_load %arg17[%swap3A_829, %swap3A_830, %swap3A_831] {strides = array<i32>} : memref<32x4x128xf32, #tpu.memory_space<vmem>>, vector<1x1x16xf32>,
        %swap3A_833 = vector.shape_cast %swap3A_832 : vector<1x1x16xf32> to vector<16xf32>
        %swap3A_834 = vector.shape_cast %add3A_825 : vector<16xf32> to vector<1x1x16xf32>
        tpu.vector_store %arg17[%swap3A_829, %swap3A_830, %swap3A_831], %swap3A_834 {strides = array<i32>} : memref<32x4x128xf32, #tpu.memory_space<vmem>>, vector<1x1x16xf32>,
        %sub3A_835 = arith.subf %add3A_593, %mul3A_755 : vector<16xf32>
        %mul3A_836 = arith.mulf %sub3A_835, %mul3A_796 : vector<16xf32>
        %mul3A_837 = arith.mulf %mul3A_836, %get3A_15 : vector<16xf32>
        %add3A_838 = arith.addf %mul3A_837, %get3A_39 : vector<16xf32>
        %add3A_839 = arith.constant 16 : i32
        %add3A_840 = arith.addi %add3A_839, %scan3A_539 : i32
        %swap3A_841 = arith.constant 3 : i32
        %swap3A_842 = arith.index_cast %add3A_840 : i32 to index
        %swap3A_843 = arith.index_cast %swap3A_841 : i32 to index
        %swap3A_844 = arith.constant 48 : index
        %swap3A_845 = tpu.vector_load %arg17[%swap3A_842, %swap3A_843, %swap3A_844] {strides = array<i32>} : memref<32x4x128xf32, #tpu.memory_space<vmem>>, vector<1x1x16xf32>,
        %swap3A_846 = vector.shape_cast %swap3A_845 : vector<1x1x16xf32> to vector<16xf32>
        %swap3A_847 = vector.shape_cast %add3A_838 : vector<16xf32> to vector<1x1x16xf32>
        tpu.vector_store %arg17[%swap3A_842, %swap3A_843, %swap3A_844], %swap3A_847 {strides = array<i32>} : memref<32x4x128xf32, #tpu.memory_space<vmem>>, vector<1x1x16xf32>,
        %sub3A_848 = arith.subf %add3A_604, %mul3A_755 : vector<16xf32>
        %mul3A_849 = arith.mulf %sub3A_848, %mul3A_796 : vector<16xf32>
        %mul3A_850 = arith.mulf %mul3A_849, %get3A_18 : vector<16xf32>
        %add3A_851 = arith.addf %mul3A_850, %get3A_42 : vector<16xf32>
        %add3A_852 = arith.constant 16 : i32
        %add3A_853 = arith.addi %add3A_852, %scan3A_539 : i32
        %swap3A_854 = arith.constant 3 : i32
        %swap3A_855 = arith.index_cast %add3A_853 : i32 to index
        %swap3A_856 = arith.index_cast %swap3A_854 : i32 to index
        %swap3A_857 = arith.constant 64 : index
        %swap3A_858 = tpu.vector_load %arg17[%swap3A_855, %swap3A_856, %swap3A_857] {strides = array<i32>} : memref<32x4x128xf32, #tpu.memory_space<vmem>>, vector<1x1x16xf32>,
        %swap3A_859 = vector.shape_cast %swap3A_858 : vector<1x1x16xf32> to vector<16xf32>
        %swap3A_860 = vector.shape_cast %add3A_851 : vector<16xf32> to vector<1x1x16xf32>
        tpu.vector_store %arg17[%swap3A_855, %swap3A_856, %swap3A_857], %swap3A_860 {strides = array<i32>} : memref<32x4x128xf32, #tpu.memory_space<vmem>>, vector<1x1x16xf32>,
        %sub3A_861 = arith.subf %add3A_615, %mul3A_755 : vector<16xf32>
        %mul3A_862 = arith.mulf %sub3A_861, %mul3A_796 : vector<16xf32>
        %mul3A_863 = arith.mulf %mul3A_862, %get3A_21 : vector<16xf32>
        %add3A_864 = arith.addf %mul3A_863, %get3A_45 : vector<16xf32>
        %add3A_865 = arith.constant 16 : i32
        %add3A_866 = arith.addi %add3A_865, %scan3A_539 : i32
        %swap3A_867 = arith.constant 3 : i32
        %swap3A_868 = arith.index_cast %add3A_866 : i32 to index
        %swap3A_869 = arith.index_cast %swap3A_867 : i32 to index
        %swap3A_870 = arith.constant 80 : index
        %swap3A_871 = tpu.vector_load %arg17[%swap3A_868, %swap3A_869, %swap3A_870] {strides = array<i32>} : memref<32x4x128xf32, #tpu.memory_space<vmem>>, vector<1x1x16xf32>,
        %swap3A_872 = vector.shape_cast %swap3A_871 : vector<1x1x16xf32> to vector<16xf32>
        %swap3A_873 = vector.shape_cast %add3A_864 : vector<16xf32> to vector<1x1x16xf32>
        tpu.vector_store %arg17[%swap3A_868, %swap3A_869, %swap3A_870], %swap3A_873 {strides = array<i32>} : memref<32x4x128xf32, #tpu.memory_space<vmem>>, vector<1x1x16xf32>,
        %sub3A_874 = arith.subf %add3A_626, %mul3A_755 : vector<16xf32>
        %mul3A_875 = arith.mulf %sub3A_874, %mul3A_796 : vector<16xf32>
        %mul3A_876 = arith.mulf %mul3A_875, %get3A_24 : vector<16xf32>
        %add3A_877 = arith.addf %mul3A_876, %get3A_48 : vector<16xf32>
        %add3A_878 = arith.constant 16 : i32
        %add3A_879 = arith.addi %add3A_878, %scan3A_539 : i32
        %swap3A_880 = arith.constant 3 : i32
        %swap3A_881 = arith.index_cast %add3A_879 : i32 to index
        %swap3A_882 = arith.index_cast %swap3A_880 : i32 to index
        %swap3A_883 = arith.constant 96 : index
        %swap3A_884 = tpu.vector_load %arg17[%swap3A_881, %swap3A_882, %swap3A_883] {strides = array<i32>} : memref<32x4x128xf32, #tpu.memory_space<vmem>>, vector<1x1x16xf32>,
        %swap3A_885 = vector.shape_cast %swap3A_884 : vector<1x1x16xf32> to vector<16xf32>
        %swap3A_886 = vector.shape_cast %add3A_877 : vector<16xf32> to vector<1x1x16xf32>
        tpu.vector_store %arg17[%swap3A_881, %swap3A_882, %swap3A_883], %swap3A_886 {strides = array<i32>} : memref<32x4x128xf32, #tpu.memory_space<vmem>>, vector<1x1x16xf32>,
        %sub3A_887 = arith.subf %add3A_637, %mul3A_755 : vector<16xf32>
        %mul3A_888 = arith.mulf %sub3A_887, %mul3A_796 : vector<16xf32>
        %mul3A_889 = arith.mulf %mul3A_888, %get3A_27 : vector<16xf32>
        %add3A_890 = arith.addf %mul3A_889, %get3A_51 : vector<16xf32>
        %add3A_891 = arith.constant 16 : i32
        %add3A_892 = arith.addi %add3A_891, %scan3A_539 : i32
        %swap3A_893 = arith.constant 3 : i32
        %swap3A_894 = arith.index_cast %add3A_892 : i32 to index
        %swap3A_895 = arith.index_cast %swap3A_893 : i32 to index
        %swap3A_896 = arith.constant 112 : index
        %swap3A_897 = tpu.vector_load %arg17[%swap3A_894, %swap3A_895, %swap3A_896] {strides = array<i32>} : memref<32x4x128xf32, #tpu.memory_space<vmem>>, vector<1x1x16xf32>,
        %swap3A_898 = vector.shape_cast %swap3A_897 : vector<1x1x16xf32> to vector<16xf32>
        %swap3A_899 = vector.shape_cast %add3A_890 : vector<16xf32> to vector<1x1x16xf32>
        tpu.vector_store %arg17[%swap3A_894, %swap3A_895, %swap3A_896], %swap3A_899 {strides = array<i32>} : memref<32x4x128xf32, #tpu.memory_space<vmem>>, vector<1x1x16xf32>,
      }
      %scan3A_535 = arith.constant 16 : i32
      %mul3A_536 = arith.constant 4 : i32
      %mul3A_537 = arith.muli %scan3A_144, %mul3A_536 : i32
      %add3A_538 = arith.addi %mul3A_4, %mul3A_537 : i32
      "tpu.region"() ({
        %run_scoped3A = tpu.sem_alloc : memref<!tpu.dma_semaphore, #tpu.memory_space<semaphore_mem>>
        %dma_start3A_539 = arith.constant 0 : i32
        %dma_start3A_540 = arith.constant 0 : i32
        %dma_start3A_541 = tpu.memref_slice %arg9[%dma_start3A_539, %add3A_538, %dma_start3A_540] : memref<32x2048x128xf32, #tpu.memory_space<hbm>> -> memref<32x4x128xf32, #tpu.memory_space<hbm>>
        %dma_start3A_542 = arith.constant 0 : i32
        %dma_start3A_543 = arith.constant 0 : i32
        %dma_start3A_544 = tpu.memref_slice %arg9[%dma_start3A_542, %add3A_538, %dma_start3A_543] : memref<32x2048x128xf32, #tpu.memory_space<hbm>> -> memref<32x4x128xf32, #tpu.memory_space<hbm>>
        tpu.enqueue_dma source(%arg17 : memref<32x4x128xf32, #tpu.memory_space<vmem>>) target(%dma_start3A_544 : memref<32x4x128xf32, #tpu.memory_space<hbm>>) target_semaphore(%run_scoped3A : memref<!tpu.dma_semaphore, #tpu.memory_space<semaphore_mem>>)
        %dma_wait3A_545 = arith.constant 0 : i32
        %dma_wait3A_546 = arith.constant 0 : i32
        %dma_wait3A_547 = tpu.memref_slice %arg9[%dma_wait3A_545, %add3A_538, %dma_wait3A_546] : memref<32x2048x128xf32, #tpu.memory_space<hbm>> -> memref<32x4x128xf32, #tpu.memory_space<hbm>>
        %dma_wait3A_548 = arith.constant 0 : i32
        %dma_wait3A_549 = arith.constant 0 : i32
        %dma_wait3A_550 = tpu.memref_slice %arg9[%dma_wait3A_548, %add3A_538, %dma_wait3A_549] : memref<32x2048x128xf32, #tpu.memory_space<hbm>> -> memref<32x4x128xf32, #tpu.memory_space<hbm>>
        tpu.wait_dma2 semaphore(%run_scoped3A : memref<!tpu.dma_semaphore, #tpu.memory_space<semaphore_mem>>) src(%arg17 : memref<32x4x128xf32, #tpu.memory_space<vmem>>) dst(%dma_wait3A_550 : memref<32x4x128xf32, #tpu.memory_space<hbm>>)
        tpu.yield
      }) : () -> ()
    }
    %scan3A_143 = arith.constant 16 : i32
    return
  }
}

</mosaic_0001>

<sc_bundles>
// kernel: _emb_ln.3.cloned.1.call-start
scs
__scs_entry_jumppad:
0x0: {  	(pc) =	sbr.rel $0x88, $3  }
0x1: {  	(tag) =	ssettag $0x0;
	lr =	simm.s32 $0x1  }
0x2: {  	[smem:$0x3F9A] =	sst lr;
	_ =	strace $0xD0000000  }
0x3: {  	_ = 	snop  }
0x4: {  	_ = 	snop  }
0x5: {  	_ = 	snop  }
0x6: {  	_ = 	snop  }
0x7: {  	_ = 	snop  }
__scs_overlays_trampoline_lowered:
0x8: {  	[smem:$0x3FA9] =	sst s0  }
0x9: {  	[smem:$0x3FAA] =	sst s1  }
0xa: {  	[smem:$0x3FAB] =	sst s2  }
0xb: {  	[smem:$0x3FAC] =	sst s3  }
0xc: {  	[smem:$0x3FAD] =	sst s4  }
0xd: {  	[smem:$0x3FAE] =	sst s5  }
0xe: {  	[smem:$0x3FAF] =	sst s6  }
0xf: {  	[smem:$0x3FB0] =	sst s7  }
0x10: {  	[smem:$0x3FB1] =	sst s8  }
0x11: {  	[smem:$0x3FB2] =	sst s9;
	s0 =	simm.s32 @!p0 $0x0  }
0x12: {  	s1 =	sld [smem:$0x3F98];
	s0 =	simm.s32 @p0 $0x1  }
0x13: {  	[smem:$0x3FB3] =	sst s0;
	s0 =	simm.s32 @!p1 $0x0  }
0x14: {  	s2 =	sld [smem:$0x3F97];
	s0 =	simm.s32 @p1 $0x1  }
0x15: {  	[smem:$0x3FB4] =	sst s0;
	s0 =	simm.s32 @!p2 $0x0  }
0x16: {  	s3 =	sld [smem:$0x3FDB];
	s0 =	simm.s32 @p2 $0x1  }
0x17: {  	s4 =	simm.s32 $0x1BF5;
	[smem:$0x3FB6] =	sst s0  }
0x18: {  	s0 =	sld [smem:$0x3F99];
	_ =	swait.ge [sflag:s4], $0x0  }
0x19: {  	s7 =	sld [smem:$0x3F9A]  }
0x1a: {  	s8 =	sadd.s32 $0xFFFFE003, lr  }
0x1b: {  	s9 =	sadd.s32 $0xFFFFFEF7, lr;
	s5 =	simm.s32 $0xFFFFFFFF;
	p2 =	slt.u32 s8, $0xFFFFF086  }
0x1c: {  	p1 =	slt.u32 s9, $0xF7A;
	s5 =	simm.s32 @!p2 $0x0  }
0x1d: {  	s5 =	simm.s32 @p1 $0x1;
	p0 =	seq.s32 s7, s2  }
0x1e: {  	s7 =	smul.u32 @!p0 $0xF7A, s2;
	p2 =	seq.s32 @!p0 s5, $0x0  }
0x1f: {  	s9 =	smul.u32 $0xF7A, s1;
	s8 =	simm.s32 @!p0 $0x1BF5;
	p2 =	por !p2, p0  }
0x20: {  	[sflag:s8] =	ssyncset.s32 @!p0 $0xFFFFF086;
	s6 =	sadd.s32 @!p0 s3, s7;
	s7 =	simm.s32 @!p0 $0x108  }
0x21: {  	s3 =	sadd.s32 s3, s9;
	s6 =	sadd.s32 @!p0 $0x88, s6;
	s7 =	simm.s32 @p2 $0x1082  }
0x22: {  	[simem:s7], [sflag:s8] =	dma.local @!p0 [hbm:s6], $0xF7A  }
0x23: {  	s9 =	sor.u32 $0xD0000000, s2;
	s6 =	simm.s32 $0x108;
	_ =	swait.ge @!p0 [sflag:s8], $0x0  }
0x24: {  	s3 =	sadd.s32 $0x88, s3;
	s6 =	simm.s32 @!p1 $0x1082;
	[sflag:s4] =	ssyncset.s32 $0xFFFFF086  }
0x25: {  	[simem:s6], [sflag:s4] =	dma.local [hbm:s3], $0xF7A  }
0x26: {  	[smem:$0x3F9A] =	sst s1;
	(tag) =	ssettag s2;
	_ =	strace s9  }
0x27: {  	s1 =	sld [smem:$0x3FAA]  }
0x28: {  	s2 =	sld [smem:$0x3FAB]  }
0x29: {  	s4 =	sld [smem:$0x3FAD]  }
0x2a: {  	p0 =	seq.s32 s5, $0x0;
	s5 =	sld [smem:$0x3FAE]  }
0x2b: {  	s6 =	sld [smem:$0x3FAF]  }
0x2c: {  	s7 =	sld [smem:$0x3FB0]  }
0x2d: {  	s3 =	simm.s32 $0x108;
	s8 =	sld [smem:$0x3FB1]  }
0x2e: {  	s3 =	simm.s32 @!p0 $0x1082;
	s9 =	sld [smem:$0x3FB2]  }
0x2f: {  	lr =	sadd.s32 s0, s3;
	s0 =	sld [smem:$0x3FA9]  }
0x30: {  	s3 =	sld [smem:$0x3FAC]  }
0x31: {  	[smem:$0x3FB5] =	sst s10  }
0x32: {  	s10 =	sld [smem:$0x3FB3];
	_ =	sdelay $0x3  }
0x33: {  	p0 =	seq.s32 s10, $0x1;
	s10 =	sld [smem:$0x3FB5];
	_ =	sdelay $0x3  }
0x34: {  	[smem:$0x3FB5] =	sst s10  }
0x35: {  	s10 =	sld [smem:$0x3FB4];
	_ =	sdelay $0x3  }
0x36: {  	p1 =	seq.s32 s10, $0x1;
	s10 =	sld [smem:$0x3FB5];
	_ =	sdelay $0x3  }
0x37: {  	[smem:$0x3FB5] =	sst s10  }
0x38: {  	s10 =	sld [smem:$0x3FB6]  }
0x39: {  	_ = 	snop;
	(pc) =	sbr.ind lr, $3  }
0x3a: {  	_ = 	snop  }
0x3b: {  	_ = 	snop  }
0x3c: {  	p2 =	seq.s32 s10, $0x1;
	s10 =	sld [smem:$0x3FB5]  }
0x3d: {  	_ =	shalt  }
0x3e: {  	_ =	shalt  }
0x3f: {  	_ =	shalt  }
0x40: {  	_ =	shalt  }
0x41: {  	_ =	shalt  }
0x42: {  	_ =	shalt  }
0x43: {  	_ =	shalt  }
0x44: {  	_ =	shalt  }
0x45: {  	_ =	shalt  }
0x46: {  	_ =	shalt  }
0x47: {  	_ =	shalt  }
0x48: {  	_ =	shalt  }
0x49: {  	_ =	shalt  }
0x4a: {  	_ =	shalt  }
0x4b: {  	_ =	shalt  }
0x4c: {  	_ =	shalt  }
0x4d: {  	_ =	shalt  }
0x4e: {  	_ =	shalt  }
0x4f: {  	_ =	shalt  }
0x50: {  	_ =	shalt  }
0x51: {  	_ =	shalt  }
0x52: {  	_ =	shalt  }
0x53: {  	_ =	shalt  }
0x54: {  	_ =	shalt  }
0x55: {  	_ =	shalt  }
0x56: {  	_ =	shalt  }
0x57: {  	_ =	shalt  }
0x58: {  	_ =	shalt  }
0x59: {  	_ =	shalt  }
0x5a: {  	_ =	shalt  }
0x5b: {  	_ =	shalt  }
0x5c: {  	_ =	shalt  }
0x5d: {  	_ =	shalt  }
0x5e: {  	_ =	shalt  }
0x5f: {  	_ =	shalt  }
0x60: {  	_ =	shalt  }
0x61: {  	_ =	shalt  }
0x62: {  	_ =	shalt  }
0x63: {  	_ =	shalt  }
0x64: {  	_ =	shalt  }
0x65: {  	_ =	shalt  }
0x66: {  	_ =	shalt  }
0x67: {  	_ =	shalt  }
0x68: {  	_ =	shalt  }
0x69: {  	_ =	shalt  }
0x6a: {  	_ =	shalt  }
0x6b: {  	_ =	shalt  }
0x6c: {  	_ =	shalt  }
0x6d: {  	_ =	shalt  }
0x6e: {  	_ =	shalt  }
0x6f: {  	_ =	shalt  }
0x70: {  	_ =	shalt  }
0x71: {  	_ =	shalt  }
0x72: {  	_ =	shalt  }
0x73: {  	_ =	shalt  }
0x74: {  	_ =	shalt  }
0x75: {  	_ =	shalt  }
0x76: {  	_ =	shalt  }
0x77: {  	_ =	shalt  }
0x78: {  	_ =	shalt  }
0x79: {  	_ =	shalt  }
0x7a: {  	_ =	shalt  }
0x7b: {  	_ =	shalt  }
0x7c: {  	_ =	shalt  }
0x7d: {  	_ =	shalt  }
0x7e: {  	_ =	shalt  }
0x7f: {  	_ =	shalt  }
0x80: {  	_ =	shalt  }
0x81: {  	_ =	shalt  }
0x82: {  	_ =	shalt  }
0x83: {  	_ =	shalt  }
0x84: {  	_ =	shalt  }
0x85: {  	_ =	shalt  }
0x86: {  	_ =	shalt  }
0x87: {  	_ =	shalt  }
.Lfunc_end0:
.L_simem_size_0:
called_computation_lowered:
.L_overlay_start_0:
0x88: {  	s2 =	sld [smem:$0x3FD9]  }
0x89: {  	s3 =	sld [smem:$0x3FFE];
	_ =	sdelay $0x1  }
0x8a: {  	s1 =	srdreg.scid  }
0x8b: {  	s0 =	sand.u32 $0x1, s1  }
0x8c: {  	s18 =	sshll.u32 s0, $0xA;
	s2 =	sadd.s32 s3, s2  }
0x8d: {  	s2 =	sadd.s32 s2, s18  }
0x8e: {  	[smem:$0x3FC1] =	sst s2  }
0x8f: {  	_ = 	snop  }
0x90: {  	s2 =	sld [smem:$0x3FC9]  }
0x91: {  	s19 =	sld [smem:$0x3FC8]  }
0x92: {  	s4 =	sld [smem:$0x3FC7]  }
0x93: {  	s5 =	sld [smem:$0x3FC6]  }
0x94: {  	s6 =	sld [smem:$0x3FC5]  }
0x95: {  	s7 =	sld [smem:$0x3FC4]  }
0x96: {  	s8 =	sld [smem:$0x3FC3]  }
0x97: {  	s9 =	sld [smem:$0x3FD0];
	(tm) =	ssettm $0x1  }
0x98: {  	s10 =	sld [smem:$0x3FFB];
	_ =	sdelay $0x3  }
0x99: {  	_ =	strace s10  }
0x9a: {  	s10 =	sld [smem:$0x3FFC];
	_ =	sdelay $0x3  }
0x9b: {  	_ =	strace s10  }
0x9c: {  	s10 =	sld [smem:$0x3FFD];
	_ =	sdelay $0x3  }
0x9d: {  	_ =	strace s10  }
0x9e: {  	_ =	strace $0x8FFFFFFF  }
0x9f: {  	s20 =	sld [smem:$0x3FDB];
	_ =	sdelay $0x1  }
0xa0: {  	s11 =	simm.s32 $_scs_section_size  }
0xa1: {  	s12 =	simm.s32 $_size__tile_overlayer_lowered;
	s13 =	simm.s32 $_tile_overlayer_lowered  }
0xa2: {  	s23 =	simm.s32 $0x1BFF;
	s22 =	sshll.u32 s13, $0x1;
	s10 =	sadd.s32 s11, s20  }
0xa3: {  	s14 =	simm.s32 $0x0;
	s21 =	sshll.u32 s12, $0x1;
	s12 =	sadd.s32 s22, s10  }
0xa4: {  	[timem:s14], [sflag:s23] =	dma.local [hbm:s12], s21  }
0xa5: {  	_ =	swait.ge [sflag:s23], s21  }
0xa6: {  	s11 =	ssub.s32 $0x0, s21;
	[sflag:s23] =	ssyncset.done $0x0  }
0xa7: {  	[sflag:s23] =	ssyncadd.s32 s11;
	_ =	sdelay $0x1  }
0xa8: {  	s24 =	simm.s32 $0x1B8B  }
0xa9: {  	_ =	swait.ge [sflag:s24], $0x1  }
0xaa: {  	[sflag:s24] =	ssyncset.done $0x0  }
0xab: {  	s25 =	simm.s32 $0x1B8E;
	[sflag:s24] =	ssyncadd.s32 $0xFFFFFFFF  }
0xac: {  	s26 =	simm.s32 $execute0_lowered;
	[smem:$0x3FD2] =	sst s25  }
0xad: {  	s11 =	sshll.u32 s26, $0x1;
	_ =	strace $0x80000046;
	[dreg:$0x1] =	wrdreg $0xFFFFFFFF  }
0xae: {  	s28 =	simm.s32 $_size_execute0_lowered;
	s10 =	sadd.s32 s10, s11;
	[dreg:$0x0] =	wrdreg $0x0  }
0xaf: {  	s11 =	sshll.u32 s28, $0x1;
	[dreg:$0x2] =	wrdreg s10  }
0xb0: {  	[dreg:$0x3] =	wrdreg s11  }
0xb1: {  	[dreg:$0x4] =	wrdreg $0xC0  }
0xb2: {  	_ =	task [dreg:s14], $0x5FFFF  }
0xb3: {  	[dreg:$0x1] =	wrdreg $0xFFFFFFFF  }
0xb4: {  	[dreg:$0x0] =	wrdreg $0x60  }
0xb5: {  	[dreg:$0x2] =	wrdreg s2  }
0xb6: {  	[dreg:$0x3] =	wrdreg s19  }
0xb7: {  	[dreg:$0x4] =	wrdreg s4  }
0xb8: {  	[dreg:$0x5] =	wrdreg s5  }
0xb9: {  	[dreg:$0x6] =	wrdreg s6  }
0xba: {  	[dreg:$0x7] =	wrdreg s7  }
0xbb: {  	[dreg:$0x8] =	wrdreg s8  }
0xbc: {  	[dreg:$0x9] =	wrdreg s9  }
0xbd: {  	[dreg:$0xa] =	wrdreg $0x9  }
0xbe: {  	_ =	task.clear_ibuf [dreg:s14], $0xBFFFF;
	_ =	strace $0x90000046  }
0xbf: {  	s29 =	simm.s32 $0x9;
	_ =	strace $0x80000048  }
0xc0: {  	_ =	swait.ge [sflag:s29], $0x1  }
0xc1: {  	[sflag:s29] =	ssyncadd.s32 $0xFFFFFFFF  }
0xc2: {  	_ =	strace $0x90000048  }
0xc3: {  	_ =	sfence  }
0xc4: {  	s30 =	sld [smem:$0x0];
	_ =	sdelay $0x2  }
0xc5: {  	s31 =	sshll.u32 s1, $0xD;
	s1 =	sshrl.u32 s1, $0x2  }
0xc6: {  	s3 =	sand.u32 $0x4000, s31;
	s1 =	sadd.s32 s1, s30  }
0xc7: {  	s0 =	sor.u32 s3, s0;
	s1 =	sshll.u32 s1, $0x11  }
0xc8: {  	s0 =	sor.u32 s1, s0  }
0xc9: {  	s0 =	sadd.s32 $0x8F2B, s0  }
0xca: {  	[sflag:s0] =	ssyncadd.remote.s32 $0x1  }
0xcb: {  	_ =	sfence.sel $0xFFFF  }
0xcc: {  	[dreg:$0x0] =	wrdreg $0xFFFFFFFF;
	(pc) =	sbr.abs _section_cstart, $3  }
0xcd: {  	[dreg:$0x1] =	wrdreg $0xFFFFFFFF  }
0xce: {  	_ =	task.clear_ibuf [dreg:s14], $0x2FFFF;
	_ =	strace $0x9FFFFFFF  }
0xcf: {  	(tm) =	ssettm $0x7FFFFFFF  }
tec
execute0_lowered:
.L_overlay_start_1:
0x0: {  	(tag) =	ssettag $0x1  }
0x1: {  	s4 =	rddreg [dreg:$0x0]  }
0x2: {  	s8 =	rddreg [dreg:$0x1]  }
0x3: {  	s0 =	rddreg [dreg:$0x2]  }
0x4: {  	s9 =	rddreg [dreg:$0x3]  }
0x5: {  	s1 =	rddreg [dreg:$0x4]  }
0x6: {  	s2 =	rddreg [dreg:$0x5]  }
0x7: {  	v0 =	vimm.s32 $0xFEDCBA98;
	s3 =	rddreg [dreg:$0x6];
	v1 =	vimm.s32 $0x76543210;
	v2 =	vimm.s32 $0xBA98FEDC  }
0x8: {  	s10 =	rddreg [dreg:$0x7];
	s5 =	simm.s32 $0x0;
	v3 =	vimm.s32 $0x32107654;
	v4 =	vimm.s32 $0xDCFE98BA;
	v5 =	vimm.s32 $0x54761032  }
0x9: {  	s7 =	srdreg.scid;
	s6 =	stileid.u32;
	v6 =	vimm.s32 $0xEFCDAB89;
	v7 =	vimm.s32 $0x67452301;
	s14 =	simm.s32 $0x1000  }
0xa: {  	s15 =	simm.s32 $0x3000;
	s16 =	simm.s32 $0x3100;
	s17 =	simm.s32 $0x3180;
	v0 =	vunpack.c.l.s4.s8 v0;
	v1 =	vunpack.c.l.s4.s8 v1;
	v2 =	vunpack.c.l.s4.s8 v2  }
0xb: {  	s18 =	simm.s32 $0x80;
	s19 =	simm.s32 $0x3200;
	s20 =	simm.s32 $0x1;
	v3 =	vunpack.c.l.s4.s8 v3;
	v4 =	vunpack.c.l.s4.s8 v4;
	v5 =	vunpack.c.l.s4.s8 v5  }
0xc: {  	s21 =	simm.s32 $0x200;
	s22 =	simm.s32 $0x40000;
	s23 =	simm.s32 $0x7200;
	v6 =	vunpack.c.l.s4.s8 v6;
	v7 =	vunpack.c.l.s4.s8 v7;
	v0 =	vunpack.c.0.s8.s32 v0  }
0xd: {  	s24 =	simm.s32 $0x0;
	s7 =	sand.u32 $0x1, s7;
	s12 =	sshll.u32 s6, $0x1;
	v2 =	vunpack.c.0.s8.s32 v2;
	v3 =	vunpack.c.0.s8.s32 v3;
	v4 =	vunpack.c.0.s8.s32 v4  }
0xe: {  	[smem:$0x7FF] =	sst s5;
	s11 =	ssub.s32 $0x2, s7;
	s7 =	sor.u32 s7, s12;
	v5 =	vunpack.c.0.s8.s32 v5;
	v6 =	vunpack.c.0.s8.s32 v6;
	v7 =	vunpack.c.0.s8.s32 v7  }
0xf: {  	_ =	strace $0x80000047;
	s13 =	sshrl.u32 s11, $0x1;
	s12 =	sshll.u32 s7, $0x8;
	v1 =	vunpack.c.0.s8.s32 v1;
	v2 =	vcombine.low v3, v2  }
0x10: {  	s31 =	sshll.u32 s7, $0xA;
	s11 =	ssub.s32 s11, s13;
	s7 =	sadd.s32 s4, s12;
	v3 =	vcombine.low v5, v4;
	v4 =	vcombine.low v7, v6;
	v0 =	vand.u32 $0xF, v0  }
0x11: {  	s8 =	sadd.s32 s8, s12;
	s9 =	sadd.s32 s9, s31;
	s10 =	sadd.s32 s10, s31;
	v0 =	vcombine.low v0, v1  }
0x12: {  	s12 =	simm.s32 $0x2;
	s13 =	simm.s32 $0x800;
	s11 =	smax.u32 s11, $0x1;
	v1 =	vand.u32 $0xF, v2;
	v2 =	vand.u32 $0xF, v3;
	v3 =	vand.u32 $0xF, v4  }
.LBB2_1:
0x13: {  	[tilespmem:s5], [sflag:$0x2] =	stream.linear.gather [hbm4b:s7+s5], $0x800, $0x38;
	[tilespmem:$0xB200] =	vst v63  }
0x14: {  	_ =	swait.ge [sflag:s12], $0x800  }
0x15: {  	[sflag:s12] =	ssyncset.done $0x0  }
0x16: {  	[sflag:s12] =	ssyncadd.s32 $0xFFFFF800  }
0x17: {  	[tilespmem:s13], [sflag:$0x2] =	stream.linear.gather [hbm4b:s8+s5], $0x800, $0x38;
	[tilespmem:$0xB200] =	vst v63  }
0x18: {  	_ =	swait.ge [sflag:s12], $0x800  }
0x19: {  	[sflag:s12] =	ssyncset.done $0x0  }
0x1a: {  	[sflag:s12] =	ssyncadd.s32 $0xFFFFF800  }
0x1b: {  	[tilespmem:s14], [sflag:$0x2] =	stream.linear.gather [hbm4b:s9+s5], $0x2000, $0x38;
	[tilespmem:$0xB200] =	vst v63  }
0x1c: {  	_ =	swait.ge [sflag:s12], $0x2000  }
0x1d: {  	[sflag:s12] =	ssyncset.done $0x0  }
0x1e: {  	[sflag:s12] =	ssyncadd.s32 $0xFFFFE000  }
0x1f: {  	[tilespmem:s15], [sflag:$0x2] =	stream.linear.gather [hbm4b:s1+s5], $0x100, $0x38;
	[tilespmem:$0xB200] =	vst v63  }
0x20: {  	_ =	swait.ge [sflag:s12], $0x100  }
0x21: {  	[sflag:s12] =	ssyncset.done $0x0  }
0x22: {  	[sflag:s12] =	ssyncadd.s32 $0xFFFFFF00  }
0x23: {  	[tilespmem:s16], [sflag:$0x2] =	stream.linear.gather [hbm4b:s2+s5], $0x80, $0x38;
	[tilespmem:$0xB200] =	vst v63  }
0x24: {  	_ =	swait.ge [sflag:s12], $0x80  }
0x25: {  	[sflag:s12] =	ssyncset.done $0x0  }
0x26: {  	[sflag:s12] =	ssyncadd.s32 $0xFFFFFF80  }
0x27: {  	[tilespmem:s17], [sflag:$0x2] =	stream.linear.gather [hbm4b:s3+s5], $0x80, $0x38;
	[tilespmem:$0xB200] =	vst v63  }
0x28: {  	_ =	swait.ge [sflag:s12], $0x80  }
0x29: {  	[sflag:s12] =	ssyncset.done $0x0  }
0x2a: {  	[sflag:s12] =	ssyncadd.s32 $0xFFFFFF80  }
0x2b: {  	v4 =	vld [tilespmem:$0x3100]  }
0x2c: {  	v5 =	vld [tilespmem:$0x3110]  }
0x2d: {  	v6 =	vld [tilespmem:$0x3120]  }
0x2e: {  	v7 =	vld [tilespmem:$0x3130]  }
0x2f: {  	v8 =	vld [tilespmem:$0x3140]  }
0x30: {  	v9 =	vld [tilespmem:$0x3150]  }
0x31: {  	v10 =	vld [tilespmem:$0x3160]  }
0x32: {  	v11 =	vld [tilespmem:$0x3170]  }
0x33: {  	v12 =	vld [tilespmem:$0x3180]  }
0x34: {  	v13 =	vld [tilespmem:$0x3190]  }
0x35: {  	v14 =	vld [tilespmem:$0x31A0]  }
0x36: {  	v15 =	vld [tilespmem:$0x3000]  }
0x37: {  	v16 =	vld [tilespmem:$0x3010]  }
0x38: {  	v17 =	vld [tilespmem:$0x3020]  }
0x39: {  	v18 =	vld [tilespmem:$0x3030]  }
0x3a: {  	v19 =	vld [tilespmem:$0x3040]  }
0x3b: {  	v20 =	vld [tilespmem:$0x3050]  }
0x3c: {  	v21 =	vld [tilespmem:$0x3060]  }
0x3d: {  	v22 =	vld [tilespmem:$0x3070]  }
0x3e: {  	v25 =	vld [tilespmem:$0x3080]  }
0x3f: {  	v26 =	vld [tilespmem:$0x3090]  }
0x40: {  	v28 =	vld [tilespmem:$0x30A0]  }
0x41: {  	v29 =	vld [tilespmem:$0x30B0]  }
0x42: {  	v31 =	vld [tilespmem:$0x30C0]  }
0x43: {  	v32 =	vld [tilespmem:$0x30D0]  }
0x44: {  	v34 =	vld [tilespmem:$0x30E0]  }
0x45: {  	v35 =	vld [tilespmem:$0x30F0]  }
0x46: {  	v23 =	vld [tilespmem:$0x31B0]  }
0x47: {  	v24 =	vld [tilespmem:$0x31C0];
	v25 =	vsub.f32 v25, v15;
	v26 =	vsub.f32 v26, v16  }
0x48: {  	v27 =	vld [tilespmem:$0x31D0];
	v28 =	vsub.f32 v28, v17;
	v29 =	vsub.f32 v29, v18  }
0x49: {  	v30 =	vld [tilespmem:$0x31E0];
	v31 =	vsub.f32 v31, v19;
	v32 =	vsub.f32 v32, v20  }
0x4a: {  	s25 =	simm.s32 $0x0;
	v33 =	vld [tilespmem:$0x31F0];
	v34 =	vsub.f32 v34, v21;
	v35 =	vsub.f32 v35, v22  }
.LBB2_2:
0x4b: {  	s4 =	sshll.u32 s25, $0x7  }
0x4c: {  	[tilespmem:s19], [sflag:$0x1] =	stream.indirect.gather [hbm4b:s0+s18], $0x80, s4, s18, $0xb8;
	[tilespmem:$0xB200] =	vst v63  }
0x4d: {  	_ =	swait.ge [sflag:s20], $0x4000  }
0x4e: {  	[sflag:s20] =	ssyncset.done $0x0  }
0x4f: {  	[sflag:s20] =	ssyncadd.s32 $0xFFFFC000  }
0x50: {  	s26 =	sshll.u32 s25, $0x9;
	v39 =	vld [tilespmem:s4+$0x800]  }
0x51: {  	v36 =	vld [tilespmem:s26+$0x1000]  }
0x52: {  	v37 =	vld [tilespmem:s26+$0x1010]  }
0x53: {  	s28 =	simm.s32 $0x3240;
	v38 =	vld [tilespmem:s26+$0x1020]  }
0x54: {  	v41 =	vld [tilespmem:s28+$0xFFFFFFD0]  }
0x55: {  	v42 =	vld [tilespmem:s28+$0xFFFFFFC0]  }
0x56: {  	v47 =	vld [tilespmem:s28+$0xFFFFFFE0]  }
0x57: {  	v49 =	vld [tilespmem:s28+$0x0]  }
0x58: {  	s6 =	simm.s32 $0x0;
	v44 =	vcvt.s32.f32 v39;
	v39 =	vld [tilespmem:s26+$0x1040]  }
0x59: {  	v40 =	vmov s6  }
0x5a: {  	v45 =	vperm.xlane v44, v40  }
0x5b: {  	v51 =	vld [tilespmem:s28+$0xFFFFFFF0];
	v41 =	vadd.f32 v41, v37;
	v42 =	vadd.f32 v42, v36  }
0x5c: {  	v47 =	vadd.f32 v47, v38;
	v40 =	vld [tilespmem:s26+$0x1030];
	v43 =	vmul.f32 v45, v25;
	v46 =	vmul.f32 v45, v26  }
0x5d: {  	v48 =	vmul.f32 v45, v29;
	v50 =	vmul.f32 v45, v28;
	v49 =	vadd.f32 v49, v39  }
0x5e: {  	v52 =	vmul.f32 v45, v31;
	v43 =	vadd.f32 v43, v15;
	v46 =	vadd.f32 v46, v16  }
0x5f: {  	v48 =	vadd.f32 v48, v18;
	v50 =	vadd.f32 v50, v17  }
0x60: {  	v62 =	vadd.f32 v52, v19;
	v54 =	vadd.f32 v43, v42  }
0x61: {  	v52 =	vmul.f32 v45, v32;
	v51 =	vadd.f32 v51, v40;
	v46 =	vadd.f32 v41, v46;
	v41 =	vld [tilespmem:s26+$0x1050]  }
0x62: {  	v47 =	vadd.f32 v47, v50;
	v50 =	vld [tilespmem:s28+$0x10];
	v53 =	vadd.f32 $0.0e+00, v54  }
0x63: {  	v57 =	vld [tilespmem:s28+$0x20];
	v60 =	vmul.f32 v45, v34;
	v56 =	vadd.f32 v49, v62;
	v52 =	vadd.f32 v52, v20  }
0x64: {  	v42 =	vld [tilespmem:s26+$0x1060];
	v55 =	vmul.f32 v54, v54;
	v63 =	vmul.f32 v46, v46;
	v53 =	vadd.f32 v46, v53  }
0x65: {  	v59 =	vld [tilespmem:s28+$0x30];
	v45 =	vmul.f32 v45, v35;
	v49 =	vadd.f32 v60, v21;
	v58 =	vadd.f32 v51, v48  }
0x66: {  	v43 =	vld [tilespmem:s26+$0x1070];
	v61 =	vmul.f32 v47, v47;
	v62 =	vadd.f32 v63, v55;
	v53 =	vadd.f32 v47, v53  }
0x67: {  	v45 =	vadd.f32 v45, v22;
	v50 =	vadd.f32 v50, v41  }
0x68: {  	v55 =	vmul.f32 v58, v58;
	v48 =	vadd.f32 v61, v62;
	v51 =	vadd.f32 v58, v53  }
0x69: {  	v61 =	vadd.f32 v57, v42;
	v60 =	vadd.f32 v50, v52  }
0x6a: {  	v63 =	vmul.f32 v56, v56;
	v48 =	vadd.f32 v55, v48;
	v51 =	vadd.f32 v56, v51  }
0x6b: {  	v57 =	vadd.f32 v59, v43;
	v55 =	vadd.f32 v61, v49  }
0x6c: {  	v62 =	vmul.f32 v60, v60;
	v48 =	vadd.f32 v63, v48;
	v63 =	vadd.f32 v60, v51  }
0x6d: {  	v45 =	vadd.f32 v57, v45  }
0x6e: {  	v59 =	vmul.f32 v55, v55;
	v48 =	vadd.f32 v62, v48;
	v49 =	vadd.f32 v55, v63;
	_ =	sdelay $0x1  }
0x6f: {  	v61 =	vmul.f32 v45, v45;
	v48 =	vadd.f32 v59, v48;
	v49 =	vadd.f32 v45, v49;
	_ =	sdelay $0x1  }
0x70: {  	v48 =	vadd.f32 v61, v48;
	v62 =	vperm.xlane v49, v0;
	_ =	sdelay $0x1  }
0x71: {  	v63 =	vperm.xlane v48, v0;
	v49 =	vadd.f32 v49, v62;
	_ =	sdelay $0x1  }
0x72: {  	v48 =	vadd.f32 v63, v48;
	v57 =	vperm.xlane v49, v1;
	_ =	sdelay $0x1  }
0x73: {  	v50 =	vperm.xlane v48, v1;
	v49 =	vadd.f32 v49, v57;
	_ =	sdelay $0x1  }
0x74: {  	v48 =	vadd.f32 v50, v48;
	v51 =	vperm.xlane v49, v2;
	_ =	sdelay $0x1  }
0x75: {  	v50 =	vperm.xlane v48, v2;
	v49 =	vadd.f32 v49, v51;
	_ =	sdelay $0x1  }
0x76: {  	v48 =	vadd.f32 v50, v48;
	v51 =	vperm.xlane v49, v3;
	_ =	sdelay $0x1  }
0x77: {  	v50 =	vperm.xlane v48, v3;
	v49 =	vadd.f32 v49, v51;
	_ =	sdelay $0x1  }
0x78: {  	v48 =	vadd.f32 v50, v48;
	v57 =	vmul.f32 $7.812500000e-03, v49;
	_ =	sdelay $0x1  }
0x79: {  	v48 =	vmul.f32 $7.812500000e-03, v48;
	v49 =	vmul.f32 v57, v57;
	_ =	sdelay $0x1  }
0x7a: {  	v48 =	vsub.f32 v48, v49;
	_ =	sdelay $0x1  }
0x7b: {  	v48 =	vadd.f32 $9.999999740e-06, v48;
	_ =	sdelay $0x1  }
0x7c: {  	v59 =	vshra.s32 v48, $0x1;
	v48 =	vmul.f32 $5.000000000e-01, v48  }
0x7d: {  	v49 =	vsub.s32 $0x5F3759DF, v59  }
0x7e: {  	v61 =	vmul.f32 v49, v48;
	_ =	sdelay $0x1  }
0x7f: {  	v50 =	vmul.f32 v49, v61;
	_ =	sdelay $0x1  }
0x80: {  	v50 =	vsub.f32 $1.500000000e+00, v50;
	_ =	sdelay $0x1  }
0x81: {  	v49 =	vmul.f32 v49, v50;
	_ =	sdelay $0x1  }
0x82: {  	v50 =	vmul.f32 v49, v48;
	_ =	sdelay $0x1  }
0x83: {  	v50 =	vmul.f32 v50, v49;
	_ =	sdelay $0x1  }
0x84: {  	v50 =	vsub.f32 $1.500000000e+00, v50;
	_ =	sdelay $0x1  }
0x85: {  	v53 =	vmul.f32 v50, v49;
	_ =	sdelay $0x1  }
0x86: {  	v51 =	vsub.f32 v56, v57;
	v62 =	vmul.f32 v53, v48  }
0x87: {  	v47 =	vsub.f32 v47, v57;
	v52 =	vsub.f32 v58, v57  }
0x88: {  	v49 =	vsub.f32 v54, v57;
	v50 =	vsub.f32 v46, v57;
	v63 =	vmul.f32 v62, v53  }
0x89: {  	v46 =	vsub.f32 v55, v57;
	v48 =	vsub.f32 v45, v57  }
0x8a: {  	s30 =	simm.s32 $0x7240;
	s31 =	simm.s32 $0x1;
	s29 =	simm.s32 $0x7240;
	v45 =	vsub.f32 v60, v57;
	v54 =	vsub.f32 $1.500000000e+00, v63  }
.LBB2_3:
0x8b: {  	_ = 	snop  }
0x8c: {  	p0 =	sne.s32 s31, $0xF;
	s30 =	sadd.s32 $0x200, s30;
	s28 =	sadd.s32 $0x80, s28;
	v53 =	vmul.f32 v54, v53  }
0x8d: {  	s4 =	smov.u32 s31;
	s31 =	sadd.s32 $0x1, s31  }
0x8e: {  	v49 =	vmul.f32 v53, v49;
	v48 =	vmul.f32 v53, v48  }
0x8f: {  	v50 =	vmul.f32 v53, v50;
	v51 =	vmul.f32 v53, v51  }
0x90: {  	v52 =	vmul.f32 v53, v52;
	v49 =	vmul.f32 v49, v4  }
0x91: {  	v50 =	vmul.f32 v50, v5;
	v51 =	vmul.f32 v51, v8  }
0x92: {  	v52 =	vmul.f32 v52, v7;
	v48 =	vmul.f32 v48, v11;
	v49 =	vadd.f32 v49, v12  }
0x93: {  	v47 =	vmul.f32 v53, v47;
	v50 =	vadd.f32 v50, v13;
	v51 =	vadd.f32 v51, v24  }
0x94: {  	v46 =	vmul.f32 v53, v46;
	v48 =	vadd.f32 v48, v33;
	[tilespmem:s29+$0xFFFFFFC0] =	vst v49;
	v49 =	vadd.f32 v52, v23  }
0x95: {  	v45 =	vmul.f32 v53, v45;
	v47 =	vmul.f32 v47, v6;
	[tilespmem:s29+$0xFFFFFFD0] =	vst v50  }
0x96: {  	v46 =	vmul.f32 v46, v10;
	v50 =	vmov s4;
	[tilespmem:s29+$0xFFFFFFF0] =	vst v49  }
0x97: {  	v45 =	vmul.f32 v45, v9;
	v47 =	vadd.f32 v47, v14;
	v49 =	vperm.xlane v44, v50;
	[tilespmem:s29+$0x0] =	vst v51  }
0x98: {  	v46 =	vadd.f32 v46, v30;
	[tilespmem:s29+$0x30] =	vst v48  }
0x99: {  	v45 =	vadd.f32 v45, v27;
	v48 =	vmul.f32 v49, v25;
	v50 =	vmul.f32 v49, v26;
	[tilespmem:s29+$0xFFFFFFE0] =	vst v47  }
0x9a: {  	v51 =	vmul.f32 v49, v29;
	v47 =	vmul.f32 v49, v28;
	[tilespmem:s29+$0x20] =	vst v46  }
0x9b: {  	v52 =	vmul.f32 v49, v32;
	v46 =	vadd.f32 v48, v15;
	v48 =	vmul.f32 v49, v31;
	[tilespmem:s29+$0x10] =	vst v45;
	s29 =	smov.u32 s30  }
0x9c: {  	v53 =	vmul.f32 v49, v34;
	v49 =	vmul.f32 v49, v35;
	v45 =	vadd.f32 v50, v16;
	v50 =	vld [tilespmem:s28+$0xFFFFFFE0]  }
0x9d: {  	v54 =	vld [tilespmem:s28+$0xFFFFFFD0]  }
0x9e: {  	v51 =	vadd.f32 v51, v18;
	v55 =	vld [tilespmem:s28+$0xFFFFFFC0]  }
0x9f: {  	v47 =	vadd.f32 v47, v17;
	v56 =	vld [tilespmem:s28+$0x0];
	_ =	sdelay $0x1  }
0xa0: {  	v57 =	vld [tilespmem:s28+$0xFFFFFFF0]  }
0xa1: {  	v54 =	vadd.f32 v54, v37  }
0xa2: {  	v50 =	vadd.f32 v50, v38;
	v55 =	vadd.f32 v55, v36  }
0xa3: {  	v45 =	vadd.f32 v54, v45;
	v54 =	vadd.f32 v56, v39  }
0xa4: {  	v48 =	vadd.f32 v48, v19;
	v46 =	vadd.f32 v46, v55  }
0xa5: {  	v47 =	vadd.f32 v50, v47;
	v50 =	vadd.f32 v57, v40;
	v55 =	vld [tilespmem:s28+$0x10]  }
0xa6: {  	v54 =	vadd.f32 v54, v48;
	v56 =	vadd.f32 $0.0e+00, v46;
	v57 =	vmul.f32 v46, v46  }
0xa7: {  	v48 =	vmul.f32 v45, v45;
	v58 =	vld [tilespmem:s28+$0x20]  }
0xa8: {  	v59 =	vmul.f32 v47, v47;
	v60 =	vadd.f32 v50, v51;
	v56 =	vadd.f32 v45, v56  }
0xa9: {  	v50 =	vadd.f32 v52, v20;
	v48 =	vadd.f32 v48, v57  }
0xaa: {  	v52 =	vmul.f32 v60, v60;
	v51 =	vadd.f32 v47, v56;
	v55 =	vadd.f32 v55, v41;
	v56 =	vld [tilespmem:s28+$0x30]  }
0xab: {  	v53 =	vadd.f32 v53, v21;
	v48 =	vadd.f32 v59, v48  }
0xac: {  	v51 =	vadd.f32 v60, v51;
	v55 =	vadd.f32 v55, v50  }
0xad: {  	v48 =	vadd.f32 v52, v48;
	v50 =	vmul.f32 v54, v54;
	v52 =	vadd.f32 v58, v42  }
0xae: {  	v49 =	vadd.f32 v49, v22;
	v51 =	vadd.f32 v54, v51  }
0xaf: {  	v48 =	vadd.f32 v50, v48;
	v50 =	vmul.f32 v55, v55;
	v53 =	vadd.f32 v52, v53  }
0xb0: {  	v52 =	vadd.f32 v56, v43;
	v51 =	vadd.f32 v55, v51  }
0xb1: {  	v48 =	vadd.f32 v50, v48;
	v50 =	vmul.f32 v53, v53  }
0xb2: {  	v52 =	vadd.f32 v52, v49;
	v51 =	vadd.f32 v53, v51  }
0xb3: {  	v48 =	vadd.f32 v50, v48  }
0xb4: {  	v50 =	vmul.f32 v52, v52;
	v49 =	vadd.f32 v52, v51;
	_ =	sdelay $0x1  }
0xb5: {  	v48 =	vadd.f32 v50, v48;
	v50 =	vperm.xlane v49, v0;
	_ =	sdelay $0x1  }
0xb6: {  	v49 =	vadd.f32 v49, v50;
	v50 =	vperm.xlane v48, v0;
	_ =	sdelay $0x1  }
0xb7: {  	v51 =	vperm.xlane v49, v1;
	v48 =	vadd.f32 v50, v48;
	_ =	sdelay $0x1  }
0xb8: {  	v49 =	vadd.f32 v49, v51;
	v50 =	vperm.xlane v48, v1;
	_ =	sdelay $0x1  }
0xb9: {  	v51 =	vperm.xlane v49, v2;
	v48 =	vadd.f32 v50, v48;
	_ =	sdelay $0x1  }
0xba: {  	v49 =	vadd.f32 v49, v51;
	v50 =	vperm.xlane v48, v2;
	_ =	sdelay $0x1  }
0xbb: {  	v51 =	vperm.xlane v49, v3;
	v48 =	vadd.f32 v50, v48;
	_ =	sdelay $0x1  }
0xbc: {  	v49 =	vadd.f32 v49, v51;
	v50 =	vperm.xlane v48, v3;
	_ =	sdelay $0x1  }
0xbd: {  	v48 =	vadd.f32 v50, v48;
	v56 =	vmul.f32 $7.812500000e-03, v49;
	_ =	sdelay $0x1  }
0xbe: {  	v51 =	vmul.f32 $7.812500000e-03, v48;
	v57 =	vmul.f32 v56, v56;
	v49 =	vsub.f32 v46, v56  }
0xbf: {  	v50 =	vsub.f32 v45, v56;
	v48 =	vsub.f32 v52, v56  }
0xc0: {  	v45 =	vsub.f32 v51, v57;
	v51 =	vsub.f32 v54, v56  }
0xc1: {  	v47 =	vsub.f32 v47, v56;
	v52 =	vsub.f32 v60, v56  }
0xc2: {  	v46 =	vsub.f32 v53, v56;
	v54 =	vadd.f32 $9.999999740e-06, v45  }
0xc3: {  	v45 =	vsub.f32 v55, v56  }
0xc4: {  	v53 =	vshra.s32 v54, $0x1;
	v54 =	vmul.f32 $5.000000000e-01, v54  }
0xc5: {  	v53 =	vsub.s32 $0x5F3759DF, v53  }
0xc6: {  	v55 =	vmul.f32 v53, v54;
	_ =	sdelay $0x1  }
0xc7: {  	v55 =	vmul.f32 v53, v55;
	_ =	sdelay $0x1  }
0xc8: {  	v55 =	vsub.f32 $1.500000000e+00, v55;
	_ =	sdelay $0x1  }
0xc9: {  	v53 =	vmul.f32 v53, v55;
	_ =	sdelay $0x1  }
0xca: {  	v55 =	vmul.f32 v53, v54;
	_ =	sdelay $0x1  }
0xcb: {  	v55 =	vmul.f32 v55, v53;
	_ =	sdelay $0x1  }
0xcc: {  	v55 =	vsub.f32 $1.500000000e+00, v55;
	_ =	sdelay $0x1  }
0xcd: {  	v53 =	vmul.f32 v55, v53;
	_ =	sdelay $0x1  }
.Ltmp0:
0xce: {  	v54 =	vmul.f32 v53, v54;
	(pc) =	sbr.rel @p0 .LBB2_3-.Ltmp0, $3  }
0xcf: {  	_ = 	snop  }
0xd0: {  	v54 =	vmul.f32 v54, v53;
	_ =	sdelay $0x1  }
0xd1: {  	v54 =	vsub.f32 $1.500000000e+00, v54  }
0xd2: {  	_ = 	snop  }
0xd3: {  	v44 =	vmul.f32 v54, v53;
	_ =	sdelay $0x1  }
0xd4: {  	v49 =	vmul.f32 v44, v49  }
0xd5: {  	v50 =	vmul.f32 v44, v50  }
0xd6: {  	v52 =	vmul.f32 v44, v52;
	v49 =	vmul.f32 v49, v4  }
0xd7: {  	v51 =	vmul.f32 v44, v51;
	v50 =	vmul.f32 v50, v5  }
0xd8: {  	v48 =	vmul.f32 v44, v48;
	v52 =	vmul.f32 v52, v7;
	v49 =	vadd.f32 v49, v12  }
0xd9: {  	v47 =	vmul.f32 v44, v47;
	v51 =	vmul.f32 v51, v8;
	v50 =	vadd.f32 v50, v13  }
0xda: {  	v46 =	vmul.f32 v44, v46;
	v48 =	vmul.f32 v48, v11;
	v60 =	vadd.f32 v52, v23;
	[tilespmem:s29+$0xFFFFFFC0] =	vst v49  }
0xdb: {  	v44 =	vmul.f32 v44, v45;
	v47 =	vmul.f32 v47, v6;
	v51 =	vadd.f32 v51, v24;
	[tilespmem:s29+$0xFFFFFFD0] =	vst v50  }
0xdc: {  	v46 =	vmul.f32 v46, v10;
	v61 =	vadd.f32 v48, v33;
	[tilespmem:s29+$0xFFFFFFF0] =	vst v60  }
0xdd: {  	v44 =	vmul.f32 v44, v9;
	v47 =	vadd.f32 v47, v14;
	[tilespmem:s29+$0x0] =	vst v51  }
0xde: {  	v46 =	vadd.f32 v46, v30;
	[tilespmem:s29+$0x30] =	vst v61  }
0xdf: {  	v44 =	vadd.f32 v44, v27;
	[tilespmem:s29+$0xFFFFFFE0] =	vst v47  }
0xe0: {  	[tilespmem:s29+$0x20] =	vst v46  }
0xe1: {  	s28 =	sshrl.u32 s26, $0x2;
	[tilespmem:s29+$0x10] =	vst v44  }
0xe2: {  	v44 =	vld [tilespmem:s28+$0x810]  }
0xe3: {  	s29 =	simm.s32 $0x3A70  }
0xe4: {  	v46 =	vld [tilespmem:s29+$0xFFFFFFA0]  }
0xe5: {  	v47 =	vld [tilespmem:s29+$0xFFFFFF90]  }
0xe6: {  	v50 =	vld [tilespmem:s29+$0xFFFFFFB0]  }
0xe7: {  	s4 =	simm.s32 $0x0;
	v58 =	vld [tilespmem:s29+$0xFFFFFFD0];
	v44 =	vcvt.s32.f32 v44  }
0xe8: {  	v62 =	vmov s4;
	v60 =	vld [tilespmem:s29+$0xFFFFFFC0]  }
0xe9: {  	v45 =	vperm.xlane v44, v62  }
0xea: {  	v46 =	vadd.f32 v46, v37  }
0xeb: {  	v47 =	vadd.f32 v47, v36;
	v50 =	vadd.f32 v50, v38;
	v63 =	vmul.f32 v45, v25  }
0xec: {  	v61 =	vadd.f32 v58, v39;
	v56 =	vmul.f32 v45, v26;
	v57 =	vmul.f32 v45, v29  }
0xed: {  	v54 =	vadd.f32 v60, v40;
	v59 =	vmul.f32 v45, v28;
	v48 =	vadd.f32 v63, v15  }
0xee: {  	v55 =	vmul.f32 v45, v31;
	v49 =	vadd.f32 v56, v16;
	v51 =	vadd.f32 v57, v18  }
0xef: {  	v53 =	vadd.f32 v59, v17;
	v47 =	vadd.f32 v48, v47  }
0xf0: {  	v62 =	vadd.f32 v55, v19;
	v46 =	vadd.f32 v46, v49  }
0xf1: {  	v52 =	vadd.f32 v50, v53;
	v50 =	vld [tilespmem:s29+$0xFFFFFFE0];
	v53 =	vmul.f32 v45, v32;
	v63 =	vadd.f32 $0.0e+00, v47  }
0xf2: {  	v58 =	vld [tilespmem:s29+$0xFFFFFFF0];
	v57 =	vadd.f32 v61, v62;
	v56 =	vmul.f32 v47, v47;
	v60 =	vmul.f32 v46, v46  }
0xf3: {  	v61 =	vmul.f32 v45, v34;
	v54 =	vadd.f32 v54, v51;
	v55 =	vadd.f32 v46, v63  }
0xf4: {  	v62 =	vmul.f32 v52, v52;
	v53 =	vadd.f32 v53, v20;
	v48 =	vadd.f32 v60, v56  }
0xf5: {  	v49 =	vadd.f32 v61, v21;
	v55 =	vadd.f32 v52, v55  }
0xf6: {  	v59 =	vld [tilespmem:s29+$0x0];
	v63 =	vmul.f32 v54, v54;
	v50 =	vadd.f32 v50, v41;
	v48 =	vadd.f32 v62, v48  }
0xf7: {  	v45 =	vmul.f32 v45, v35;
	v62 =	vadd.f32 v58, v42;
	v60 =	vadd.f32 v54, v55  }
0xf8: {  	v61 =	vmul.f32 v57, v57;
	v55 =	vadd.f32 v50, v53;
	v48 =	vadd.f32 v63, v48  }
0xf9: {  	v45 =	vadd.f32 v45, v22;
	v51 =	vadd.f32 v57, v60  }
0xfa: {  	v56 =	vadd.f32 v62, v49;
	v48 =	vadd.f32 v61, v48;
	v63 =	vmul.f32 v55, v55  }
0xfb: {  	v61 =	vadd.f32 v59, v43;
	v60 =	vadd.f32 v55, v51  }
0xfc: {  	v48 =	vadd.f32 v63, v48  }
0xfd: {  	v62 =	vmul.f32 v56, v56;
	v45 =	vadd.f32 v61, v45;
	v49 =	vadd.f32 v56, v60;
	_ =	sdelay $0x1  }
0xfe: {  	v48 =	vadd.f32 v62, v48;
	v63 =	vmul.f32 v45, v45;
	v49 =	vadd.f32 v45, v49;
	_ =	sdelay $0x1  }
0xff: {  	v48 =	vadd.f32 v63, v48;
	v53 =	vperm.xlane v49, v0;
	_ =	sdelay $0x1  }
0x100: {  	v58 =	vperm.xlane v48, v0;
	v49 =	vadd.f32 v49, v53;
	_ =	sdelay $0x1  }
0x101: {  	v48 =	vadd.f32 v58, v48;
	v59 =	vperm.xlane v49, v1;
	_ =	sdelay $0x1  }
0x102: {  	v50 =	vperm.xlane v48, v1;
	v49 =	vadd.f32 v49, v59;
	_ =	sdelay $0x1  }
0x103: {  	v48 =	vadd.f32 v50, v48;
	v51 =	vperm.xlane v49, v2;
	_ =	sdelay $0x1  }
0x104: {  	v50 =	vperm.xlane v48, v2;
	v49 =	vadd.f32 v49, v51;
	_ =	sdelay $0x1  }
0x105: {  	v48 =	vadd.f32 v50, v48;
	v51 =	vperm.xlane v49, v3;
	_ =	sdelay $0x1  }
0x106: {  	v50 =	vperm.xlane v48, v3;
	v49 =	vadd.f32 v49, v51;
	_ =	sdelay $0x1  }
0x107: {  	v48 =	vadd.f32 v50, v48;
	v58 =	vmul.f32 $7.812500000e-03, v49;
	_ =	sdelay $0x1  }
0x108: {  	v48 =	vmul.f32 $7.812500000e-03, v48;
	v49 =	vmul.f32 v58, v58;
	_ =	sdelay $0x1  }
0x109: {  	v48 =	vsub.f32 v48, v49;
	_ =	sdelay $0x1  }
0x10a: {  	v48 =	vadd.f32 $9.999999740e-06, v48;
	_ =	sdelay $0x1  }
0x10b: {  	v60 =	vshra.s32 v48, $0x1;
	v48 =	vmul.f32 $5.000000000e-01, v48  }
0x10c: {  	v49 =	vsub.s32 $0x5F3759DF, v60  }
0x10d: {  	v61 =	vmul.f32 v49, v48;
	_ =	sdelay $0x1  }
0x10e: {  	v50 =	vmul.f32 v49, v61;
	_ =	sdelay $0x1  }
0x10f: {  	v50 =	vsub.f32 $1.500000000e+00, v50;
	_ =	sdelay $0x1  }
0x110: {  	v49 =	vmul.f32 v49, v50;
	_ =	sdelay $0x1  }
0x111: {  	v50 =	vmul.f32 v49, v48;
	_ =	sdelay $0x1  }
0x112: {  	v50 =	vmul.f32 v50, v49;
	_ =	sdelay $0x1  }
0x113: {  	v50 =	vsub.f32 $1.500000000e+00, v50;
	_ =	sdelay $0x1  }
0x114: {  	v53 =	vmul.f32 v50, v49;
	_ =	sdelay $0x1  }
0x115: {  	v51 =	vsub.f32 v57, v58;
	v62 =	vmul.f32 v53, v48  }
0x116: {  	v49 =	vsub.f32 v47, v58;
	v50 =	vsub.f32 v46, v58  }
0x117: {  	v47 =	vsub.f32 v52, v58;
	v52 =	vsub.f32 v54, v58;
	v63 =	vmul.f32 v62, v53  }
0x118: {  	v46 =	vsub.f32 v56, v58;
	v48 =	vsub.f32 v45, v58  }
0x119: {  	s31 =	simm.s32 $0x9270;
	s30 =	simm.s32 $0x9270;
	s4 =	simm.s32 $0x1;
	v45 =	vsub.f32 v55, v58;
	v54 =	vsub.f32 $1.500000000e+00, v63  }
.LBB2_5:
0x11a: {  	_ = 	snop  }
0x11b: {  	p0 =	sne.s32 s4, $0xF;
	s29 =	sadd.s32 $0x80, s29;
	s31 =	sadd.s32 $0x200, s31;
	v53 =	vmul.f32 v54, v53  }
0x11c: {  	s6 =	smov.u32 s4;
	s4 =	sadd.s32 $0x1, s4  }
0x11d: {  	v49 =	vmul.f32 v53, v49;
	v48 =	vmul.f32 v53, v48  }
0x11e: {  	v50 =	vmul.f32 v53, v50;
	v51 =	vmul.f32 v53, v51  }
0x11f: {  	v52 =	vmul.f32 v53, v52;
	v49 =	vmul.f32 v49, v4  }
0x120: {  	v50 =	vmul.f32 v50, v5;
	v51 =	vmul.f32 v51, v8  }
0x121: {  	v52 =	vmul.f32 v52, v7;
	v48 =	vmul.f32 v48, v11;
	v49 =	vadd.f32 v49, v12  }
0x122: {  	v47 =	vmul.f32 v53, v47;
	v50 =	vadd.f32 v50, v13;
	v51 =	vadd.f32 v51, v24  }
0x123: {  	v46 =	vmul.f32 v53, v46;
	v48 =	vadd.f32 v48, v33;
	[tilespmem:s30+$0xFFFFFF90] =	vst v49;
	v49 =	vadd.f32 v52, v23  }
0x124: {  	v45 =	vmul.f32 v53, v45;
	v47 =	vmul.f32 v47, v6;
	[tilespmem:s30+$0xFFFFFFA0] =	vst v50  }
0x125: {  	v46 =	vmul.f32 v46, v10;
	v50 =	vmov s6;
	[tilespmem:s30+$0xFFFFFFC0] =	vst v49  }
0x126: {  	v45 =	vmul.f32 v45, v9;
	v47 =	vadd.f32 v47, v14;
	v49 =	vperm.xlane v44, v50;
	[tilespmem:s30+$0xFFFFFFD0] =	vst v51  }
0x127: {  	v46 =	vadd.f32 v46, v30;
	[tilespmem:s30+$0x0] =	vst v48  }
0x128: {  	v45 =	vadd.f32 v45, v27;
	v48 =	vmul.f32 v49, v25;
	v50 =	vmul.f32 v49, v26;
	[tilespmem:s30+$0xFFFFFFB0] =	vst v47  }
0x129: {  	v51 =	vmul.f32 v49, v29;
	v47 =	vmul.f32 v49, v28;
	[tilespmem:s30+$0xFFFFFFF0] =	vst v46  }
0x12a: {  	v52 =	vmul.f32 v49, v32;
	v46 =	vadd.f32 v48, v15;
	v48 =	vmul.f32 v49, v31;
	[tilespmem:s30+$0xFFFFFFE0] =	vst v45;
	s30 =	smov.u32 s31  }
0x12b: {  	v53 =	vmul.f32 v49, v34;
	v49 =	vmul.f32 v49, v35;
	v45 =	vadd.f32 v50, v16;
	v50 =	vld [tilespmem:s29+$0xFFFFFFB0]  }
0x12c: {  	v54 =	vld [tilespmem:s29+$0xFFFFFFA0]  }
0x12d: {  	v51 =	vadd.f32 v51, v18;
	v55 =	vld [tilespmem:s29+$0xFFFFFF90]  }
0x12e: {  	v47 =	vadd.f32 v47, v17;
	v56 =	vld [tilespmem:s29+$0xFFFFFFD0];
	_ =	sdelay $0x1  }
0x12f: {  	v57 =	vld [tilespmem:s29+$0xFFFFFFC0]  }
0x130: {  	v54 =	vadd.f32 v54, v37  }
0x131: {  	v50 =	vadd.f32 v50, v38;
	v55 =	vadd.f32 v55, v36  }
0x132: {  	v45 =	vadd.f32 v54, v45;
	v54 =	vadd.f32 v56, v39  }
0x133: {  	v48 =	vadd.f32 v48, v19;
	v46 =	vadd.f32 v46, v55  }
0x134: {  	v47 =	vadd.f32 v50, v47;
	v50 =	vadd.f32 v57, v40;
	v55 =	vld [tilespmem:s29+$0xFFFFFFE0]  }
0x135: {  	v54 =	vadd.f32 v54, v48;
	v56 =	vadd.f32 $0.0e+00, v46;
	v57 =	vmul.f32 v46, v46  }
0x136: {  	v48 =	vmul.f32 v45, v45;
	v58 =	vld [tilespmem:s29+$0xFFFFFFF0]  }
0x137: {  	v59 =	vmul.f32 v47, v47;
	v60 =	vadd.f32 v50, v51;
	v56 =	vadd.f32 v45, v56  }
0x138: {  	v50 =	vadd.f32 v52, v20;
	v48 =	vadd.f32 v48, v57  }
0x139: {  	v52 =	vmul.f32 v60, v60;
	v51 =	vadd.f32 v47, v56;
	v55 =	vadd.f32 v55, v41;
	v56 =	vld [tilespmem:s29+$0x0]  }
0x13a: {  	v53 =	vadd.f32 v53, v21;
	v48 =	vadd.f32 v59, v48  }
0x13b: {  	v51 =	vadd.f32 v60, v51;
	v55 =	vadd.f32 v55, v50  }
0x13c: {  	v48 =	vadd.f32 v52, v48;
	v50 =	vmul.f32 v54, v54;
	v52 =	vadd.f32 v58, v42  }
0x13d: {  	v49 =	vadd.f32 v49, v22;
	v51 =	vadd.f32 v54, v51  }
0x13e: {  	v48 =	vadd.f32 v50, v48;
	v50 =	vmul.f32 v55, v55;
	v53 =	vadd.f32 v52, v53  }
0x13f: {  	v52 =	vadd.f32 v56, v43;
	v51 =	vadd.f32 v55, v51  }
0x140: {  	v48 =	vadd.f32 v50, v48;
	v50 =	vmul.f32 v53, v53  }
0x141: {  	v52 =	vadd.f32 v52, v49;
	v51 =	vadd.f32 v53, v51  }
0x142: {  	v48 =	vadd.f32 v50, v48  }
0x143: {  	v50 =	vmul.f32 v52, v52;
	v49 =	vadd.f32 v52, v51;
	_ =	sdelay $0x1  }
0x144: {  	v48 =	vadd.f32 v50, v48;
	v50 =	vperm.xlane v49, v0;
	_ =	sdelay $0x1  }
0x145: {  	v49 =	vadd.f32 v49, v50;
	v50 =	vperm.xlane v48, v0;
	_ =	sdelay $0x1  }
0x146: {  	v51 =	vperm.xlane v49, v1;
	v48 =	vadd.f32 v50, v48;
	_ =	sdelay $0x1  }
0x147: {  	v49 =	vadd.f32 v49, v51;
	v50 =	vperm.xlane v48, v1;
	_ =	sdelay $0x1  }
0x148: {  	v51 =	vperm.xlane v49, v2;
	v48 =	vadd.f32 v50, v48;
	_ =	sdelay $0x1  }
0x149: {  	v49 =	vadd.f32 v49, v51;
	v50 =	vperm.xlane v48, v2;
	_ =	sdelay $0x1  }
0x14a: {  	v51 =	vperm.xlane v49, v3;
	v48 =	vadd.f32 v50, v48;
	_ =	sdelay $0x1  }
0x14b: {  	v49 =	vadd.f32 v49, v51;
	v50 =	vperm.xlane v48, v3;
	_ =	sdelay $0x1  }
0x14c: {  	v48 =	vadd.f32 v50, v48;
	v56 =	vmul.f32 $7.812500000e-03, v49;
	_ =	sdelay $0x1  }
0x14d: {  	v51 =	vmul.f32 $7.812500000e-03, v48;
	v57 =	vmul.f32 v56, v56;
	v49 =	vsub.f32 v46, v56  }
0x14e: {  	v50 =	vsub.f32 v45, v56;
	v48 =	vsub.f32 v52, v56  }
0x14f: {  	v45 =	vsub.f32 v51, v57;
	v51 =	vsub.f32 v54, v56  }
0x150: {  	v47 =	vsub.f32 v47, v56;
	v52 =	vsub.f32 v60, v56  }
0x151: {  	v46 =	vsub.f32 v53, v56;
	v54 =	vadd.f32 $9.999999740e-06, v45  }
0x152: {  	v45 =	vsub.f32 v55, v56  }
0x153: {  	v53 =	vshra.s32 v54, $0x1;
	v54 =	vmul.f32 $5.000000000e-01, v54  }
0x154: {  	v53 =	vsub.s32 $0x5F3759DF, v53  }
0x155: {  	v55 =	vmul.f32 v53, v54;
	_ =	sdelay $0x1  }
0x156: {  	v55 =	vmul.f32 v53, v55;
	_ =	sdelay $0x1  }
0x157: {  	v55 =	vsub.f32 $1.500000000e+00, v55;
	_ =	sdelay $0x1  }
0x158: {  	v53 =	vmul.f32 v53, v55;
	_ =	sdelay $0x1  }
0x159: {  	v55 =	vmul.f32 v53, v54;
	_ =	sdelay $0x1  }
0x15a: {  	v55 =	vmul.f32 v55, v53;
	_ =	sdelay $0x1  }
0x15b: {  	v55 =	vsub.f32 $1.500000000e+00, v55;
	_ =	sdelay $0x1  }
0x15c: {  	v53 =	vmul.f32 v55, v53;
	_ =	sdelay $0x1  }
.Ltmp1:
0x15d: {  	v54 =	vmul.f32 v53, v54;
	(pc) =	sbr.rel @p0 .LBB2_5-.Ltmp1, $3  }
0x15e: {  	_ = 	snop  }
0x15f: {  	v54 =	vmul.f32 v54, v53;
	_ =	sdelay $0x1  }
0x160: {  	v54 =	vsub.f32 $1.500000000e+00, v54  }
0x161: {  	_ = 	snop  }
0x162: {  	v36 =	vmul.f32 v54, v53;
	_ =	sdelay $0x1  }
0x163: {  	v37 =	vmul.f32 v36, v49;
	v38 =	vmul.f32 v36, v50  }
0x164: {  	v39 =	vmul.f32 v36, v52;
	v40 =	vmul.f32 v36, v51  }
0x165: {  	v41 =	vmul.f32 v36, v48;
	v37 =	vmul.f32 v37, v4  }
0x166: {  	v42 =	vmul.f32 v36, v47;
	v38 =	vmul.f32 v38, v5  }
0x167: {  	v56 =	vmul.f32 v36, v46;
	v39 =	vmul.f32 v39, v7;
	v37 =	vadd.f32 v37, v12  }
0x168: {  	v36 =	vmul.f32 v36, v45;
	v40 =	vmul.f32 v40, v8;
	v38 =	vadd.f32 v38, v13  }
0x169: {  	v41 =	vmul.f32 v41, v11;
	v55 =	vadd.f32 v39, v23;
	[tilespmem:s30+$0xFFFFFF90] =	vst v37  }
0x16a: {  	v36 =	vmul.f32 v36, v9;
	v40 =	vadd.f32 v40, v24;
	[tilespmem:s30+$0xFFFFFFA0] =	vst v38  }
0x16b: {  	v57 =	vmul.f32 v42, v6;
	v41 =	vadd.f32 v41, v33;
	[tilespmem:s30+$0xFFFFFFC0] =	vst v55  }
0x16c: {  	v58 =	vmul.f32 v56, v10;
	v36 =	vadd.f32 v36, v27;
	[tilespmem:s30+$0xFFFFFFD0] =	vst v40  }
0x16d: {  	v38 =	vadd.f32 v57, v14;
	[tilespmem:s30+$0x0] =	vst v41  }
0x16e: {  	v37 =	vadd.f32 v58, v30;
	[tilespmem:s30+$0xFFFFFFE0] =	vst v36  }
0x16f: {  	[tilespmem:s30+$0xFFFFFFB0] =	vst v38  }
0x170: {  	[tilespmem:s30+$0xFFFFFFF0] =	vst v37  }
0x171: {  	v59 =	vld [tilespmem:s28+$0x820]  }
0x172: {  	v36 =	vld [tilespmem:s26+$0x1080]  }
0x173: {  	v37 =	vld [tilespmem:s26+$0x1090]  }
0x174: {  	v38 =	vld [tilespmem:s26+$0x10A0]  }
0x175: {  	s29 =	simm.s32 $0x4270;
	v39 =	vld [tilespmem:s26+$0x10C0]  }
0x176: {  	v41 =	vld [tilespmem:s29+$0xFFFFFFA0]  }
0x177: {  	v61 =	vld [tilespmem:s29+$0xFFFFFF90]  }
0x178: {  	v63 =	vld [tilespmem:s29+$0xFFFFFFB0]  }
0x179: {  	v57 =	vld [tilespmem:s29+$0xFFFFFFD0]  }
0x17a: {  	s4 =	simm.s32 $0x0;
	v40 =	vld [tilespmem:s26+$0x10B0];
	v44 =	vcvt.s32.f32 v59  }
0x17b: {  	v60 =	vmov s4;
	v59 =	vld [tilespmem:s29+$0xFFFFFFC0]  }
0x17c: {  	v45 =	vperm.xlane v44, v60  }
0x17d: {  	v41 =	vadd.f32 v41, v37  }
0x17e: {  	v42 =	vadd.f32 v61, v36;
	v47 =	vadd.f32 v63, v38;
	v43 =	vmul.f32 v45, v25  }
0x17f: {  	v49 =	vadd.f32 v57, v39;
	v62 =	vmul.f32 v45, v26;
	v56 =	vmul.f32 v45, v29  }
0x180: {  	v58 =	vmul.f32 v45, v28;
	v51 =	vadd.f32 v59, v40;
	v43 =	vadd.f32 v43, v15  }
0x181: {  	v60 =	vmul.f32 v45, v31;
	v46 =	vadd.f32 v62, v16;
	v48 =	vadd.f32 v56, v18  }
0x182: {  	v50 =	vadd.f32 v58, v17;
	v54 =	vadd.f32 v43, v42  }
0x183: {  	v52 =	vmul.f32 v45, v32;
	v61 =	vadd.f32 v60, v19;
	v46 =	vadd.f32 v41, v46;
	v41 =	vld [tilespmem:s26+$0x10D0]  }
0x184: {  	v47 =	vadd.f32 v47, v50;
	v50 =	vld [tilespmem:s29+$0xFFFFFFE0];
	v62 =	vadd.f32 $0.0e+00, v54  }
0x185: {  	v57 =	vld [tilespmem:s29+$0xFFFFFFF0];
	v60 =	vmul.f32 v45, v34;
	v52 =	vadd.f32 v52, v20;
	v56 =	vadd.f32 v49, v61  }
0x186: {  	v42 =	vld [tilespmem:s26+$0x10E0];
	v55 =	vmul.f32 v54, v54;
	v63 =	vmul.f32 v46, v46;
	v53 =	vadd.f32 v46, v62  }
0x187: {  	v59 =	vld [tilespmem:s29+$0x0];
	v45 =	vmul.f32 v45, v35;
	v58 =	vadd.f32 v51, v48;
	v49 =	vadd.f32 v60, v21  }
0x188: {  	v43 =	vld [tilespmem:s26+$0x10F0];
	v61 =	vmul.f32 v47, v47;
	v62 =	vadd.f32 v63, v55;
	v53 =	vadd.f32 v47, v53  }
0x189: {  	v45 =	vadd.f32 v45, v22;
	v50 =	vadd.f32 v50, v41  }
0x18a: {  	v55 =	vmul.f32 v58, v58;
	v48 =	vadd.f32 v61, v62;
	v51 =	vadd.f32 v58, v53  }
0x18b: {  	v61 =	vadd.f32 v57, v42;
	v60 =	vadd.f32 v50, v52  }
0x18c: {  	v63 =	vmul.f32 v56, v56;
	v48 =	vadd.f32 v55, v48;
	v51 =	vadd.f32 v56, v51  }
0x18d: {  	v57 =	vadd.f32 v59, v43;
	v55 =	vadd.f32 v61, v49  }
0x18e: {  	v62 =	vmul.f32 v60, v60;
	v48 =	vadd.f32 v63, v48;
	v63 =	vadd.f32 v60, v51  }
0x18f: {  	v45 =	vadd.f32 v57, v45  }
0x190: {  	v59 =	vmul.f32 v55, v55;
	v48 =	vadd.f32 v62, v48;
	v49 =	vadd.f32 v55, v63;
	_ =	sdelay $0x1  }
0x191: {  	v61 =	vmul.f32 v45, v45;
	v48 =	vadd.f32 v59, v48;
	v49 =	vadd.f32 v45, v49;
	_ =	sdelay $0x1  }
0x192: {  	v48 =	vadd.f32 v61, v48;
	v62 =	vperm.xlane v49, v0;
	_ =	sdelay $0x1  }
0x193: {  	v63 =	vperm.xlane v48, v0;
	v49 =	vadd.f32 v49, v62;
	_ =	sdelay $0x1  }
0x194: {  	v48 =	vadd.f32 v63, v48;
	v57 =	vperm.xlane v49, v1;
	_ =	sdelay $0x1  }
0x195: {  	v50 =	vperm.xlane v48, v1;
	v49 =	vadd.f32 v49, v57;
	_ =	sdelay $0x1  }
0x196: {  	v48 =	vadd.f32 v50, v48;
	v51 =	vperm.xlane v49, v2;
	_ =	sdelay $0x1  }
0x197: {  	v50 =	vperm.xlane v48, v2;
	v49 =	vadd.f32 v49, v51;
	_ =	sdelay $0x1  }
0x198: {  	v48 =	vadd.f32 v50, v48;
	v51 =	vperm.xlane v49, v3;
	_ =	sdelay $0x1  }
0x199: {  	v50 =	vperm.xlane v48, v3;
	v49 =	vadd.f32 v49, v51;
	_ =	sdelay $0x1  }
0x19a: {  	v48 =	vadd.f32 v50, v48;
	v57 =	vmul.f32 $7.812500000e-03, v49;
	_ =	sdelay $0x1  }
0x19b: {  	v48 =	vmul.f32 $7.812500000e-03, v48;
	v49 =	vmul.f32 v57, v57;
	_ =	sdelay $0x1  }
0x19c: {  	v48 =	vsub.f32 v48, v49;
	_ =	sdelay $0x1  }
0x19d: {  	v48 =	vadd.f32 $9.999999740e-06, v48;
	_ =	sdelay $0x1  }
0x19e: {  	v59 =	vshra.s32 v48, $0x1;
	v48 =	vmul.f32 $5.000000000e-01, v48  }
0x19f: {  	v49 =	vsub.s32 $0x5F3759DF, v59  }
0x1a0: {  	v61 =	vmul.f32 v49, v48;
	_ =	sdelay $0x1  }
0x1a1: {  	v50 =	vmul.f32 v49, v61;
	_ =	sdelay $0x1  }
0x1a2: {  	v50 =	vsub.f32 $1.500000000e+00, v50;
	_ =	sdelay $0x1  }
0x1a3: {  	v49 =	vmul.f32 v49, v50;
	_ =	sdelay $0x1  }
0x1a4: {  	v50 =	vmul.f32 v49, v48;
	_ =	sdelay $0x1  }
0x1a5: {  	v50 =	vmul.f32 v50, v49;
	_ =	sdelay $0x1  }
0x1a6: {  	v50 =	vsub.f32 $1.500000000e+00, v50;
	_ =	sdelay $0x1  }
0x1a7: {  	v53 =	vmul.f32 v50, v49;
	_ =	sdelay $0x1  }
0x1a8: {  	v51 =	vsub.f32 v56, v57;
	v62 =	vmul.f32 v53, v48  }
0x1a9: {  	v47 =	vsub.f32 v47, v57;
	v52 =	vsub.f32 v58, v57  }
0x1aa: {  	v49 =	vsub.f32 v54, v57;
	v50 =	vsub.f32 v46, v57;
	v63 =	vmul.f32 v62, v53  }
0x1ab: {  	v46 =	vsub.f32 v55, v57;
	v48 =	vsub.f32 v45, v57  }
0x1ac: {  	s31 =	simm.s32 $0x72F0;
	s4 =	simm.s32 $0x1;
	s30 =	simm.s32 $0x72F0;
	v45 =	vsub.f32 v60, v57;
	v54 =	vsub.f32 $1.500000000e+00, v63  }
.LBB2_7:
0x1ad: {  	_ = 	snop  }
0x1ae: {  	p0 =	sne.s32 s4, $0xF;
	s31 =	sadd.s32 $0x200, s31;
	s29 =	sadd.s32 $0x80, s29;
	v53 =	vmul.f32 v54, v53  }
0x1af: {  	s6 =	smov.u32 s4;
	s4 =	sadd.s32 $0x1, s4  }
0x1b0: {  	v49 =	vmul.f32 v53, v49;
	v48 =	vmul.f32 v53, v48  }
0x1b1: {  	v50 =	vmul.f32 v53, v50;
	v51 =	vmul.f32 v53, v51  }
0x1b2: {  	v52 =	vmul.f32 v53, v52;
	v49 =	vmul.f32 v49, v4  }
0x1b3: {  	v50 =	vmul.f32 v50, v5;
	v51 =	vmul.f32 v51, v8  }
0x1b4: {  	v52 =	vmul.f32 v52, v7;
	v48 =	vmul.f32 v48, v11;
	v49 =	vadd.f32 v49, v12  }
0x1b5: {  	v47 =	vmul.f32 v53, v47;
	v50 =	vadd.f32 v50, v13;
	v51 =	vadd.f32 v51, v24  }
0x1b6: {  	v46 =	vmul.f32 v53, v46;
	v48 =	vadd.f32 v48, v33;
	[tilespmem:s30+$0xFFFFFF90] =	vst v49;
	v49 =	vadd.f32 v52, v23  }
0x1b7: {  	v45 =	vmul.f32 v53, v45;
	v47 =	vmul.f32 v47, v6;
	[tilespmem:s30+$0xFFFFFFA0] =	vst v50  }
0x1b8: {  	v46 =	vmul.f32 v46, v10;
	v50 =	vmov s6;
	[tilespmem:s30+$0xFFFFFFC0] =	vst v49  }
0x1b9: {  	v45 =	vmul.f32 v45, v9;
	v47 =	vadd.f32 v47, v14;
	v49 =	vperm.xlane v44, v50;
	[tilespmem:s30+$0xFFFFFFD0] =	vst v51  }
0x1ba: {  	v46 =	vadd.f32 v46, v30;
	[tilespmem:s30+$0x0] =	vst v48  }
0x1bb: {  	v45 =	vadd.f32 v45, v27;
	v48 =	vmul.f32 v49, v25;
	v50 =	vmul.f32 v49, v26;
	[tilespmem:s30+$0xFFFFFFB0] =	vst v47  }
0x1bc: {  	v51 =	vmul.f32 v49, v29;
	v47 =	vmul.f32 v49, v28;
	[tilespmem:s30+$0xFFFFFFF0] =	vst v46  }
0x1bd: {  	v52 =	vmul.f32 v49, v32;
	v46 =	vadd.f32 v48, v15;
	v48 =	vmul.f32 v49, v31;
	[tilespmem:s30+$0xFFFFFFE0] =	vst v45;
	s30 =	smov.u32 s31  }
0x1be: {  	v53 =	vmul.f32 v49, v34;
	v49 =	vmul.f32 v49, v35;
	v45 =	vadd.f32 v50, v16;
	v50 =	vld [tilespmem:s29+$0xFFFFFFB0]  }
0x1bf: {  	v54 =	vld [tilespmem:s29+$0xFFFFFFA0]  }
0x1c0: {  	v51 =	vadd.f32 v51, v18;
	v55 =	vld [tilespmem:s29+$0xFFFFFF90]  }
0x1c1: {  	v47 =	vadd.f32 v47, v17;
	v56 =	vld [tilespmem:s29+$0xFFFFFFD0];
	_ =	sdelay $0x1  }
0x1c2: {  	v57 =	vld [tilespmem:s29+$0xFFFFFFC0]  }
0x1c3: {  	v54 =	vadd.f32 v54, v37  }
0x1c4: {  	v50 =	vadd.f32 v50, v38;
	v55 =	vadd.f32 v55, v36  }
0x1c5: {  	v45 =	vadd.f32 v54, v45;
	v54 =	vadd.f32 v56, v39  }
0x1c6: {  	v48 =	vadd.f32 v48, v19;
	v46 =	vadd.f32 v46, v55  }
0x1c7: {  	v47 =	vadd.f32 v50, v47;
	v50 =	vadd.f32 v57, v40;
	v55 =	vld [tilespmem:s29+$0xFFFFFFE0]  }
0x1c8: {  	v54 =	vadd.f32 v54, v48;
	v56 =	vadd.f32 $0.0e+00, v46;
	v57 =	vmul.f32 v46, v46  }
0x1c9: {  	v48 =	vmul.f32 v45, v45;
	v58 =	vld [tilespmem:s29+$0xFFFFFFF0]  }
0x1ca: {  	v59 =	vmul.f32 v47, v47;
	v60 =	vadd.f32 v50, v51;
	v56 =	vadd.f32 v45, v56  }
0x1cb: {  	v50 =	vadd.f32 v52, v20;
	v48 =	vadd.f32 v48, v57  }
0x1cc: {  	v52 =	vmul.f32 v60, v60;
	v51 =	vadd.f32 v47, v56;
	v55 =	vadd.f32 v55, v41;
	v56 =	vld [tilespmem:s29+$0x0]  }
0x1cd: {  	v53 =	vadd.f32 v53, v21;
	v48 =	vadd.f32 v59, v48  }
0x1ce: {  	v51 =	vadd.f32 v60, v51;
	v55 =	vadd.f32 v55, v50  }
0x1cf: {  	v48 =	vadd.f32 v52, v48;
	v50 =	vmul.f32 v54, v54;
	v52 =	vadd.f32 v58, v42  }
0x1d0: {  	v49 =	vadd.f32 v49, v22;
	v51 =	vadd.f32 v54, v51  }
0x1d1: {  	v48 =	vadd.f32 v50, v48;
	v50 =	vmul.f32 v55, v55;
	v53 =	vadd.f32 v52, v53  }
0x1d2: {  	v52 =	vadd.f32 v56, v43;
	v51 =	vadd.f32 v55, v51  }
0x1d3: {  	v48 =	vadd.f32 v50, v48;
	v50 =	vmul.f32 v53, v53  }
0x1d4: {  	v52 =	vadd.f32 v52, v49;
	v51 =	vadd.f32 v53, v51  }
0x1d5: {  	v48 =	vadd.f32 v50, v48  }
0x1d6: {  	v50 =	vmul.f32 v52, v52;
	v49 =	vadd.f32 v52, v51;
	_ =	sdelay $0x1  }
0x1d7: {  	v48 =	vadd.f32 v50, v48;
	v50 =	vperm.xlane v49, v0;
	_ =	sdelay $0x1  }
0x1d8: {  	v49 =	vadd.f32 v49, v50;
	v50 =	vperm.xlane v48, v0;
	_ =	sdelay $0x1  }
0x1d9: {  	v51 =	vperm.xlane v49, v1;
	v48 =	vadd.f32 v50, v48;
	_ =	sdelay $0x1  }
0x1da: {  	v49 =	vadd.f32 v49, v51;
	v50 =	vperm.xlane v48, v1;
	_ =	sdelay $0x1  }
0x1db: {  	v51 =	vperm.xlane v49, v2;
	v48 =	vadd.f32 v50, v48;
	_ =	sdelay $0x1  }
0x1dc: {  	v49 =	vadd.f32 v49, v51;
	v50 =	vperm.xlane v48, v2;
	_ =	sdelay $0x1  }
0x1dd: {  	v51 =	vperm.xlane v49, v3;
	v48 =	vadd.f32 v50, v48;
	_ =	sdelay $0x1  }
0x1de: {  	v49 =	vadd.f32 v49, v51;
	v50 =	vperm.xlane v48, v3;
	_ =	sdelay $0x1  }
0x1df: {  	v48 =	vadd.f32 v50, v48;
	v56 =	vmul.f32 $7.812500000e-03, v49;
	_ =	sdelay $0x1  }
0x1e0: {  	v51 =	vmul.f32 $7.812500000e-03, v48;
	v57 =	vmul.f32 v56, v56;
	v49 =	vsub.f32 v46, v56  }
0x1e1: {  	v50 =	vsub.f32 v45, v56;
	v48 =	vsub.f32 v52, v56  }
0x1e2: {  	v45 =	vsub.f32 v51, v57;
	v51 =	vsub.f32 v54, v56  }
0x1e3: {  	v47 =	vsub.f32 v47, v56;
	v52 =	vsub.f32 v60, v56  }
0x1e4: {  	v46 =	vsub.f32 v53, v56;
	v54 =	vadd.f32 $9.999999740e-06, v45  }
0x1e5: {  	v45 =	vsub.f32 v55, v56  }
0x1e6: {  	v53 =	vshra.s32 v54, $0x1;
	v54 =	vmul.f32 $5.000000000e-01, v54  }
0x1e7: {  	v53 =	vsub.s32 $0x5F3759DF, v53  }
0x1e8: {  	v55 =	vmul.f32 v53, v54;
	_ =	sdelay $0x1  }
0x1e9: {  	v55 =	vmul.f32 v53, v55;
	_ =	sdelay $0x1  }
0x1ea: {  	v55 =	vsub.f32 $1.500000000e+00, v55;
	_ =	sdelay $0x1  }
0x1eb: {  	v53 =	vmul.f32 v53, v55;
	_ =	sdelay $0x1  }
0x1ec: {  	v55 =	vmul.f32 v53, v54;
	_ =	sdelay $0x1  }
0x1ed: {  	v55 =	vmul.f32 v55, v53;
	_ =	sdelay $0x1  }
0x1ee: {  	v55 =	vsub.f32 $1.500000000e+00, v55;
	_ =	sdelay $0x1  }
0x1ef: {  	v53 =	vmul.f32 v55, v53;
	_ =	sdelay $0x1  }
.Ltmp2:
0x1f0: {  	v54 =	vmul.f32 v53, v54;
	(pc) =	sbr.rel @p0 .LBB2_7-.Ltmp2, $3  }
0x1f1: {  	_ = 	snop  }
0x1f2: {  	v54 =	vmul.f32 v54, v53;
	_ =	sdelay $0x1  }
0x1f3: {  	v54 =	vsub.f32 $1.500000000e+00, v54  }
0x1f4: {  	_ = 	snop  }
0x1f5: {  	v44 =	vmul.f32 v54, v53;
	_ =	sdelay $0x1  }
0x1f6: {  	v49 =	vmul.f32 v44, v49  }
0x1f7: {  	v50 =	vmul.f32 v44, v50  }
0x1f8: {  	v52 =	vmul.f32 v44, v52;
	v49 =	vmul.f32 v49, v4  }
0x1f9: {  	v51 =	vmul.f32 v44, v51;
	v50 =	vmul.f32 v50, v5  }
0x1fa: {  	v48 =	vmul.f32 v44, v48;
	v52 =	vmul.f32 v52, v7;
	v49 =	vadd.f32 v49, v12  }
0x1fb: {  	v47 =	vmul.f32 v44, v47;
	v51 =	vmul.f32 v51, v8;
	v50 =	vadd.f32 v50, v13  }
0x1fc: {  	v46 =	vmul.f32 v44, v46;
	v48 =	vmul.f32 v48, v11;
	v60 =	vadd.f32 v52, v23;
	[tilespmem:s30+$0xFFFFFF90] =	vst v49  }
0x1fd: {  	v44 =	vmul.f32 v44, v45;
	v47 =	vmul.f32 v47, v6;
	v51 =	vadd.f32 v51, v24;
	[tilespmem:s30+$0xFFFFFFA0] =	vst v50  }
0x1fe: {  	v46 =	vmul.f32 v46, v10;
	v61 =	vadd.f32 v48, v33;
	[tilespmem:s30+$0xFFFFFFC0] =	vst v60  }
0x1ff: {  	v44 =	vmul.f32 v44, v9;
	v47 =	vadd.f32 v47, v14;
	[tilespmem:s30+$0xFFFFFFD0] =	vst v51  }
0x200: {  	v46 =	vadd.f32 v46, v30;
	[tilespmem:s30+$0x0] =	vst v61  }
0x201: {  	v44 =	vadd.f32 v44, v27;
	[tilespmem:s30+$0xFFFFFFB0] =	vst v47  }
0x202: {  	[tilespmem:s30+$0xFFFFFFF0] =	vst v46  }
0x203: {  	[tilespmem:s30+$0xFFFFFFE0] =	vst v44  }
0x204: {  	v44 =	vld [tilespmem:s28+$0x830]  }
0x205: {  	s29 =	simm.s32 $0x4A70  }
0x206: {  	v46 =	vld [tilespmem:s29+$0xFFFFFFA0]  }
0x207: {  	v47 =	vld [tilespmem:s29+$0xFFFFFF90]  }
0x208: {  	v50 =	vld [tilespmem:s29+$0xFFFFFFB0]  }
0x209: {  	s4 =	simm.s32 $0x0;
	v58 =	vld [tilespmem:s29+$0xFFFFFFD0];
	v44 =	vcvt.s32.f32 v44  }
0x20a: {  	v62 =	vmov s4;
	v60 =	vld [tilespmem:s29+$0xFFFFFFC0]  }
0x20b: {  	v45 =	vperm.xlane v44, v62  }
0x20c: {  	v46 =	vadd.f32 v46, v37  }
0x20d: {  	v47 =	vadd.f32 v47, v36;
	v50 =	vadd.f32 v50, v38;
	v63 =	vmul.f32 v45, v25  }
0x20e: {  	v61 =	vadd.f32 v58, v39;
	v56 =	vmul.f32 v45, v26;
	v57 =	vmul.f32 v45, v29  }
0x20f: {  	v54 =	vadd.f32 v60, v40;
	v59 =	vmul.f32 v45, v28;
	v48 =	vadd.f32 v63, v15  }
0x210: {  	v55 =	vmul.f32 v45, v31;
	v49 =	vadd.f32 v56, v16;
	v51 =	vadd.f32 v57, v18  }
0x211: {  	v53 =	vadd.f32 v59, v17;
	v47 =	vadd.f32 v48, v47  }
0x212: {  	v62 =	vadd.f32 v55, v19;
	v46 =	vadd.f32 v46, v49  }
0x213: {  	v52 =	vadd.f32 v50, v53;
	v50 =	vld [tilespmem:s29+$0xFFFFFFE0];
	v53 =	vmul.f32 v45, v32;
	v63 =	vadd.f32 $0.0e+00, v47  }
0x214: {  	v58 =	vld [tilespmem:s29+$0xFFFFFFF0];
	v57 =	vadd.f32 v61, v62;
	v56 =	vmul.f32 v47, v47;
	v60 =	vmul.f32 v46, v46  }
0x215: {  	v61 =	vmul.f32 v45, v34;
	v54 =	vadd.f32 v54, v51;
	v55 =	vadd.f32 v46, v63  }
0x216: {  	v62 =	vmul.f32 v52, v52;
	v53 =	vadd.f32 v53, v20;
	v48 =	vadd.f32 v60, v56  }
0x217: {  	v49 =	vadd.f32 v61, v21;
	v55 =	vadd.f32 v52, v55  }
0x218: {  	v59 =	vld [tilespmem:s29+$0x0];
	v63 =	vmul.f32 v54, v54;
	v50 =	vadd.f32 v50, v41;
	v48 =	vadd.f32 v62, v48  }
0x219: {  	v45 =	vmul.f32 v45, v35;
	v62 =	vadd.f32 v58, v42;
	v60 =	vadd.f32 v54, v55  }
0x21a: {  	v61 =	vmul.f32 v57, v57;
	v55 =	vadd.f32 v50, v53;
	v48 =	vadd.f32 v63, v48  }
0x21b: {  	v45 =	vadd.f32 v45, v22;
	v51 =	vadd.f32 v57, v60  }
0x21c: {  	v56 =	vadd.f32 v62, v49;
	v48 =	vadd.f32 v61, v48;
	v63 =	vmul.f32 v55, v55  }
0x21d: {  	v61 =	vadd.f32 v59, v43;
	v60 =	vadd.f32 v55, v51  }
0x21e: {  	v48 =	vadd.f32 v63, v48  }
0x21f: {  	v62 =	vmul.f32 v56, v56;
	v45 =	vadd.f32 v61, v45;
	v49 =	vadd.f32 v56, v60;
	_ =	sdelay $0x1  }
0x220: {  	v48 =	vadd.f32 v62, v48;
	v63 =	vmul.f32 v45, v45;
	v49 =	vadd.f32 v45, v49;
	_ =	sdelay $0x1  }
0x221: {  	v48 =	vadd.f32 v63, v48;
	v53 =	vperm.xlane v49, v0;
	_ =	sdelay $0x1  }
0x222: {  	v58 =	vperm.xlane v48, v0;
	v49 =	vadd.f32 v49, v53;
	_ =	sdelay $0x1  }
0x223: {  	v48 =	vadd.f32 v58, v48;
	v59 =	vperm.xlane v49, v1;
	_ =	sdelay $0x1  }
0x224: {  	v50 =	vperm.xlane v48, v1;
	v49 =	vadd.f32 v49, v59;
	_ =	sdelay $0x1  }
0x225: {  	v48 =	vadd.f32 v50, v48;
	v51 =	vperm.xlane v49, v2;
	_ =	sdelay $0x1  }
0x226: {  	v50 =	vperm.xlane v48, v2;
	v49 =	vadd.f32 v49, v51;
	_ =	sdelay $0x1  }
0x227: {  	v48 =	vadd.f32 v50, v48;
	v51 =	vperm.xlane v49, v3;
	_ =	sdelay $0x1  }
0x228: {  	v50 =	vperm.xlane v48, v3;
	v49 =	vadd.f32 v49, v51;
	_ =	sdelay $0x1  }
0x229: {  	v48 =	vadd.f32 v50, v48;
	v58 =	vmul.f32 $7.812500000e-03, v49;
	_ =	sdelay $0x1  }
0x22a: {  	v48 =	vmul.f32 $7.812500000e-03, v48;
	v49 =	vmul.f32 v58, v58;
	_ =	sdelay $0x1  }
0x22b: {  	v48 =	vsub.f32 v48, v49;
	_ =	sdelay $0x1  }
0x22c: {  	v48 =	vadd.f32 $9.999999740e-06, v48;
	_ =	sdelay $0x1  }
0x22d: {  	v60 =	vshra.s32 v48, $0x1;
	v48 =	vmul.f32 $5.000000000e-01, v48  }
0x22e: {  	v49 =	vsub.s32 $0x5F3759DF, v60  }
0x22f: {  	v61 =	vmul.f32 v49, v48;
	_ =	sdelay $0x1  }
0x230: {  	v50 =	vmul.f32 v49, v61;
	_ =	sdelay $0x1  }
0x231: {  	v50 =	vsub.f32 $1.500000000e+00, v50;
	_ =	sdelay $0x1  }
0x232: {  	v49 =	vmul.f32 v49, v50;
	_ =	sdelay $0x1  }
0x233: {  	v50 =	vmul.f32 v49, v48;
	_ =	sdelay $0x1  }
0x234: {  	v50 =	vmul.f32 v50, v49;
	_ =	sdelay $0x1  }
0x235: {  	v50 =	vsub.f32 $1.500000000e+00, v50;
	_ =	sdelay $0x1  }
0x236: {  	v53 =	vmul.f32 v50, v49;
	_ =	sdelay $0x1  }
0x237: {  	v51 =	vsub.f32 v57, v58;
	v62 =	vmul.f32 v53, v48  }
0x238: {  	v49 =	vsub.f32 v47, v58;
	v50 =	vsub.f32 v46, v58  }
0x239: {  	v47 =	vsub.f32 v52, v58;
	v52 =	vsub.f32 v54, v58;
	v63 =	vmul.f32 v62, v53  }
0x23a: {  	v46 =	vsub.f32 v56, v58;
	v48 =	vsub.f32 v45, v58  }
0x23b: {  	s31 =	simm.s32 $0x92F0;
	s4 =	simm.s32 $0x1;
	s30 =	simm.s32 $0x92F0;
	v45 =	vsub.f32 v55, v58;
	v54 =	vsub.f32 $1.500000000e+00, v63  }
.LBB2_9:
0x23c: {  	_ = 	snop  }
0x23d: {  	p0 =	sne.s32 s4, $0xF;
	s31 =	sadd.s32 $0x200, s31;
	s29 =	sadd.s32 $0x80, s29;
	v53 =	vmul.f32 v54, v53  }
0x23e: {  	s6 =	smov.u32 s4;
	s4 =	sadd.s32 $0x1, s4  }
0x23f: {  	v49 =	vmul.f32 v53, v49;
	v48 =	vmul.f32 v53, v48  }
0x240: {  	v50 =	vmul.f32 v53, v50;
	v51 =	vmul.f32 v53, v51  }
0x241: {  	v52 =	vmul.f32 v53, v52;
	v49 =	vmul.f32 v49, v4  }
0x242: {  	v50 =	vmul.f32 v50, v5;
	v51 =	vmul.f32 v51, v8  }
0x243: {  	v52 =	vmul.f32 v52, v7;
	v48 =	vmul.f32 v48, v11;
	v49 =	vadd.f32 v49, v12  }
0x244: {  	v47 =	vmul.f32 v53, v47;
	v50 =	vadd.f32 v50, v13;
	v51 =	vadd.f32 v51, v24  }
0x245: {  	v46 =	vmul.f32 v53, v46;
	v48 =	vadd.f32 v48, v33;
	[tilespmem:s30+$0xFFFFFF90] =	vst v49;
	v49 =	vadd.f32 v52, v23  }
0x246: {  	v45 =	vmul.f32 v53, v45;
	v47 =	vmul.f32 v47, v6;
	[tilespmem:s30+$0xFFFFFFA0] =	vst v50  }
0x247: {  	v46 =	vmul.f32 v46, v10;
	v50 =	vmov s6;
	[tilespmem:s30+$0xFFFFFFC0] =	vst v49  }
0x248: {  	v45 =	vmul.f32 v45, v9;
	v47 =	vadd.f32 v47, v14;
	v49 =	vperm.xlane v44, v50;
	[tilespmem:s30+$0xFFFFFFD0] =	vst v51  }
0x249: {  	v46 =	vadd.f32 v46, v30;
	[tilespmem:s30+$0x0] =	vst v48  }
0x24a: {  	v45 =	vadd.f32 v45, v27;
	v48 =	vmul.f32 v49, v25;
	v50 =	vmul.f32 v49, v26;
	[tilespmem:s30+$0xFFFFFFB0] =	vst v47  }
0x24b: {  	v51 =	vmul.f32 v49, v29;
	v47 =	vmul.f32 v49, v28;
	[tilespmem:s30+$0xFFFFFFF0] =	vst v46  }
0x24c: {  	v52 =	vmul.f32 v49, v32;
	v46 =	vadd.f32 v48, v15;
	v48 =	vmul.f32 v49, v31;
	[tilespmem:s30+$0xFFFFFFE0] =	vst v45;
	s30 =	smov.u32 s31  }
0x24d: {  	v53 =	vmul.f32 v49, v34;
	v49 =	vmul.f32 v49, v35;
	v45 =	vadd.f32 v50, v16;
	v50 =	vld [tilespmem:s29+$0xFFFFFFB0]  }
0x24e: {  	v54 =	vld [tilespmem:s29+$0xFFFFFFA0]  }
0x24f: {  	v51 =	vadd.f32 v51, v18;
	v55 =	vld [tilespmem:s29+$0xFFFFFF90]  }
0x250: {  	v47 =	vadd.f32 v47, v17;
	v56 =	vld [tilespmem:s29+$0xFFFFFFD0];
	_ =	sdelay $0x1  }
0x251: {  	v57 =	vld [tilespmem:s29+$0xFFFFFFC0]  }
0x252: {  	v54 =	vadd.f32 v54, v37  }
0x253: {  	v50 =	vadd.f32 v50, v38;
	v55 =	vadd.f32 v55, v36  }
0x254: {  	v45 =	vadd.f32 v54, v45;
	v54 =	vadd.f32 v56, v39  }
0x255: {  	v48 =	vadd.f32 v48, v19;
	v46 =	vadd.f32 v46, v55  }
0x256: {  	v47 =	vadd.f32 v50, v47;
	v50 =	vadd.f32 v57, v40;
	v55 =	vld [tilespmem:s29+$0xFFFFFFE0]  }
0x257: {  	v54 =	vadd.f32 v54, v48;
	v56 =	vadd.f32 $0.0e+00, v46;
	v57 =	vmul.f32 v46, v46  }
0x258: {  	v48 =	vmul.f32 v45, v45;
	v58 =	vld [tilespmem:s29+$0xFFFFFFF0]  }
0x259: {  	v59 =	vmul.f32 v47, v47;
	v60 =	vadd.f32 v50, v51;
	v56 =	vadd.f32 v45, v56  }
0x25a: {  	v50 =	vadd.f32 v52, v20;
	v48 =	vadd.f32 v48, v57  }
0x25b: {  	v52 =	vmul.f32 v60, v60;
	v51 =	vadd.f32 v47, v56;
	v55 =	vadd.f32 v55, v41;
	v56 =	vld [tilespmem:s29+$0x0]  }
0x25c: {  	v53 =	vadd.f32 v53, v21;
	v48 =	vadd.f32 v59, v48  }
0x25d: {  	v51 =	vadd.f32 v60, v51;
	v55 =	vadd.f32 v55, v50  }
0x25e: {  	v48 =	vadd.f32 v52, v48;
	v50 =	vmul.f32 v54, v54;
	v52 =	vadd.f32 v58, v42  }
0x25f: {  	v49 =	vadd.f32 v49, v22;
	v51 =	vadd.f32 v54, v51  }
0x260: {  	v48 =	vadd.f32 v50, v48;
	v50 =	vmul.f32 v55, v55;
	v53 =	vadd.f32 v52, v53  }
0x261: {  	v52 =	vadd.f32 v56, v43;
	v51 =	vadd.f32 v55, v51  }
0x262: {  	v48 =	vadd.f32 v50, v48;
	v50 =	vmul.f32 v53, v53  }
0x263: {  	v52 =	vadd.f32 v52, v49;
	v51 =	vadd.f32 v53, v51  }
0x264: {  	v48 =	vadd.f32 v50, v48  }
0x265: {  	v50 =	vmul.f32 v52, v52;
	v49 =	vadd.f32 v52, v51;
	_ =	sdelay $0x1  }
0x266: {  	v48 =	vadd.f32 v50, v48;
	v50 =	vperm.xlane v49, v0;
	_ =	sdelay $0x1  }
0x267: {  	v49 =	vadd.f32 v49, v50;
	v50 =	vperm.xlane v48, v0;
	_ =	sdelay $0x1  }
0x268: {  	v51 =	vperm.xlane v49, v1;
	v48 =	vadd.f32 v50, v48;
	_ =	sdelay $0x1  }
0x269: {  	v49 =	vadd.f32 v49, v51;
	v50 =	vperm.xlane v48, v1;
	_ =	sdelay $0x1  }
0x26a: {  	v51 =	vperm.xlane v49, v2;
	v48 =	vadd.f32 v50, v48;
	_ =	sdelay $0x1  }
0x26b: {  	v49 =	vadd.f32 v49, v51;
	v50 =	vperm.xlane v48, v2;
	_ =	sdelay $0x1  }
0x26c: {  	v51 =	vperm.xlane v49, v3;
	v48 =	vadd.f32 v50, v48;
	_ =	sdelay $0x1  }
0x26d: {  	v49 =	vadd.f32 v49, v51;
	v50 =	vperm.xlane v48, v3;
	_ =	sdelay $0x1  }
0x26e: {  	v48 =	vadd.f32 v50, v48;
	v56 =	vmul.f32 $7.812500000e-03, v49;
	_ =	sdelay $0x1  }
0x26f: {  	v51 =	vmul.f32 $7.812500000e-03, v48;
	v57 =	vmul.f32 v56, v56;
	v49 =	vsub.f32 v46, v56  }
0x270: {  	v50 =	vsub.f32 v45, v56;
	v48 =	vsub.f32 v52, v56  }
0x271: {  	v45 =	vsub.f32 v51, v57;
	v51 =	vsub.f32 v54, v56  }
0x272: {  	v47 =	vsub.f32 v47, v56;
	v52 =	vsub.f32 v60, v56  }
0x273: {  	v46 =	vsub.f32 v53, v56;
	v54 =	vadd.f32 $9.999999740e-06, v45  }
0x274: {  	v45 =	vsub.f32 v55, v56  }
0x275: {  	v53 =	vshra.s32 v54, $0x1;
	v54 =	vmul.f32 $5.000000000e-01, v54  }
0x276: {  	v53 =	vsub.s32 $0x5F3759DF, v53  }
0x277: {  	v55 =	vmul.f32 v53, v54;
	_ =	sdelay $0x1  }
0x278: {  	v55 =	vmul.f32 v53, v55;
	_ =	sdelay $0x1  }
0x279: {  	v55 =	vsub.f32 $1.500000000e+00, v55;
	_ =	sdelay $0x1  }
0x27a: {  	v53 =	vmul.f32 v53, v55;
	_ =	sdelay $0x1  }
0x27b: {  	v55 =	vmul.f32 v53, v54;
	_ =	sdelay $0x1  }
0x27c: {  	v55 =	vmul.f32 v55, v53;
	_ =	sdelay $0x1  }
0x27d: {  	v55 =	vsub.f32 $1.500000000e+00, v55;
	_ =	sdelay $0x1  }
0x27e: {  	v53 =	vmul.f32 v55, v53;
	_ =	sdelay $0x1  }
.Ltmp3:
0x27f: {  	v54 =	vmul.f32 v53, v54;
	(pc) =	sbr.rel @p0 .LBB2_9-.Ltmp3, $3  }
0x280: {  	_ = 	snop  }
0x281: {  	v54 =	vmul.f32 v54, v53;
	_ =	sdelay $0x1  }
0x282: {  	v54 =	vsub.f32 $1.500000000e+00, v54  }
0x283: {  	_ = 	snop  }
0x284: {  	v36 =	vmul.f32 v54, v53;
	_ =	sdelay $0x1  }
0x285: {  	v37 =	vmul.f32 v36, v49;
	v38 =	vmul.f32 v36, v50  }
0x286: {  	v39 =	vmul.f32 v36, v52;
	v40 =	vmul.f32 v36, v51  }
0x287: {  	v41 =	vmul.f32 v36, v48;
	v37 =	vmul.f32 v37, v4  }
0x288: {  	v42 =	vmul.f32 v36, v47;
	v38 =	vmul.f32 v38, v5  }
0x289: {  	v56 =	vmul.f32 v36, v46;
	v39 =	vmul.f32 v39, v7;
	v37 =	vadd.f32 v37, v12  }
0x28a: {  	v36 =	vmul.f32 v36, v45;
	v40 =	vmul.f32 v40, v8;
	v38 =	vadd.f32 v38, v13  }
0x28b: {  	v41 =	vmul.f32 v41, v11;
	v55 =	vadd.f32 v39, v23;
	[tilespmem:s30+$0xFFFFFF90] =	vst v37  }
0x28c: {  	v36 =	vmul.f32 v36, v9;
	v40 =	vadd.f32 v40, v24;
	[tilespmem:s30+$0xFFFFFFA0] =	vst v38  }
0x28d: {  	v57 =	vmul.f32 v42, v6;
	v41 =	vadd.f32 v41, v33;
	[tilespmem:s30+$0xFFFFFFC0] =	vst v55  }
0x28e: {  	v58 =	vmul.f32 v56, v10;
	v36 =	vadd.f32 v36, v27;
	[tilespmem:s30+$0xFFFFFFD0] =	vst v40  }
0x28f: {  	v38 =	vadd.f32 v57, v14;
	[tilespmem:s30+$0x0] =	vst v41  }
0x290: {  	v37 =	vadd.f32 v58, v30;
	[tilespmem:s30+$0xFFFFFFE0] =	vst v36  }
0x291: {  	[tilespmem:s30+$0xFFFFFFB0] =	vst v38  }
0x292: {  	[tilespmem:s30+$0xFFFFFFF0] =	vst v37  }
0x293: {  	v59 =	vld [tilespmem:s28+$0x840]  }
0x294: {  	v36 =	vld [tilespmem:s26+$0x1100]  }
0x295: {  	v37 =	vld [tilespmem:s26+$0x1110]  }
0x296: {  	v38 =	vld [tilespmem:s26+$0x1120]  }
0x297: {  	s29 =	simm.s32 $0x5270;
	v39 =	vld [tilespmem:s26+$0x1140]  }
0x298: {  	v41 =	vld [tilespmem:s29+$0xFFFFFFA0]  }
0x299: {  	v61 =	vld [tilespmem:s29+$0xFFFFFF90]  }
0x29a: {  	v63 =	vld [tilespmem:s29+$0xFFFFFFB0]  }
0x29b: {  	v57 =	vld [tilespmem:s29+$0xFFFFFFD0]  }
0x29c: {  	s4 =	simm.s32 $0x0;
	v40 =	vld [tilespmem:s26+$0x1130];
	v44 =	vcvt.s32.f32 v59  }
0x29d: {  	v60 =	vmov s4;
	v59 =	vld [tilespmem:s29+$0xFFFFFFC0]  }
0x29e: {  	v45 =	vperm.xlane v44, v60  }
0x29f: {  	v41 =	vadd.f32 v41, v37  }
0x2a0: {  	v42 =	vadd.f32 v61, v36;
	v47 =	vadd.f32 v63, v38;
	v43 =	vmul.f32 v45, v25  }
0x2a1: {  	v49 =	vadd.f32 v57, v39;
	v62 =	vmul.f32 v45, v26;
	v56 =	vmul.f32 v45, v29  }
0x2a2: {  	v58 =	vmul.f32 v45, v28;
	v51 =	vadd.f32 v59, v40;
	v43 =	vadd.f32 v43, v15  }
0x2a3: {  	v60 =	vmul.f32 v45, v31;
	v46 =	vadd.f32 v62, v16;
	v48 =	vadd.f32 v56, v18  }
0x2a4: {  	v50 =	vadd.f32 v58, v17;
	v54 =	vadd.f32 v43, v42  }
0x2a5: {  	v52 =	vmul.f32 v45, v32;
	v61 =	vadd.f32 v60, v19;
	v46 =	vadd.f32 v41, v46;
	v41 =	vld [tilespmem:s26+$0x1150]  }
0x2a6: {  	v47 =	vadd.f32 v47, v50;
	v50 =	vld [tilespmem:s29+$0xFFFFFFE0];
	v62 =	vadd.f32 $0.0e+00, v54  }
0x2a7: {  	v57 =	vld [tilespmem:s29+$0xFFFFFFF0];
	v60 =	vmul.f32 v45, v34;
	v52 =	vadd.f32 v52, v20;
	v56 =	vadd.f32 v49, v61  }
0x2a8: {  	v42 =	vld [tilespmem:s26+$0x1160];
	v55 =	vmul.f32 v54, v54;
	v63 =	vmul.f32 v46, v46;
	v53 =	vadd.f32 v46, v62  }
0x2a9: {  	v59 =	vld [tilespmem:s29+$0x0];
	v45 =	vmul.f32 v45, v35;
	v58 =	vadd.f32 v51, v48;
	v49 =	vadd.f32 v60, v21  }
0x2aa: {  	v43 =	vld [tilespmem:s26+$0x1170];
	v61 =	vmul.f32 v47, v47;
	v62 =	vadd.f32 v63, v55;
	v53 =	vadd.f32 v47, v53  }
0x2ab: {  	v45 =	vadd.f32 v45, v22;
	v50 =	vadd.f32 v50, v41  }
0x2ac: {  	v55 =	vmul.f32 v58, v58;
	v48 =	vadd.f32 v61, v62;
	v51 =	vadd.f32 v58, v53  }
0x2ad: {  	v61 =	vadd.f32 v57, v42;
	v60 =	vadd.f32 v50, v52  }
0x2ae: {  	v63 =	vmul.f32 v56, v56;
	v48 =	vadd.f32 v55, v48;
	v51 =	vadd.f32 v56, v51  }
0x2af: {  	v57 =	vadd.f32 v59, v43;
	v55 =	vadd.f32 v61, v49  }
0x2b0: {  	v62 =	vmul.f32 v60, v60;
	v48 =	vadd.f32 v63, v48;
	v63 =	vadd.f32 v60, v51  }
0x2b1: {  	v45 =	vadd.f32 v57, v45  }
0x2b2: {  	v59 =	vmul.f32 v55, v55;
	v48 =	vadd.f32 v62, v48;
	v49 =	vadd.f32 v55, v63;
	_ =	sdelay $0x1  }
0x2b3: {  	v61 =	vmul.f32 v45, v45;
	v48 =	vadd.f32 v59, v48;
	v49 =	vadd.f32 v45, v49;
	_ =	sdelay $0x1  }
0x2b4: {  	v48 =	vadd.f32 v61, v48;
	v62 =	vperm.xlane v49, v0;
	_ =	sdelay $0x1  }
0x2b5: {  	v63 =	vperm.xlane v48, v0;
	v49 =	vadd.f32 v49, v62;
	_ =	sdelay $0x1  }
0x2b6: {  	v48 =	vadd.f32 v63, v48;
	v57 =	vperm.xlane v49, v1;
	_ =	sdelay $0x1  }
0x2b7: {  	v50 =	vperm.xlane v48, v1;
	v49 =	vadd.f32 v49, v57;
	_ =	sdelay $0x1  }
0x2b8: {  	v48 =	vadd.f32 v50, v48;
	v51 =	vperm.xlane v49, v2;
	_ =	sdelay $0x1  }
0x2b9: {  	v50 =	vperm.xlane v48, v2;
	v49 =	vadd.f32 v49, v51;
	_ =	sdelay $0x1  }
0x2ba: {  	v48 =	vadd.f32 v50, v48;
	v51 =	vperm.xlane v49, v3;
	_ =	sdelay $0x1  }
0x2bb: {  	v50 =	vperm.xlane v48, v3;
	v49 =	vadd.f32 v49, v51;
	_ =	sdelay $0x1  }
0x2bc: {  	v48 =	vadd.f32 v50, v48;
	v57 =	vmul.f32 $7.812500000e-03, v49;
	_ =	sdelay $0x1  }
0x2bd: {  	v48 =	vmul.f32 $7.812500000e-03, v48;
	v49 =	vmul.f32 v57, v57;
	_ =	sdelay $0x1  }
0x2be: {  	v48 =	vsub.f32 v48, v49;
	_ =	sdelay $0x1  }
0x2bf: {  	v48 =	vadd.f32 $9.999999740e-06, v48;
	_ =	sdelay $0x1  }
0x2c0: {  	v59 =	vshra.s32 v48, $0x1;
	v48 =	vmul.f32 $5.000000000e-01, v48  }
0x2c1: {  	v49 =	vsub.s32 $0x5F3759DF, v59  }
0x2c2: {  	v61 =	vmul.f32 v49, v48;
	_ =	sdelay $0x1  }
0x2c3: {  	v50 =	vmul.f32 v49, v61;
	_ =	sdelay $0x1  }
0x2c4: {  	v50 =	vsub.f32 $1.500000000e+00, v50;
	_ =	sdelay $0x1  }
0x2c5: {  	v49 =	vmul.f32 v49, v50;
	_ =	sdelay $0x1  }
0x2c6: {  	v50 =	vmul.f32 v49, v48;
	_ =	sdelay $0x1  }
0x2c7: {  	v50 =	vmul.f32 v50, v49;
	_ =	sdelay $0x1  }
0x2c8: {  	v50 =	vsub.f32 $1.500000000e+00, v50;
	_ =	sdelay $0x1  }
0x2c9: {  	v53 =	vmul.f32 v50, v49;
	_ =	sdelay $0x1  }
0x2ca: {  	v51 =	vsub.f32 v56, v57;
	v62 =	vmul.f32 v53, v48  }
0x2cb: {  	v47 =	vsub.f32 v47, v57;
	v52 =	vsub.f32 v58, v57  }
0x2cc: {  	v49 =	vsub.f32 v54, v57;
	v50 =	vsub.f32 v46, v57;
	v63 =	vmul.f32 v62, v53  }
0x2cd: {  	v46 =	vsub.f32 v55, v57;
	v48 =	vsub.f32 v45, v57  }
0x2ce: {  	s31 =	simm.s32 $0x7370;
	s4 =	simm.s32 $0x1;
	s30 =	simm.s32 $0x7370;
	v45 =	vsub.f32 v60, v57;
	v54 =	vsub.f32 $1.500000000e+00, v63  }
.LBB2_11:
0x2cf: {  	_ = 	snop  }
0x2d0: {  	p0 =	sne.s32 s4, $0xF;
	s31 =	sadd.s32 $0x200, s31;
	s29 =	sadd.s32 $0x80, s29;
	v53 =	vmul.f32 v54, v53  }
0x2d1: {  	s6 =	smov.u32 s4;
	s4 =	sadd.s32 $0x1, s4  }
0x2d2: {  	v49 =	vmul.f32 v53, v49;
	v48 =	vmul.f32 v53, v48  }
0x2d3: {  	v50 =	vmul.f32 v53, v50;
	v51 =	vmul.f32 v53, v51  }
0x2d4: {  	v52 =	vmul.f32 v53, v52;
	v49 =	vmul.f32 v49, v4  }
0x2d5: {  	v50 =	vmul.f32 v50, v5;
	v51 =	vmul.f32 v51, v8  }
0x2d6: {  	v52 =	vmul.f32 v52, v7;
	v48 =	vmul.f32 v48, v11;
	v49 =	vadd.f32 v49, v12  }
0x2d7: {  	v47 =	vmul.f32 v53, v47;
	v50 =	vadd.f32 v50, v13;
	v51 =	vadd.f32 v51, v24  }
0x2d8: {  	v46 =	vmul.f32 v53, v46;
	v48 =	vadd.f32 v48, v33;
	[tilespmem:s30+$0xFFFFFF90] =	vst v49;
	v49 =	vadd.f32 v52, v23  }
0x2d9: {  	v45 =	vmul.f32 v53, v45;
	v47 =	vmul.f32 v47, v6;
	[tilespmem:s30+$0xFFFFFFA0] =	vst v50  }
0x2da: {  	v46 =	vmul.f32 v46, v10;
	v50 =	vmov s6;
	[tilespmem:s30+$0xFFFFFFC0] =	vst v49  }
0x2db: {  	v45 =	vmul.f32 v45, v9;
	v47 =	vadd.f32 v47, v14;
	v49 =	vperm.xlane v44, v50;
	[tilespmem:s30+$0xFFFFFFD0] =	vst v51  }
0x2dc: {  	v46 =	vadd.f32 v46, v30;
	[tilespmem:s30+$0x0] =	vst v48  }
0x2dd: {  	v45 =	vadd.f32 v45, v27;
	v48 =	vmul.f32 v49, v25;
	v50 =	vmul.f32 v49, v26;
	[tilespmem:s30+$0xFFFFFFB0] =	vst v47  }
0x2de: {  	v51 =	vmul.f32 v49, v29;
	v47 =	vmul.f32 v49, v28;
	[tilespmem:s30+$0xFFFFFFF0] =	vst v46  }
0x2df: {  	v52 =	vmul.f32 v49, v32;
	v46 =	vadd.f32 v48, v15;
	v48 =	vmul.f32 v49, v31;
	[tilespmem:s30+$0xFFFFFFE0] =	vst v45;
	s30 =	smov.u32 s31  }
0x2e0: {  	v53 =	vmul.f32 v49, v34;
	v49 =	vmul.f32 v49, v35;
	v45 =	vadd.f32 v50, v16;
	v50 =	vld [tilespmem:s29+$0xFFFFFFB0]  }
0x2e1: {  	v54 =	vld [tilespmem:s29+$0xFFFFFFA0]  }
0x2e2: {  	v51 =	vadd.f32 v51, v18;
	v55 =	vld [tilespmem:s29+$0xFFFFFF90]  }
0x2e3: {  	v47 =	vadd.f32 v47, v17;
	v56 =	vld [tilespmem:s29+$0xFFFFFFD0];
	_ =	sdelay $0x1  }
0x2e4: {  	v57 =	vld [tilespmem:s29+$0xFFFFFFC0]  }
0x2e5: {  	v54 =	vadd.f32 v54, v37  }
0x2e6: {  	v50 =	vadd.f32 v50, v38;
	v55 =	vadd.f32 v55, v36  }
0x2e7: {  	v45 =	vadd.f32 v54, v45;
	v54 =	vadd.f32 v56, v39  }
0x2e8: {  	v48 =	vadd.f32 v48, v19;
	v46 =	vadd.f32 v46, v55  }
0x2e9: {  	v47 =	vadd.f32 v50, v47;
	v50 =	vadd.f32 v57, v40;
	v55 =	vld [tilespmem:s29+$0xFFFFFFE0]  }
0x2ea: {  	v54 =	vadd.f32 v54, v48;
	v56 =	vadd.f32 $0.0e+00, v46;
	v57 =	vmul.f32 v46, v46  }
0x2eb: {  	v48 =	vmul.f32 v45, v45;
	v58 =	vld [tilespmem:s29+$0xFFFFFFF0]  }
0x2ec: {  	v59 =	vmul.f32 v47, v47;
	v60 =	vadd.f32 v50, v51;
	v56 =	vadd.f32 v45, v56  }
0x2ed: {  	v50 =	vadd.f32 v52, v20;
	v48 =	vadd.f32 v48, v57  }
0x2ee: {  	v52 =	vmul.f32 v60, v60;
	v51 =	vadd.f32 v47, v56;
	v55 =	vadd.f32 v55, v41;
	v56 =	vld [tilespmem:s29+$0x0]  }
0x2ef: {  	v53 =	vadd.f32 v53, v21;
	v48 =	vadd.f32 v59, v48  }
0x2f0: {  	v51 =	vadd.f32 v60, v51;
	v55 =	vadd.f32 v55, v50  }
0x2f1: {  	v48 =	vadd.f32 v52, v48;
	v50 =	vmul.f32 v54, v54;
	v52 =	vadd.f32 v58, v42  }
0x2f2: {  	v49 =	vadd.f32 v49, v22;
	v51 =	vadd.f32 v54, v51  }
0x2f3: {  	v48 =	vadd.f32 v50, v48;
	v50 =	vmul.f32 v55, v55;
	v53 =	vadd.f32 v52, v53  }
0x2f4: {  	v52 =	vadd.f32 v56, v43;
	v51 =	vadd.f32 v55, v51  }
0x2f5: {  	v48 =	vadd.f32 v50, v48;
	v50 =	vmul.f32 v53, v53  }
0x2f6: {  	v52 =	vadd.f32 v52, v49;
	v51 =	vadd.f32 v53, v51  }
0x2f7: {  	v48 =	vadd.f32 v50, v48  }
0x2f8: {  	v50 =	vmul.f32 v52, v52;
	v49 =	vadd.f32 v52, v51;
	_ =	sdelay $0x1  }
0x2f9: {  	v48 =	vadd.f32 v50, v48;
	v50 =	vperm.xlane v49, v0;
	_ =	sdelay $0x1  }
0x2fa: {  	v49 =	vadd.f32 v49, v50;
	v50 =	vperm.xlane v48, v0;
	_ =	sdelay $0x1  }
0x2fb: {  	v51 =	vperm.xlane v49, v1;
	v48 =	vadd.f32 v50, v48;
	_ =	sdelay $0x1  }
0x2fc: {  	v49 =	vadd.f32 v49, v51;
	v50 =	vperm.xlane v48, v1;
	_ =	sdelay $0x1  }
0x2fd: {  	v51 =	vperm.xlane v49, v2;
	v48 =	vadd.f32 v50, v48;
	_ =	sdelay $0x1  }
0x2fe: {  	v49 =	vadd.f32 v49, v51;
	v50 =	vperm.xlane v48, v2;
	_ =	sdelay $0x1  }
0x2ff: {  	v51 =	vperm.xlane v49, v3;
	v48 =	vadd.f32 v50, v48;
	_ =	sdelay $0x1  }
0x300: {  	v49 =	vadd.f32 v49, v51;
	v50 =	vperm.xlane v48, v3;
	_ =	sdelay $0x1  }
0x301: {  	v48 =	vadd.f32 v50, v48;
	v56 =	vmul.f32 $7.812500000e-03, v49;
	_ =	sdelay $0x1  }
0x302: {  	v51 =	vmul.f32 $7.812500000e-03, v48;
	v57 =	vmul.f32 v56, v56;
	v49 =	vsub.f32 v46, v56  }
0x303: {  	v50 =	vsub.f32 v45, v56;
	v48 =	vsub.f32 v52, v56  }
0x304: {  	v45 =	vsub.f32 v51, v57;
	v51 =	vsub.f32 v54, v56  }
0x305: {  	v47 =	vsub.f32 v47, v56;
	v52 =	vsub.f32 v60, v56  }
0x306: {  	v46 =	vsub.f32 v53, v56;
	v54 =	vadd.f32 $9.999999740e-06, v45  }
0x307: {  	v45 =	vsub.f32 v55, v56  }
0x308: {  	v53 =	vshra.s32 v54, $0x1;
	v54 =	vmul.f32 $5.000000000e-01, v54  }
0x309: {  	v53 =	vsub.s32 $0x5F3759DF, v53  }
0x30a: {  	v55 =	vmul.f32 v53, v54;
	_ =	sdelay $0x1  }
0x30b: {  	v55 =	vmul.f32 v53, v55;
	_ =	sdelay $0x1  }
0x30c: {  	v55 =	vsub.f32 $1.500000000e+00, v55;
	_ =	sdelay $0x1  }
0x30d: {  	v53 =	vmul.f32 v53, v55;
	_ =	sdelay $0x1  }
0x30e: {  	v55 =	vmul.f32 v53, v54;
	_ =	sdelay $0x1  }
0x30f: {  	v55 =	vmul.f32 v55, v53;
	_ =	sdelay $0x1  }
0x310: {  	v55 =	vsub.f32 $1.500000000e+00, v55;
	_ =	sdelay $0x1  }
0x311: {  	v53 =	vmul.f32 v55, v53;
	_ =	sdelay $0x1  }
.Ltmp4:
0x312: {  	v54 =	vmul.f32 v53, v54;
	(pc) =	sbr.rel @p0 .LBB2_11-.Ltmp4, $3  }
0x313: {  	_ = 	snop  }
0x314: {  	v54 =	vmul.f32 v54, v53;
	_ =	sdelay $0x1  }
0x315: {  	v54 =	vsub.f32 $1.500000000e+00, v54  }
0x316: {  	_ = 	snop  }
0x317: {  	v44 =	vmul.f32 v54, v53;
	_ =	sdelay $0x1  }
0x318: {  	v49 =	vmul.f32 v44, v49  }
0x319: {  	v50 =	vmul.f32 v44, v50  }
0x31a: {  	v52 =	vmul.f32 v44, v52;
	v49 =	vmul.f32 v49, v4  }
0x31b: {  	v51 =	vmul.f32 v44, v51;
	v50 =	vmul.f32 v50, v5  }
0x31c: {  	v48 =	vmul.f32 v44, v48;
	v52 =	vmul.f32 v52, v7;
	v49 =	vadd.f32 v49, v12  }
0x31d: {  	v47 =	vmul.f32 v44, v47;
	v51 =	vmul.f32 v51, v8;
	v50 =	vadd.f32 v50, v13  }
0x31e: {  	v46 =	vmul.f32 v44, v46;
	v48 =	vmul.f32 v48, v11;
	v60 =	vadd.f32 v52, v23;
	[tilespmem:s30+$0xFFFFFF90] =	vst v49  }
0x31f: {  	v44 =	vmul.f32 v44, v45;
	v47 =	vmul.f32 v47, v6;
	v51 =	vadd.f32 v51, v24;
	[tilespmem:s30+$0xFFFFFFA0] =	vst v50  }
0x320: {  	v46 =	vmul.f32 v46, v10;
	v61 =	vadd.f32 v48, v33;
	[tilespmem:s30+$0xFFFFFFC0] =	vst v60  }
0x321: {  	v44 =	vmul.f32 v44, v9;
	v47 =	vadd.f32 v47, v14;
	[tilespmem:s30+$0xFFFFFFD0] =	vst v51  }
0x322: {  	v46 =	vadd.f32 v46, v30;
	[tilespmem:s30+$0x0] =	vst v61  }
0x323: {  	v44 =	vadd.f32 v44, v27;
	[tilespmem:s30+$0xFFFFFFB0] =	vst v47  }
0x324: {  	[tilespmem:s30+$0xFFFFFFF0] =	vst v46  }
0x325: {  	[tilespmem:s30+$0xFFFFFFE0] =	vst v44  }
0x326: {  	v44 =	vld [tilespmem:s28+$0x850]  }
0x327: {  	s29 =	simm.s32 $0x5A70  }
0x328: {  	v46 =	vld [tilespmem:s29+$0xFFFFFFA0]  }
0x329: {  	v47 =	vld [tilespmem:s29+$0xFFFFFF90]  }
0x32a: {  	v50 =	vld [tilespmem:s29+$0xFFFFFFB0]  }
0x32b: {  	s4 =	simm.s32 $0x0;
	v58 =	vld [tilespmem:s29+$0xFFFFFFD0];
	v44 =	vcvt.s32.f32 v44  }
0x32c: {  	v62 =	vmov s4;
	v60 =	vld [tilespmem:s29+$0xFFFFFFC0]  }
0x32d: {  	v45 =	vperm.xlane v44, v62  }
0x32e: {  	v46 =	vadd.f32 v46, v37  }
0x32f: {  	v47 =	vadd.f32 v47, v36;
	v50 =	vadd.f32 v50, v38;
	v63 =	vmul.f32 v45, v25  }
0x330: {  	v61 =	vadd.f32 v58, v39;
	v56 =	vmul.f32 v45, v26;
	v57 =	vmul.f32 v45, v29  }
0x331: {  	v54 =	vadd.f32 v60, v40;
	v59 =	vmul.f32 v45, v28;
	v48 =	vadd.f32 v63, v15  }
0x332: {  	v55 =	vmul.f32 v45, v31;
	v49 =	vadd.f32 v56, v16;
	v51 =	vadd.f32 v57, v18  }
0x333: {  	v53 =	vadd.f32 v59, v17;
	v47 =	vadd.f32 v48, v47  }
0x334: {  	v62 =	vadd.f32 v55, v19;
	v46 =	vadd.f32 v46, v49  }
0x335: {  	v52 =	vadd.f32 v50, v53;
	v50 =	vld [tilespmem:s29+$0xFFFFFFE0];
	v53 =	vmul.f32 v45, v32;
	v63 =	vadd.f32 $0.0e+00, v47  }
0x336: {  	v58 =	vld [tilespmem:s29+$0xFFFFFFF0];
	v57 =	vadd.f32 v61, v62;
	v56 =	vmul.f32 v47, v47;
	v60 =	vmul.f32 v46, v46  }
0x337: {  	v61 =	vmul.f32 v45, v34;
	v54 =	vadd.f32 v54, v51;
	v55 =	vadd.f32 v46, v63  }
0x338: {  	v62 =	vmul.f32 v52, v52;
	v53 =	vadd.f32 v53, v20;
	v48 =	vadd.f32 v60, v56  }
0x339: {  	v49 =	vadd.f32 v61, v21;
	v55 =	vadd.f32 v52, v55  }
0x33a: {  	v59 =	vld [tilespmem:s29+$0x0];
	v63 =	vmul.f32 v54, v54;
	v50 =	vadd.f32 v50, v41;
	v48 =	vadd.f32 v62, v48  }
0x33b: {  	v45 =	vmul.f32 v45, v35;
	v62 =	vadd.f32 v58, v42;
	v60 =	vadd.f32 v54, v55  }
0x33c: {  	v61 =	vmul.f32 v57, v57;
	v55 =	vadd.f32 v50, v53;
	v48 =	vadd.f32 v63, v48  }
0x33d: {  	v45 =	vadd.f32 v45, v22;
	v51 =	vadd.f32 v57, v60  }
0x33e: {  	v56 =	vadd.f32 v62, v49;
	v48 =	vadd.f32 v61, v48;
	v63 =	vmul.f32 v55, v55  }
0x33f: {  	v61 =	vadd.f32 v59, v43;
	v60 =	vadd.f32 v55, v51  }
0x340: {  	v48 =	vadd.f32 v63, v48  }
0x341: {  	v62 =	vmul.f32 v56, v56;
	v45 =	vadd.f32 v61, v45;
	v49 =	vadd.f32 v56, v60;
	_ =	sdelay $0x1  }
0x342: {  	v48 =	vadd.f32 v62, v48;
	v63 =	vmul.f32 v45, v45;
	v49 =	vadd.f32 v45, v49;
	_ =	sdelay $0x1  }
0x343: {  	v48 =	vadd.f32 v63, v48;
	v53 =	vperm.xlane v49, v0;
	_ =	sdelay $0x1  }
0x344: {  	v58 =	vperm.xlane v48, v0;
	v49 =	vadd.f32 v49, v53;
	_ =	sdelay $0x1  }
0x345: {  	v48 =	vadd.f32 v58, v48;
	v59 =	vperm.xlane v49, v1;
	_ =	sdelay $0x1  }
0x346: {  	v50 =	vperm.xlane v48, v1;
	v49 =	vadd.f32 v49, v59;
	_ =	sdelay $0x1  }
0x347: {  	v48 =	vadd.f32 v50, v48;
	v51 =	vperm.xlane v49, v2;
	_ =	sdelay $0x1  }
0x348: {  	v50 =	vperm.xlane v48, v2;
	v49 =	vadd.f32 v49, v51;
	_ =	sdelay $0x1  }
0x349: {  	v48 =	vadd.f32 v50, v48;
	v51 =	vperm.xlane v49, v3;
	_ =	sdelay $0x1  }
0x34a: {  	v50 =	vperm.xlane v48, v3;
	v49 =	vadd.f32 v49, v51;
	_ =	sdelay $0x1  }
0x34b: {  	v48 =	vadd.f32 v50, v48;
	v58 =	vmul.f32 $7.812500000e-03, v49;
	_ =	sdelay $0x1  }
0x34c: {  	v48 =	vmul.f32 $7.812500000e-03, v48;
	v49 =	vmul.f32 v58, v58;
	_ =	sdelay $0x1  }
0x34d: {  	v48 =	vsub.f32 v48, v49;
	_ =	sdelay $0x1  }
0x34e: {  	v48 =	vadd.f32 $9.999999740e-06, v48;
	_ =	sdelay $0x1  }
0x34f: {  	v60 =	vshra.s32 v48, $0x1;
	v48 =	vmul.f32 $5.000000000e-01, v48  }
0x350: {  	v49 =	vsub.s32 $0x5F3759DF, v60  }
0x351: {  	v61 =	vmul.f32 v49, v48;
	_ =	sdelay $0x1  }
0x352: {  	v50 =	vmul.f32 v49, v61;
	_ =	sdelay $0x1  }
0x353: {  	v50 =	vsub.f32 $1.500000000e+00, v50;
	_ =	sdelay $0x1  }
0x354: {  	v49 =	vmul.f32 v49, v50;
	_ =	sdelay $0x1  }
0x355: {  	v50 =	vmul.f32 v49, v48;
	_ =	sdelay $0x1  }
0x356: {  	v50 =	vmul.f32 v50, v49;
	_ =	sdelay $0x1  }
0x357: {  	v50 =	vsub.f32 $1.500000000e+00, v50;
	_ =	sdelay $0x1  }
0x358: {  	v53 =	vmul.f32 v50, v49;
	_ =	sdelay $0x1  }
0x359: {  	v51 =	vsub.f32 v57, v58;
	v62 =	vmul.f32 v53, v48  }
0x35a: {  	v49 =	vsub.f32 v47, v58;
	v50 =	vsub.f32 v46, v58  }
0x35b: {  	v47 =	vsub.f32 v52, v58;
	v52 =	vsub.f32 v54, v58;
	v63 =	vmul.f32 v62, v53  }
0x35c: {  	v46 =	vsub.f32 v56, v58;
	v48 =	vsub.f32 v45, v58  }
0x35d: {  	s31 =	simm.s32 $0x9370;
	s4 =	simm.s32 $0x1;
	s30 =	simm.s32 $0x9370;
	v45 =	vsub.f32 v55, v58;
	v54 =	vsub.f32 $1.500000000e+00, v63  }
.LBB2_13:
0x35e: {  	_ = 	snop  }
0x35f: {  	p0 =	sne.s32 s4, $0xF;
	s31 =	sadd.s32 $0x200, s31;
	s29 =	sadd.s32 $0x80, s29;
	v53 =	vmul.f32 v54, v53  }
0x360: {  	s6 =	smov.u32 s4;
	s4 =	sadd.s32 $0x1, s4  }
0x361: {  	v49 =	vmul.f32 v53, v49;
	v48 =	vmul.f32 v53, v48  }
0x362: {  	v50 =	vmul.f32 v53, v50;
	v51 =	vmul.f32 v53, v51  }
0x363: {  	v52 =	vmul.f32 v53, v52;
	v49 =	vmul.f32 v49, v4  }
0x364: {  	v50 =	vmul.f32 v50, v5;
	v51 =	vmul.f32 v51, v8  }
0x365: {  	v52 =	vmul.f32 v52, v7;
	v48 =	vmul.f32 v48, v11;
	v49 =	vadd.f32 v49, v12  }
0x366: {  	v47 =	vmul.f32 v53, v47;
	v50 =	vadd.f32 v50, v13;
	v51 =	vadd.f32 v51, v24  }
0x367: {  	v46 =	vmul.f32 v53, v46;
	v48 =	vadd.f32 v48, v33;
	[tilespmem:s30+$0xFFFFFF90] =	vst v49;
	v49 =	vadd.f32 v52, v23  }
0x368: {  	v45 =	vmul.f32 v53, v45;
	v47 =	vmul.f32 v47, v6;
	[tilespmem:s30+$0xFFFFFFA0] =	vst v50  }
0x369: {  	v46 =	vmul.f32 v46, v10;
	v50 =	vmov s6;
	[tilespmem:s30+$0xFFFFFFC0] =	vst v49  }
0x36a: {  	v45 =	vmul.f32 v45, v9;
	v47 =	vadd.f32 v47, v14;
	v49 =	vperm.xlane v44, v50;
	[tilespmem:s30+$0xFFFFFFD0] =	vst v51  }
0x36b: {  	v46 =	vadd.f32 v46, v30;
	[tilespmem:s30+$0x0] =	vst v48  }
0x36c: {  	v45 =	vadd.f32 v45, v27;
	v48 =	vmul.f32 v49, v25;
	v50 =	vmul.f32 v49, v26;
	[tilespmem:s30+$0xFFFFFFB0] =	vst v47  }
0x36d: {  	v51 =	vmul.f32 v49, v29;
	v47 =	vmul.f32 v49, v28;
	[tilespmem:s30+$0xFFFFFFF0] =	vst v46  }
0x36e: {  	v52 =	vmul.f32 v49, v32;
	v46 =	vadd.f32 v48, v15;
	v48 =	vmul.f32 v49, v31;
	[tilespmem:s30+$0xFFFFFFE0] =	vst v45;
	s30 =	smov.u32 s31  }
0x36f: {  	v53 =	vmul.f32 v49, v34;
	v49 =	vmul.f32 v49, v35;
	v45 =	vadd.f32 v50, v16;
	v50 =	vld [tilespmem:s29+$0xFFFFFFB0]  }
0x370: {  	v54 =	vld [tilespmem:s29+$0xFFFFFFA0]  }
0x371: {  	v51 =	vadd.f32 v51, v18;
	v55 =	vld [tilespmem:s29+$0xFFFFFF90]  }
0x372: {  	v47 =	vadd.f32 v47, v17;
	v56 =	vld [tilespmem:s29+$0xFFFFFFD0];
	_ =	sdelay $0x1  }
0x373: {  	v57 =	vld [tilespmem:s29+$0xFFFFFFC0]  }
0x374: {  	v54 =	vadd.f32 v54, v37  }
0x375: {  	v50 =	vadd.f32 v50, v38;
	v55 =	vadd.f32 v55, v36  }
0x376: {  	v45 =	vadd.f32 v54, v45;
	v54 =	vadd.f32 v56, v39  }
0x377: {  	v48 =	vadd.f32 v48, v19;
	v46 =	vadd.f32 v46, v55  }
0x378: {  	v47 =	vadd.f32 v50, v47;
	v50 =	vadd.f32 v57, v40;
	v55 =	vld [tilespmem:s29+$0xFFFFFFE0]  }
0x379: {  	v54 =	vadd.f32 v54, v48;
	v56 =	vadd.f32 $0.0e+00, v46;
	v57 =	vmul.f32 v46, v46  }
0x37a: {  	v48 =	vmul.f32 v45, v45;
	v58 =	vld [tilespmem:s29+$0xFFFFFFF0]  }
0x37b: {  	v59 =	vmul.f32 v47, v47;
	v60 =	vadd.f32 v50, v51;
	v56 =	vadd.f32 v45, v56  }
0x37c: {  	v50 =	vadd.f32 v52, v20;
	v48 =	vadd.f32 v48, v57  }
0x37d: {  	v52 =	vmul.f32 v60, v60;
	v51 =	vadd.f32 v47, v56;
	v55 =	vadd.f32 v55, v41;
	v56 =	vld [tilespmem:s29+$0x0]  }
0x37e: {  	v53 =	vadd.f32 v53, v21;
	v48 =	vadd.f32 v59, v48  }
0x37f: {  	v51 =	vadd.f32 v60, v51;
	v55 =	vadd.f32 v55, v50  }
0x380: {  	v48 =	vadd.f32 v52, v48;
	v50 =	vmul.f32 v54, v54;
	v52 =	vadd.f32 v58, v42  }
0x381: {  	v49 =	vadd.f32 v49, v22;
	v51 =	vadd.f32 v54, v51  }
0x382: {  	v48 =	vadd.f32 v50, v48;
	v50 =	vmul.f32 v55, v55;
	v53 =	vadd.f32 v52, v53  }
0x383: {  	v52 =	vadd.f32 v56, v43;
	v51 =	vadd.f32 v55, v51  }
0x384: {  	v48 =	vadd.f32 v50, v48;
	v50 =	vmul.f32 v53, v53  }
0x385: {  	v52 =	vadd.f32 v52, v49;
	v51 =	vadd.f32 v53, v51  }
0x386: {  	v48 =	vadd.f32 v50, v48  }
0x387: {  	v50 =	vmul.f32 v52, v52;
	v49 =	vadd.f32 v52, v51;
	_ =	sdelay $0x1  }
0x388: {  	v48 =	vadd.f32 v50, v48;
	v50 =	vperm.xlane v49, v0;
	_ =	sdelay $0x1  }
0x389: {  	v49 =	vadd.f32 v49, v50;
	v50 =	vperm.xlane v48, v0;
	_ =	sdelay $0x1  }
0x38a: {  	v51 =	vperm.xlane v49, v1;
	v48 =	vadd.f32 v50, v48;
	_ =	sdelay $0x1  }
0x38b: {  	v49 =	vadd.f32 v49, v51;
	v50 =	vperm.xlane v48, v1;
	_ =	sdelay $0x1  }
0x38c: {  	v51 =	vperm.xlane v49, v2;
	v48 =	vadd.f32 v50, v48;
	_ =	sdelay $0x1  }
0x38d: {  	v49 =	vadd.f32 v49, v51;
	v50 =	vperm.xlane v48, v2;
	_ =	sdelay $0x1  }
0x38e: {  	v51 =	vperm.xlane v49, v3;
	v48 =	vadd.f32 v50, v48;
	_ =	sdelay $0x1  }
0x38f: {  	v49 =	vadd.f32 v49, v51;
	v50 =	vperm.xlane v48, v3;
	_ =	sdelay $0x1  }
0x390: {  	v48 =	vadd.f32 v50, v48;
	v56 =	vmul.f32 $7.812500000e-03, v49;
	_ =	sdelay $0x1  }
0x391: {  	v51 =	vmul.f32 $7.812500000e-03, v48;
	v57 =	vmul.f32 v56, v56;
	v49 =	vsub.f32 v46, v56  }
0x392: {  	v50 =	vsub.f32 v45, v56;
	v48 =	vsub.f32 v52, v56  }
0x393: {  	v45 =	vsub.f32 v51, v57;
	v51 =	vsub.f32 v54, v56  }
0x394: {  	v47 =	vsub.f32 v47, v56;
	v52 =	vsub.f32 v60, v56  }
0x395: {  	v46 =	vsub.f32 v53, v56;
	v54 =	vadd.f32 $9.999999740e-06, v45  }
0x396: {  	v45 =	vsub.f32 v55, v56  }
0x397: {  	v53 =	vshra.s32 v54, $0x1;
	v54 =	vmul.f32 $5.000000000e-01, v54  }
0x398: {  	v53 =	vsub.s32 $0x5F3759DF, v53  }
0x399: {  	v55 =	vmul.f32 v53, v54;
	_ =	sdelay $0x1  }
0x39a: {  	v55 =	vmul.f32 v53, v55;
	_ =	sdelay $0x1  }
0x39b: {  	v55 =	vsub.f32 $1.500000000e+00, v55;
	_ =	sdelay $0x1  }
0x39c: {  	v53 =	vmul.f32 v53, v55;
	_ =	sdelay $0x1  }
0x39d: {  	v55 =	vmul.f32 v53, v54;
	_ =	sdelay $0x1  }
0x39e: {  	v55 =	vmul.f32 v55, v53;
	_ =	sdelay $0x1  }
0x39f: {  	v55 =	vsub.f32 $1.500000000e+00, v55;
	_ =	sdelay $0x1  }
0x3a0: {  	v53 =	vmul.f32 v55, v53;
	_ =	sdelay $0x1  }
.Ltmp5:
0x3a1: {  	v54 =	vmul.f32 v53, v54;
	(pc) =	sbr.rel @p0 .LBB2_13-.Ltmp5, $3  }
0x3a2: {  	_ = 	snop  }
0x3a3: {  	v54 =	vmul.f32 v54, v53;
	_ =	sdelay $0x1  }
0x3a4: {  	v54 =	vsub.f32 $1.500000000e+00, v54  }
0x3a5: {  	_ = 	snop  }
0x3a6: {  	v36 =	vmul.f32 v54, v53;
	_ =	sdelay $0x1  }
0x3a7: {  	v37 =	vmul.f32 v36, v49;
	v38 =	vmul.f32 v36, v50  }
0x3a8: {  	v39 =	vmul.f32 v36, v52;
	v40 =	vmul.f32 v36, v51  }
0x3a9: {  	v41 =	vmul.f32 v36, v48;
	v37 =	vmul.f32 v37, v4  }
0x3aa: {  	v42 =	vmul.f32 v36, v47;
	v38 =	vmul.f32 v38, v5  }
0x3ab: {  	v56 =	vmul.f32 v36, v46;
	v39 =	vmul.f32 v39, v7;
	v37 =	vadd.f32 v37, v12  }
0x3ac: {  	v36 =	vmul.f32 v36, v45;
	v40 =	vmul.f32 v40, v8;
	v38 =	vadd.f32 v38, v13  }
0x3ad: {  	v41 =	vmul.f32 v41, v11;
	v55 =	vadd.f32 v39, v23;
	[tilespmem:s30+$0xFFFFFF90] =	vst v37  }
0x3ae: {  	v36 =	vmul.f32 v36, v9;
	v40 =	vadd.f32 v40, v24;
	[tilespmem:s30+$0xFFFFFFA0] =	vst v38  }
0x3af: {  	v57 =	vmul.f32 v42, v6;
	v41 =	vadd.f32 v41, v33;
	[tilespmem:s30+$0xFFFFFFC0] =	vst v55  }
0x3b0: {  	v58 =	vmul.f32 v56, v10;
	v36 =	vadd.f32 v36, v27;
	[tilespmem:s30+$0xFFFFFFD0] =	vst v40  }
0x3b1: {  	v38 =	vadd.f32 v57, v14;
	[tilespmem:s30+$0x0] =	vst v41  }
0x3b2: {  	v37 =	vadd.f32 v58, v30;
	[tilespmem:s30+$0xFFFFFFE0] =	vst v36  }
0x3b3: {  	[tilespmem:s30+$0xFFFFFFB0] =	vst v38  }
0x3b4: {  	[tilespmem:s30+$0xFFFFFFF0] =	vst v37  }
0x3b5: {  	v59 =	vld [tilespmem:s28+$0x860]  }
0x3b6: {  	v36 =	vld [tilespmem:s26+$0x1180]  }
0x3b7: {  	v37 =	vld [tilespmem:s26+$0x1190]  }
0x3b8: {  	v38 =	vld [tilespmem:s26+$0x11A0]  }
0x3b9: {  	s29 =	simm.s32 $0x6270;
	v39 =	vld [tilespmem:s26+$0x11C0]  }
0x3ba: {  	v41 =	vld [tilespmem:s29+$0xFFFFFFA0]  }
0x3bb: {  	v61 =	vld [tilespmem:s29+$0xFFFFFF90]  }
0x3bc: {  	v63 =	vld [tilespmem:s29+$0xFFFFFFB0]  }
0x3bd: {  	v57 =	vld [tilespmem:s29+$0xFFFFFFD0]  }
0x3be: {  	s4 =	simm.s32 $0x0;
	v40 =	vld [tilespmem:s26+$0x11B0];
	v44 =	vcvt.s32.f32 v59  }
0x3bf: {  	v60 =	vmov s4;
	v59 =	vld [tilespmem:s29+$0xFFFFFFC0]  }
0x3c0: {  	v45 =	vperm.xlane v44, v60  }
0x3c1: {  	v41 =	vadd.f32 v41, v37  }
0x3c2: {  	v42 =	vadd.f32 v61, v36;
	v47 =	vadd.f32 v63, v38;
	v43 =	vmul.f32 v45, v25  }
0x3c3: {  	v49 =	vadd.f32 v57, v39;
	v62 =	vmul.f32 v45, v26;
	v56 =	vmul.f32 v45, v29  }
0x3c4: {  	v58 =	vmul.f32 v45, v28;
	v51 =	vadd.f32 v59, v40;
	v43 =	vadd.f32 v43, v15  }
0x3c5: {  	v60 =	vmul.f32 v45, v31;
	v46 =	vadd.f32 v62, v16;
	v48 =	vadd.f32 v56, v18  }
0x3c6: {  	v50 =	vadd.f32 v58, v17;
	v54 =	vadd.f32 v43, v42  }
0x3c7: {  	v52 =	vmul.f32 v45, v32;
	v61 =	vadd.f32 v60, v19;
	v46 =	vadd.f32 v41, v46;
	v41 =	vld [tilespmem:s26+$0x11D0]  }
0x3c8: {  	v47 =	vadd.f32 v47, v50;
	v50 =	vld [tilespmem:s29+$0xFFFFFFE0];
	v62 =	vadd.f32 $0.0e+00, v54  }
0x3c9: {  	v57 =	vld [tilespmem:s29+$0xFFFFFFF0];
	v60 =	vmul.f32 v45, v34;
	v52 =	vadd.f32 v52, v20;
	v56 =	vadd.f32 v49, v61  }
0x3ca: {  	v42 =	vld [tilespmem:s26+$0x11E0];
	v55 =	vmul.f32 v54, v54;
	v63 =	vmul.f32 v46, v46;
	v53 =	vadd.f32 v46, v62  }
0x3cb: {  	v59 =	vld [tilespmem:s29+$0x0];
	v45 =	vmul.f32 v45, v35;
	v58 =	vadd.f32 v51, v48;
	v49 =	vadd.f32 v60, v21  }
0x3cc: {  	v43 =	vld [tilespmem:s26+$0x11F0];
	v61 =	vmul.f32 v47, v47;
	v62 =	vadd.f32 v63, v55;
	v53 =	vadd.f32 v47, v53  }
0x3cd: {  	v45 =	vadd.f32 v45, v22;
	v50 =	vadd.f32 v50, v41  }
0x3ce: {  	v55 =	vmul.f32 v58, v58;
	v48 =	vadd.f32 v61, v62;
	v51 =	vadd.f32 v58, v53  }
0x3cf: {  	v61 =	vadd.f32 v57, v42;
	v60 =	vadd.f32 v50, v52  }
0x3d0: {  	v63 =	vmul.f32 v56, v56;
	v48 =	vadd.f32 v55, v48;
	v51 =	vadd.f32 v56, v51  }
0x3d1: {  	v57 =	vadd.f32 v59, v43;
	v55 =	vadd.f32 v61, v49  }
0x3d2: {  	v62 =	vmul.f32 v60, v60;
	v48 =	vadd.f32 v63, v48;
	v63 =	vadd.f32 v60, v51  }
0x3d3: {  	v45 =	vadd.f32 v57, v45  }
0x3d4: {  	v59 =	vmul.f32 v55, v55;
	v48 =	vadd.f32 v62, v48;
	v49 =	vadd.f32 v55, v63;
	_ =	sdelay $0x1  }
0x3d5: {  	v61 =	vmul.f32 v45, v45;
	v48 =	vadd.f32 v59, v48;
	v49 =	vadd.f32 v45, v49;
	_ =	sdelay $0x1  }
0x3d6: {  	v48 =	vadd.f32 v61, v48;
	v62 =	vperm.xlane v49, v0;
	_ =	sdelay $0x1  }
0x3d7: {  	v63 =	vperm.xlane v48, v0;
	v49 =	vadd.f32 v49, v62;
	_ =	sdelay $0x1  }
0x3d8: {  	v48 =	vadd.f32 v63, v48;
	v57 =	vperm.xlane v49, v1;
	_ =	sdelay $0x1  }
0x3d9: {  	v50 =	vperm.xlane v48, v1;
	v49 =	vadd.f32 v49, v57;
	_ =	sdelay $0x1  }
0x3da: {  	v48 =	vadd.f32 v50, v48;
	v51 =	vperm.xlane v49, v2;
	_ =	sdelay $0x1  }
0x3db: {  	v50 =	vperm.xlane v48, v2;
	v49 =	vadd.f32 v49, v51;
	_ =	sdelay $0x1  }
0x3dc: {  	v48 =	vadd.f32 v50, v48;
	v51 =	vperm.xlane v49, v3;
	_ =	sdelay $0x1  }
0x3dd: {  	v50 =	vperm.xlane v48, v3;
	v49 =	vadd.f32 v49, v51;
	_ =	sdelay $0x1  }
0x3de: {  	v48 =	vadd.f32 v50, v48;
	v57 =	vmul.f32 $7.812500000e-03, v49;
	_ =	sdelay $0x1  }
0x3df: {  	v48 =	vmul.f32 $7.812500000e-03, v48;
	v49 =	vmul.f32 v57, v57;
	_ =	sdelay $0x1  }
0x3e0: {  	v48 =	vsub.f32 v48, v49;
	_ =	sdelay $0x1  }
0x3e1: {  	v48 =	vadd.f32 $9.999999740e-06, v48;
	_ =	sdelay $0x1  }
0x3e2: {  	v59 =	vshra.s32 v48, $0x1;
	v48 =	vmul.f32 $5.000000000e-01, v48  }
0x3e3: {  	v49 =	vsub.s32 $0x5F3759DF, v59  }
0x3e4: {  	v61 =	vmul.f32 v49, v48;
	_ =	sdelay $0x1  }
0x3e5: {  	v50 =	vmul.f32 v49, v61;
	_ =	sdelay $0x1  }
0x3e6: {  	v50 =	vsub.f32 $1.500000000e+00, v50;
	_ =	sdelay $0x1  }
0x3e7: {  	v49 =	vmul.f32 v49, v50;
	_ =	sdelay $0x1  }
0x3e8: {  	v50 =	vmul.f32 v49, v48;
	_ =	sdelay $0x1  }
0x3e9: {  	v50 =	vmul.f32 v50, v49;
	_ =	sdelay $0x1  }
0x3ea: {  	v50 =	vsub.f32 $1.500000000e+00, v50;
	_ =	sdelay $0x1  }
0x3eb: {  	v53 =	vmul.f32 v50, v49;
	_ =	sdelay $0x1  }
0x3ec: {  	v51 =	vsub.f32 v56, v57;
	v62 =	vmul.f32 v53, v48  }
0x3ed: {  	v47 =	vsub.f32 v47, v57;
	v52 =	vsub.f32 v58, v57  }
0x3ee: {  	v49 =	vsub.f32 v54, v57;
	v50 =	vsub.f32 v46, v57;
	v63 =	vmul.f32 v62, v53  }
0x3ef: {  	v46 =	vsub.f32 v55, v57;
	v48 =	vsub.f32 v45, v57  }
0x3f0: {  	s4 =	simm.s32 $0x1;
	s30 =	simm.s32 $0x73F0;
	s26 =	simm.s32 $0x73F0;
	v45 =	vsub.f32 v60, v57;
	v54 =	vsub.f32 $1.500000000e+00, v63  }
.LBB2_15:
0x3f1: {  	_ = 	snop  }
0x3f2: {  	p0 =	sne.s32 s4, $0xF;
	s30 =	sadd.s32 $0x200, s30;
	s29 =	sadd.s32 $0x80, s29;
	v53 =	vmul.f32 v54, v53  }
0x3f3: {  	s6 =	smov.u32 s4;
	s4 =	sadd.s32 $0x1, s4  }
0x3f4: {  	v49 =	vmul.f32 v53, v49;
	v48 =	vmul.f32 v53, v48  }
0x3f5: {  	v50 =	vmul.f32 v53, v50;
	v51 =	vmul.f32 v53, v51  }
0x3f6: {  	v52 =	vmul.f32 v53, v52;
	v49 =	vmul.f32 v49, v4  }
0x3f7: {  	v50 =	vmul.f32 v50, v5;
	v51 =	vmul.f32 v51, v8  }
0x3f8: {  	v52 =	vmul.f32 v52, v7;
	v48 =	vmul.f32 v48, v11;
	v49 =	vadd.f32 v49, v12  }
0x3f9: {  	v47 =	vmul.f32 v53, v47;
	v50 =	vadd.f32 v50, v13;
	v51 =	vadd.f32 v51, v24  }
0x3fa: {  	v46 =	vmul.f32 v53, v46;
	v48 =	vadd.f32 v48, v33;
	[tilespmem:s26+$0xFFFFFF90] =	vst v49;
	v49 =	vadd.f32 v52, v23  }
0x3fb: {  	v45 =	vmul.f32 v53, v45;
	v47 =	vmul.f32 v47, v6;
	[tilespmem:s26+$0xFFFFFFA0] =	vst v50  }
0x3fc: {  	v46 =	vmul.f32 v46, v10;
	v50 =	vmov s6;
	[tilespmem:s26+$0xFFFFFFC0] =	vst v49  }
0x3fd: {  	v45 =	vmul.f32 v45, v9;
	v47 =	vadd.f32 v47, v14;
	v49 =	vperm.xlane v44, v50;
	[tilespmem:s26+$0xFFFFFFD0] =	vst v51  }
0x3fe: {  	v46 =	vadd.f32 v46, v30;
	[tilespmem:s26+$0x0] =	vst v48  }
0x3ff: {  	v45 =	vadd.f32 v45, v27;
	v48 =	vmul.f32 v49, v25;
	v50 =	vmul.f32 v49, v26;
	[tilespmem:s26+$0xFFFFFFB0] =	vst v47  }
0x400: {  	v51 =	vmul.f32 v49, v29;
	v47 =	vmul.f32 v49, v28;
	[tilespmem:s26+$0xFFFFFFF0] =	vst v46  }
0x401: {  	v52 =	vmul.f32 v49, v32;
	v46 =	vadd.f32 v48, v15;
	v48 =	vmul.f32 v49, v31;
	[tilespmem:s26+$0xFFFFFFE0] =	vst v45;
	s26 =	smov.u32 s30  }
0x402: {  	v53 =	vmul.f32 v49, v34;
	v49 =	vmul.f32 v49, v35;
	v45 =	vadd.f32 v50, v16;
	v50 =	vld [tilespmem:s29+$0xFFFFFFB0]  }
0x403: {  	v54 =	vld [tilespmem:s29+$0xFFFFFFA0]  }
0x404: {  	v51 =	vadd.f32 v51, v18;
	v55 =	vld [tilespmem:s29+$0xFFFFFF90]  }
0x405: {  	v47 =	vadd.f32 v47, v17;
	v56 =	vld [tilespmem:s29+$0xFFFFFFD0];
	_ =	sdelay $0x1  }
0x406: {  	v57 =	vld [tilespmem:s29+$0xFFFFFFC0]  }
0x407: {  	v54 =	vadd.f32 v54, v37  }
0x408: {  	v50 =	vadd.f32 v50, v38;
	v55 =	vadd.f32 v55, v36  }
0x409: {  	v45 =	vadd.f32 v54, v45;
	v54 =	vadd.f32 v56, v39  }
0x40a: {  	v48 =	vadd.f32 v48, v19;
	v46 =	vadd.f32 v46, v55  }
0x40b: {  	v47 =	vadd.f32 v50, v47;
	v50 =	vadd.f32 v57, v40;
	v55 =	vld [tilespmem:s29+$0xFFFFFFE0]  }
0x40c: {  	v54 =	vadd.f32 v54, v48;
	v56 =	vadd.f32 $0.0e+00, v46;
	v57 =	vmul.f32 v46, v46  }
0x40d: {  	v48 =	vmul.f32 v45, v45;
	v58 =	vld [tilespmem:s29+$0xFFFFFFF0]  }
0x40e: {  	v59 =	vmul.f32 v47, v47;
	v60 =	vadd.f32 v50, v51;
	v56 =	vadd.f32 v45, v56  }
0x40f: {  	v50 =	vadd.f32 v52, v20;
	v48 =	vadd.f32 v48, v57  }
0x410: {  	v52 =	vmul.f32 v60, v60;
	v51 =	vadd.f32 v47, v56;
	v55 =	vadd.f32 v55, v41;
	v56 =	vld [tilespmem:s29+$0x0]  }
0x411: {  	v53 =	vadd.f32 v53, v21;
	v48 =	vadd.f32 v59, v48  }
0x412: {  	v51 =	vadd.f32 v60, v51;
	v55 =	vadd.f32 v55, v50  }
0x413: {  	v48 =	vadd.f32 v52, v48;
	v50 =	vmul.f32 v54, v54;
	v52 =	vadd.f32 v58, v42  }
0x414: {  	v49 =	vadd.f32 v49, v22;
	v51 =	vadd.f32 v54, v51  }
0x415: {  	v48 =	vadd.f32 v50, v48;
	v50 =	vmul.f32 v55, v55;
	v53 =	vadd.f32 v52, v53  }
0x416: {  	v52 =	vadd.f32 v56, v43;
	v51 =	vadd.f32 v55, v51  }
0x417: {  	v48 =	vadd.f32 v50, v48;
	v50 =	vmul.f32 v53, v53  }
0x418: {  	v52 =	vadd.f32 v52, v49;
	v51 =	vadd.f32 v53, v51  }
0x419: {  	v48 =	vadd.f32 v50, v48  }
0x41a: {  	v50 =	vmul.f32 v52, v52;
	v49 =	vadd.f32 v52, v51;
	_ =	sdelay $0x1  }
0x41b: {  	v48 =	vadd.f32 v50, v48;
	v50 =	vperm.xlane v49, v0;
	_ =	sdelay $0x1  }
0x41c: {  	v49 =	vadd.f32 v49, v50;
	v50 =	vperm.xlane v48, v0;
	_ =	sdelay $0x1  }
0x41d: {  	v51 =	vperm.xlane v49, v1;
	v48 =	vadd.f32 v50, v48;
	_ =	sdelay $0x1  }
0x41e: {  	v49 =	vadd.f32 v49, v51;
	v50 =	vperm.xlane v48, v1;
	_ =	sdelay $0x1  }
0x41f: {  	v51 =	vperm.xlane v49, v2;
	v48 =	vadd.f32 v50, v48;
	_ =	sdelay $0x1  }
0x420: {  	v49 =	vadd.f32 v49, v51;
	v50 =	vperm.xlane v48, v2;
	_ =	sdelay $0x1  }
0x421: {  	v51 =	vperm.xlane v49, v3;
	v48 =	vadd.f32 v50, v48;
	_ =	sdelay $0x1  }
0x422: {  	v49 =	vadd.f32 v49, v51;
	v50 =	vperm.xlane v48, v3;
	_ =	sdelay $0x1  }
0x423: {  	v48 =	vadd.f32 v50, v48;
	v56 =	vmul.f32 $7.812500000e-03, v49;
	_ =	sdelay $0x1  }
0x424: {  	v51 =	vmul.f32 $7.812500000e-03, v48;
	v57 =	vmul.f32 v56, v56;
	v49 =	vsub.f32 v46, v56  }
0x425: {  	v50 =	vsub.f32 v45, v56;
	v48 =	vsub.f32 v52, v56  }
0x426: {  	v45 =	vsub.f32 v51, v57;
	v51 =	vsub.f32 v54, v56  }
0x427: {  	v47 =	vsub.f32 v47, v56;
	v52 =	vsub.f32 v60, v56  }
0x428: {  	v46 =	vsub.f32 v53, v56;
	v54 =	vadd.f32 $9.999999740e-06, v45  }
0x429: {  	v45 =	vsub.f32 v55, v56  }
0x42a: {  	v53 =	vshra.s32 v54, $0x1;
	v54 =	vmul.f32 $5.000000000e-01, v54  }
0x42b: {  	v53 =	vsub.s32 $0x5F3759DF, v53  }
0x42c: {  	v55 =	vmul.f32 v53, v54;
	_ =	sdelay $0x1  }
0x42d: {  	v55 =	vmul.f32 v53, v55;
	_ =	sdelay $0x1  }
0x42e: {  	v55 =	vsub.f32 $1.500000000e+00, v55;
	_ =	sdelay $0x1  }
0x42f: {  	v53 =	vmul.f32 v53, v55;
	_ =	sdelay $0x1  }
0x430: {  	v55 =	vmul.f32 v53, v54;
	_ =	sdelay $0x1  }
0x431: {  	v55 =	vmul.f32 v55, v53;
	_ =	sdelay $0x1  }
0x432: {  	v55 =	vsub.f32 $1.500000000e+00, v55;
	_ =	sdelay $0x1  }
0x433: {  	v53 =	vmul.f32 v55, v53;
	_ =	sdelay $0x1  }
.Ltmp6:
0x434: {  	v54 =	vmul.f32 v53, v54;
	(pc) =	sbr.rel @p0 .LBB2_15-.Ltmp6, $3  }
0x435: {  	_ = 	snop  }
0x436: {  	v54 =	vmul.f32 v54, v53;
	_ =	sdelay $0x1  }
0x437: {  	v54 =	vsub.f32 $1.500000000e+00, v54  }
0x438: {  	_ = 	snop  }
0x439: {  	v44 =	vmul.f32 v54, v53;
	_ =	sdelay $0x1  }
0x43a: {  	v49 =	vmul.f32 v44, v49  }
0x43b: {  	v50 =	vmul.f32 v44, v50  }
0x43c: {  	v52 =	vmul.f32 v44, v52;
	v49 =	vmul.f32 v49, v4  }
0x43d: {  	v51 =	vmul.f32 v44, v51;
	v50 =	vmul.f32 v50, v5  }
0x43e: {  	v48 =	vmul.f32 v44, v48;
	v52 =	vmul.f32 v52, v7;
	v49 =	vadd.f32 v49, v12  }
0x43f: {  	v47 =	vmul.f32 v44, v47;
	v51 =	vmul.f32 v51, v8;
	v50 =	vadd.f32 v50, v13  }
0x440: {  	v46 =	vmul.f32 v44, v46;
	v48 =	vmul.f32 v48, v11;
	v60 =	vadd.f32 v52, v23;
	[tilespmem:s26+$0xFFFFFF90] =	vst v49  }
0x441: {  	v44 =	vmul.f32 v44, v45;
	v47 =	vmul.f32 v47, v6;
	v51 =	vadd.f32 v51, v24;
	[tilespmem:s26+$0xFFFFFFA0] =	vst v50  }
0x442: {  	v46 =	vmul.f32 v46, v10;
	v61 =	vadd.f32 v48, v33;
	[tilespmem:s26+$0xFFFFFFC0] =	vst v60  }
0x443: {  	v44 =	vmul.f32 v44, v9;
	v47 =	vadd.f32 v47, v14;
	[tilespmem:s26+$0xFFFFFFD0] =	vst v51  }
0x444: {  	v46 =	vadd.f32 v46, v30;
	[tilespmem:s26+$0x0] =	vst v61  }
0x445: {  	v44 =	vadd.f32 v44, v27;
	[tilespmem:s26+$0xFFFFFFB0] =	vst v47  }
0x446: {  	[tilespmem:s26+$0xFFFFFFF0] =	vst v46  }
0x447: {  	[tilespmem:s26+$0xFFFFFFE0] =	vst v44  }
0x448: {  	v44 =	vld [tilespmem:s28+$0x870]  }
0x449: {  	s26 =	simm.s32 $0x6A70  }
0x44a: {  	v46 =	vld [tilespmem:s26+$0xFFFFFFA0]  }
0x44b: {  	v47 =	vld [tilespmem:s26+$0xFFFFFF90]  }
0x44c: {  	v50 =	vld [tilespmem:s26+$0xFFFFFFB0]  }
0x44d: {  	s4 =	simm.s32 $0x0;
	v58 =	vld [tilespmem:s26+$0xFFFFFFD0];
	v44 =	vcvt.s32.f32 v44  }
0x44e: {  	v62 =	vmov s4;
	v60 =	vld [tilespmem:s26+$0xFFFFFFC0]  }
0x44f: {  	v45 =	vperm.xlane v44, v62  }
0x450: {  	v46 =	vadd.f32 v46, v37  }
0x451: {  	v47 =	vadd.f32 v47, v36;
	v50 =	vadd.f32 v50, v38;
	v63 =	vmul.f32 v45, v25  }
0x452: {  	v61 =	vadd.f32 v58, v39;
	v56 =	vmul.f32 v45, v26;
	v57 =	vmul.f32 v45, v29  }
0x453: {  	v54 =	vadd.f32 v60, v40;
	v59 =	vmul.f32 v45, v28;
	v48 =	vadd.f32 v63, v15  }
0x454: {  	v55 =	vmul.f32 v45, v31;
	v49 =	vadd.f32 v56, v16;
	v51 =	vadd.f32 v57, v18  }
0x455: {  	v53 =	vadd.f32 v59, v17;
	v47 =	vadd.f32 v48, v47  }
0x456: {  	v62 =	vadd.f32 v55, v19;
	v46 =	vadd.f32 v46, v49  }
0x457: {  	v52 =	vadd.f32 v50, v53;
	v50 =	vld [tilespmem:s26+$0xFFFFFFE0];
	v53 =	vmul.f32 v45, v32;
	v63 =	vadd.f32 $0.0e+00, v47  }
0x458: {  	v58 =	vld [tilespmem:s26+$0xFFFFFFF0];
	v57 =	vadd.f32 v61, v62;
	v56 =	vmul.f32 v47, v47;
	v60 =	vmul.f32 v46, v46  }
0x459: {  	v61 =	vmul.f32 v45, v34;
	v54 =	vadd.f32 v54, v51;
	v55 =	vadd.f32 v46, v63  }
0x45a: {  	v62 =	vmul.f32 v52, v52;
	v53 =	vadd.f32 v53, v20;
	v48 =	vadd.f32 v60, v56  }
0x45b: {  	v49 =	vadd.f32 v61, v21;
	v55 =	vadd.f32 v52, v55  }
0x45c: {  	v59 =	vld [tilespmem:s26+$0x0];
	v63 =	vmul.f32 v54, v54;
	v50 =	vadd.f32 v50, v41;
	v48 =	vadd.f32 v62, v48  }
0x45d: {  	v45 =	vmul.f32 v45, v35;
	v62 =	vadd.f32 v58, v42;
	v60 =	vadd.f32 v54, v55  }
0x45e: {  	v61 =	vmul.f32 v57, v57;
	v55 =	vadd.f32 v50, v53;
	v48 =	vadd.f32 v63, v48  }
0x45f: {  	v45 =	vadd.f32 v45, v22;
	v51 =	vadd.f32 v57, v60  }
0x460: {  	v56 =	vadd.f32 v62, v49;
	v48 =	vadd.f32 v61, v48;
	v63 =	vmul.f32 v55, v55  }
0x461: {  	v61 =	vadd.f32 v59, v43;
	v60 =	vadd.f32 v55, v51  }
0x462: {  	v48 =	vadd.f32 v63, v48  }
0x463: {  	v62 =	vmul.f32 v56, v56;
	v45 =	vadd.f32 v61, v45;
	v49 =	vadd.f32 v56, v60;
	_ =	sdelay $0x1  }
0x464: {  	v48 =	vadd.f32 v62, v48;
	v63 =	vmul.f32 v45, v45;
	v49 =	vadd.f32 v45, v49;
	_ =	sdelay $0x1  }
0x465: {  	v48 =	vadd.f32 v63, v48;
	v53 =	vperm.xlane v49, v0;
	_ =	sdelay $0x1  }
0x466: {  	v58 =	vperm.xlane v48, v0;
	v49 =	vadd.f32 v49, v53;
	_ =	sdelay $0x1  }
0x467: {  	v48 =	vadd.f32 v58, v48;
	v59 =	vperm.xlane v49, v1;
	_ =	sdelay $0x1  }
0x468: {  	v50 =	vperm.xlane v48, v1;
	v49 =	vadd.f32 v49, v59;
	_ =	sdelay $0x1  }
0x469: {  	v48 =	vadd.f32 v50, v48;
	v51 =	vperm.xlane v49, v2;
	_ =	sdelay $0x1  }
0x46a: {  	v50 =	vperm.xlane v48, v2;
	v49 =	vadd.f32 v49, v51;
	_ =	sdelay $0x1  }
0x46b: {  	v48 =	vadd.f32 v50, v48;
	v51 =	vperm.xlane v49, v3;
	_ =	sdelay $0x1  }
0x46c: {  	v50 =	vperm.xlane v48, v3;
	v49 =	vadd.f32 v49, v51;
	_ =	sdelay $0x1  }
0x46d: {  	v48 =	vadd.f32 v50, v48;
	v58 =	vmul.f32 $7.812500000e-03, v49;
	_ =	sdelay $0x1  }
0x46e: {  	v48 =	vmul.f32 $7.812500000e-03, v48;
	v49 =	vmul.f32 v58, v58;
	_ =	sdelay $0x1  }
0x46f: {  	v48 =	vsub.f32 v48, v49;
	_ =	sdelay $0x1  }
0x470: {  	v48 =	vadd.f32 $9.999999740e-06, v48;
	_ =	sdelay $0x1  }
0x471: {  	v60 =	vshra.s32 v48, $0x1;
	v48 =	vmul.f32 $5.000000000e-01, v48  }
0x472: {  	v49 =	vsub.s32 $0x5F3759DF, v60  }
0x473: {  	v61 =	vmul.f32 v49, v48;
	_ =	sdelay $0x1  }
0x474: {  	v50 =	vmul.f32 v49, v61;
	_ =	sdelay $0x1  }
0x475: {  	v50 =	vsub.f32 $1.500000000e+00, v50;
	_ =	sdelay $0x1  }
0x476: {  	v49 =	vmul.f32 v49, v50;
	_ =	sdelay $0x1  }
0x477: {  	v50 =	vmul.f32 v49, v48;
	_ =	sdelay $0x1  }
0x478: {  	v50 =	vmul.f32 v50, v49;
	_ =	sdelay $0x1  }
0x479: {  	v50 =	vsub.f32 $1.500000000e+00, v50;
	_ =	sdelay $0x1  }
0x47a: {  	v53 =	vmul.f32 v50, v49;
	_ =	sdelay $0x1  }
0x47b: {  	v51 =	vsub.f32 v57, v58;
	v62 =	vmul.f32 v53, v48  }
0x47c: {  	v49 =	vsub.f32 v47, v58;
	v50 =	vsub.f32 v46, v58  }
0x47d: {  	v47 =	vsub.f32 v52, v58;
	v52 =	vsub.f32 v54, v58;
	v63 =	vmul.f32 v62, v53  }
0x47e: {  	v46 =	vsub.f32 v56, v58;
	v48 =	vsub.f32 v45, v58  }
0x47f: {  	s29 =	simm.s32 $0x93F0;
	s4 =	simm.s32 $0x1;
	s28 =	simm.s32 $0x93F0;
	v45 =	vsub.f32 v55, v58;
	v54 =	vsub.f32 $1.500000000e+00, v63  }
.LBB2_17:
0x480: {  	_ = 	snop  }
0x481: {  	p0 =	sne.s32 s4, $0xF;
	s29 =	sadd.s32 $0x200, s29;
	s26 =	sadd.s32 $0x80, s26;
	v53 =	vmul.f32 v54, v53  }
0x482: {  	s6 =	smov.u32 s4;
	s4 =	sadd.s32 $0x1, s4  }
0x483: {  	v49 =	vmul.f32 v53, v49;
	v48 =	vmul.f32 v53, v48  }
0x484: {  	v50 =	vmul.f32 v53, v50;
	v51 =	vmul.f32 v53, v51  }
0x485: {  	v52 =	vmul.f32 v53, v52;
	v49 =	vmul.f32 v49, v4  }
0x486: {  	v50 =	vmul.f32 v50, v5;
	v51 =	vmul.f32 v51, v8  }
0x487: {  	v52 =	vmul.f32 v52, v7;
	v48 =	vmul.f32 v48, v11;
	v49 =	vadd.f32 v49, v12  }
0x488: {  	v47 =	vmul.f32 v53, v47;
	v50 =	vadd.f32 v50, v13;
	v51 =	vadd.f32 v51, v24  }
0x489: {  	v46 =	vmul.f32 v53, v46;
	v48 =	vadd.f32 v48, v33;
	[tilespmem:s28+$0xFFFFFF90] =	vst v49;
	v49 =	vadd.f32 v52, v23  }
0x48a: {  	v45 =	vmul.f32 v53, v45;
	v47 =	vmul.f32 v47, v6;
	[tilespmem:s28+$0xFFFFFFA0] =	vst v50  }
0x48b: {  	v46 =	vmul.f32 v46, v10;
	v50 =	vmov s6;
	[tilespmem:s28+$0xFFFFFFC0] =	vst v49  }
0x48c: {  	v45 =	vmul.f32 v45, v9;
	v47 =	vadd.f32 v47, v14;
	v49 =	vperm.xlane v44, v50;
	[tilespmem:s28+$0xFFFFFFD0] =	vst v51  }
0x48d: {  	v46 =	vadd.f32 v46, v30;
	[tilespmem:s28+$0x0] =	vst v48  }
0x48e: {  	v45 =	vadd.f32 v45, v27;
	v48 =	vmul.f32 v49, v25;
	v50 =	vmul.f32 v49, v26;
	[tilespmem:s28+$0xFFFFFFB0] =	vst v47  }
0x48f: {  	v51 =	vmul.f32 v49, v29;
	v47 =	vmul.f32 v49, v28;
	[tilespmem:s28+$0xFFFFFFF0] =	vst v46  }
0x490: {  	v52 =	vmul.f32 v49, v32;
	v46 =	vadd.f32 v48, v15;
	v48 =	vmul.f32 v49, v31;
	[tilespmem:s28+$0xFFFFFFE0] =	vst v45;
	s28 =	smov.u32 s29  }
0x491: {  	v53 =	vmul.f32 v49, v34;
	v49 =	vmul.f32 v49, v35;
	v45 =	vadd.f32 v50, v16;
	v50 =	vld [tilespmem:s26+$0xFFFFFFB0]  }
0x492: {  	v54 =	vld [tilespmem:s26+$0xFFFFFFA0]  }
0x493: {  	v51 =	vadd.f32 v51, v18;
	v55 =	vld [tilespmem:s26+$0xFFFFFF90]  }
0x494: {  	v47 =	vadd.f32 v47, v17;
	v56 =	vld [tilespmem:s26+$0xFFFFFFD0];
	_ =	sdelay $0x1  }
0x495: {  	v57 =	vld [tilespmem:s26+$0xFFFFFFC0]  }
0x496: {  	v54 =	vadd.f32 v54, v37  }
0x497: {  	v50 =	vadd.f32 v50, v38;
	v55 =	vadd.f32 v55, v36  }
0x498: {  	v45 =	vadd.f32 v54, v45;
	v54 =	vadd.f32 v56, v39  }
0x499: {  	v48 =	vadd.f32 v48, v19;
	v46 =	vadd.f32 v46, v55  }
0x49a: {  	v47 =	vadd.f32 v50, v47;
	v50 =	vadd.f32 v57, v40;
	v55 =	vld [tilespmem:s26+$0xFFFFFFE0]  }
0x49b: {  	v54 =	vadd.f32 v54, v48;
	v56 =	vadd.f32 $0.0e+00, v46;
	v57 =	vmul.f32 v46, v46  }
0x49c: {  	v48 =	vmul.f32 v45, v45;
	v58 =	vld [tilespmem:s26+$0xFFFFFFF0]  }
0x49d: {  	v59 =	vmul.f32 v47, v47;
	v60 =	vadd.f32 v50, v51;
	v56 =	vadd.f32 v45, v56  }
0x49e: {  	v50 =	vadd.f32 v52, v20;
	v48 =	vadd.f32 v48, v57  }
0x49f: {  	v52 =	vmul.f32 v60, v60;
	v51 =	vadd.f32 v47, v56;
	v55 =	vadd.f32 v55, v41;
	v56 =	vld [tilespmem:s26+$0x0]  }
0x4a0: {  	v53 =	vadd.f32 v53, v21;
	v48 =	vadd.f32 v59, v48  }
0x4a1: {  	v51 =	vadd.f32 v60, v51;
	v55 =	vadd.f32 v55, v50  }
0x4a2: {  	v48 =	vadd.f32 v52, v48;
	v50 =	vmul.f32 v54, v54;
	v52 =	vadd.f32 v58, v42  }
0x4a3: {  	v49 =	vadd.f32 v49, v22;
	v51 =	vadd.f32 v54, v51  }
0x4a4: {  	v48 =	vadd.f32 v50, v48;
	v50 =	vmul.f32 v55, v55;
	v53 =	vadd.f32 v52, v53  }
0x4a5: {  	v52 =	vadd.f32 v56, v43;
	v51 =	vadd.f32 v55, v51  }
0x4a6: {  	v48 =	vadd.f32 v50, v48;
	v50 =	vmul.f32 v53, v53  }
0x4a7: {  	v52 =	vadd.f32 v52, v49;
	v51 =	vadd.f32 v53, v51  }
0x4a8: {  	v48 =	vadd.f32 v50, v48  }
0x4a9: {  	v50 =	vmul.f32 v52, v52;
	v49 =	vadd.f32 v52, v51;
	_ =	sdelay $0x1  }
0x4aa: {  	v48 =	vadd.f32 v50, v48;
	v50 =	vperm.xlane v49, v0;
	_ =	sdelay $0x1  }
0x4ab: {  	v49 =	vadd.f32 v49, v50;
	v50 =	vperm.xlane v48, v0;
	_ =	sdelay $0x1  }
0x4ac: {  	v51 =	vperm.xlane v49, v1;
	v48 =	vadd.f32 v50, v48;
	_ =	sdelay $0x1  }
0x4ad: {  	v49 =	vadd.f32 v49, v51;
	v50 =	vperm.xlane v48, v1;
	_ =	sdelay $0x1  }
0x4ae: {  	v51 =	vperm.xlane v49, v2;
	v48 =	vadd.f32 v50, v48;
	_ =	sdelay $0x1  }
0x4af: {  	v49 =	vadd.f32 v49, v51;
	v50 =	vperm.xlane v48, v2;
	_ =	sdelay $0x1  }
0x4b0: {  	v51 =	vperm.xlane v49, v3;
	v48 =	vadd.f32 v50, v48;
	_ =	sdelay $0x1  }
0x4b1: {  	v49 =	vadd.f32 v49, v51;
	v50 =	vperm.xlane v48, v3;
	_ =	sdelay $0x1  }
0x4b2: {  	v48 =	vadd.f32 v50, v48;
	v56 =	vmul.f32 $7.812500000e-03, v49;
	_ =	sdelay $0x1  }
0x4b3: {  	v51 =	vmul.f32 $7.812500000e-03, v48;
	v57 =	vmul.f32 v56, v56;
	v49 =	vsub.f32 v46, v56  }
0x4b4: {  	v50 =	vsub.f32 v45, v56;
	v48 =	vsub.f32 v52, v56  }
0x4b5: {  	v45 =	vsub.f32 v51, v57;
	v51 =	vsub.f32 v54, v56  }
0x4b6: {  	v47 =	vsub.f32 v47, v56;
	v52 =	vsub.f32 v60, v56  }
0x4b7: {  	v46 =	vsub.f32 v53, v56;
	v54 =	vadd.f32 $9.999999740e-06, v45  }
0x4b8: {  	v45 =	vsub.f32 v55, v56  }
0x4b9: {  	v53 =	vshra.s32 v54, $0x1;
	v54 =	vmul.f32 $5.000000000e-01, v54  }
0x4ba: {  	v53 =	vsub.s32 $0x5F3759DF, v53  }
0x4bb: {  	v55 =	vmul.f32 v53, v54;
	_ =	sdelay $0x1  }
0x4bc: {  	v55 =	vmul.f32 v53, v55;
	_ =	sdelay $0x1  }
0x4bd: {  	v55 =	vsub.f32 $1.500000000e+00, v55;
	_ =	sdelay $0x1  }
0x4be: {  	v53 =	vmul.f32 v53, v55;
	_ =	sdelay $0x1  }
0x4bf: {  	v55 =	vmul.f32 v53, v54;
	_ =	sdelay $0x1  }
0x4c0: {  	v55 =	vmul.f32 v55, v53;
	_ =	sdelay $0x1  }
0x4c1: {  	v55 =	vsub.f32 $1.500000000e+00, v55;
	_ =	sdelay $0x1  }
0x4c2: {  	v53 =	vmul.f32 v55, v53;
	_ =	sdelay $0x1  }
.Ltmp7:
0x4c3: {  	v54 =	vmul.f32 v53, v54;
	(pc) =	sbr.rel @p0 .LBB2_17-.Ltmp7, $3  }
0x4c4: {  	_ = 	snop  }
0x4c5: {  	v54 =	vmul.f32 v54, v53;
	_ =	sdelay $0x1  }
0x4c6: {  	v54 =	vsub.f32 $1.500000000e+00, v54  }
0x4c7: {  	_ = 	snop  }
0x4c8: {  	v36 =	vmul.f32 v54, v53;
	_ =	sdelay $0x1  }
0x4c9: {  	v37 =	vmul.f32 v36, v49;
	v38 =	vmul.f32 v36, v50  }
0x4ca: {  	v39 =	vmul.f32 v36, v52;
	v40 =	vmul.f32 v36, v51  }
0x4cb: {  	v41 =	vmul.f32 v36, v48;
	v37 =	vmul.f32 v37, v4  }
0x4cc: {  	v42 =	vmul.f32 v36, v47;
	v38 =	vmul.f32 v38, v5  }
0x4cd: {  	v61 =	vmul.f32 v36, v46;
	v39 =	vmul.f32 v39, v7;
	v37 =	vadd.f32 v37, v12  }
0x4ce: {  	v36 =	vmul.f32 v36, v45;
	v40 =	vmul.f32 v40, v8;
	v38 =	vadd.f32 v38, v13  }
0x4cf: {  	v41 =	vmul.f32 v41, v11;
	v60 =	vadd.f32 v39, v23;
	[tilespmem:s28+$0xFFFFFF90] =	vst v37  }
0x4d0: {  	v36 =	vmul.f32 v36, v9;
	v40 =	vadd.f32 v40, v24;
	[tilespmem:s28+$0xFFFFFFA0] =	vst v38  }
0x4d1: {  	v62 =	vmul.f32 v42, v6;
	v41 =	vadd.f32 v41, v33;
	[tilespmem:s28+$0xFFFFFFC0] =	vst v60  }
0x4d2: {  	v63 =	vmul.f32 v61, v10;
	v36 =	vadd.f32 v36, v27;
	[tilespmem:s28+$0xFFFFFFD0] =	vst v40  }
0x4d3: {  	v38 =	vadd.f32 v62, v14;
	[tilespmem:s28+$0x0] =	vst v41  }
0x4d4: {  	s4 =	sshll.u32 s25, $0x6;
	s25 =	sadd.s32 $0x1, s25;
	v37 =	vadd.f32 v63, v30;
	[tilespmem:s28+$0xFFFFFFE0] =	vst v36  }
0x4d5: {  	p0 =	sne.s32 s25, $0x10;
	[tilespmem:s28+$0xFFFFFFB0] =	vst v38  }
.Ltmp8:
0x4d6: {  	s4 =	sadd.s32 s4, s10;
	[tilespmem:s28+$0xFFFFFFF0] =	vst v37;
	(pc) =	sbr.rel @p0 .LBB2_2-.Ltmp8, $4  }
0x4d7: {  	[hbm4b:s4+s21] =	stream.strided.scatter [tilespmem:s23], [sflag:$0x2], $0x4000, s22, s21, $0x38;
	[tilespmem:$0xB200] =	vst v63  }
0x4d8: {  	_ =	swait.ge [sflag:s12], $0x4000  }
0x4d9: {  	[sflag:s12] =	ssyncset.done $0x0  }
0x4da: {  	[sflag:s12] =	ssyncadd.s32 $0xFFFFC000  }
0x4db: {  	s24 =	sadd.s32 $0x1, s24  }
0x4dc: {  	p0 =	sne.s32 s24, s11  }
.Ltmp9:
0x4dd: {  	_ = 	snop;
	(pc) =	sbr.rel @p0 .LBB2_1-.Ltmp9, $1  }
0x4de: {  	_ =	sdelay $0x3  }
0x4df: {  	_ =	sfence.sel $0x180000  }
0x4e0: {  	[bflag:$0x0] =	sbarrier.arrive $0xFFFF  }
0x4e1: {  	_ =	strace $0x90000047  }
0x4e2: {  	s0 =	stileid.u32;
	[bflag:$0x2] =	sbarrier.arrive $0xFFFF  }
0x4e3: {  	p0 =	sne.s32 s0, $0x0;
	s0 =	rddreg [dreg:$0x8]  }
0x4e4: {  	s0 =	sadd.s32 @!p0 $0x100000, s0  }
0x4e5: {  	[sflag:s0] =	ssyncadd.tile.s32 @!p0 $0x1;
	_ =	shalt  }
.Lfunc_end2:
_tile_overlayer_lowered:
.L_overlay_start_2:
0x4e6: {  	(tag) =	ssettag $0x2  }
0x4e7: {  	s0 =	rddreg [dreg:$0x0];
	s2 =	stileid.u32  }
0x4e8: {  	s1 =	rddreg [dreg:$0x1];
	p0 =	sne.s32 s2, $0x0  }
0x4e9: {  	s3 =	rddreg [dreg:$0x2];
	[bflag:$0x3] =	sbarrier.arrive $0xFFFF;
	s2 =	simm.s32 @!p0 $0x1C02  }
0x4ea: {  	[timem:s3], [sflag:s2] =	dma.local @!p0 [hbm:s0], s1  }
0x4eb: {  	s0 =	simm.s32 @!p0 $0x2  }
0x4ec: {  	_ =	swait.ge @!p0 [sflag:s0], s1  }
0x4ed: {  	s1 =	ssub.s32 @!p0 $0x0, s1;
	[sflag:s0] =	ssyncset.done @!p0 $0x0  }
0x4ee: {  	[sflag:s0] =	ssyncadd.s32 @!p0 s1  }
0x4ef: {  	[bflag:$0x3] =	sbarrier.arrive $0xFFFF  }
0x4f0: {  	_ =	shalt  }

</sc_bundles>
